<compile_context>
chip_gen: v7x
topology: tpu7x:2x2x1
jax: 0.10.2.dev20260603
libtpu: 0.0.44.dev20260713+nightly
codegen_flags: <defaults>
</compile_context>

<pallas_src>
import functools

import jax
import jax.numpy as jnp
from jax import lax
from jax.experimental import pallas as pl
from jax.experimental.pallas import tpu as pltpu
from jax.experimental.pallas import tpu_sc as plsc

NC = 2
NS = 16
CE = 96
BN = 1000



def _make_deg_kernel(Epad, N, NACC):
    EPW = Epad // (NC * NS)
    nch = EPW // CE
    mesh = plsc.VectorSubcoreMesh(core_axis_name="c", subcore_axis_name="s")

    @functools.partial(
        pl.kernel,
        out_type=jax.ShapeDtypeStruct((NC, NACC, 16), jnp.float32),
        mesh=mesh,
        scratch_types=[
            pltpu.VMEM_SHARED((NACC, 16), jnp.float32),
            pltpu.VMEM((1, CE), jnp.int32),
            pltpu.VMEM((CE, 16), jnp.float32),
        ],
    )
    def deg_k(dst_hbm, ones_hbm, zer_hbm, out_hbm, acc_sh, didx, ones_v):
        c = lax.axis_index("c")
        s = lax.axis_index("s")
        pltpu.sync_copy(ones_hbm, ones_v)
        zr = NACC // NS
        pltpu.sync_copy(zer_hbm.at[pl.ds(s * zr, zr)],
                        acc_sh.at[pl.ds(s * zr, zr)])
        plsc.subcore_barrier()
        base = (c * NS + s) * EPW

        def body(k, carry):
            off = pl.multiple_of(base + k * CE, CE)
            pltpu.sync_copy(dst_hbm.at[pl.ds(off, CE)], didx.at[0])
            pltpu.sync_copy(ones_v, acc_sh.at[didx.at[0]], add=True)
            return carry

        lax.fori_loop(0, nch, body, 0)
        plsc.subcore_barrier()
        orr = NACC // NS
        pltpu.sync_copy(acc_sh.at[pl.ds(s * orr, orr)],
                        out_hbm.at[c].at[pl.ds(s * orr, orr)])

    return deg_k


def _make_prop_kernel(Epad, N, NACC, F):
    EPT = Epad // NS
    nch = EPT // CE
    assert nch % 4 == 0
    mesh = plsc.VectorSubcoreMesh(core_axis_name="c", subcore_axis_name="s")

    @functools.partial(
        pl.kernel,
        out_type=jax.ShapeDtypeStruct((NC, NACC, F), jnp.float32),
        mesh=mesh,
        scratch_types=[
            pltpu.VMEM_SHARED((NACC, F), jnp.float32),
            [pltpu.VMEM((2, CE), jnp.int32)] * 4,
            [pltpu.VMEM((CE, F), jnp.float32)] * 4,
            [pltpu.SemaphoreType.DMA] * 4,
            [pltpu.SemaphoreType.DMA] * 4,
        ],
    )
    def prop_k(g_hbm, sd_hbm, zer_hbm, out_hbm,
               acc_sh, idx, rows, gsem, ssem):
        c = lax.axis_index("c")
        s = lax.axis_index("s")
        zr = NACC // NS
        pltpu.sync_copy(zer_hbm.at[pl.ds(s * zr, zr)],
                        acc_sh.at[pl.ds(s * zr, zr)])
        plsc.subcore_barrier()
        my_sd = sd_hbm.at[c].at[s]

        pltpu.sync_copy(my_sd.at[0], idx[0])
        pltpu.async_copy(g_hbm.at[idx[0].at[0]], rows[0], gsem[0])
        pltpu.sync_copy(my_sd.at[1], idx[1])
        pltpu.async_copy(g_hbm.at[idx[1].at[0]], rows[1], gsem[1])

        def body(i, carry):
            for b in range(4):
                k = 4 * i + b
                s2 = (b + 2) % 4
                pltpu.make_async_copy(g_hbm.at[idx[b].at[0]],
                                      rows[b], gsem[b]).wait()
                pltpu.async_copy(rows[b], acc_sh.at[idx[b].at[1]],
                                 ssem[b], add=True)
                retire = pltpu.make_async_copy(
                    zer_hbm.at[pl.ds(0, CE)], rows[s2], ssem[s2])
                if b < 2:
                    @pl.when(i > 0)
                    def _():
                        retire.wait()
                else:
                    retire.wait()
                pltpu.sync_copy(my_sd.at[jnp.minimum(k + 2, nch - 1)],
                                idx[s2])
                pltpu.async_copy(g_hbm.at[idx[s2].at[0]], rows[s2], gsem[s2])
            return carry

        lax.fori_loop(0, nch // 4, body, 0)
        pltpu.make_async_copy(g_hbm.at[idx[0].at[0]], rows[0], gsem[0]).wait()
        pltpu.make_async_copy(g_hbm.at[idx[1].at[0]], rows[1], gsem[1]).wait()
        pltpu.make_async_copy(zer_hbm.at[pl.ds(0, CE)], rows[2],
                              ssem[2]).wait()
        pltpu.make_async_copy(zer_hbm.at[pl.ds(0, CE)], rows[3],
                              ssem[3]).wait()
        plsc.subcore_barrier()
        orr = NACC // NS
        pltpu.sync_copy(acc_sh.at[pl.ds(s * orr, orr)],
                        out_hbm.at[c].at[pl.ds(s * orr, orr)])

    return prop_k



def _dinv_block(deg_ref):
    deg3 = deg_ref[...]
    return lax.rsqrt(deg3[0] + deg3[1])[:, 0:1]


def _k0_body(x_ref, w_ref, deg_ref, g_ref):
    F = g_ref.shape[2]
    dinv = _dinv_block(deg_ref)
    h = jnp.dot(x_ref[...], w_ref[...], preferred_element_type=jnp.float32)
    g = h * dinv
    g_ref[0] = g[:, :F]
    g_ref[1] = g[:, F:]


def _k12_body(acc_ref, deg_ref, b_ref, w_ref, x_ref, g_ref):
    F = g_ref.shape[2]
    dinv = _dinv_block(deg_ref)
    acc = jnp.concatenate([acc_ref[0], acc_ref[1]], axis=1)
    xl = jnp.maximum(acc * dinv + b_ref[...], 0.0)
    x_ref[...] = xl
    g = jnp.dot(xl, w_ref[...], preferred_element_type=jnp.float32) * dinv
    g_ref[0] = g[:, :F]
    g_ref[1] = g[:, F:]


def _k3_body(acc_ref, deg_ref, b_ref, x1_ref, x2_ref, wl_ref, bl_ref, out_ref):
    H = x1_ref.shape[1]
    dinv = _dinv_block(deg_ref)
    x3 = jnp.maximum(
        jnp.concatenate([acc_ref[0], acc_ref[1]], axis=1) * dinv + b_ref[...],
        0.0)
    p = jnp.dot(x1_ref[...], wl_ref[0:H, :], preferred_element_type=jnp.float32)
    p = p + jnp.dot(x2_ref[...], wl_ref[H:2 * H, :],
                    preferred_element_type=jnp.float32)
    p = p + jnp.dot(x3, wl_ref[2 * H:3 * H, :],
                    preferred_element_type=jnp.float32)
    out_ref[...] = p + bl_ref[...]


def _row_spec(shape2):
    if len(shape2) == 2:
        return pl.BlockSpec((BN, shape2[1]), lambda i: (i, 0))
    return pl.BlockSpec((shape2[0], BN, shape2[2]), lambda i: (0, i, 0))


def _full_spec(shape):
    nd = len(shape)
    return pl.BlockSpec(shape, lambda i: (0,) * nd)



def kernel(x, edge_index, W0, b0, W1, b1, W2, b2, Wlin, blin):
    N, D = x.shape
    H = W0.shape[1]
    OUT = Wlin.shape[1]
    E = edge_index.shape[1]
    F = H // 2
    Etot = E + N

    EPT = -(-Etot // (NS * 4 * CE)) * (4 * CE)
    Epad = NS * EPT
    NACC = -(-(N + 1) // (NS * 8)) * (NS * 8)

    ei = edge_index.astype(jnp.int32)
    loop = jnp.arange(N, dtype=jnp.int32)
    src = jnp.concatenate([ei[0], loop])
    dst = jnp.concatenate([ei[1], loop])
    pad = Epad - Etot
    src_p = jnp.concatenate([src, jnp.zeros((pad,), jnp.int32)])
    dst_p = jnp.concatenate([dst, jnp.full((pad,), N, jnp.int32)])
    src2 = jnp.concatenate([src_p, src_p + N])
    nch = Epad // (NS * CE)
    sd = jnp.stack([
        src2.reshape(NC, NS, nch, CE),
        jnp.broadcast_to(dst_p.reshape(1, NS, nch, CE), (NC, NS, nch, CE)),
    ], axis=3)

    ones16 = jnp.ones((CE, 16), jnp.float32)
    zer_d = jnp.zeros((NACC, 16), jnp.float32)
    zer_f = jnp.zeros((NACC, F), jnp.float32)
    b0r = b0.reshape(1, H)
    b1r = b1.reshape(1, H)
    b2r = b2.reshape(1, H)
    blr = blin.reshape(1, OUT)

    deg_k = _make_deg_kernel(Epad, N, NACC)
    prop_k = _make_prop_kernel(Epad, N, NACC, F)
    grid = (N // BN,)

    deg2 = deg_k(dst_p, ones16, zer_d)

    g0 = pl.pallas_call(
        _k0_body,
        grid=grid,
        in_specs=[_row_spec((N, D)), _full_spec((D, H)),
                  _row_spec((NC, N, 16))],
        out_specs=_row_spec((NC, N, F)),
        out_shape=jax.ShapeDtypeStruct((NC, N, F), jnp.float32),
    )(x, W0, deg2)

    acc1 = prop_k(g0.reshape(NC * N, F), sd, zer_f)

    def layer(acc, b_r, W_next):
        return pl.pallas_call(
            _k12_body,
            grid=grid,
            in_specs=[_row_spec((NC, N, F)), _row_spec((NC, N, 16)),
                      _full_spec((1, H)), _full_spec((H, H))],
            out_specs=[_row_spec((N, H)), _row_spec((NC, N, F))],
            out_shape=[jax.ShapeDtypeStruct((N, H), jnp.float32),
                       jax.ShapeDtypeStruct((NC, N, F), jnp.float32)],
        )(acc, deg2, b_r, W_next)

    x1, g1 = layer(acc1, b0r, W1)
    acc2 = prop_k(g1.reshape(NC * N, F), sd, zer_f)
    x2, g2 = layer(acc2, b1r, W2)
    acc3 = prop_k(g2.reshape(NC * N, F), sd, zer_f)

    pred = pl.pallas_call(
        _k3_body,
        grid=grid,
        in_specs=[_row_spec((NC, N, F)), _row_spec((NC, N, 16)),
                  _full_spec((1, H)), _row_spec((N, H)), _row_spec((N, H)),
                  _full_spec((3 * H, OUT)), _full_spec((1, OUT))],
        out_specs=_row_spec((N, OUT)),
        out_shape=jax.ShapeDtypeStruct((N, OUT), jnp.float32),
    )(acc3, deg2, b2r, x1, x2, Wlin, blr)

    return pred

# --- scband reference (transcript-rebuilt; emitter-appended) ---
"""Pipeline reference for scband-gcn-jk-model-18167711662673 (READ-ONLY COPY).

The authoritative reference and input builder live on the scoring server;
editing this copy changes nothing except your own understanding.
"""

import jax, jax.numpy as jnp
import numpy as np

N = 10000
E = 320000
D = 128
H = 256
L = 3
OUT = 64


def setup_inputs(seed: int = 0) -> dict:
    key = jax.random.key(seed)
    ks = jax.random.split(key, 12)
    x = jax.random.normal(ks[0], (N, D), dtype=jnp.float32)
    edge_index = jax.random.randint(ks[1], (2, E), 0, N, dtype=jnp.int64)
    W0 = jax.random.normal(ks[2], (D, H), dtype=jnp.float32) / np.sqrt(D)
    b0 = jnp.zeros((H,), dtype=jnp.float32)
    W1 = jax.random.normal(ks[3], (H, H), dtype=jnp.float32) / np.sqrt(H)
    b1 = jnp.zeros((H,), dtype=jnp.float32)
    W2 = jax.random.normal(ks[4], (H, H), dtype=jnp.float32) / np.sqrt(H)
    b2 = jnp.zeros((H,), dtype=jnp.float32)
    Wlin = jax.random.normal(ks[5], (H * L, OUT), dtype=jnp.float32) / np.sqrt(H * L)
    blin = jnp.zeros((OUT,), dtype=jnp.float32)
    return {"x": x, "edge_index": edge_index, "W0": W0, "b0": b0, "W1": W1, "b1": b1, "W2": W2, "b2": b2, "Wlin": Wlin, "blin": blin}


def _gcn_conv(x, src, dst, norm, W, b):
    n = x.shape[0]
    h = x @ W
    msg = h[src] * norm[:, None]
    out = jax.ops.segment_sum(msg, dst, num_segments=n)
    return out + b


def reference(x, edge_index, W0, b0, W1, b1, W2, b2, Wlin, blin):
    n = x.shape[0]
    loop = jnp.arange(n, dtype=edge_index.dtype)
    src = jnp.concatenate([edge_index[0], loop])
    dst = jnp.concatenate([edge_index[1], loop])
    ones = jnp.ones(src.shape[0], dtype=x.dtype)
    deg = jax.ops.segment_sum(ones, dst, num_segments=n)
    dinv = jnp.where(deg > 0, 1.0 / jnp.sqrt(deg), 0.0)
    norm = dinv[src] * dinv[dst]
    x1 = jax.nn.relu(_gcn_conv(x, src, dst, norm, W0, b0))
    x2 = jax.nn.relu(_gcn_conv(x1, src, dst, norm, W1, b1))
    x3 = jax.nn.relu(_gcn_conv(x2, src, dst, norm, W2, b2))
    x_out = jnp.concatenate([x1, x2, x3], axis=1)
    pred = x_out @ Wlin + blin
    return pred

if __name__ == "__main__":
    import jax
    _d = setup_inputs()
    print(jax.jit(kernel)(*tuple(_d.values())))

</pallas_src>

<mosaic_0001>
#map = affine_map<(d0, d1) -> (0)>
#map1 = affine_map<(d0, d1) -> (0, 0)>
#map2 = affine_map<(d0, d1) -> (0, 0, 0)>
module attributes {stable_mosaic.version = 14 : i64} {
  func.func @deg_k(%arg0: i32, %arg1: i32, %arg2: memref<331776xi32, #tpu.memory_space<hbm>>, %arg3: memref<96x16xf32, #tpu.memory_space<hbm>>, %arg4: memref<10112x16xf32, #tpu.memory_space<hbm>>, %arg5: memref<2x10112x16xf32, #tpu.memory_space<hbm>>, %arg6: memref<10112x16xf32, #tpu.memory_space<vmem_shared>>, %arg7: memref<1x96xi32, #tpu.memory_space<vmem>>, %arg8: memref<96x16xf32, #tpu.memory_space<vmem>>) attributes {dimension_semantics = [#tpu.dimension_semantics<core_parallel>, #tpu.dimension_semantics<subcore_parallel>], iteration_bounds = array<i64: 2, 16>, scalar_prefetch = 0 : i64, scratch_operands = 3 : i64, tpu.core_type = #tpu.core_type<sc_vector_subcore>, window_params = [{transform_indices = #map}, {transform_indices = #map1}, {transform_indices = #map1}, {transform_indices = #map2}]} {
    "tpu.region"() ({
      %run_scoped3A = tpu.sem_alloc : memref<!tpu.dma_semaphore, #tpu.memory_space<semaphore_mem>>
      tpu.enqueue_dma source(%arg3 : memref<96x16xf32, #tpu.memory_space<hbm>>) target(%arg8 : memref<96x16xf32, #tpu.memory_space<vmem>>) target_semaphore(%run_scoped3A : memref<!tpu.dma_semaphore, #tpu.memory_space<semaphore_mem>>)
      tpu.wait_dma2 semaphore(%run_scoped3A : memref<!tpu.dma_semaphore, #tpu.memory_space<semaphore_mem>>) src(%arg3 : memref<96x16xf32, #tpu.memory_space<hbm>>) dst(%arg8 : memref<96x16xf32, #tpu.memory_space<vmem>>)
      tpu.yield
    }) : () -> ()
    %mul3A = arith.constant 632 : i32
    %mul3A_0 = arith.muli %arg1, %mul3A : i32
    %mul3A_1 = arith.constant 632 : i32
    %mul3A_2 = arith.muli %arg1, %mul3A_1 : i32
    "tpu.region"() ({
      %run_scoped3A = tpu.sem_alloc : memref<!tpu.dma_semaphore, #tpu.memory_space<semaphore_mem>>
      %dma_start3A = arith.constant 0 : i32
      %dma_start3A_17 = tpu.memref_slice %arg6[%mul3A_2, %dma_start3A] : memref<10112x16xf32, #tpu.memory_space<vmem_shared>> -> memref<632x16xf32, #tpu.memory_space<vmem_shared>>
      %dma_start3A_18 = arith.constant 0 : i32
      %dma_start3A_19 = tpu.memref_slice %arg4[%mul3A_0, %dma_start3A_18] : memref<10112x16xf32, #tpu.memory_space<hbm>> -> memref<632x16xf32, #tpu.memory_space<hbm>>
      tpu.enqueue_dma source(%dma_start3A_19 : memref<632x16xf32, #tpu.memory_space<hbm>>) target(%dma_start3A_17 : memref<632x16xf32, #tpu.memory_space<vmem_shared>>) target_semaphore(%run_scoped3A : memref<!tpu.dma_semaphore, #tpu.memory_space<semaphore_mem>>)
      %dma_wait3A = arith.constant 0 : i32
      %dma_wait3A_20 = tpu.memref_slice %arg6[%mul3A_2, %dma_wait3A] : memref<10112x16xf32, #tpu.memory_space<vmem_shared>> -> memref<632x16xf32, #tpu.memory_space<vmem_shared>>
      %dma_wait3A_21 = arith.constant 0 : i32
      %dma_wait3A_22 = tpu.memref_slice %arg4[%mul3A_0, %dma_wait3A_21] : memref<10112x16xf32, #tpu.memory_space<hbm>> -> memref<632x16xf32, #tpu.memory_space<hbm>>
      tpu.wait_dma2 semaphore(%run_scoped3A : memref<!tpu.dma_semaphore, #tpu.memory_space<semaphore_mem>>) src(%dma_wait3A_22 : memref<632x16xf32, #tpu.memory_space<hbm>>) dst(%dma_wait3A_20 : memref<632x16xf32, #tpu.memory_space<vmem_shared>>)
      tpu.yield
    }) : () -> ()
    %barrier3A = arith.constant 0 : index
    tpu.barrier barrier_id(%barrier3A)
    %mul3A_3 = arith.constant 16 : i32
    %mul3A_4 = arith.muli %arg0, %mul3A_3 : i32
    %add3A = arith.addi %mul3A_4, %arg1 : i32
    %mul3A_5 = arith.constant 10368 : i32
    %mul3A_6 = arith.muli %add3A, %mul3A_5 : i32
    %scan3A = arith.constant 0 : i32
    %scan3A_7 = arith.constant 0 : i32
    %scan3A_8 = arith.constant 108 : i32
    %scan3A_9 = arith.addi %scan3A_7, %scan3A_8 : i32
    %scan3A_10 = arith.constant 1 : i32
    scf.for %scan3A_17 = %scan3A_7 to %scan3A_9 step %scan3A_10  : i32 {
      %mul3A_18 = arith.constant 96 : i32
      %mul3A_19 = arith.muli %scan3A_17, %mul3A_18 : i32
      %add3A_20 = arith.addi %mul3A_6, %mul3A_19 : i32
      %multiple_of3A = tpu.assume_multiple %add3A_20, 96 : i32
      %run_scoped3A = arith.constant 0 : i32
      "tpu.region"() ({
        %run_scoped3A_22 = tpu.sem_alloc : memref<!tpu.dma_semaphore, #tpu.memory_space<semaphore_mem>>
        %dma_start3A = arith.constant 0 : i32
        %dma_start3A_23 = tpu.memref_slice %arg7[%run_scoped3A, %dma_start3A] : memref<1x96xi32, #tpu.memory_space<vmem>> -> memref<1x96xi32, #tpu.memory_space<vmem>>
        %dma_start3A_24 = tpu.memref_squeeze %dma_start3A_23 : memref<1x96xi32, #tpu.memory_space<vmem>> -> memref<96xi32, #tpu.memory_space<vmem>>
        %dma_start3A_25 = tpu.memref_slice %arg2[%multiple_of3A] : memref<331776xi32, #tpu.memory_space<hbm>> -> memref<96xi32, #tpu.memory_space<hbm>>
        %dma_start3A_26 = arith.constant 0 : i32
        %dma_start3A_27 = tpu.memref_slice %arg7[%run_scoped3A, %dma_start3A_26] : memref<1x96xi32, #tpu.memory_space<vmem>> -> memref<1x96xi32, #tpu.memory_space<vmem>>
        %dma_start3A_28 = tpu.memref_squeeze %dma_start3A_27 : memref<1x96xi32, #tpu.memory_space<vmem>> -> memref<96xi32, #tpu.memory_space<vmem>>
        %dma_start3A_29 = tpu.memref_slice %arg2[%multiple_of3A] : memref<331776xi32, #tpu.memory_space<hbm>> -> memref<96xi32, #tpu.memory_space<hbm>>
        tpu.enqueue_dma source(%dma_start3A_29 : memref<96xi32, #tpu.memory_space<hbm>>) target(%dma_start3A_28 : memref<96xi32, #tpu.memory_space<vmem>>) target_semaphore(%run_scoped3A_22 : memref<!tpu.dma_semaphore, #tpu.memory_space<semaphore_mem>>)
        %dma_wait3A = arith.constant 0 : i32
        %dma_wait3A_30 = tpu.memref_slice %arg7[%run_scoped3A, %dma_wait3A] : memref<1x96xi32, #tpu.memory_space<vmem>> -> memref<1x96xi32, #tpu.memory_space<vmem>>
        %dma_wait3A_31 = tpu.memref_squeeze %dma_wait3A_30 : memref<1x96xi32, #tpu.memory_space<vmem>> -> memref<96xi32, #tpu.memory_space<vmem>>
        %dma_wait3A_32 = tpu.memref_slice %arg2[%multiple_of3A] : memref<331776xi32, #tpu.memory_space<hbm>> -> memref<96xi32, #tpu.memory_space<hbm>>
        %dma_wait3A_33 = arith.constant 0 : i32
        %dma_wait3A_34 = tpu.memref_slice %arg7[%run_scoped3A, %dma_wait3A_33] : memref<1x96xi32, #tpu.memory_space<vmem>> -> memref<1x96xi32, #tpu.memory_space<vmem>>
        %dma_wait3A_35 = tpu.memref_squeeze %dma_wait3A_34 : memref<1x96xi32, #tpu.memory_space<vmem>> -> memref<96xi32, #tpu.memory_space<vmem>>
        %dma_wait3A_36 = tpu.memref_slice %arg2[%multiple_of3A] : memref<331776xi32, #tpu.memory_space<hbm>> -> memref<96xi32, #tpu.memory_space<hbm>>
        tpu.wait_dma2 semaphore(%run_scoped3A_22 : memref<!tpu.dma_semaphore, #tpu.memory_space<semaphore_mem>>) src(%dma_wait3A_36 : memref<96xi32, #tpu.memory_space<hbm>>) dst(%dma_wait3A_35 : memref<96xi32, #tpu.memory_space<vmem>>)
        tpu.yield
      }) : () -> ()
      %run_scoped3A_21 = arith.constant 0 : i32
      "tpu.region"() ({
        %run_scoped3A_22 = tpu.sem_alloc : memref<!tpu.dma_semaphore, #tpu.memory_space<semaphore_mem>>
        %dma_start3A = arith.constant 0 : i32
        %dma_start3A_23 = tpu.memref_slice %arg7[%run_scoped3A_21, %dma_start3A] : memref<1x96xi32, #tpu.memory_space<vmem>> -> memref<1x96xi32, #tpu.memory_space<vmem>>
        %dma_start3A_24 = tpu.memref_squeeze %dma_start3A_23 : memref<1x96xi32, #tpu.memory_space<vmem>> -> memref<96xi32, #tpu.memory_space<vmem>>
        %dma_start3A_25 = arith.constant 0 : i32
        %dma_start3A_26 = arith.constant 0 : i32
        %dma_start3A_27 = tpu.memref_slice %arg6[%dma_start3A_25, %dma_start3A_26] : memref<10112x16xf32, #tpu.memory_space<vmem_shared>> -> memref<10112x16xf32, #tpu.memory_space<vmem_shared>>
        tpu.enqueue_indirect_dma source(%arg8 : memref<96x16xf32, #tpu.memory_space<vmem>>) target(%dma_start3A_27 : memref<10112x16xf32, #tpu.memory_space<vmem_shared>>) offsets(%dma_start3A_24 : memref<96xi32, #tpu.memory_space<vmem>>) semaphore(%run_scoped3A_22 : memref<!tpu.dma_semaphore, #tpu.memory_space<semaphore_mem>>) {add = true}
        %dma_wait3A = arith.constant 0 : i32
        %dma_wait3A_28 = tpu.memref_slice %arg7[%run_scoped3A_21, %dma_wait3A] : memref<1x96xi32, #tpu.memory_space<vmem>> -> memref<1x96xi32, #tpu.memory_space<vmem>>
        %dma_wait3A_29 = tpu.memref_squeeze %dma_wait3A_28 : memref<1x96xi32, #tpu.memory_space<vmem>> -> memref<96xi32, #tpu.memory_space<vmem>>
        %dma_wait3A_30 = arith.constant 0 : i32
        %dma_wait3A_31 = arith.constant 0 : i32
        %dma_wait3A_32 = tpu.memref_slice %arg6[%dma_wait3A_30, %dma_wait3A_31] : memref<10112x16xf32, #tpu.memory_space<vmem_shared>> -> memref<10112x16xf32, #tpu.memory_space<vmem_shared>>
        tpu.wait_indirect_dma semaphore(%run_scoped3A_22 : memref<!tpu.dma_semaphore, #tpu.memory_space<semaphore_mem>>) src(%arg8 : memref<96x16xf32, #tpu.memory_space<vmem>>) dst(%dma_wait3A_32 : memref<10112x16xf32, #tpu.memory_space<vmem_shared>>)
        tpu.yield
      }) : () -> ()
    }
    %scan3A_11 = arith.constant 108 : i32
    %barrier3A_12 = arith.constant 0 : index
    tpu.barrier barrier_id(%barrier3A_12)
    %mul3A_13 = arith.constant 632 : i32
    %mul3A_14 = arith.muli %arg1, %mul3A_13 : i32
    %mul3A_15 = arith.constant 632 : i32
    %mul3A_16 = arith.muli %arg1, %mul3A_15 : i32
    "tpu.region"() ({
      %run_scoped3A = tpu.sem_alloc : memref<!tpu.dma_semaphore, #tpu.memory_space<semaphore_mem>>
      %dma_start3A = arith.constant 0 : i32
      %dma_start3A_17 = arith.constant 0 : i32
      %dma_start3A_18 = tpu.memref_slice %arg5[%arg0, %dma_start3A, %dma_start3A_17] : memref<2x10112x16xf32, #tpu.memory_space<hbm>> -> memref<1x10112x16xf32, #tpu.memory_space<hbm>>
      %dma_start3A_19 = tpu.memref_squeeze %dma_start3A_18 : memref<1x10112x16xf32, #tpu.memory_space<hbm>> -> memref<10112x16xf32, #tpu.memory_space<hbm>>
      %dma_start3A_20 = arith.constant 0 : i32
      %dma_start3A_21 = tpu.memref_slice %dma_start3A_19[%mul3A_16, %dma_start3A_20] : memref<10112x16xf32, #tpu.memory_space<hbm>> -> memref<632x16xf32, #tpu.memory_space<hbm>>
      %dma_start3A_22 = arith.constant 0 : i32
      %dma_start3A_23 = tpu.memref_slice %arg6[%mul3A_14, %dma_start3A_22] : memref<10112x16xf32, #tpu.memory_space<vmem_shared>> -> memref<632x16xf32, #tpu.memory_space<vmem_shared>>
      tpu.enqueue_dma source(%dma_start3A_23 : memref<632x16xf32, #tpu.memory_space<vmem_shared>>) target(%dma_start3A_21 : memref<632x16xf32, #tpu.memory_space<hbm>>) target_semaphore(%run_scoped3A : memref<!tpu.dma_semaphore, #tpu.memory_space<semaphore_mem>>)
      %dma_wait3A = arith.constant 0 : i32
      %dma_wait3A_24 = arith.constant 0 : i32
      %dma_wait3A_25 = tpu.memref_slice %arg5[%arg0, %dma_wait3A, %dma_wait3A_24] : memref<2x10112x16xf32, #tpu.memory_space<hbm>> -> memref<1x10112x16xf32, #tpu.memory_space<hbm>>
      %dma_wait3A_26 = tpu.memref_squeeze %dma_wait3A_25 : memref<1x10112x16xf32, #tpu.memory_space<hbm>> -> memref<10112x16xf32, #tpu.memory_space<hbm>>
      %dma_wait3A_27 = arith.constant 0 : i32
      %dma_wait3A_28 = tpu.memref_slice %dma_wait3A_26[%mul3A_16, %dma_wait3A_27] : memref<10112x16xf32, #tpu.memory_space<hbm>> -> memref<632x16xf32, #tpu.memory_space<hbm>>
      %dma_wait3A_29 = arith.constant 0 : i32
      %dma_wait3A_30 = tpu.memref_slice %arg6[%mul3A_14, %dma_wait3A_29] : memref<10112x16xf32, #tpu.memory_space<vmem_shared>> -> memref<632x16xf32, #tpu.memory_space<vmem_shared>>
      tpu.wait_dma2 semaphore(%run_scoped3A : memref<!tpu.dma_semaphore, #tpu.memory_space<semaphore_mem>>) src(%dma_wait3A_30 : memref<632x16xf32, #tpu.memory_space<vmem_shared>>) dst(%dma_wait3A_28 : memref<632x16xf32, #tpu.memory_space<hbm>>)
      tpu.yield
    }) : () -> ()
    return
  }
}

#map = affine_map<(d0, d1) -> (0, 0)>
#map1 = affine_map<(d0, d1) -> (0, 0, 0, 0, 0)>
#map2 = affine_map<(d0, d1) -> (0, 0, 0)>
module attributes {stable_mosaic.version = 14 : i64} {
  func.func @prop_k(%arg0: i32, %arg1: i32, %arg2: memref<20000x128xf32, #tpu.memory_space<hbm>>, %arg3: memref<2x16x216x2x96xi32, #tpu.memory_space<hbm>>, %arg4: memref<10112x128xf32, #tpu.memory_space<hbm>>, %arg5: memref<2x10112x128xf32, #tpu.memory_space<hbm>>, %arg6: memref<10112x128xf32, #tpu.memory_space<vmem_shared>>, %arg7: memref<2x96xi32, #tpu.memory_space<vmem>>, %arg8: memref<2x96xi32, #tpu.memory_space<vmem>>, %arg9: memref<2x96xi32, #tpu.memory_space<vmem>>, %arg10: memref<2x96xi32, #tpu.memory_space<vmem>>, %arg11: memref<96x128xf32, #tpu.memory_space<vmem>>, %arg12: memref<96x128xf32, #tpu.memory_space<vmem>>, %arg13: memref<96x128xf32, #tpu.memory_space<vmem>>, %arg14: memref<96x128xf32, #tpu.memory_space<vmem>>, %arg15: memref<!tpu.dma_semaphore, #tpu.memory_space<semaphore_mem>>, %arg16: memref<!tpu.dma_semaphore, #tpu.memory_space<semaphore_mem>>, %arg17: memref<!tpu.dma_semaphore, #tpu.memory_space<semaphore_mem>>, %arg18: memref<!tpu.dma_semaphore, #tpu.memory_space<semaphore_mem>>, %arg19: memref<!tpu.dma_semaphore, #tpu.memory_space<semaphore_mem>>, %arg20: memref<!tpu.dma_semaphore, #tpu.memory_space<semaphore_mem>>, %arg21: memref<!tpu.dma_semaphore, #tpu.memory_space<semaphore_mem>>, %arg22: memref<!tpu.dma_semaphore, #tpu.memory_space<semaphore_mem>>) attributes {dimension_semantics = [#tpu.dimension_semantics<core_parallel>, #tpu.dimension_semantics<subcore_parallel>], iteration_bounds = array<i64: 2, 16>, scalar_prefetch = 0 : i64, scratch_operands = 17 : i64, tpu.core_type = #tpu.core_type<sc_vector_subcore>, window_params = [{transform_indices = #map}, {transform_indices = #map1}, {transform_indices = #map}, {transform_indices = #map2}]} {
    %mul3A = arith.constant 632 : i32
    %mul3A_0 = arith.muli %arg1, %mul3A : i32
    %mul3A_1 = arith.constant 632 : i32
    %mul3A_2 = arith.muli %arg1, %mul3A_1 : i32
    "tpu.region"() ({
      %run_scoped3A_52 = tpu.sem_alloc : memref<!tpu.dma_semaphore, #tpu.memory_space<semaphore_mem>>
      %dma_start3A_53 = arith.constant 0 : i32
      %dma_start3A_54 = tpu.memref_slice %arg6[%mul3A_2, %dma_start3A_53] : memref<10112x128xf32, #tpu.memory_space<vmem_shared>> -> memref<632x128xf32, #tpu.memory_space<vmem_shared>>
      %dma_start3A_55 = arith.constant 0 : i32
      %dma_start3A_56 = tpu.memref_slice %arg4[%mul3A_0, %dma_start3A_55] : memref<10112x128xf32, #tpu.memory_space<hbm>> -> memref<632x128xf32, #tpu.memory_space<hbm>>
      tpu.enqueue_dma source(%dma_start3A_56 : memref<632x128xf32, #tpu.memory_space<hbm>>) target(%dma_start3A_54 : memref<632x128xf32, #tpu.memory_space<vmem_shared>>) target_semaphore(%run_scoped3A_52 : memref<!tpu.dma_semaphore, #tpu.memory_space<semaphore_mem>>)
      %dma_wait3A_57 = arith.constant 0 : i32
      %dma_wait3A_58 = tpu.memref_slice %arg6[%mul3A_2, %dma_wait3A_57] : memref<10112x128xf32, #tpu.memory_space<vmem_shared>> -> memref<632x128xf32, #tpu.memory_space<vmem_shared>>
      %dma_wait3A_59 = arith.constant 0 : i32
      %dma_wait3A_60 = tpu.memref_slice %arg4[%mul3A_0, %dma_wait3A_59] : memref<10112x128xf32, #tpu.memory_space<hbm>> -> memref<632x128xf32, #tpu.memory_space<hbm>>
      tpu.wait_dma2 semaphore(%run_scoped3A_52 : memref<!tpu.dma_semaphore, #tpu.memory_space<semaphore_mem>>) src(%dma_wait3A_60 : memref<632x128xf32, #tpu.memory_space<hbm>>) dst(%dma_wait3A_58 : memref<632x128xf32, #tpu.memory_space<vmem_shared>>)
      tpu.yield
    }) : () -> ()
    %barrier3A = arith.constant 0 : index
    tpu.barrier barrier_id(%barrier3A)
    %run_scoped3A = arith.constant 0 : i32
    "tpu.region"() ({
      %run_scoped3A_52 = tpu.sem_alloc : memref<!tpu.dma_semaphore, #tpu.memory_space<semaphore_mem>>
      %dma_start3A_53 = arith.constant 0 : i32
      %dma_start3A_54 = arith.constant 0 : i32
      %dma_start3A_55 = arith.constant 0 : i32
      %dma_start3A_56 = arith.constant 0 : i32
      %dma_start3A_57 = tpu.memref_slice %arg3[%arg0, %dma_start3A_53, %dma_start3A_54, %dma_start3A_55, %dma_start3A_56] : memref<2x16x216x2x96xi32, #tpu.memory_space<hbm>> -> memref<1x16x216x2x96xi32, #tpu.memory_space<hbm>>
      %dma_start3A_58 = tpu.memref_squeeze %dma_start3A_57 : memref<1x16x216x2x96xi32, #tpu.memory_space<hbm>> -> memref<16x216x2x96xi32, #tpu.memory_space<hbm>>
      %dma_start3A_59 = arith.constant 0 : i32
      %dma_start3A_60 = arith.constant 0 : i32
      %dma_start3A_61 = arith.constant 0 : i32
      %dma_start3A_62 = tpu.memref_slice %dma_start3A_58[%arg1, %dma_start3A_59, %dma_start3A_60, %dma_start3A_61] : memref<16x216x2x96xi32, #tpu.memory_space<hbm>> -> memref<1x216x2x96xi32, #tpu.memory_space<hbm>>
      %dma_start3A_63 = tpu.memref_squeeze %dma_start3A_62 : memref<1x216x2x96xi32, #tpu.memory_space<hbm>> -> memref<216x2x96xi32, #tpu.memory_space<hbm>>
      %dma_start3A_64 = arith.constant 0 : i32
      %dma_start3A_65 = arith.constant 0 : i32
      %dma_start3A_66 = tpu.memref_slice %dma_start3A_63[%run_scoped3A, %dma_start3A_64, %dma_start3A_65] : memref<216x2x96xi32, #tpu.memory_space<hbm>> -> memref<1x2x96xi32, #tpu.memory_space<hbm>>
      %dma_start3A_67 = tpu.memref_squeeze %dma_start3A_66 : memref<1x2x96xi32, #tpu.memory_space<hbm>> -> memref<2x96xi32, #tpu.memory_space<hbm>>
      %dma_start3A_68 = arith.constant 0 : i32
      %dma_start3A_69 = arith.constant 0 : i32
      %dma_start3A_70 = arith.constant 0 : i32
      %dma_start3A_71 = arith.constant 0 : i32
      %dma_start3A_72 = tpu.memref_slice %arg3[%arg0, %dma_start3A_68, %dma_start3A_69, %dma_start3A_70, %dma_start3A_71] : memref<2x16x216x2x96xi32, #tpu.memory_space<hbm>> -> memref<1x16x216x2x96xi32, #tpu.memory_space<hbm>>
      %dma_start3A_73 = tpu.memref_squeeze %dma_start3A_72 : memref<1x16x216x2x96xi32, #tpu.memory_space<hbm>> -> memref<16x216x2x96xi32, #tpu.memory_space<hbm>>
      %dma_start3A_74 = arith.constant 0 : i32
      %dma_start3A_75 = arith.constant 0 : i32
      %dma_start3A_76 = arith.constant 0 : i32
      %dma_start3A_77 = tpu.memref_slice %dma_start3A_73[%arg1, %dma_start3A_74, %dma_start3A_75, %dma_start3A_76] : memref<16x216x2x96xi32, #tpu.memory_space<hbm>> -> memref<1x216x2x96xi32, #tpu.memory_space<hbm>>
      %dma_start3A_78 = tpu.memref_squeeze %dma_start3A_77 : memref<1x216x2x96xi32, #tpu.memory_space<hbm>> -> memref<216x2x96xi32, #tpu.memory_space<hbm>>
      %dma_start3A_79 = arith.constant 0 : i32
      %dma_start3A_80 = arith.constant 0 : i32
      %dma_start3A_81 = tpu.memref_slice %dma_start3A_78[%run_scoped3A, %dma_start3A_79, %dma_start3A_80] : memref<216x2x96xi32, #tpu.memory_space<hbm>> -> memref<1x2x96xi32, #tpu.memory_space<hbm>>
      %dma_start3A_82 = tpu.memref_squeeze %dma_start3A_81 : memref<1x2x96xi32, #tpu.memory_space<hbm>> -> memref<2x96xi32, #tpu.memory_space<hbm>>
      tpu.enqueue_dma source(%dma_start3A_82 : memref<2x96xi32, #tpu.memory_space<hbm>>) target(%arg7 : memref<2x96xi32, #tpu.memory_space<vmem>>) target_semaphore(%run_scoped3A_52 : memref<!tpu.dma_semaphore, #tpu.memory_space<semaphore_mem>>)
      %dma_wait3A_83 = arith.constant 0 : i32
      %dma_wait3A_84 = arith.constant 0 : i32
      %dma_wait3A_85 = arith.constant 0 : i32
      %dma_wait3A_86 = arith.constant 0 : i32
      %dma_wait3A_87 = tpu.memref_slice %arg3[%arg0, %dma_wait3A_83, %dma_wait3A_84, %dma_wait3A_85, %dma_wait3A_86] : memref<2x16x216x2x96xi32, #tpu.memory_space<hbm>> -> memref<1x16x216x2x96xi32, #tpu.memory_space<hbm>>
      %dma_wait3A_88 = tpu.memref_squeeze %dma_wait3A_87 : memref<1x16x216x2x96xi32, #tpu.memory_space<hbm>> -> memref<16x216x2x96xi32, #tpu.memory_space<hbm>>
      %dma_wait3A_89 = arith.constant 0 : i32
      %dma_wait3A_90 = arith.constant 0 : i32
      %dma_wait3A_91 = arith.constant 0 : i32
      %dma_wait3A_92 = tpu.memref_slice %dma_wait3A_88[%arg1, %dma_wait3A_89, %dma_wait3A_90, %dma_wait3A_91] : memref<16x216x2x96xi32, #tpu.memory_space<hbm>> -> memref<1x216x2x96xi32, #tpu.memory_space<hbm>>
      %dma_wait3A_93 = tpu.memref_squeeze %dma_wait3A_92 : memref<1x216x2x96xi32, #tpu.memory_space<hbm>> -> memref<216x2x96xi32, #tpu.memory_space<hbm>>
      %dma_wait3A_94 = arith.constant 0 : i32
      %dma_wait3A_95 = arith.constant 0 : i32
      %dma_wait3A_96 = tpu.memref_slice %dma_wait3A_93[%run_scoped3A, %dma_wait3A_94, %dma_wait3A_95] : memref<216x2x96xi32, #tpu.memory_space<hbm>> -> memref<1x2x96xi32, #tpu.memory_space<hbm>>
      %dma_wait3A_97 = tpu.memref_squeeze %dma_wait3A_96 : memref<1x2x96xi32, #tpu.memory_space<hbm>> -> memref<2x96xi32, #tpu.memory_space<hbm>>
      %dma_wait3A_98 = arith.constant 0 : i32
      %dma_wait3A_99 = arith.constant 0 : i32
      %dma_wait3A_100 = arith.constant 0 : i32
      %dma_wait3A_101 = arith.constant 0 : i32
      %dma_wait3A_102 = tpu.memref_slice %arg3[%arg0, %dma_wait3A_98, %dma_wait3A_99, %dma_wait3A_100, %dma_wait3A_101] : memref<2x16x216x2x96xi32, #tpu.memory_space<hbm>> -> memref<1x16x216x2x96xi32, #tpu.memory_space<hbm>>
      %dma_wait3A_103 = tpu.memref_squeeze %dma_wait3A_102 : memref<1x16x216x2x96xi32, #tpu.memory_space<hbm>> -> memref<16x216x2x96xi32, #tpu.memory_space<hbm>>
      %dma_wait3A_104 = arith.constant 0 : i32
      %dma_wait3A_105 = arith.constant 0 : i32
      %dma_wait3A_106 = arith.constant 0 : i32
      %dma_wait3A_107 = tpu.memref_slice %dma_wait3A_103[%arg1, %dma_wait3A_104, %dma_wait3A_105, %dma_wait3A_106] : memref<16x216x2x96xi32, #tpu.memory_space<hbm>> -> memref<1x216x2x96xi32, #tpu.memory_space<hbm>>
      %dma_wait3A_108 = tpu.memref_squeeze %dma_wait3A_107 : memref<1x216x2x96xi32, #tpu.memory_space<hbm>> -> memref<216x2x96xi32, #tpu.memory_space<hbm>>
      %dma_wait3A_109 = arith.constant 0 : i32
      %dma_wait3A_110 = arith.constant 0 : i32
      %dma_wait3A_111 = tpu.memref_slice %dma_wait3A_108[%run_scoped3A, %dma_wait3A_109, %dma_wait3A_110] : memref<216x2x96xi32, #tpu.memory_space<hbm>> -> memref<1x2x96xi32, #tpu.memory_space<hbm>>
      %dma_wait3A_112 = tpu.memref_squeeze %dma_wait3A_111 : memref<1x2x96xi32, #tpu.memory_space<hbm>> -> memref<2x96xi32, #tpu.memory_space<hbm>>
      tpu.wait_dma2 semaphore(%run_scoped3A_52 : memref<!tpu.dma_semaphore, #tpu.memory_space<semaphore_mem>>) src(%dma_wait3A_112 : memref<2x96xi32, #tpu.memory_space<hbm>>) dst(%arg7 : memref<2x96xi32, #tpu.memory_space<vmem>>)
      tpu.yield
    }) : () -> ()
    %dma_start3A = arith.constant 0 : i32
    %dma_start3A_3 = arith.constant 0 : i32
    %dma_start3A_4 = tpu.memref_slice %arg7[%dma_start3A, %dma_start3A_3] : memref<2x96xi32, #tpu.memory_space<vmem>> -> memref<1x96xi32, #tpu.memory_space<vmem>>
    %dma_start3A_5 = tpu.memref_squeeze %dma_start3A_4 : memref<1x96xi32, #tpu.memory_space<vmem>> -> memref<96xi32, #tpu.memory_space<vmem>>
    %dma_start3A_6 = arith.constant 0 : i32
    %dma_start3A_7 = arith.constant 0 : i32
    %dma_start3A_8 = tpu.memref_slice %arg2[%dma_start3A_6, %dma_start3A_7] : memref<20000x128xf32, #tpu.memory_space<hbm>> -> memref<20000x128xf32, #tpu.memory_space<hbm>>
    tpu.enqueue_indirect_dma source(%dma_start3A_8 : memref<20000x128xf32, #tpu.memory_space<hbm>>) target(%arg11 : memref<96x128xf32, #tpu.memory_space<vmem>>) offsets(%dma_start3A_5 : memref<96xi32, #tpu.memory_space<vmem>>) semaphore(%arg15 : memref<!tpu.dma_semaphore, #tpu.memory_space<semaphore_mem>>)
    %run_scoped3A_9 = arith.constant 1 : i32
    "tpu.region"() ({
      %run_scoped3A_52 = tpu.sem_alloc : memref<!tpu.dma_semaphore, #tpu.memory_space<semaphore_mem>>
      %dma_start3A_53 = arith.constant 0 : i32
      %dma_start3A_54 = arith.constant 0 : i32
      %dma_start3A_55 = arith.constant 0 : i32
      %dma_start3A_56 = arith.constant 0 : i32
      %dma_start3A_57 = tpu.memref_slice %arg3[%arg0, %dma_start3A_53, %dma_start3A_54, %dma_start3A_55, %dma_start3A_56] : memref<2x16x216x2x96xi32, #tpu.memory_space<hbm>> -> memref<1x16x216x2x96xi32, #tpu.memory_space<hbm>>
      %dma_start3A_58 = tpu.memref_squeeze %dma_start3A_57 : memref<1x16x216x2x96xi32, #tpu.memory_space<hbm>> -> memref<16x216x2x96xi32, #tpu.memory_space<hbm>>
      %dma_start3A_59 = arith.constant 0 : i32
      %dma_start3A_60 = arith.constant 0 : i32
      %dma_start3A_61 = arith.constant 0 : i32
      %dma_start3A_62 = tpu.memref_slice %dma_start3A_58[%arg1, %dma_start3A_59, %dma_start3A_60, %dma_start3A_61] : memref<16x216x2x96xi32, #tpu.memory_space<hbm>> -> memref<1x216x2x96xi32, #tpu.memory_space<hbm>>
      %dma_start3A_63 = tpu.memref_squeeze %dma_start3A_62 : memref<1x216x2x96xi32, #tpu.memory_space<hbm>> -> memref<216x2x96xi32, #tpu.memory_space<hbm>>
      %dma_start3A_64 = arith.constant 0 : i32
      %dma_start3A_65 = arith.constant 0 : i32
      %dma_start3A_66 = tpu.memref_slice %dma_start3A_63[%run_scoped3A_9, %dma_start3A_64, %dma_start3A_65] : memref<216x2x96xi32, #tpu.memory_space<hbm>> -> memref<1x2x96xi32, #tpu.memory_space<hbm>>
      %dma_start3A_67 = tpu.memref_squeeze %dma_start3A_66 : memref<1x2x96xi32, #tpu.memory_space<hbm>> -> memref<2x96xi32, #tpu.memory_space<hbm>>
      %dma_start3A_68 = arith.constant 0 : i32
      %dma_start3A_69 = arith.constant 0 : i32
      %dma_start3A_70 = arith.constant 0 : i32
      %dma_start3A_71 = arith.constant 0 : i32
      %dma_start3A_72 = tpu.memref_slice %arg3[%arg0, %dma_start3A_68, %dma_start3A_69, %dma_start3A_70, %dma_start3A_71] : memref<2x16x216x2x96xi32, #tpu.memory_space<hbm>> -> memref<1x16x216x2x96xi32, #tpu.memory_space<hbm>>
      %dma_start3A_73 = tpu.memref_squeeze %dma_start3A_72 : memref<1x16x216x2x96xi32, #tpu.memory_space<hbm>> -> memref<16x216x2x96xi32, #tpu.memory_space<hbm>>
      %dma_start3A_74 = arith.constant 0 : i32
      %dma_start3A_75 = arith.constant 0 : i32
      %dma_start3A_76 = arith.constant 0 : i32
      %dma_start3A_77 = tpu.memref_slice %dma_start3A_73[%arg1, %dma_start3A_74, %dma_start3A_75, %dma_start3A_76] : memref<16x216x2x96xi32, #tpu.memory_space<hbm>> -> memref<1x216x2x96xi32, #tpu.memory_space<hbm>>
      %dma_start3A_78 = tpu.memref_squeeze %dma_start3A_77 : memref<1x216x2x96xi32, #tpu.memory_space<hbm>> -> memref<216x2x96xi32, #tpu.memory_space<hbm>>
      %dma_start3A_79 = arith.constant 0 : i32
      %dma_start3A_80 = arith.constant 0 : i32
      %dma_start3A_81 = tpu.memref_slice %dma_start3A_78[%run_scoped3A_9, %dma_start3A_79, %dma_start3A_80] : memref<216x2x96xi32, #tpu.memory_space<hbm>> -> memref<1x2x96xi32, #tpu.memory_space<hbm>>
      %dma_start3A_82 = tpu.memref_squeeze %dma_start3A_81 : memref<1x2x96xi32, #tpu.memory_space<hbm>> -> memref<2x96xi32, #tpu.memory_space<hbm>>
      tpu.enqueue_dma source(%dma_start3A_82 : memref<2x96xi32, #tpu.memory_space<hbm>>) target(%arg8 : memref<2x96xi32, #tpu.memory_space<vmem>>) target_semaphore(%run_scoped3A_52 : memref<!tpu.dma_semaphore, #tpu.memory_space<semaphore_mem>>)
      %dma_wait3A_83 = arith.constant 0 : i32
      %dma_wait3A_84 = arith.constant 0 : i32
      %dma_wait3A_85 = arith.constant 0 : i32
      %dma_wait3A_86 = arith.constant 0 : i32
      %dma_wait3A_87 = tpu.memref_slice %arg3[%arg0, %dma_wait3A_83, %dma_wait3A_84, %dma_wait3A_85, %dma_wait3A_86] : memref<2x16x216x2x96xi32, #tpu.memory_space<hbm>> -> memref<1x16x216x2x96xi32, #tpu.memory_space<hbm>>
      %dma_wait3A_88 = tpu.memref_squeeze %dma_wait3A_87 : memref<1x16x216x2x96xi32, #tpu.memory_space<hbm>> -> memref<16x216x2x96xi32, #tpu.memory_space<hbm>>
      %dma_wait3A_89 = arith.constant 0 : i32
      %dma_wait3A_90 = arith.constant 0 : i32
      %dma_wait3A_91 = arith.constant 0 : i32
      %dma_wait3A_92 = tpu.memref_slice %dma_wait3A_88[%arg1, %dma_wait3A_89, %dma_wait3A_90, %dma_wait3A_91] : memref<16x216x2x96xi32, #tpu.memory_space<hbm>> -> memref<1x216x2x96xi32, #tpu.memory_space<hbm>>
      %dma_wait3A_93 = tpu.memref_squeeze %dma_wait3A_92 : memref<1x216x2x96xi32, #tpu.memory_space<hbm>> -> memref<216x2x96xi32, #tpu.memory_space<hbm>>
      %dma_wait3A_94 = arith.constant 0 : i32
      %dma_wait3A_95 = arith.constant 0 : i32
      %dma_wait3A_96 = tpu.memref_slice %dma_wait3A_93[%run_scoped3A_9, %dma_wait3A_94, %dma_wait3A_95] : memref<216x2x96xi32, #tpu.memory_space<hbm>> -> memref<1x2x96xi32, #tpu.memory_space<hbm>>
      %dma_wait3A_97 = tpu.memref_squeeze %dma_wait3A_96 : memref<1x2x96xi32, #tpu.memory_space<hbm>> -> memref<2x96xi32, #tpu.memory_space<hbm>>
      %dma_wait3A_98 = arith.constant 0 : i32
      %dma_wait3A_99 = arith.constant 0 : i32
      %dma_wait3A_100 = arith.constant 0 : i32
      %dma_wait3A_101 = arith.constant 0 : i32
      %dma_wait3A_102 = tpu.memref_slice %arg3[%arg0, %dma_wait3A_98, %dma_wait3A_99, %dma_wait3A_100, %dma_wait3A_101] : memref<2x16x216x2x96xi32, #tpu.memory_space<hbm>> -> memref<1x16x216x2x96xi32, #tpu.memory_space<hbm>>
      %dma_wait3A_103 = tpu.memref_squeeze %dma_wait3A_102 : memref<1x16x216x2x96xi32, #tpu.memory_space<hbm>> -> memref<16x216x2x96xi32, #tpu.memory_space<hbm>>
      %dma_wait3A_104 = arith.constant 0 : i32
      %dma_wait3A_105 = arith.constant 0 : i32
      %dma_wait3A_106 = arith.constant 0 : i32
      %dma_wait3A_107 = tpu.memref_slice %dma_wait3A_103[%arg1, %dma_wait3A_104, %dma_wait3A_105, %dma_wait3A_106] : memref<16x216x2x96xi32, #tpu.memory_space<hbm>> -> memref<1x216x2x96xi32, #tpu.memory_space<hbm>>
      %dma_wait3A_108 = tpu.memref_squeeze %dma_wait3A_107 : memref<1x216x2x96xi32, #tpu.memory_space<hbm>> -> memref<216x2x96xi32, #tpu.memory_space<hbm>>
      %dma_wait3A_109 = arith.constant 0 : i32
      %dma_wait3A_110 = arith.constant 0 : i32
      %dma_wait3A_111 = tpu.memref_slice %dma_wait3A_108[%run_scoped3A_9, %dma_wait3A_109, %dma_wait3A_110] : memref<216x2x96xi32, #tpu.memory_space<hbm>> -> memref<1x2x96xi32, #tpu.memory_space<hbm>>
      %dma_wait3A_112 = tpu.memref_squeeze %dma_wait3A_111 : memref<1x2x96xi32, #tpu.memory_space<hbm>> -> memref<2x96xi32, #tpu.memory_space<hbm>>
      tpu.wait_dma2 semaphore(%run_scoped3A_52 : memref<!tpu.dma_semaphore, #tpu.memory_space<semaphore_mem>>) src(%dma_wait3A_112 : memref<2x96xi32, #tpu.memory_space<hbm>>) dst(%arg8 : memref<2x96xi32, #tpu.memory_space<vmem>>)
      tpu.yield
    }) : () -> ()
    %dma_start3A_10 = arith.constant 0 : i32
    %dma_start3A_11 = arith.constant 0 : i32
    %dma_start3A_12 = tpu.memref_slice %arg8[%dma_start3A_10, %dma_start3A_11] : memref<2x96xi32, #tpu.memory_space<vmem>> -> memref<1x96xi32, #tpu.memory_space<vmem>>
    %dma_start3A_13 = tpu.memref_squeeze %dma_start3A_12 : memref<1x96xi32, #tpu.memory_space<vmem>> -> memref<96xi32, #tpu.memory_space<vmem>>
    %dma_start3A_14 = arith.constant 0 : i32
    %dma_start3A_15 = arith.constant 0 : i32
    %dma_start3A_16 = tpu.memref_slice %arg2[%dma_start3A_14, %dma_start3A_15] : memref<20000x128xf32, #tpu.memory_space<hbm>> -> memref<20000x128xf32, #tpu.memory_space<hbm>>
    tpu.enqueue_indirect_dma source(%dma_start3A_16 : memref<20000x128xf32, #tpu.memory_space<hbm>>) target(%arg12 : memref<96x128xf32, #tpu.memory_space<vmem>>) offsets(%dma_start3A_13 : memref<96xi32, #tpu.memory_space<vmem>>) semaphore(%arg16 : memref<!tpu.dma_semaphore, #tpu.memory_space<semaphore_mem>>)
    %scan3A = arith.constant 0 : i32
    %scan3A_17 = arith.constant 0 : i32
    %scan3A_18 = arith.constant 54 : i32
    %scan3A_19 = arith.addi %scan3A_17, %scan3A_18 : i32
    %scan3A_20 = arith.constant 1 : i32
    scf.for %scan3A_52 = %scan3A_17 to %scan3A_19 step %scan3A_20  : i32 {
      %mul3A_53 = arith.constant 4 : i32
      %mul3A_54 = arith.muli %mul3A_53, %scan3A_52 : i32
      %add3A = arith.constant 0 : i32
      %add3A_55 = arith.addi %mul3A_54, %add3A : i32
      %dma_wait3A_56 = arith.constant 0 : i32
      %dma_wait3A_57 = arith.constant 0 : i32
      %dma_wait3A_58 = tpu.memref_slice %arg7[%dma_wait3A_56, %dma_wait3A_57] : memref<2x96xi32, #tpu.memory_space<vmem>> -> memref<1x96xi32, #tpu.memory_space<vmem>>
      %dma_wait3A_59 = tpu.memref_squeeze %dma_wait3A_58 : memref<1x96xi32, #tpu.memory_space<vmem>> -> memref<96xi32, #tpu.memory_space<vmem>>
      %dma_wait3A_60 = arith.constant 0 : i32
      %dma_wait3A_61 = arith.constant 0 : i32
      %dma_wait3A_62 = tpu.memref_slice %arg2[%dma_wait3A_60, %dma_wait3A_61] : memref<20000x128xf32, #tpu.memory_space<hbm>> -> memref<20000x128xf32, #tpu.memory_space<hbm>>
      tpu.wait_indirect_dma semaphore(%arg15 : memref<!tpu.dma_semaphore, #tpu.memory_space<semaphore_mem>>) src(%dma_wait3A_62 : memref<20000x128xf32, #tpu.memory_space<hbm>>) dst(%arg11 : memref<96x128xf32, #tpu.memory_space<vmem>>)
      %dma_start3A_63 = arith.constant 1 : i32
      %dma_start3A_64 = arith.constant 0 : i32
      %dma_start3A_65 = tpu.memref_slice %arg7[%dma_start3A_63, %dma_start3A_64] : memref<2x96xi32, #tpu.memory_space<vmem>> -> memref<1x96xi32, #tpu.memory_space<vmem>>
      %dma_start3A_66 = tpu.memref_squeeze %dma_start3A_65 : memref<1x96xi32, #tpu.memory_space<vmem>> -> memref<96xi32, #tpu.memory_space<vmem>>
      %dma_start3A_67 = arith.constant 0 : i32
      %dma_start3A_68 = arith.constant 0 : i32
      %dma_start3A_69 = tpu.memref_slice %arg6[%dma_start3A_67, %dma_start3A_68] : memref<10112x128xf32, #tpu.memory_space<vmem_shared>> -> memref<10112x128xf32, #tpu.memory_space<vmem_shared>>
      tpu.enqueue_indirect_dma source(%arg11 : memref<96x128xf32, #tpu.memory_space<vmem>>) target(%dma_start3A_69 : memref<10112x128xf32, #tpu.memory_space<vmem_shared>>) offsets(%dma_start3A_66 : memref<96xi32, #tpu.memory_space<vmem>>) semaphore(%arg19 : memref<!tpu.dma_semaphore, #tpu.memory_space<semaphore_mem>>) {add = true}
      %gt3A = arith.constant 0 : i32
      %gt3A_70 = arith.cmpi sgt, %scan3A_52, %gt3A : i32
      %convert_element_type3A = arith.extui %gt3A_70 : i1 to i32
      %cond3A = arith.constant 0 : i32
      %cond3A_71 = arith.cmpi ne, %convert_element_type3A, %cond3A : i32
      scf.if %cond3A_71 {
        %dma_wait3A_186 = arith.constant 0 : i32
        %dma_wait3A_187 = arith.constant 0 : i32
        %dma_wait3A_188 = tpu.memref_slice %arg4[%dma_wait3A_186, %dma_wait3A_187] : memref<10112x128xf32, #tpu.memory_space<hbm>> -> memref<96x128xf32, #tpu.memory_space<hbm>>
        %dma_wait3A_189 = arith.constant 0 : i32
        %dma_wait3A_190 = arith.constant 0 : i32
        %dma_wait3A_191 = tpu.memref_slice %arg4[%dma_wait3A_189, %dma_wait3A_190] : memref<10112x128xf32, #tpu.memory_space<hbm>> -> memref<96x128xf32, #tpu.memory_space<hbm>>
        tpu.wait_dma2 semaphore(%arg21 : memref<!tpu.dma_semaphore, #tpu.memory_space<semaphore_mem>>) src(%dma_wait3A_191 : memref<96x128xf32, #tpu.memory_space<hbm>>) dst(%arg13 : memref<96x128xf32, #tpu.memory_space<vmem>>)
      } else {
      }
      %add3A_72 = arith.constant 2 : i32
      %add3A_73 = arith.addi %add3A_55, %add3A_72 : i32
      %min3A = arith.constant 215 : i32
      %min3A_74 = arith.minsi %add3A_73, %min3A : i32
      "tpu.region"() ({
        %run_scoped3A_186 = tpu.sem_alloc : memref<!tpu.dma_semaphore, #tpu.memory_space<semaphore_mem>>
        %dma_start3A_187 = arith.constant 0 : i32
        %dma_start3A_188 = arith.constant 0 : i32
        %dma_start3A_189 = arith.constant 0 : i32
        %dma_start3A_190 = arith.constant 0 : i32
        %dma_start3A_191 = tpu.memref_slice %arg3[%arg0, %dma_start3A_187, %dma_start3A_188, %dma_start3A_189, %dma_start3A_190] : memref<2x16x216x2x96xi32, #tpu.memory_space<hbm>> -> memref<1x16x216x2x96xi32, #tpu.memory_space<hbm>>
        %dma_start3A_192 = tpu.memref_squeeze %dma_start3A_191 : memref<1x16x216x2x96xi32, #tpu.memory_space<hbm>> -> memref<16x216x2x96xi32, #tpu.memory_space<hbm>>
        %dma_start3A_193 = arith.constant 0 : i32
        %dma_start3A_194 = arith.constant 0 : i32
        %dma_start3A_195 = arith.constant 0 : i32
        %dma_start3A_196 = tpu.memref_slice %dma_start3A_192[%arg1, %dma_start3A_193, %dma_start3A_194, %dma_start3A_195] : memref<16x216x2x96xi32, #tpu.memory_space<hbm>> -> memref<1x216x2x96xi32, #tpu.memory_space<hbm>>
        %dma_start3A_197 = tpu.memref_squeeze %dma_start3A_196 : memref<1x216x2x96xi32, #tpu.memory_space<hbm>> -> memref<216x2x96xi32, #tpu.memory_space<hbm>>
        %dma_start3A_198 = arith.constant 0 : i32
        %dma_start3A_199 = arith.constant 0 : i32
        %dma_start3A_200 = tpu.memref_slice %dma_start3A_197[%min3A_74, %dma_start3A_198, %dma_start3A_199] : memref<216x2x96xi32, #tpu.memory_space<hbm>> -> memref<1x2x96xi32, #tpu.memory_space<hbm>>
        %dma_start3A_201 = tpu.memref_squeeze %dma_start3A_200 : memref<1x2x96xi32, #tpu.memory_space<hbm>> -> memref<2x96xi32, #tpu.memory_space<hbm>>
        %dma_start3A_202 = arith.constant 0 : i32
        %dma_start3A_203 = arith.constant 0 : i32
        %dma_start3A_204 = arith.constant 0 : i32
        %dma_start3A_205 = arith.constant 0 : i32
        %dma_start3A_206 = tpu.memref_slice %arg3[%arg0, %dma_start3A_202, %dma_start3A_203, %dma_start3A_204, %dma_start3A_205] : memref<2x16x216x2x96xi32, #tpu.memory_space<hbm>> -> memref<1x16x216x2x96xi32, #tpu.memory_space<hbm>>
        %dma_start3A_207 = tpu.memref_squeeze %dma_start3A_206 : memref<1x16x216x2x96xi32, #tpu.memory_space<hbm>> -> memref<16x216x2x96xi32, #tpu.memory_space<hbm>>
        %dma_start3A_208 = arith.constant 0 : i32
        %dma_start3A_209 = arith.constant 0 : i32
        %dma_start3A_210 = arith.constant 0 : i32
        %dma_start3A_211 = tpu.memref_slice %dma_start3A_207[%arg1, %dma_start3A_208, %dma_start3A_209, %dma_start3A_210] : memref<16x216x2x96xi32, #tpu.memory_space<hbm>> -> memref<1x216x2x96xi32, #tpu.memory_space<hbm>>
        %dma_start3A_212 = tpu.memref_squeeze %dma_start3A_211 : memref<1x216x2x96xi32, #tpu.memory_space<hbm>> -> memref<216x2x96xi32, #tpu.memory_space<hbm>>
        %dma_start3A_213 = arith.constant 0 : i32
        %dma_start3A_214 = arith.constant 0 : i32
        %dma_start3A_215 = tpu.memref_slice %dma_start3A_212[%min3A_74, %dma_start3A_213, %dma_start3A_214] : memref<216x2x96xi32, #tpu.memory_space<hbm>> -> memref<1x2x96xi32, #tpu.memory_space<hbm>>
        %dma_start3A_216 = tpu.memref_squeeze %dma_start3A_215 : memref<1x2x96xi32, #tpu.memory_space<hbm>> -> memref<2x96xi32, #tpu.memory_space<hbm>>
        tpu.enqueue_dma source(%dma_start3A_216 : memref<2x96xi32, #tpu.memory_space<hbm>>) target(%arg9 : memref<2x96xi32, #tpu.memory_space<vmem>>) target_semaphore(%run_scoped3A_186 : memref<!tpu.dma_semaphore, #tpu.memory_space<semaphore_mem>>)
        %dma_wait3A_217 = arith.constant 0 : i32
        %dma_wait3A_218 = arith.constant 0 : i32
        %dma_wait3A_219 = arith.constant 0 : i32
        %dma_wait3A_220 = arith.constant 0 : i32
        %dma_wait3A_221 = tpu.memref_slice %arg3[%arg0, %dma_wait3A_217, %dma_wait3A_218, %dma_wait3A_219, %dma_wait3A_220] : memref<2x16x216x2x96xi32, #tpu.memory_space<hbm>> -> memref<1x16x216x2x96xi32, #tpu.memory_space<hbm>>
        %dma_wait3A_222 = tpu.memref_squeeze %dma_wait3A_221 : memref<1x16x216x2x96xi32, #tpu.memory_space<hbm>> -> memref<16x216x2x96xi32, #tpu.memory_space<hbm>>
        %dma_wait3A_223 = arith.constant 0 : i32
        %dma_wait3A_224 = arith.constant 0 : i32
        %dma_wait3A_225 = arith.constant 0 : i32
        %dma_wait3A_226 = tpu.memref_slice %dma_wait3A_222[%arg1, %dma_wait3A_223, %dma_wait3A_224, %dma_wait3A_225] : memref<16x216x2x96xi32, #tpu.memory_space<hbm>> -> memref<1x216x2x96xi32, #tpu.memory_space<hbm>>
        %dma_wait3A_227 = tpu.memref_squeeze %dma_wait3A_226 : memref<1x216x2x96xi32, #tpu.memory_space<hbm>> -> memref<216x2x96xi32, #tpu.memory_space<hbm>>
        %dma_wait3A_228 = arith.constant 0 : i32
        %dma_wait3A_229 = arith.constant 0 : i32
        %dma_wait3A_230 = tpu.memref_slice %dma_wait3A_227[%min3A_74, %dma_wait3A_228, %dma_wait3A_229] : memref<216x2x96xi32, #tpu.memory_space<hbm>> -> memref<1x2x96xi32, #tpu.memory_space<hbm>>
        %dma_wait3A_231 = tpu.memref_squeeze %dma_wait3A_230 : memref<1x2x96xi32, #tpu.memory_space<hbm>> -> memref<2x96xi32, #tpu.memory_space<hbm>>
        %dma_wait3A_232 = arith.constant 0 : i32
        %dma_wait3A_233 = arith.constant 0 : i32
        %dma_wait3A_234 = arith.constant 0 : i32
        %dma_wait3A_235 = arith.constant 0 : i32
        %dma_wait3A_236 = tpu.memref_slice %arg3[%arg0, %dma_wait3A_232, %dma_wait3A_233, %dma_wait3A_234, %dma_wait3A_235] : memref<2x16x216x2x96xi32, #tpu.memory_space<hbm>> -> memref<1x16x216x2x96xi32, #tpu.memory_space<hbm>>
        %dma_wait3A_237 = tpu.memref_squeeze %dma_wait3A_236 : memref<1x16x216x2x96xi32, #tpu.memory_space<hbm>> -> memref<16x216x2x96xi32, #tpu.memory_space<hbm>>
        %dma_wait3A_238 = arith.constant 0 : i32
        %dma_wait3A_239 = arith.constant 0 : i32
        %dma_wait3A_240 = arith.constant 0 : i32
        %dma_wait3A_241 = tpu.memref_slice %dma_wait3A_237[%arg1, %dma_wait3A_238, %dma_wait3A_239, %dma_wait3A_240] : memref<16x216x2x96xi32, #tpu.memory_space<hbm>> -> memref<1x216x2x96xi32, #tpu.memory_space<hbm>>
        %dma_wait3A_242 = tpu.memref_squeeze %dma_wait3A_241 : memref<1x216x2x96xi32, #tpu.memory_space<hbm>> -> memref<216x2x96xi32, #tpu.memory_space<hbm>>
        %dma_wait3A_243 = arith.constant 0 : i32
        %dma_wait3A_244 = arith.constant 0 : i32
        %dma_wait3A_245 = tpu.memref_slice %dma_wait3A_242[%min3A_74, %dma_wait3A_243, %dma_wait3A_244] : memref<216x2x96xi32, #tpu.memory_space<hbm>> -> memref<1x2x96xi32, #tpu.memory_space<hbm>>
        %dma_wait3A_246 = tpu.memref_squeeze %dma_wait3A_245 : memref<1x2x96xi32, #tpu.memory_space<hbm>> -> memref<2x96xi32, #tpu.memory_space<hbm>>
        tpu.wait_dma2 semaphore(%run_scoped3A_186 : memref<!tpu.dma_semaphore, #tpu.memory_space<semaphore_mem>>) src(%dma_wait3A_246 : memref<2x96xi32, #tpu.memory_space<hbm>>) dst(%arg9 : memref<2x96xi32, #tpu.memory_space<vmem>>)
        tpu.yield
      }) : () -> ()
      %dma_start3A_75 = arith.constant 0 : i32
      %dma_start3A_76 = arith.constant 0 : i32
      %dma_start3A_77 = tpu.memref_slice %arg9[%dma_start3A_75, %dma_start3A_76] : memref<2x96xi32, #tpu.memory_space<vmem>> -> memref<1x96xi32, #tpu.memory_space<vmem>>
      %dma_start3A_78 = tpu.memref_squeeze %dma_start3A_77 : memref<1x96xi32, #tpu.memory_space<vmem>> -> memref<96xi32, #tpu.memory_space<vmem>>
      %dma_start3A_79 = arith.constant 0 : i32
      %dma_start3A_80 = arith.constant 0 : i32
      %dma_start3A_81 = tpu.memref_slice %arg2[%dma_start3A_79, %dma_start3A_80] : memref<20000x128xf32, #tpu.memory_space<hbm>> -> memref<20000x128xf32, #tpu.memory_space<hbm>>
      tpu.enqueue_indirect_dma source(%dma_start3A_81 : memref<20000x128xf32, #tpu.memory_space<hbm>>) target(%arg13 : memref<96x128xf32, #tpu.memory_space<vmem>>) offsets(%dma_start3A_78 : memref<96xi32, #tpu.memory_space<vmem>>) semaphore(%arg17 : memref<!tpu.dma_semaphore, #tpu.memory_space<semaphore_mem>>)
      %mul3A_82 = arith.constant 4 : i32
      %mul3A_83 = arith.muli %mul3A_82, %scan3A_52 : i32
      %add3A_84 = arith.constant 1 : i32
      %add3A_85 = arith.addi %mul3A_83, %add3A_84 : i32
      %dma_wait3A_86 = arith.constant 0 : i32
      %dma_wait3A_87 = arith.constant 0 : i32
      %dma_wait3A_88 = tpu.memref_slice %arg8[%dma_wait3A_86, %dma_wait3A_87] : memref<2x96xi32, #tpu.memory_space<vmem>> -> memref<1x96xi32, #tpu.memory_space<vmem>>
      %dma_wait3A_89 = tpu.memref_squeeze %dma_wait3A_88 : memref<1x96xi32, #tpu.memory_space<vmem>> -> memref<96xi32, #tpu.memory_space<vmem>>
      %dma_wait3A_90 = arith.constant 0 : i32
      %dma_wait3A_91 = arith.constant 0 : i32
      %dma_wait3A_92 = tpu.memref_slice %arg2[%dma_wait3A_90, %dma_wait3A_91] : memref<20000x128xf32, #tpu.memory_space<hbm>> -> memref<20000x128xf32, #tpu.memory_space<hbm>>
      tpu.wait_indirect_dma semaphore(%arg16 : memref<!tpu.dma_semaphore, #tpu.memory_space<semaphore_mem>>) src(%dma_wait3A_92 : memref<20000x128xf32, #tpu.memory_space<hbm>>) dst(%arg12 : memref<96x128xf32, #tpu.memory_space<vmem>>)
      %dma_start3A_93 = arith.constant 1 : i32
      %dma_start3A_94 = arith.constant 0 : i32
      %dma_start3A_95 = tpu.memref_slice %arg8[%dma_start3A_93, %dma_start3A_94] : memref<2x96xi32, #tpu.memory_space<vmem>> -> memref<1x96xi32, #tpu.memory_space<vmem>>
      %dma_start3A_96 = tpu.memref_squeeze %dma_start3A_95 : memref<1x96xi32, #tpu.memory_space<vmem>> -> memref<96xi32, #tpu.memory_space<vmem>>
      %dma_start3A_97 = arith.constant 0 : i32
      %dma_start3A_98 = arith.constant 0 : i32
      %dma_start3A_99 = tpu.memref_slice %arg6[%dma_start3A_97, %dma_start3A_98] : memref<10112x128xf32, #tpu.memory_space<vmem_shared>> -> memref<10112x128xf32, #tpu.memory_space<vmem_shared>>
      tpu.enqueue_indirect_dma source(%arg12 : memref<96x128xf32, #tpu.memory_space<vmem>>) target(%dma_start3A_99 : memref<10112x128xf32, #tpu.memory_space<vmem_shared>>) offsets(%dma_start3A_96 : memref<96xi32, #tpu.memory_space<vmem>>) semaphore(%arg20 : memref<!tpu.dma_semaphore, #tpu.memory_space<semaphore_mem>>) {add = true}
      %gt3A_100 = arith.constant 0 : i32
      %gt3A_101 = arith.cmpi sgt, %scan3A_52, %gt3A_100 : i32
      %convert_element_type3A_102 = arith.extui %gt3A_101 : i1 to i32
      %cond3A_103 = arith.constant 0 : i32
      %cond3A_104 = arith.cmpi ne, %convert_element_type3A_102, %cond3A_103 : i32
      scf.if %cond3A_104 {
        %dma_wait3A_186 = arith.constant 0 : i32
        %dma_wait3A_187 = arith.constant 0 : i32
        %dma_wait3A_188 = tpu.memref_slice %arg4[%dma_wait3A_186, %dma_wait3A_187] : memref<10112x128xf32, #tpu.memory_space<hbm>> -> memref<96x128xf32, #tpu.memory_space<hbm>>
        %dma_wait3A_189 = arith.constant 0 : i32
        %dma_wait3A_190 = arith.constant 0 : i32
        %dma_wait3A_191 = tpu.memref_slice %arg4[%dma_wait3A_189, %dma_wait3A_190] : memref<10112x128xf32, #tpu.memory_space<hbm>> -> memref<96x128xf32, #tpu.memory_space<hbm>>
        tpu.wait_dma2 semaphore(%arg22 : memref<!tpu.dma_semaphore, #tpu.memory_space<semaphore_mem>>) src(%dma_wait3A_191 : memref<96x128xf32, #tpu.memory_space<hbm>>) dst(%arg14 : memref<96x128xf32, #tpu.memory_space<vmem>>)
      } else {
      }
      %add3A_105 = arith.constant 2 : i32
      %add3A_106 = arith.addi %add3A_85, %add3A_105 : i32
      %min3A_107 = arith.constant 215 : i32
      %min3A_108 = arith.minsi %add3A_106, %min3A_107 : i32
      "tpu.region"() ({
        %run_scoped3A_186 = tpu.sem_alloc : memref<!tpu.dma_semaphore, #tpu.memory_space<semaphore_mem>>
        %dma_start3A_187 = arith.constant 0 : i32
        %dma_start3A_188 = arith.constant 0 : i32
        %dma_start3A_189 = arith.constant 0 : i32
        %dma_start3A_190 = arith.constant 0 : i32
        %dma_start3A_191 = tpu.memref_slice %arg3[%arg0, %dma_start3A_187, %dma_start3A_188, %dma_start3A_189, %dma_start3A_190] : memref<2x16x216x2x96xi32, #tpu.memory_space<hbm>> -> memref<1x16x216x2x96xi32, #tpu.memory_space<hbm>>
        %dma_start3A_192 = tpu.memref_squeeze %dma_start3A_191 : memref<1x16x216x2x96xi32, #tpu.memory_space<hbm>> -> memref<16x216x2x96xi32, #tpu.memory_space<hbm>>
        %dma_start3A_193 = arith.constant 0 : i32
        %dma_start3A_194 = arith.constant 0 : i32
        %dma_start3A_195 = arith.constant 0 : i32
        %dma_start3A_196 = tpu.memref_slice %dma_start3A_192[%arg1, %dma_start3A_193, %dma_start3A_194, %dma_start3A_195] : memref<16x216x2x96xi32, #tpu.memory_space<hbm>> -> memref<1x216x2x96xi32, #tpu.memory_space<hbm>>
        %dma_start3A_197 = tpu.memref_squeeze %dma_start3A_196 : memref<1x216x2x96xi32, #tpu.memory_space<hbm>> -> memref<216x2x96xi32, #tpu.memory_space<hbm>>
        %dma_start3A_198 = arith.constant 0 : i32
        %dma_start3A_199 = arith.constant 0 : i32
        %dma_start3A_200 = tpu.memref_slice %dma_start3A_197[%min3A_108, %dma_start3A_198, %dma_start3A_199] : memref<216x2x96xi32, #tpu.memory_space<hbm>> -> memref<1x2x96xi32, #tpu.memory_space<hbm>>
        %dma_start3A_201 = tpu.memref_squeeze %dma_start3A_200 : memref<1x2x96xi32, #tpu.memory_space<hbm>> -> memref<2x96xi32, #tpu.memory_space<hbm>>
        %dma_start3A_202 = arith.constant 0 : i32
        %dma_start3A_203 = arith.constant 0 : i32
        %dma_start3A_204 = arith.constant 0 : i32
        %dma_start3A_205 = arith.constant 0 : i32
        %dma_start3A_206 = tpu.memref_slice %arg3[%arg0, %dma_start3A_202, %dma_start3A_203, %dma_start3A_204, %dma_start3A_205] : memref<2x16x216x2x96xi32, #tpu.memory_space<hbm>> -> memref<1x16x216x2x96xi32, #tpu.memory_space<hbm>>
        %dma_start3A_207 = tpu.memref_squeeze %dma_start3A_206 : memref<1x16x216x2x96xi32, #tpu.memory_space<hbm>> -> memref<16x216x2x96xi32, #tpu.memory_space<hbm>>
        %dma_start3A_208 = arith.constant 0 : i32
        %dma_start3A_209 = arith.constant 0 : i32
        %dma_start3A_210 = arith.constant 0 : i32
        %dma_start3A_211 = tpu.memref_slice %dma_start3A_207[%arg1, %dma_start3A_208, %dma_start3A_209, %dma_start3A_210] : memref<16x216x2x96xi32, #tpu.memory_space<hbm>> -> memref<1x216x2x96xi32, #tpu.memory_space<hbm>>
        %dma_start3A_212 = tpu.memref_squeeze %dma_start3A_211 : memref<1x216x2x96xi32, #tpu.memory_space<hbm>> -> memref<216x2x96xi32, #tpu.memory_space<hbm>>
        %dma_start3A_213 = arith.constant 0 : i32
        %dma_start3A_214 = arith.constant 0 : i32
        %dma_start3A_215 = tpu.memref_slice %dma_start3A_212[%min3A_108, %dma_start3A_213, %dma_start3A_214] : memref<216x2x96xi32, #tpu.memory_space<hbm>> -> memref<1x2x96xi32, #tpu.memory_space<hbm>>
        %dma_start3A_216 = tpu.memref_squeeze %dma_start3A_215 : memref<1x2x96xi32, #tpu.memory_space<hbm>> -> memref<2x96xi32, #tpu.memory_space<hbm>>
        tpu.enqueue_dma source(%dma_start3A_216 : memref<2x96xi32, #tpu.memory_space<hbm>>) target(%arg10 : memref<2x96xi32, #tpu.memory_space<vmem>>) target_semaphore(%run_scoped3A_186 : memref<!tpu.dma_semaphore, #tpu.memory_space<semaphore_mem>>)
        %dma_wait3A_217 = arith.constant 0 : i32
        %dma_wait3A_218 = arith.constant 0 : i32
        %dma_wait3A_219 = arith.constant 0 : i32
        %dma_wait3A_220 = arith.constant 0 : i32
        %dma_wait3A_221 = tpu.memref_slice %arg3[%arg0, %dma_wait3A_217, %dma_wait3A_218, %dma_wait3A_219, %dma_wait3A_220] : memref<2x16x216x2x96xi32, #tpu.memory_space<hbm>> -> memref<1x16x216x2x96xi32, #tpu.memory_space<hbm>>
        %dma_wait3A_222 = tpu.memref_squeeze %dma_wait3A_221 : memref<1x16x216x2x96xi32, #tpu.memory_space<hbm>> -> memref<16x216x2x96xi32, #tpu.memory_space<hbm>>
        %dma_wait3A_223 = arith.constant 0 : i32
        %dma_wait3A_224 = arith.constant 0 : i32
        %dma_wait3A_225 = arith.constant 0 : i32
        %dma_wait3A_226 = tpu.memref_slice %dma_wait3A_222[%arg1, %dma_wait3A_223, %dma_wait3A_224, %dma_wait3A_225] : memref<16x216x2x96xi32, #tpu.memory_space<hbm>> -> memref<1x216x2x96xi32, #tpu.memory_space<hbm>>
        %dma_wait3A_227 = tpu.memref_squeeze %dma_wait3A_226 : memref<1x216x2x96xi32, #tpu.memory_space<hbm>> -> memref<216x2x96xi32, #tpu.memory_space<hbm>>
        %dma_wait3A_228 = arith.constant 0 : i32
        %dma_wait3A_229 = arith.constant 0 : i32
        %dma_wait3A_230 = tpu.memref_slice %dma_wait3A_227[%min3A_108, %dma_wait3A_228, %dma_wait3A_229] : memref<216x2x96xi32, #tpu.memory_space<hbm>> -> memref<1x2x96xi32, #tpu.memory_space<hbm>>
        %dma_wait3A_231 = tpu.memref_squeeze %dma_wait3A_230 : memref<1x2x96xi32, #tpu.memory_space<hbm>> -> memref<2x96xi32, #tpu.memory_space<hbm>>
        %dma_wait3A_232 = arith.constant 0 : i32
        %dma_wait3A_233 = arith.constant 0 : i32
        %dma_wait3A_234 = arith.constant 0 : i32
        %dma_wait3A_235 = arith.constant 0 : i32
        %dma_wait3A_236 = tpu.memref_slice %arg3[%arg0, %dma_wait3A_232, %dma_wait3A_233, %dma_wait3A_234, %dma_wait3A_235] : memref<2x16x216x2x96xi32, #tpu.memory_space<hbm>> -> memref<1x16x216x2x96xi32, #tpu.memory_space<hbm>>
        %dma_wait3A_237 = tpu.memref_squeeze %dma_wait3A_236 : memref<1x16x216x2x96xi32, #tpu.memory_space<hbm>> -> memref<16x216x2x96xi32, #tpu.memory_space<hbm>>
        %dma_wait3A_238 = arith.constant 0 : i32
        %dma_wait3A_239 = arith.constant 0 : i32
        %dma_wait3A_240 = arith.constant 0 : i32
        %dma_wait3A_241 = tpu.memref_slice %dma_wait3A_237[%arg1, %dma_wait3A_238, %dma_wait3A_239, %dma_wait3A_240] : memref<16x216x2x96xi32, #tpu.memory_space<hbm>> -> memref<1x216x2x96xi32, #tpu.memory_space<hbm>>
        %dma_wait3A_242 = tpu.memref_squeeze %dma_wait3A_241 : memref<1x216x2x96xi32, #tpu.memory_space<hbm>> -> memref<216x2x96xi32, #tpu.memory_space<hbm>>
        %dma_wait3A_243 = arith.constant 0 : i32
        %dma_wait3A_244 = arith.constant 0 : i32
        %dma_wait3A_245 = tpu.memref_slice %dma_wait3A_242[%min3A_108, %dma_wait3A_243, %dma_wait3A_244] : memref<216x2x96xi32, #tpu.memory_space<hbm>> -> memref<1x2x96xi32, #tpu.memory_space<hbm>>
        %dma_wait3A_246 = tpu.memref_squeeze %dma_wait3A_245 : memref<1x2x96xi32, #tpu.memory_space<hbm>> -> memref<2x96xi32, #tpu.memory_space<hbm>>
        tpu.wait_dma2 semaphore(%run_scoped3A_186 : memref<!tpu.dma_semaphore, #tpu.memory_space<semaphore_mem>>) src(%dma_wait3A_246 : memref<2x96xi32, #tpu.memory_space<hbm>>) dst(%arg10 : memref<2x96xi32, #tpu.memory_space<vmem>>)
        tpu.yield
      }) : () -> ()
      %dma_start3A_109 = arith.constant 0 : i32
      %dma_start3A_110 = arith.constant 0 : i32
      %dma_start3A_111 = tpu.memref_slice %arg10[%dma_start3A_109, %dma_start3A_110] : memref<2x96xi32, #tpu.memory_space<vmem>> -> memref<1x96xi32, #tpu.memory_space<vmem>>
      %dma_start3A_112 = tpu.memref_squeeze %dma_start3A_111 : memref<1x96xi32, #tpu.memory_space<vmem>> -> memref<96xi32, #tpu.memory_space<vmem>>
      %dma_start3A_113 = arith.constant 0 : i32
      %dma_start3A_114 = arith.constant 0 : i32
      %dma_start3A_115 = tpu.memref_slice %arg2[%dma_start3A_113, %dma_start3A_114] : memref<20000x128xf32, #tpu.memory_space<hbm>> -> memref<20000x128xf32, #tpu.memory_space<hbm>>
      tpu.enqueue_indirect_dma source(%dma_start3A_115 : memref<20000x128xf32, #tpu.memory_space<hbm>>) target(%arg14 : memref<96x128xf32, #tpu.memory_space<vmem>>) offsets(%dma_start3A_112 : memref<96xi32, #tpu.memory_space<vmem>>) semaphore(%arg18 : memref<!tpu.dma_semaphore, #tpu.memory_space<semaphore_mem>>)
      %mul3A_116 = arith.constant 4 : i32
      %mul3A_117 = arith.muli %mul3A_116, %scan3A_52 : i32
      %add3A_118 = arith.constant 2 : i32
      %add3A_119 = arith.addi %mul3A_117, %add3A_118 : i32
      %dma_wait3A_120 = arith.constant 0 : i32
      %dma_wait3A_121 = arith.constant 0 : i32
      %dma_wait3A_122 = tpu.memref_slice %arg9[%dma_wait3A_120, %dma_wait3A_121] : memref<2x96xi32, #tpu.memory_space<vmem>> -> memref<1x96xi32, #tpu.memory_space<vmem>>
      %dma_wait3A_123 = tpu.memref_squeeze %dma_wait3A_122 : memref<1x96xi32, #tpu.memory_space<vmem>> -> memref<96xi32, #tpu.memory_space<vmem>>
      %dma_wait3A_124 = arith.constant 0 : i32
      %dma_wait3A_125 = arith.constant 0 : i32
      %dma_wait3A_126 = tpu.memref_slice %arg2[%dma_wait3A_124, %dma_wait3A_125] : memref<20000x128xf32, #tpu.memory_space<hbm>> -> memref<20000x128xf32, #tpu.memory_space<hbm>>
      tpu.wait_indirect_dma semaphore(%arg17 : memref<!tpu.dma_semaphore, #tpu.memory_space<semaphore_mem>>) src(%dma_wait3A_126 : memref<20000x128xf32, #tpu.memory_space<hbm>>) dst(%arg13 : memref<96x128xf32, #tpu.memory_space<vmem>>)
      %dma_start3A_127 = arith.constant 1 : i32
      %dma_start3A_128 = arith.constant 0 : i32
      %dma_start3A_129 = tpu.memref_slice %arg9[%dma_start3A_127, %dma_start3A_128] : memref<2x96xi32, #tpu.memory_space<vmem>> -> memref<1x96xi32, #tpu.memory_space<vmem>>
      %dma_start3A_130 = tpu.memref_squeeze %dma_start3A_129 : memref<1x96xi32, #tpu.memory_space<vmem>> -> memref<96xi32, #tpu.memory_space<vmem>>
      %dma_start3A_131 = arith.constant 0 : i32
      %dma_start3A_132 = arith.constant 0 : i32
      %dma_start3A_133 = tpu.memref_slice %arg6[%dma_start3A_131, %dma_start3A_132] : memref<10112x128xf32, #tpu.memory_space<vmem_shared>> -> memref<10112x128xf32, #tpu.memory_space<vmem_shared>>
      tpu.enqueue_indirect_dma source(%arg13 : memref<96x128xf32, #tpu.memory_space<vmem>>) target(%dma_start3A_133 : memref<10112x128xf32, #tpu.memory_space<vmem_shared>>) offsets(%dma_start3A_130 : memref<96xi32, #tpu.memory_space<vmem>>) semaphore(%arg21 : memref<!tpu.dma_semaphore, #tpu.memory_space<semaphore_mem>>) {add = true}
      %dma_wait3A_134 = arith.constant 0 : i32
      %dma_wait3A_135 = arith.constant 0 : i32
      %dma_wait3A_136 = tpu.memref_slice %arg4[%dma_wait3A_134, %dma_wait3A_135] : memref<10112x128xf32, #tpu.memory_space<hbm>> -> memref<96x128xf32, #tpu.memory_space<hbm>>
      %dma_wait3A_137 = arith.constant 0 : i32
      %dma_wait3A_138 = arith.constant 0 : i32
      %dma_wait3A_139 = tpu.memref_slice %arg4[%dma_wait3A_137, %dma_wait3A_138] : memref<10112x128xf32, #tpu.memory_space<hbm>> -> memref<96x128xf32, #tpu.memory_space<hbm>>
      tpu.wait_dma2 semaphore(%arg19 : memref<!tpu.dma_semaphore, #tpu.memory_space<semaphore_mem>>) src(%dma_wait3A_139 : memref<96x128xf32, #tpu.memory_space<hbm>>) dst(%arg11 : memref<96x128xf32, #tpu.memory_space<vmem>>)
      %add3A_140 = arith.constant 2 : i32
      %add3A_141 = arith.addi %add3A_119, %add3A_140 : i32
      %min3A_142 = arith.constant 215 : i32
      %min3A_143 = arith.minsi %add3A_141, %min3A_142 : i32
      "tpu.region"() ({
        %run_scoped3A_186 = tpu.sem_alloc : memref<!tpu.dma_semaphore, #tpu.memory_space<semaphore_mem>>
        %dma_start3A_187 = arith.constant 0 : i32
        %dma_start3A_188 = arith.constant 0 : i32
        %dma_start3A_189 = arith.constant 0 : i32
        %dma_start3A_190 = arith.constant 0 : i32
        %dma_start3A_191 = tpu.memref_slice %arg3[%arg0, %dma_start3A_187, %dma_start3A_188, %dma_start3A_189, %dma_start3A_190] : memref<2x16x216x2x96xi32, #tpu.memory_space<hbm>> -> memref<1x16x216x2x96xi32, #tpu.memory_space<hbm>>
        %dma_start3A_192 = tpu.memref_squeeze %dma_start3A_191 : memref<1x16x216x2x96xi32, #tpu.memory_space<hbm>> -> memref<16x216x2x96xi32, #tpu.memory_space<hbm>>
        %dma_start3A_193 = arith.constant 0 : i32
        %dma_start3A_194 = arith.constant 0 : i32
        %dma_start3A_195 = arith.constant 0 : i32
        %dma_start3A_196 = tpu.memref_slice %dma_start3A_192[%arg1, %dma_start3A_193, %dma_start3A_194, %dma_start3A_195] : memref<16x216x2x96xi32, #tpu.memory_space<hbm>> -> memref<1x216x2x96xi32, #tpu.memory_space<hbm>>
        %dma_start3A_197 = tpu.memref_squeeze %dma_start3A_196 : memref<1x216x2x96xi32, #tpu.memory_space<hbm>> -> memref<216x2x96xi32, #tpu.memory_space<hbm>>
        %dma_start3A_198 = arith.constant 0 : i32
        %dma_start3A_199 = arith.constant 0 : i32
        %dma_start3A_200 = tpu.memref_slice %dma_start3A_197[%min3A_143, %dma_start3A_198, %dma_start3A_199] : memref<216x2x96xi32, #tpu.memory_space<hbm>> -> memref<1x2x96xi32, #tpu.memory_space<hbm>>
        %dma_start3A_201 = tpu.memref_squeeze %dma_start3A_200 : memref<1x2x96xi32, #tpu.memory_space<hbm>> -> memref<2x96xi32, #tpu.memory_space<hbm>>
        %dma_start3A_202 = arith.constant 0 : i32
        %dma_start3A_203 = arith.constant 0 : i32
        %dma_start3A_204 = arith.constant 0 : i32
        %dma_start3A_205 = arith.constant 0 : i32
        %dma_start3A_206 = tpu.memref_slice %arg3[%arg0, %dma_start3A_202, %dma_start3A_203, %dma_start3A_204, %dma_start3A_205] : memref<2x16x216x2x96xi32, #tpu.memory_space<hbm>> -> memref<1x16x216x2x96xi32, #tpu.memory_space<hbm>>
        %dma_start3A_207 = tpu.memref_squeeze %dma_start3A_206 : memref<1x16x216x2x96xi32, #tpu.memory_space<hbm>> -> memref<16x216x2x96xi32, #tpu.memory_space<hbm>>
        %dma_start3A_208 = arith.constant 0 : i32
        %dma_start3A_209 = arith.constant 0 : i32
        %dma_start3A_210 = arith.constant 0 : i32
        %dma_start3A_211 = tpu.memref_slice %dma_start3A_207[%arg1, %dma_start3A_208, %dma_start3A_209, %dma_start3A_210] : memref<16x216x2x96xi32, #tpu.memory_space<hbm>> -> memref<1x216x2x96xi32, #tpu.memory_space<hbm>>
        %dma_start3A_212 = tpu.memref_squeeze %dma_start3A_211 : memref<1x216x2x96xi32, #tpu.memory_space<hbm>> -> memref<216x2x96xi32, #tpu.memory_space<hbm>>
        %dma_start3A_213 = arith.constant 0 : i32
        %dma_start3A_214 = arith.constant 0 : i32
        %dma_start3A_215 = tpu.memref_slice %dma_start3A_212[%min3A_143, %dma_start3A_213, %dma_start3A_214] : memref<216x2x96xi32, #tpu.memory_space<hbm>> -> memref<1x2x96xi32, #tpu.memory_space<hbm>>
        %dma_start3A_216 = tpu.memref_squeeze %dma_start3A_215 : memref<1x2x96xi32, #tpu.memory_space<hbm>> -> memref<2x96xi32, #tpu.memory_space<hbm>>
        tpu.enqueue_dma source(%dma_start3A_216 : memref<2x96xi32, #tpu.memory_space<hbm>>) target(%arg7 : memref<2x96xi32, #tpu.memory_space<vmem>>) target_semaphore(%run_scoped3A_186 : memref<!tpu.dma_semaphore, #tpu.memory_space<semaphore_mem>>)
        %dma_wait3A_217 = arith.constant 0 : i32
        %dma_wait3A_218 = arith.constant 0 : i32
        %dma_wait3A_219 = arith.constant 0 : i32
        %dma_wait3A_220 = arith.constant 0 : i32
        %dma_wait3A_221 = tpu.memref_slice %arg3[%arg0, %dma_wait3A_217, %dma_wait3A_218, %dma_wait3A_219, %dma_wait3A_220] : memref<2x16x216x2x96xi32, #tpu.memory_space<hbm>> -> memref<1x16x216x2x96xi32, #tpu.memory_space<hbm>>
        %dma_wait3A_222 = tpu.memref_squeeze %dma_wait3A_221 : memref<1x16x216x2x96xi32, #tpu.memory_space<hbm>> -> memref<16x216x2x96xi32, #tpu.memory_space<hbm>>
        %dma_wait3A_223 = arith.constant 0 : i32
        %dma_wait3A_224 = arith.constant 0 : i32
        %dma_wait3A_225 = arith.constant 0 : i32
        %dma_wait3A_226 = tpu.memref_slice %dma_wait3A_222[%arg1, %dma_wait3A_223, %dma_wait3A_224, %dma_wait3A_225] : memref<16x216x2x96xi32, #tpu.memory_space<hbm>> -> memref<1x216x2x96xi32, #tpu.memory_space<hbm>>
        %dma_wait3A_227 = tpu.memref_squeeze %dma_wait3A_226 : memref<1x216x2x96xi32, #tpu.memory_space<hbm>> -> memref<216x2x96xi32, #tpu.memory_space<hbm>>
        %dma_wait3A_228 = arith.constant 0 : i32
        %dma_wait3A_229 = arith.constant 0 : i32
        %dma_wait3A_230 = tpu.memref_slice %dma_wait3A_227[%min3A_143, %dma_wait3A_228, %dma_wait3A_229] : memref<216x2x96xi32, #tpu.memory_space<hbm>> -> memref<1x2x96xi32, #tpu.memory_space<hbm>>
        %dma_wait3A_231 = tpu.memref_squeeze %dma_wait3A_230 : memref<1x2x96xi32, #tpu.memory_space<hbm>> -> memref<2x96xi32, #tpu.memory_space<hbm>>
        %dma_wait3A_232 = arith.constant 0 : i32
        %dma_wait3A_233 = arith.constant 0 : i32
        %dma_wait3A_234 = arith.constant 0 : i32
        %dma_wait3A_235 = arith.constant 0 : i32
        %dma_wait3A_236 = tpu.memref_slice %arg3[%arg0, %dma_wait3A_232, %dma_wait3A_233, %dma_wait3A_234, %dma_wait3A_235] : memref<2x16x216x2x96xi32, #tpu.memory_space<hbm>> -> memref<1x16x216x2x96xi32, #tpu.memory_space<hbm>>
        %dma_wait3A_237 = tpu.memref_squeeze %dma_wait3A_236 : memref<1x16x216x2x96xi32, #tpu.memory_space<hbm>> -> memref<16x216x2x96xi32, #tpu.memory_space<hbm>>
        %dma_wait3A_238 = arith.constant 0 : i32
        %dma_wait3A_239 = arith.constant 0 : i32
        %dma_wait3A_240 = arith.constant 0 : i32
        %dma_wait3A_241 = tpu.memref_slice %dma_wait3A_237[%arg1, %dma_wait3A_238, %dma_wait3A_239, %dma_wait3A_240] : memref<16x216x2x96xi32, #tpu.memory_space<hbm>> -> memref<1x216x2x96xi32, #tpu.memory_space<hbm>>
        %dma_wait3A_242 = tpu.memref_squeeze %dma_wait3A_241 : memref<1x216x2x96xi32, #tpu.memory_space<hbm>> -> memref<216x2x96xi32, #tpu.memory_space<hbm>>
        %dma_wait3A_243 = arith.constant 0 : i32
        %dma_wait3A_244 = arith.constant 0 : i32
        %dma_wait3A_245 = tpu.memref_slice %dma_wait3A_242[%min3A_143, %dma_wait3A_243, %dma_wait3A_244] : memref<216x2x96xi32, #tpu.memory_space<hbm>> -> memref<1x2x96xi32, #tpu.memory_space<hbm>>
        %dma_wait3A_246 = tpu.memref_squeeze %dma_wait3A_245 : memref<1x2x96xi32, #tpu.memory_space<hbm>> -> memref<2x96xi32, #tpu.memory_space<hbm>>
        tpu.wait_dma2 semaphore(%run_scoped3A_186 : memref<!tpu.dma_semaphore, #tpu.memory_space<semaphore_mem>>) src(%dma_wait3A_246 : memref<2x96xi32, #tpu.memory_space<hbm>>) dst(%arg7 : memref<2x96xi32, #tpu.memory_space<vmem>>)
        tpu.yield
      }) : () -> ()
      %dma_start3A_144 = arith.constant 0 : i32
      %dma_start3A_145 = arith.constant 0 : i32
      %dma_start3A_146 = tpu.memref_slice %arg7[%dma_start3A_144, %dma_start3A_145] : memref<2x96xi32, #tpu.memory_space<vmem>> -> memref<1x96xi32, #tpu.memory_space<vmem>>
      %dma_start3A_147 = tpu.memref_squeeze %dma_start3A_146 : memref<1x96xi32, #tpu.memory_space<vmem>> -> memref<96xi32, #tpu.memory_space<vmem>>
      %dma_start3A_148 = arith.constant 0 : i32
      %dma_start3A_149 = arith.constant 0 : i32
      %dma_start3A_150 = tpu.memref_slice %arg2[%dma_start3A_148, %dma_start3A_149] : memref<20000x128xf32, #tpu.memory_space<hbm>> -> memref<20000x128xf32, #tpu.memory_space<hbm>>
      tpu.enqueue_indirect_dma source(%dma_start3A_150 : memref<20000x128xf32, #tpu.memory_space<hbm>>) target(%arg11 : memref<96x128xf32, #tpu.memory_space<vmem>>) offsets(%dma_start3A_147 : memref<96xi32, #tpu.memory_space<vmem>>) semaphore(%arg15 : memref<!tpu.dma_semaphore, #tpu.memory_space<semaphore_mem>>)
      %mul3A_151 = arith.constant 4 : i32
      %mul3A_152 = arith.muli %mul3A_151, %scan3A_52 : i32
      %add3A_153 = arith.constant 3 : i32
      %add3A_154 = arith.addi %mul3A_152, %add3A_153 : i32
      %dma_wait3A_155 = arith.constant 0 : i32
      %dma_wait3A_156 = arith.constant 0 : i32
      %dma_wait3A_157 = tpu.memref_slice %arg10[%dma_wait3A_155, %dma_wait3A_156] : memref<2x96xi32, #tpu.memory_space<vmem>> -> memref<1x96xi32, #tpu.memory_space<vmem>>
      %dma_wait3A_158 = tpu.memref_squeeze %dma_wait3A_157 : memref<1x96xi32, #tpu.memory_space<vmem>> -> memref<96xi32, #tpu.memory_space<vmem>>
      %dma_wait3A_159 = arith.constant 0 : i32
      %dma_wait3A_160 = arith.constant 0 : i32
      %dma_wait3A_161 = tpu.memref_slice %arg2[%dma_wait3A_159, %dma_wait3A_160] : memref<20000x128xf32, #tpu.memory_space<hbm>> -> memref<20000x128xf32, #tpu.memory_space<hbm>>
      tpu.wait_indirect_dma semaphore(%arg18 : memref<!tpu.dma_semaphore, #tpu.memory_space<semaphore_mem>>) src(%dma_wait3A_161 : memref<20000x128xf32, #tpu.memory_space<hbm>>) dst(%arg14 : memref<96x128xf32, #tpu.memory_space<vmem>>)
      %dma_start3A_162 = arith.constant 1 : i32
      %dma_start3A_163 = arith.constant 0 : i32
      %dma_start3A_164 = tpu.memref_slice %arg10[%dma_start3A_162, %dma_start3A_163] : memref<2x96xi32, #tpu.memory_space<vmem>> -> memref<1x96xi32, #tpu.memory_space<vmem>>
      %dma_start3A_165 = tpu.memref_squeeze %dma_start3A_164 : memref<1x96xi32, #tpu.memory_space<vmem>> -> memref<96xi32, #tpu.memory_space<vmem>>
      %dma_start3A_166 = arith.constant 0 : i32
      %dma_start3A_167 = arith.constant 0 : i32
      %dma_start3A_168 = tpu.memref_slice %arg6[%dma_start3A_166, %dma_start3A_167] : memref<10112x128xf32, #tpu.memory_space<vmem_shared>> -> memref<10112x128xf32, #tpu.memory_space<vmem_shared>>
      tpu.enqueue_indirect_dma source(%arg14 : memref<96x128xf32, #tpu.memory_space<vmem>>) target(%dma_start3A_168 : memref<10112x128xf32, #tpu.memory_space<vmem_shared>>) offsets(%dma_start3A_165 : memref<96xi32, #tpu.memory_space<vmem>>) semaphore(%arg22 : memref<!tpu.dma_semaphore, #tpu.memory_space<semaphore_mem>>) {add = true}
      %dma_wait3A_169 = arith.constant 0 : i32
      %dma_wait3A_170 = arith.constant 0 : i32
      %dma_wait3A_171 = tpu.memref_slice %arg4[%dma_wait3A_169, %dma_wait3A_170] : memref<10112x128xf32, #tpu.memory_space<hbm>> -> memref<96x128xf32, #tpu.memory_space<hbm>>
      %dma_wait3A_172 = arith.constant 0 : i32
      %dma_wait3A_173 = arith.constant 0 : i32
      %dma_wait3A_174 = tpu.memref_slice %arg4[%dma_wait3A_172, %dma_wait3A_173] : memref<10112x128xf32, #tpu.memory_space<hbm>> -> memref<96x128xf32, #tpu.memory_space<hbm>>
      tpu.wait_dma2 semaphore(%arg20 : memref<!tpu.dma_semaphore, #tpu.memory_space<semaphore_mem>>) src(%dma_wait3A_174 : memref<96x128xf32, #tpu.memory_space<hbm>>) dst(%arg12 : memref<96x128xf32, #tpu.memory_space<vmem>>)
      %add3A_175 = arith.constant 2 : i32
      %add3A_176 = arith.addi %add3A_154, %add3A_175 : i32
      %min3A_177 = arith.constant 215 : i32
      %min3A_178 = arith.minsi %add3A_176, %min3A_177 : i32
      "tpu.region"() ({
        %run_scoped3A_186 = tpu.sem_alloc : memref<!tpu.dma_semaphore, #tpu.memory_space<semaphore_mem>>
        %dma_start3A_187 = arith.constant 0 : i32
        %dma_start3A_188 = arith.constant 0 : i32
        %dma_start3A_189 = arith.constant 0 : i32
        %dma_start3A_190 = arith.constant 0 : i32
        %dma_start3A_191 = tpu.memref_slice %arg3[%arg0, %dma_start3A_187, %dma_start3A_188, %dma_start3A_189, %dma_start3A_190] : memref<2x16x216x2x96xi32, #tpu.memory_space<hbm>> -> memref<1x16x216x2x96xi32, #tpu.memory_space<hbm>>
        %dma_start3A_192 = tpu.memref_squeeze %dma_start3A_191 : memref<1x16x216x2x96xi32, #tpu.memory_space<hbm>> -> memref<16x216x2x96xi32, #tpu.memory_space<hbm>>
        %dma_start3A_193 = arith.constant 0 : i32
        %dma_start3A_194 = arith.constant 0 : i32
        %dma_start3A_195 = arith.constant 0 : i32
        %dma_start3A_196 = tpu.memref_slice %dma_start3A_192[%arg1, %dma_start3A_193, %dma_start3A_194, %dma_start3A_195] : memref<16x216x2x96xi32, #tpu.memory_space<hbm>> -> memref<1x216x2x96xi32, #tpu.memory_space<hbm>>
        %dma_start3A_197 = tpu.memref_squeeze %dma_start3A_196 : memref<1x216x2x96xi32, #tpu.memory_space<hbm>> -> memref<216x2x96xi32, #tpu.memory_space<hbm>>
        %dma_start3A_198 = arith.constant 0 : i32
        %dma_start3A_199 = arith.constant 0 : i32
        %dma_start3A_200 = tpu.memref_slice %dma_start3A_197[%min3A_178, %dma_start3A_198, %dma_start3A_199] : memref<216x2x96xi32, #tpu.memory_space<hbm>> -> memref<1x2x96xi32, #tpu.memory_space<hbm>>
        %dma_start3A_201 = tpu.memref_squeeze %dma_start3A_200 : memref<1x2x96xi32, #tpu.memory_space<hbm>> -> memref<2x96xi32, #tpu.memory_space<hbm>>
        %dma_start3A_202 = arith.constant 0 : i32
        %dma_start3A_203 = arith.constant 0 : i32
        %dma_start3A_204 = arith.constant 0 : i32
        %dma_start3A_205 = arith.constant 0 : i32
        %dma_start3A_206 = tpu.memref_slice %arg3[%arg0, %dma_start3A_202, %dma_start3A_203, %dma_start3A_204, %dma_start3A_205] : memref<2x16x216x2x96xi32, #tpu.memory_space<hbm>> -> memref<1x16x216x2x96xi32, #tpu.memory_space<hbm>>
        %dma_start3A_207 = tpu.memref_squeeze %dma_start3A_206 : memref<1x16x216x2x96xi32, #tpu.memory_space<hbm>> -> memref<16x216x2x96xi32, #tpu.memory_space<hbm>>
        %dma_start3A_208 = arith.constant 0 : i32
        %dma_start3A_209 = arith.constant 0 : i32
        %dma_start3A_210 = arith.constant 0 : i32
        %dma_start3A_211 = tpu.memref_slice %dma_start3A_207[%arg1, %dma_start3A_208, %dma_start3A_209, %dma_start3A_210] : memref<16x216x2x96xi32, #tpu.memory_space<hbm>> -> memref<1x216x2x96xi32, #tpu.memory_space<hbm>>
        %dma_start3A_212 = tpu.memref_squeeze %dma_start3A_211 : memref<1x216x2x96xi32, #tpu.memory_space<hbm>> -> memref<216x2x96xi32, #tpu.memory_space<hbm>>
        %dma_start3A_213 = arith.constant 0 : i32
        %dma_start3A_214 = arith.constant 0 : i32
        %dma_start3A_215 = tpu.memref_slice %dma_start3A_212[%min3A_178, %dma_start3A_213, %dma_start3A_214] : memref<216x2x96xi32, #tpu.memory_space<hbm>> -> memref<1x2x96xi32, #tpu.memory_space<hbm>>
        %dma_start3A_216 = tpu.memref_squeeze %dma_start3A_215 : memref<1x2x96xi32, #tpu.memory_space<hbm>> -> memref<2x96xi32, #tpu.memory_space<hbm>>
        tpu.enqueue_dma source(%dma_start3A_216 : memref<2x96xi32, #tpu.memory_space<hbm>>) target(%arg8 : memref<2x96xi32, #tpu.memory_space<vmem>>) target_semaphore(%run_scoped3A_186 : memref<!tpu.dma_semaphore, #tpu.memory_space<semaphore_mem>>)
        %dma_wait3A_217 = arith.constant 0 : i32
        %dma_wait3A_218 = arith.constant 0 : i32
        %dma_wait3A_219 = arith.constant 0 : i32
        %dma_wait3A_220 = arith.constant 0 : i32
        %dma_wait3A_221 = tpu.memref_slice %arg3[%arg0, %dma_wait3A_217, %dma_wait3A_218, %dma_wait3A_219, %dma_wait3A_220] : memref<2x16x216x2x96xi32, #tpu.memory_space<hbm>> -> memref<1x16x216x2x96xi32, #tpu.memory_space<hbm>>
        %dma_wait3A_222 = tpu.memref_squeeze %dma_wait3A_221 : memref<1x16x216x2x96xi32, #tpu.memory_space<hbm>> -> memref<16x216x2x96xi32, #tpu.memory_space<hbm>>
        %dma_wait3A_223 = arith.constant 0 : i32
        %dma_wait3A_224 = arith.constant 0 : i32
        %dma_wait3A_225 = arith.constant 0 : i32
        %dma_wait3A_226 = tpu.memref_slice %dma_wait3A_222[%arg1, %dma_wait3A_223, %dma_wait3A_224, %dma_wait3A_225] : memref<16x216x2x96xi32, #tpu.memory_space<hbm>> -> memref<1x216x2x96xi32, #tpu.memory_space<hbm>>
        %dma_wait3A_227 = tpu.memref_squeeze %dma_wait3A_226 : memref<1x216x2x96xi32, #tpu.memory_space<hbm>> -> memref<216x2x96xi32, #tpu.memory_space<hbm>>
        %dma_wait3A_228 = arith.constant 0 : i32
        %dma_wait3A_229 = arith.constant 0 : i32
        %dma_wait3A_230 = tpu.memref_slice %dma_wait3A_227[%min3A_178, %dma_wait3A_228, %dma_wait3A_229] : memref<216x2x96xi32, #tpu.memory_space<hbm>> -> memref<1x2x96xi32, #tpu.memory_space<hbm>>
        %dma_wait3A_231 = tpu.memref_squeeze %dma_wait3A_230 : memref<1x2x96xi32, #tpu.memory_space<hbm>> -> memref<2x96xi32, #tpu.memory_space<hbm>>
        %dma_wait3A_232 = arith.constant 0 : i32
        %dma_wait3A_233 = arith.constant 0 : i32
        %dma_wait3A_234 = arith.constant 0 : i32
        %dma_wait3A_235 = arith.constant 0 : i32
        %dma_wait3A_236 = tpu.memref_slice %arg3[%arg0, %dma_wait3A_232, %dma_wait3A_233, %dma_wait3A_234, %dma_wait3A_235] : memref<2x16x216x2x96xi32, #tpu.memory_space<hbm>> -> memref<1x16x216x2x96xi32, #tpu.memory_space<hbm>>
        %dma_wait3A_237 = tpu.memref_squeeze %dma_wait3A_236 : memref<1x16x216x2x96xi32, #tpu.memory_space<hbm>> -> memref<16x216x2x96xi32, #tpu.memory_space<hbm>>
        %dma_wait3A_238 = arith.constant 0 : i32
        %dma_wait3A_239 = arith.constant 0 : i32
        %dma_wait3A_240 = arith.constant 0 : i32
        %dma_wait3A_241 = tpu.memref_slice %dma_wait3A_237[%arg1, %dma_wait3A_238, %dma_wait3A_239, %dma_wait3A_240] : memref<16x216x2x96xi32, #tpu.memory_space<hbm>> -> memref<1x216x2x96xi32, #tpu.memory_space<hbm>>
        %dma_wait3A_242 = tpu.memref_squeeze %dma_wait3A_241 : memref<1x216x2x96xi32, #tpu.memory_space<hbm>> -> memref<216x2x96xi32, #tpu.memory_space<hbm>>
        %dma_wait3A_243 = arith.constant 0 : i32
        %dma_wait3A_244 = arith.constant 0 : i32
        %dma_wait3A_245 = tpu.memref_slice %dma_wait3A_242[%min3A_178, %dma_wait3A_243, %dma_wait3A_244] : memref<216x2x96xi32, #tpu.memory_space<hbm>> -> memref<1x2x96xi32, #tpu.memory_space<hbm>>
        %dma_wait3A_246 = tpu.memref_squeeze %dma_wait3A_245 : memref<1x2x96xi32, #tpu.memory_space<hbm>> -> memref<2x96xi32, #tpu.memory_space<hbm>>
        tpu.wait_dma2 semaphore(%run_scoped3A_186 : memref<!tpu.dma_semaphore, #tpu.memory_space<semaphore_mem>>) src(%dma_wait3A_246 : memref<2x96xi32, #tpu.memory_space<hbm>>) dst(%arg8 : memref<2x96xi32, #tpu.memory_space<vmem>>)
        tpu.yield
      }) : () -> ()
      %dma_start3A_179 = arith.constant 0 : i32
      %dma_start3A_180 = arith.constant 0 : i32
      %dma_start3A_181 = tpu.memref_slice %arg8[%dma_start3A_179, %dma_start3A_180] : memref<2x96xi32, #tpu.memory_space<vmem>> -> memref<1x96xi32, #tpu.memory_space<vmem>>
      %dma_start3A_182 = tpu.memref_squeeze %dma_start3A_181 : memref<1x96xi32, #tpu.memory_space<vmem>> -> memref<96xi32, #tpu.memory_space<vmem>>
      %dma_start3A_183 = arith.constant 0 : i32
      %dma_start3A_184 = arith.constant 0 : i32
      %dma_start3A_185 = tpu.memref_slice %arg2[%dma_start3A_183, %dma_start3A_184] : memref<20000x128xf32, #tpu.memory_space<hbm>> -> memref<20000x128xf32, #tpu.memory_space<hbm>>
      tpu.enqueue_indirect_dma source(%dma_start3A_185 : memref<20000x128xf32, #tpu.memory_space<hbm>>) target(%arg12 : memref<96x128xf32, #tpu.memory_space<vmem>>) offsets(%dma_start3A_182 : memref<96xi32, #tpu.memory_space<vmem>>) semaphore(%arg16 : memref<!tpu.dma_semaphore, #tpu.memory_space<semaphore_mem>>)
    }
    %scan3A_21 = arith.constant 54 : i32
    %dma_wait3A = arith.constant 0 : i32
    %dma_wait3A_22 = arith.constant 0 : i32
    %dma_wait3A_23 = tpu.memref_slice %arg7[%dma_wait3A, %dma_wait3A_22] : memref<2x96xi32, #tpu.memory_space<vmem>> -> memref<1x96xi32, #tpu.memory_space<vmem>>
    %dma_wait3A_24 = tpu.memref_squeeze %dma_wait3A_23 : memref<1x96xi32, #tpu.memory_space<vmem>> -> memref<96xi32, #tpu.memory_space<vmem>>
    %dma_wait3A_25 = arith.constant 0 : i32
    %dma_wait3A_26 = arith.constant 0 : i32
    %dma_wait3A_27 = tpu.memref_slice %arg2[%dma_wait3A_25, %dma_wait3A_26] : memref<20000x128xf32, #tpu.memory_space<hbm>> -> memref<20000x128xf32, #tpu.memory_space<hbm>>
    tpu.wait_indirect_dma semaphore(%arg15 : memref<!tpu.dma_semaphore, #tpu.memory_space<semaphore_mem>>) src(%dma_wait3A_27 : memref<20000x128xf32, #tpu.memory_space<hbm>>) dst(%arg11 : memref<96x128xf32, #tpu.memory_space<vmem>>)
    %dma_wait3A_28 = arith.constant 0 : i32
    %dma_wait3A_29 = arith.constant 0 : i32
    %dma_wait3A_30 = tpu.memref_slice %arg8[%dma_wait3A_28, %dma_wait3A_29] : memref<2x96xi32, #tpu.memory_space<vmem>> -> memref<1x96xi32, #tpu.memory_space<vmem>>
    %dma_wait3A_31 = tpu.memref_squeeze %dma_wait3A_30 : memref<1x96xi32, #tpu.memory_space<vmem>> -> memref<96xi32, #tpu.memory_space<vmem>>
    %dma_wait3A_32 = arith.constant 0 : i32
    %dma_wait3A_33 = arith.constant 0 : i32
    %dma_wait3A_34 = tpu.memref_slice %arg2[%dma_wait3A_32, %dma_wait3A_33] : memref<20000x128xf32, #tpu.memory_space<hbm>> -> memref<20000x128xf32, #tpu.memory_space<hbm>>
    tpu.wait_indirect_dma semaphore(%arg16 : memref<!tpu.dma_semaphore, #tpu.memory_space<semaphore_mem>>) src(%dma_wait3A_34 : memref<20000x128xf32, #tpu.memory_space<hbm>>) dst(%arg12 : memref<96x128xf32, #tpu.memory_space<vmem>>)
    %dma_wait3A_35 = arith.constant 0 : i32
    %dma_wait3A_36 = arith.constant 0 : i32
    %dma_wait3A_37 = tpu.memref_slice %arg4[%dma_wait3A_35, %dma_wait3A_36] : memref<10112x128xf32, #tpu.memory_space<hbm>> -> memref<96x128xf32, #tpu.memory_space<hbm>>
    %dma_wait3A_38 = arith.constant 0 : i32
    %dma_wait3A_39 = arith.constant 0 : i32
    %dma_wait3A_40 = tpu.memref_slice %arg4[%dma_wait3A_38, %dma_wait3A_39] : memref<10112x128xf32, #tpu.memory_space<hbm>> -> memref<96x128xf32, #tpu.memory_space<hbm>>
    tpu.wait_dma2 semaphore(%arg21 : memref<!tpu.dma_semaphore, #tpu.memory_space<semaphore_mem>>) src(%dma_wait3A_40 : memref<96x128xf32, #tpu.memory_space<hbm>>) dst(%arg13 : memref<96x128xf32, #tpu.memory_space<vmem>>)
    %dma_wait3A_41 = arith.constant 0 : i32
    %dma_wait3A_42 = arith.constant 0 : i32
    %dma_wait3A_43 = tpu.memref_slice %arg4[%dma_wait3A_41, %dma_wait3A_42] : memref<10112x128xf32, #tpu.memory_space<hbm>> -> memref<96x128xf32, #tpu.memory_space<hbm>>
    %dma_wait3A_44 = arith.constant 0 : i32
    %dma_wait3A_45 = arith.constant 0 : i32
    %dma_wait3A_46 = tpu.memref_slice %arg4[%dma_wait3A_44, %dma_wait3A_45] : memref<10112x128xf32, #tpu.memory_space<hbm>> -> memref<96x128xf32, #tpu.memory_space<hbm>>
    tpu.wait_dma2 semaphore(%arg22 : memref<!tpu.dma_semaphore, #tpu.memory_space<semaphore_mem>>) src(%dma_wait3A_46 : memref<96x128xf32, #tpu.memory_space<hbm>>) dst(%arg14 : memref<96x128xf32, #tpu.memory_space<vmem>>)
    %barrier3A_47 = arith.constant 0 : index
    tpu.barrier barrier_id(%barrier3A_47)
    %mul3A_48 = arith.constant 632 : i32
    %mul3A_49 = arith.muli %arg1, %mul3A_48 : i32
    %mul3A_50 = arith.constant 632 : i32
    %mul3A_51 = arith.muli %arg1, %mul3A_50 : i32
    "tpu.region"() ({
      %run_scoped3A_52 = tpu.sem_alloc : memref<!tpu.dma_semaphore, #tpu.memory_space<semaphore_mem>>
      %dma_start3A_53 = arith.constant 0 : i32
      %dma_start3A_54 = arith.constant 0 : i32
      %dma_start3A_55 = tpu.memref_slice %arg5[%arg0, %dma_start3A_53, %dma_start3A_54] : memref<2x10112x128xf32, #tpu.memory_space<hbm>> -> memref<1x10112x128xf32, #tpu.memory_space<hbm>>
      %dma_start3A_56 = tpu.memref_squeeze %dma_start3A_55 : memref<1x10112x128xf32, #tpu.memory_space<hbm>> -> memref<10112x128xf32, #tpu.memory_space<hbm>>
      %dma_start3A_57 = arith.constant 0 : i32
      %dma_start3A_58 = tpu.memref_slice %dma_start3A_56[%mul3A_51, %dma_start3A_57] : memref<10112x128xf32, #tpu.memory_space<hbm>> -> memref<632x128xf32, #tpu.memory_space<hbm>>
      %dma_start3A_59 = arith.constant 0 : i32
      %dma_start3A_60 = tpu.memref_slice %arg6[%mul3A_49, %dma_start3A_59] : memref<10112x128xf32, #tpu.memory_space<vmem_shared>> -> memref<632x128xf32, #tpu.memory_space<vmem_shared>>
      tpu.enqueue_dma source(%dma_start3A_60 : memref<632x128xf32, #tpu.memory_space<vmem_shared>>) target(%dma_start3A_58 : memref<632x128xf32, #tpu.memory_space<hbm>>) target_semaphore(%run_scoped3A_52 : memref<!tpu.dma_semaphore, #tpu.memory_space<semaphore_mem>>)
      %dma_wait3A_61 = arith.constant 0 : i32
      %dma_wait3A_62 = arith.constant 0 : i32
      %dma_wait3A_63 = tpu.memref_slice %arg5[%arg0, %dma_wait3A_61, %dma_wait3A_62] : memref<2x10112x128xf32, #tpu.memory_space<hbm>> -> memref<1x10112x128xf32, #tpu.memory_space<hbm>>
      %dma_wait3A_64 = tpu.memref_squeeze %dma_wait3A_63 : memref<1x10112x128xf32, #tpu.memory_space<hbm>> -> memref<10112x128xf32, #tpu.memory_space<hbm>>
      %dma_wait3A_65 = arith.constant 0 : i32
      %dma_wait3A_66 = tpu.memref_slice %dma_wait3A_64[%mul3A_51, %dma_wait3A_65] : memref<10112x128xf32, #tpu.memory_space<hbm>> -> memref<632x128xf32, #tpu.memory_space<hbm>>
      %dma_wait3A_67 = arith.constant 0 : i32
      %dma_wait3A_68 = tpu.memref_slice %arg6[%mul3A_49, %dma_wait3A_67] : memref<10112x128xf32, #tpu.memory_space<vmem_shared>> -> memref<632x128xf32, #tpu.memory_space<vmem_shared>>
      tpu.wait_dma2 semaphore(%run_scoped3A_52 : memref<!tpu.dma_semaphore, #tpu.memory_space<semaphore_mem>>) src(%dma_wait3A_68 : memref<632x128xf32, #tpu.memory_space<vmem_shared>>) dst(%dma_wait3A_66 : memref<632x128xf32, #tpu.memory_space<hbm>>)
      tpu.yield
    }) : () -> ()
    return
  }
}

#map = affine_map<(d0, d1) -> (0, 0)>
#map1 = affine_map<(d0, d1) -> (0, 0, 0, 0, 0)>
#map2 = affine_map<(d0, d1) -> (0, 0, 0)>
module attributes {stable_mosaic.version = 14 : i64} {
  func.func @prop_k(%arg0: i32, %arg1: i32, %arg2: memref<20000x128xf32, #tpu.memory_space<hbm>>, %arg3: memref<2x16x216x2x96xi32, #tpu.memory_space<hbm>>, %arg4: memref<10112x128xf32, #tpu.memory_space<hbm>>, %arg5: memref<2x10112x128xf32, #tpu.memory_space<hbm>>, %arg6: memref<10112x128xf32, #tpu.memory_space<vmem_shared>>, %arg7: memref<2x96xi32, #tpu.memory_space<vmem>>, %arg8: memref<2x96xi32, #tpu.memory_space<vmem>>, %arg9: memref<2x96xi32, #tpu.memory_space<vmem>>, %arg10: memref<2x96xi32, #tpu.memory_space<vmem>>, %arg11: memref<96x128xf32, #tpu.memory_space<vmem>>, %arg12: memref<96x128xf32, #tpu.memory_space<vmem>>, %arg13: memref<96x128xf32, #tpu.memory_space<vmem>>, %arg14: memref<96x128xf32, #tpu.memory_space<vmem>>, %arg15: memref<!tpu.dma_semaphore, #tpu.memory_space<semaphore_mem>>, %arg16: memref<!tpu.dma_semaphore, #tpu.memory_space<semaphore_mem>>, %arg17: memref<!tpu.dma_semaphore, #tpu.memory_space<semaphore_mem>>, %arg18: memref<!tpu.dma_semaphore, #tpu.memory_space<semaphore_mem>>, %arg19: memref<!tpu.dma_semaphore, #tpu.memory_space<semaphore_mem>>, %arg20: memref<!tpu.dma_semaphore, #tpu.memory_space<semaphore_mem>>, %arg21: memref<!tpu.dma_semaphore, #tpu.memory_space<semaphore_mem>>, %arg22: memref<!tpu.dma_semaphore, #tpu.memory_space<semaphore_mem>>) attributes {dimension_semantics = [#tpu.dimension_semantics<core_parallel>, #tpu.dimension_semantics<subcore_parallel>], iteration_bounds = array<i64: 2, 16>, scalar_prefetch = 0 : i64, scratch_operands = 17 : i64, tpu.core_type = #tpu.core_type<sc_vector_subcore>, window_params = [{transform_indices = #map}, {transform_indices = #map1}, {transform_indices = #map}, {transform_indices = #map2}]} {
    %mul3A = arith.constant 632 : i32
    %mul3A_0 = arith.muli %arg1, %mul3A : i32
    %mul3A_1 = arith.constant 632 : i32
    %mul3A_2 = arith.muli %arg1, %mul3A_1 : i32
    "tpu.region"() ({
      %run_scoped3A_52 = tpu.sem_alloc : memref<!tpu.dma_semaphore, #tpu.memory_space<semaphore_mem>>
      %dma_start3A_53 = arith.constant 0 : i32
      %dma_start3A_54 = tpu.memref_slice %arg6[%mul3A_2, %dma_start3A_53] : memref<10112x128xf32, #tpu.memory_space<vmem_shared>> -> memref<632x128xf32, #tpu.memory_space<vmem_shared>>
      %dma_start3A_55 = arith.constant 0 : i32
      %dma_start3A_56 = tpu.memref_slice %arg4[%mul3A_0, %dma_start3A_55] : memref<10112x128xf32, #tpu.memory_space<hbm>> -> memref<632x128xf32, #tpu.memory_space<hbm>>
      tpu.enqueue_dma source(%dma_start3A_56 : memref<632x128xf32, #tpu.memory_space<hbm>>) target(%dma_start3A_54 : memref<632x128xf32, #tpu.memory_space<vmem_shared>>) target_semaphore(%run_scoped3A_52 : memref<!tpu.dma_semaphore, #tpu.memory_space<semaphore_mem>>)
      %dma_wait3A_57 = arith.constant 0 : i32
      %dma_wait3A_58 = tpu.memref_slice %arg6[%mul3A_2, %dma_wait3A_57] : memref<10112x128xf32, #tpu.memory_space<vmem_shared>> -> memref<632x128xf32, #tpu.memory_space<vmem_shared>>
      %dma_wait3A_59 = arith.constant 0 : i32
      %dma_wait3A_60 = tpu.memref_slice %arg4[%mul3A_0, %dma_wait3A_59] : memref<10112x128xf32, #tpu.memory_space<hbm>> -> memref<632x128xf32, #tpu.memory_space<hbm>>
      tpu.wait_dma2 semaphore(%run_scoped3A_52 : memref<!tpu.dma_semaphore, #tpu.memory_space<semaphore_mem>>) src(%dma_wait3A_60 : memref<632x128xf32, #tpu.memory_space<hbm>>) dst(%dma_wait3A_58 : memref<632x128xf32, #tpu.memory_space<vmem_shared>>)
      tpu.yield
    }) : () -> ()
    %barrier3A = arith.constant 0 : index
    tpu.barrier barrier_id(%barrier3A)
    %run_scoped3A = arith.constant 0 : i32
    "tpu.region"() ({
      %run_scoped3A_52 = tpu.sem_alloc : memref<!tpu.dma_semaphore, #tpu.memory_space<semaphore_mem>>
      %dma_start3A_53 = arith.constant 0 : i32
      %dma_start3A_54 = arith.constant 0 : i32
      %dma_start3A_55 = arith.constant 0 : i32
      %dma_start3A_56 = arith.constant 0 : i32
      %dma_start3A_57 = tpu.memref_slice %arg3[%arg0, %dma_start3A_53, %dma_start3A_54, %dma_start3A_55, %dma_start3A_56] : memref<2x16x216x2x96xi32, #tpu.memory_space<hbm>> -> memref<1x16x216x2x96xi32, #tpu.memory_space<hbm>>
      %dma_start3A_58 = tpu.memref_squeeze %dma_start3A_57 : memref<1x16x216x2x96xi32, #tpu.memory_space<hbm>> -> memref<16x216x2x96xi32, #tpu.memory_space<hbm>>
      %dma_start3A_59 = arith.constant 0 : i32
      %dma_start3A_60 = arith.constant 0 : i32
      %dma_start3A_61 = arith.constant 0 : i32
      %dma_start3A_62 = tpu.memref_slice %dma_start3A_58[%arg1, %dma_start3A_59, %dma_start3A_60, %dma_start3A_61] : memref<16x216x2x96xi32, #tpu.memory_space<hbm>> -> memref<1x216x2x96xi32, #tpu.memory_space<hbm>>
      %dma_start3A_63 = tpu.memref_squeeze %dma_start3A_62 : memref<1x216x2x96xi32, #tpu.memory_space<hbm>> -> memref<216x2x96xi32, #tpu.memory_space<hbm>>
      %dma_start3A_64 = arith.constant 0 : i32
      %dma_start3A_65 = arith.constant 0 : i32
      %dma_start3A_66 = tpu.memref_slice %dma_start3A_63[%run_scoped3A, %dma_start3A_64, %dma_start3A_65] : memref<216x2x96xi32, #tpu.memory_space<hbm>> -> memref<1x2x96xi32, #tpu.memory_space<hbm>>
      %dma_start3A_67 = tpu.memref_squeeze %dma_start3A_66 : memref<1x2x96xi32, #tpu.memory_space<hbm>> -> memref<2x96xi32, #tpu.memory_space<hbm>>
      %dma_start3A_68 = arith.constant 0 : i32
      %dma_start3A_69 = arith.constant 0 : i32
      %dma_start3A_70 = arith.constant 0 : i32
      %dma_start3A_71 = arith.constant 0 : i32
      %dma_start3A_72 = tpu.memref_slice %arg3[%arg0, %dma_start3A_68, %dma_start3A_69, %dma_start3A_70, %dma_start3A_71] : memref<2x16x216x2x96xi32, #tpu.memory_space<hbm>> -> memref<1x16x216x2x96xi32, #tpu.memory_space<hbm>>
      %dma_start3A_73 = tpu.memref_squeeze %dma_start3A_72 : memref<1x16x216x2x96xi32, #tpu.memory_space<hbm>> -> memref<16x216x2x96xi32, #tpu.memory_space<hbm>>
      %dma_start3A_74 = arith.constant 0 : i32
      %dma_start3A_75 = arith.constant 0 : i32
      %dma_start3A_76 = arith.constant 0 : i32
      %dma_start3A_77 = tpu.memref_slice %dma_start3A_73[%arg1, %dma_start3A_74, %dma_start3A_75, %dma_start3A_76] : memref<16x216x2x96xi32, #tpu.memory_space<hbm>> -> memref<1x216x2x96xi32, #tpu.memory_space<hbm>>
      %dma_start3A_78 = tpu.memref_squeeze %dma_start3A_77 : memref<1x216x2x96xi32, #tpu.memory_space<hbm>> -> memref<216x2x96xi32, #tpu.memory_space<hbm>>
      %dma_start3A_79 = arith.constant 0 : i32
      %dma_start3A_80 = arith.constant 0 : i32
      %dma_start3A_81 = tpu.memref_slice %dma_start3A_78[%run_scoped3A, %dma_start3A_79, %dma_start3A_80] : memref<216x2x96xi32, #tpu.memory_space<hbm>> -> memref<1x2x96xi32, #tpu.memory_space<hbm>>
      %dma_start3A_82 = tpu.memref_squeeze %dma_start3A_81 : memref<1x2x96xi32, #tpu.memory_space<hbm>> -> memref<2x96xi32, #tpu.memory_space<hbm>>
      tpu.enqueue_dma source(%dma_start3A_82 : memref<2x96xi32, #tpu.memory_space<hbm>>) target(%arg7 : memref<2x96xi32, #tpu.memory_space<vmem>>) target_semaphore(%run_scoped3A_52 : memref<!tpu.dma_semaphore, #tpu.memory_space<semaphore_mem>>)
      %dma_wait3A_83 = arith.constant 0 : i32
      %dma_wait3A_84 = arith.constant 0 : i32
      %dma_wait3A_85 = arith.constant 0 : i32
      %dma_wait3A_86 = arith.constant 0 : i32
      %dma_wait3A_87 = tpu.memref_slice %arg3[%arg0, %dma_wait3A_83, %dma_wait3A_84, %dma_wait3A_85, %dma_wait3A_86] : memref<2x16x216x2x96xi32, #tpu.memory_space<hbm>> -> memref<1x16x216x2x96xi32, #tpu.memory_space<hbm>>
      %dma_wait3A_88 = tpu.memref_squeeze %dma_wait3A_87 : memref<1x16x216x2x96xi32, #tpu.memory_space<hbm>> -> memref<16x216x2x96xi32, #tpu.memory_space<hbm>>
      %dma_wait3A_89 = arith.constant 0 : i32
      %dma_wait3A_90 = arith.constant 0 : i32
      %dma_wait3A_91 = arith.constant 0 : i32
      %dma_wait3A_92 = tpu.memref_slice %dma_wait3A_88[%arg1, %dma_wait3A_89, %dma_wait3A_90, %dma_wait3A_91] : memref<16x216x2x96xi32, #tpu.memory_space<hbm>> -> memref<1x216x2x96xi32, #tpu.memory_space<hbm>>
      %dma_wait3A_93 = tpu.memref_squeeze %dma_wait3A_92 : memref<1x216x2x96xi32, #tpu.memory_space<hbm>> -> memref<216x2x96xi32, #tpu.memory_space<hbm>>
      %dma_wait3A_94 = arith.constant 0 : i32
      %dma_wait3A_95 = arith.constant 0 : i32
      %dma_wait3A_96 = tpu.memref_slice %dma_wait3A_93[%run_scoped3A, %dma_wait3A_94, %dma_wait3A_95] : memref<216x2x96xi32, #tpu.memory_space<hbm>> -> memref<1x2x96xi32, #tpu.memory_space<hbm>>
      %dma_wait3A_97 = tpu.memref_squeeze %dma_wait3A_96 : memref<1x2x96xi32, #tpu.memory_space<hbm>> -> memref<2x96xi32, #tpu.memory_space<hbm>>
      %dma_wait3A_98 = arith.constant 0 : i32
      %dma_wait3A_99 = arith.constant 0 : i32
      %dma_wait3A_100 = arith.constant 0 : i32
      %dma_wait3A_101 = arith.constant 0 : i32
      %dma_wait3A_102 = tpu.memref_slice %arg3[%arg0, %dma_wait3A_98, %dma_wait3A_99, %dma_wait3A_100, %dma_wait3A_101] : memref<2x16x216x2x96xi32, #tpu.memory_space<hbm>> -> memref<1x16x216x2x96xi32, #tpu.memory_space<hbm>>
      %dma_wait3A_103 = tpu.memref_squeeze %dma_wait3A_102 : memref<1x16x216x2x96xi32, #tpu.memory_space<hbm>> -> memref<16x216x2x96xi32, #tpu.memory_space<hbm>>
      %dma_wait3A_104 = arith.constant 0 : i32
      %dma_wait3A_105 = arith.constant 0 : i32
      %dma_wait3A_106 = arith.constant 0 : i32
      %dma_wait3A_107 = tpu.memref_slice %dma_wait3A_103[%arg1, %dma_wait3A_104, %dma_wait3A_105, %dma_wait3A_106] : memref<16x216x2x96xi32, #tpu.memory_space<hbm>> -> memref<1x216x2x96xi32, #tpu.memory_space<hbm>>
      %dma_wait3A_108 = tpu.memref_squeeze %dma_wait3A_107 : memref<1x216x2x96xi32, #tpu.memory_space<hbm>> -> memref<216x2x96xi32, #tpu.memory_space<hbm>>
      %dma_wait3A_109 = arith.constant 0 : i32
      %dma_wait3A_110 = arith.constant 0 : i32
      %dma_wait3A_111 = tpu.memref_slice %dma_wait3A_108[%run_scoped3A, %dma_wait3A_109, %dma_wait3A_110] : memref<216x2x96xi32, #tpu.memory_space<hbm>> -> memref<1x2x96xi32, #tpu.memory_space<hbm>>
      %dma_wait3A_112 = tpu.memref_squeeze %dma_wait3A_111 : memref<1x2x96xi32, #tpu.memory_space<hbm>> -> memref<2x96xi32, #tpu.memory_space<hbm>>
      tpu.wait_dma2 semaphore(%run_scoped3A_52 : memref<!tpu.dma_semaphore, #tpu.memory_space<semaphore_mem>>) src(%dma_wait3A_112 : memref<2x96xi32, #tpu.memory_space<hbm>>) dst(%arg7 : memref<2x96xi32, #tpu.memory_space<vmem>>)
      tpu.yield
    }) : () -> ()
    %dma_start3A = arith.constant 0 : i32
    %dma_start3A_3 = arith.constant 0 : i32
    %dma_start3A_4 = tpu.memref_slice %arg7[%dma_start3A, %dma_start3A_3] : memref<2x96xi32, #tpu.memory_space<vmem>> -> memref<1x96xi32, #tpu.memory_space<vmem>>
    %dma_start3A_5 = tpu.memref_squeeze %dma_start3A_4 : memref<1x96xi32, #tpu.memory_space<vmem>> -> memref<96xi32, #tpu.memory_space<vmem>>
    %dma_start3A_6 = arith.constant 0 : i32
    %dma_start3A_7 = arith.constant 0 : i32
    %dma_start3A_8 = tpu.memref_slice %arg2[%dma_start3A_6, %dma_start3A_7] : memref<20000x128xf32, #tpu.memory_space<hbm>> -> memref<20000x128xf32, #tpu.memory_space<hbm>>
    tpu.enqueue_indirect_dma source(%dma_start3A_8 : memref<20000x128xf32, #tpu.memory_space<hbm>>) target(%arg11 : memref<96x128xf32, #tpu.memory_space<vmem>>) offsets(%dma_start3A_5 : memref<96xi32, #tpu.memory_space<vmem>>) semaphore(%arg15 : memref<!tpu.dma_semaphore, #tpu.memory_space<semaphore_mem>>)
    %run_scoped3A_9 = arith.constant 1 : i32
    "tpu.region"() ({
      %run_scoped3A_52 = tpu.sem_alloc : memref<!tpu.dma_semaphore, #tpu.memory_space<semaphore_mem>>
      %dma_start3A_53 = arith.constant 0 : i32
      %dma_start3A_54 = arith.constant 0 : i32
      %dma_start3A_55 = arith.constant 0 : i32
      %dma_start3A_56 = arith.constant 0 : i32
      %dma_start3A_57 = tpu.memref_slice %arg3[%arg0, %dma_start3A_53, %dma_start3A_54, %dma_start3A_55, %dma_start3A_56] : memref<2x16x216x2x96xi32, #tpu.memory_space<hbm>> -> memref<1x16x216x2x96xi32, #tpu.memory_space<hbm>>
      %dma_start3A_58 = tpu.memref_squeeze %dma_start3A_57 : memref<1x16x216x2x96xi32, #tpu.memory_space<hbm>> -> memref<16x216x2x96xi32, #tpu.memory_space<hbm>>
      %dma_start3A_59 = arith.constant 0 : i32
      %dma_start3A_60 = arith.constant 0 : i32
      %dma_start3A_61 = arith.constant 0 : i32
      %dma_start3A_62 = tpu.memref_slice %dma_start3A_58[%arg1, %dma_start3A_59, %dma_start3A_60, %dma_start3A_61] : memref<16x216x2x96xi32, #tpu.memory_space<hbm>> -> memref<1x216x2x96xi32, #tpu.memory_space<hbm>>
      %dma_start3A_63 = tpu.memref_squeeze %dma_start3A_62 : memref<1x216x2x96xi32, #tpu.memory_space<hbm>> -> memref<216x2x96xi32, #tpu.memory_space<hbm>>
      %dma_start3A_64 = arith.constant 0 : i32
      %dma_start3A_65 = arith.constant 0 : i32
      %dma_start3A_66 = tpu.memref_slice %dma_start3A_63[%run_scoped3A_9, %dma_start3A_64, %dma_start3A_65] : memref<216x2x96xi32, #tpu.memory_space<hbm>> -> memref<1x2x96xi32, #tpu.memory_space<hbm>>
      %dma_start3A_67 = tpu.memref_squeeze %dma_start3A_66 : memref<1x2x96xi32, #tpu.memory_space<hbm>> -> memref<2x96xi32, #tpu.memory_space<hbm>>
      %dma_start3A_68 = arith.constant 0 : i32
      %dma_start3A_69 = arith.constant 0 : i32
      %dma_start3A_70 = arith.constant 0 : i32
      %dma_start3A_71 = arith.constant 0 : i32
      %dma_start3A_72 = tpu.memref_slice %arg3[%arg0, %dma_start3A_68, %dma_start3A_69, %dma_start3A_70, %dma_start3A_71] : memref<2x16x216x2x96xi32, #tpu.memory_space<hbm>> -> memref<1x16x216x2x96xi32, #tpu.memory_space<hbm>>
      %dma_start3A_73 = tpu.memref_squeeze %dma_start3A_72 : memref<1x16x216x2x96xi32, #tpu.memory_space<hbm>> -> memref<16x216x2x96xi32, #tpu.memory_space<hbm>>
      %dma_start3A_74 = arith.constant 0 : i32
      %dma_start3A_75 = arith.constant 0 : i32
      %dma_start3A_76 = arith.constant 0 : i32
      %dma_start3A_77 = tpu.memref_slice %dma_start3A_73[%arg1, %dma_start3A_74, %dma_start3A_75, %dma_start3A_76] : memref<16x216x2x96xi32, #tpu.memory_space<hbm>> -> memref<1x216x2x96xi32, #tpu.memory_space<hbm>>
      %dma_start3A_78 = tpu.memref_squeeze %dma_start3A_77 : memref<1x216x2x96xi32, #tpu.memory_space<hbm>> -> memref<216x2x96xi32, #tpu.memory_space<hbm>>
      %dma_start3A_79 = arith.constant 0 : i32
      %dma_start3A_80 = arith.constant 0 : i32
      %dma_start3A_81 = tpu.memref_slice %dma_start3A_78[%run_scoped3A_9, %dma_start3A_79, %dma_start3A_80] : memref<216x2x96xi32, #tpu.memory_space<hbm>> -> memref<1x2x96xi32, #tpu.memory_space<hbm>>
      %dma_start3A_82 = tpu.memref_squeeze %dma_start3A_81 : memref<1x2x96xi32, #tpu.memory_space<hbm>> -> memref<2x96xi32, #tpu.memory_space<hbm>>
      tpu.enqueue_dma source(%dma_start3A_82 : memref<2x96xi32, #tpu.memory_space<hbm>>) target(%arg8 : memref<2x96xi32, #tpu.memory_space<vmem>>) target_semaphore(%run_scoped3A_52 : memref<!tpu.dma_semaphore, #tpu.memory_space<semaphore_mem>>)
      %dma_wait3A_83 = arith.constant 0 : i32
      %dma_wait3A_84 = arith.constant 0 : i32
      %dma_wait3A_85 = arith.constant 0 : i32
      %dma_wait3A_86 = arith.constant 0 : i32
      %dma_wait3A_87 = tpu.memref_slice %arg3[%arg0, %dma_wait3A_83, %dma_wait3A_84, %dma_wait3A_85, %dma_wait3A_86] : memref<2x16x216x2x96xi32, #tpu.memory_space<hbm>> -> memref<1x16x216x2x96xi32, #tpu.memory_space<hbm>>
      %dma_wait3A_88 = tpu.memref_squeeze %dma_wait3A_87 : memref<1x16x216x2x96xi32, #tpu.memory_space<hbm>> -> memref<16x216x2x96xi32, #tpu.memory_space<hbm>>
      %dma_wait3A_89 = arith.constant 0 : i32
      %dma_wait3A_90 = arith.constant 0 : i32
      %dma_wait3A_91 = arith.constant 0 : i32
      %dma_wait3A_92 = tpu.memref_slice %dma_wait3A_88[%arg1, %dma_wait3A_89, %dma_wait3A_90, %dma_wait3A_91] : memref<16x216x2x96xi32, #tpu.memory_space<hbm>> -> memref<1x216x2x96xi32, #tpu.memory_space<hbm>>
      %dma_wait3A_93 = tpu.memref_squeeze %dma_wait3A_92 : memref<1x216x2x96xi32, #tpu.memory_space<hbm>> -> memref<216x2x96xi32, #tpu.memory_space<hbm>>
      %dma_wait3A_94 = arith.constant 0 : i32
      %dma_wait3A_95 = arith.constant 0 : i32
      %dma_wait3A_96 = tpu.memref_slice %dma_wait3A_93[%run_scoped3A_9, %dma_wait3A_94, %dma_wait3A_95] : memref<216x2x96xi32, #tpu.memory_space<hbm>> -> memref<1x2x96xi32, #tpu.memory_space<hbm>>
      %dma_wait3A_97 = tpu.memref_squeeze %dma_wait3A_96 : memref<1x2x96xi32, #tpu.memory_space<hbm>> -> memref<2x96xi32, #tpu.memory_space<hbm>>
      %dma_wait3A_98 = arith.constant 0 : i32
      %dma_wait3A_99 = arith.constant 0 : i32
      %dma_wait3A_100 = arith.constant 0 : i32
      %dma_wait3A_101 = arith.constant 0 : i32
      %dma_wait3A_102 = tpu.memref_slice %arg3[%arg0, %dma_wait3A_98, %dma_wait3A_99, %dma_wait3A_100, %dma_wait3A_101] : memref<2x16x216x2x96xi32, #tpu.memory_space<hbm>> -> memref<1x16x216x2x96xi32, #tpu.memory_space<hbm>>
      %dma_wait3A_103 = tpu.memref_squeeze %dma_wait3A_102 : memref<1x16x216x2x96xi32, #tpu.memory_space<hbm>> -> memref<16x216x2x96xi32, #tpu.memory_space<hbm>>
      %dma_wait3A_104 = arith.constant 0 : i32
      %dma_wait3A_105 = arith.constant 0 : i32
      %dma_wait3A_106 = arith.constant 0 : i32
      %dma_wait3A_107 = tpu.memref_slice %dma_wait3A_103[%arg1, %dma_wait3A_104, %dma_wait3A_105, %dma_wait3A_106] : memref<16x216x2x96xi32, #tpu.memory_space<hbm>> -> memref<1x216x2x96xi32, #tpu.memory_space<hbm>>
      %dma_wait3A_108 = tpu.memref_squeeze %dma_wait3A_107 : memref<1x216x2x96xi32, #tpu.memory_space<hbm>> -> memref<216x2x96xi32, #tpu.memory_space<hbm>>
      %dma_wait3A_109 = arith.constant 0 : i32
      %dma_wait3A_110 = arith.constant 0 : i32
      %dma_wait3A_111 = tpu.memref_slice %dma_wait3A_108[%run_scoped3A_9, %dma_wait3A_109, %dma_wait3A_110] : memref<216x2x96xi32, #tpu.memory_space<hbm>> -> memref<1x2x96xi32, #tpu.memory_space<hbm>>
      %dma_wait3A_112 = tpu.memref_squeeze %dma_wait3A_111 : memref<1x2x96xi32, #tpu.memory_space<hbm>> -> memref<2x96xi32, #tpu.memory_space<hbm>>
      tpu.wait_dma2 semaphore(%run_scoped3A_52 : memref<!tpu.dma_semaphore, #tpu.memory_space<semaphore_mem>>) src(%dma_wait3A_112 : memref<2x96xi32, #tpu.memory_space<hbm>>) dst(%arg8 : memref<2x96xi32, #tpu.memory_space<vmem>>)
      tpu.yield
    }) : () -> ()
    %dma_start3A_10 = arith.constant 0 : i32
    %dma_start3A_11 = arith.constant 0 : i32
    %dma_start3A_12 = tpu.memref_slice %arg8[%dma_start3A_10, %dma_start3A_11] : memref<2x96xi32, #tpu.memory_space<vmem>> -> memref<1x96xi32, #tpu.memory_space<vmem>>
    %dma_start3A_13 = tpu.memref_squeeze %dma_start3A_12 : memref<1x96xi32, #tpu.memory_space<vmem>> -> memref<96xi32, #tpu.memory_space<vmem>>
    %dma_start3A_14 = arith.constant 0 : i32
    %dma_start3A_15 = arith.constant 0 : i32
    %dma_start3A_16 = tpu.memref_slice %arg2[%dma_start3A_14, %dma_start3A_15] : memref<20000x128xf32, #tpu.memory_space<hbm>> -> memref<20000x128xf32, #tpu.memory_space<hbm>>
    tpu.enqueue_indirect_dma source(%dma_start3A_16 : memref<20000x128xf32, #tpu.memory_space<hbm>>) target(%arg12 : memref<96x128xf32, #tpu.memory_space<vmem>>) offsets(%dma_start3A_13 : memref<96xi32, #tpu.memory_space<vmem>>) semaphore(%arg16 : memref<!tpu.dma_semaphore, #tpu.memory_space<semaphore_mem>>)
    %scan3A = arith.constant 0 : i32
    %scan3A_17 = arith.constant 0 : i32
    %scan3A_18 = arith.constant 54 : i32
    %scan3A_19 = arith.addi %scan3A_17, %scan3A_18 : i32
    %scan3A_20 = arith.constant 1 : i32
    scf.for %scan3A_52 = %scan3A_17 to %scan3A_19 step %scan3A_20  : i32 {
      %mul3A_53 = arith.constant 4 : i32
      %mul3A_54 = arith.muli %mul3A_53, %scan3A_52 : i32
      %add3A = arith.constant 0 : i32
      %add3A_55 = arith.addi %mul3A_54, %add3A : i32
      %dma_wait3A_56 = arith.constant 0 : i32
      %dma_wait3A_57 = arith.constant 0 : i32
      %dma_wait3A_58 = tpu.memref_slice %arg7[%dma_wait3A_56, %dma_wait3A_57] : memref<2x96xi32, #tpu.memory_space<vmem>> -> memref<1x96xi32, #tpu.memory_space<vmem>>
      %dma_wait3A_59 = tpu.memref_squeeze %dma_wait3A_58 : memref<1x96xi32, #tpu.memory_space<vmem>> -> memref<96xi32, #tpu.memory_space<vmem>>
      %dma_wait3A_60 = arith.constant 0 : i32
      %dma_wait3A_61 = arith.constant 0 : i32
      %dma_wait3A_62 = tpu.memref_slice %arg2[%dma_wait3A_60, %dma_wait3A_61] : memref<20000x128xf32, #tpu.memory_space<hbm>> -> memref<20000x128xf32, #tpu.memory_space<hbm>>
      tpu.wait_indirect_dma semaphore(%arg15 : memref<!tpu.dma_semaphore, #tpu.memory_space<semaphore_mem>>) src(%dma_wait3A_62 : memref<20000x128xf32, #tpu.memory_space<hbm>>) dst(%arg11 : memref<96x128xf32, #tpu.memory_space<vmem>>)
      %dma_start3A_63 = arith.constant 1 : i32
      %dma_start3A_64 = arith.constant 0 : i32
      %dma_start3A_65 = tpu.memref_slice %arg7[%dma_start3A_63, %dma_start3A_64] : memref<2x96xi32, #tpu.memory_space<vmem>> -> memref<1x96xi32, #tpu.memory_space<vmem>>
      %dma_start3A_66 = tpu.memref_squeeze %dma_start3A_65 : memref<1x96xi32, #tpu.memory_space<vmem>> -> memref<96xi32, #tpu.memory_space<vmem>>
      %dma_start3A_67 = arith.constant 0 : i32
      %dma_start3A_68 = arith.constant 0 : i32
      %dma_start3A_69 = tpu.memref_slice %arg6[%dma_start3A_67, %dma_start3A_68] : memref<10112x128xf32, #tpu.memory_space<vmem_shared>> -> memref<10112x128xf32, #tpu.memory_space<vmem_shared>>
      tpu.enqueue_indirect_dma source(%arg11 : memref<96x128xf32, #tpu.memory_space<vmem>>) target(%dma_start3A_69 : memref<10112x128xf32, #tpu.memory_space<vmem_shared>>) offsets(%dma_start3A_66 : memref<96xi32, #tpu.memory_space<vmem>>) semaphore(%arg19 : memref<!tpu.dma_semaphore, #tpu.memory_space<semaphore_mem>>) {add = true}
      %gt3A = arith.constant 0 : i32
      %gt3A_70 = arith.cmpi sgt, %scan3A_52, %gt3A : i32
      %convert_element_type3A = arith.extui %gt3A_70 : i1 to i32
      %cond3A = arith.constant 0 : i32
      %cond3A_71 = arith.cmpi ne, %convert_element_type3A, %cond3A : i32
      scf.if %cond3A_71 {
        %dma_wait3A_186 = arith.constant 0 : i32
        %dma_wait3A_187 = arith.constant 0 : i32
        %dma_wait3A_188 = tpu.memref_slice %arg4[%dma_wait3A_186, %dma_wait3A_187] : memref<10112x128xf32, #tpu.memory_space<hbm>> -> memref<96x128xf32, #tpu.memory_space<hbm>>
        %dma_wait3A_189 = arith.constant 0 : i32
        %dma_wait3A_190 = arith.constant 0 : i32
        %dma_wait3A_191 = tpu.memref_slice %arg4[%dma_wait3A_189, %dma_wait3A_190] : memref<10112x128xf32, #tpu.memory_space<hbm>> -> memref<96x128xf32, #tpu.memory_space<hbm>>
        tpu.wait_dma2 semaphore(%arg21 : memref<!tpu.dma_semaphore, #tpu.memory_space<semaphore_mem>>) src(%dma_wait3A_191 : memref<96x128xf32, #tpu.memory_space<hbm>>) dst(%arg13 : memref<96x128xf32, #tpu.memory_space<vmem>>)
      } else {
      }
      %add3A_72 = arith.constant 2 : i32
      %add3A_73 = arith.addi %add3A_55, %add3A_72 : i32
      %min3A = arith.constant 215 : i32
      %min3A_74 = arith.minsi %add3A_73, %min3A : i32
      "tpu.region"() ({
        %run_scoped3A_186 = tpu.sem_alloc : memref<!tpu.dma_semaphore, #tpu.memory_space<semaphore_mem>>
        %dma_start3A_187 = arith.constant 0 : i32
        %dma_start3A_188 = arith.constant 0 : i32
        %dma_start3A_189 = arith.constant 0 : i32
        %dma_start3A_190 = arith.constant 0 : i32
        %dma_start3A_191 = tpu.memref_slice %arg3[%arg0, %dma_start3A_187, %dma_start3A_188, %dma_start3A_189, %dma_start3A_190] : memref<2x16x216x2x96xi32, #tpu.memory_space<hbm>> -> memref<1x16x216x2x96xi32, #tpu.memory_space<hbm>>
        %dma_start3A_192 = tpu.memref_squeeze %dma_start3A_191 : memref<1x16x216x2x96xi32, #tpu.memory_space<hbm>> -> memref<16x216x2x96xi32, #tpu.memory_space<hbm>>
        %dma_start3A_193 = arith.constant 0 : i32
        %dma_start3A_194 = arith.constant 0 : i32
        %dma_start3A_195 = arith.constant 0 : i32
        %dma_start3A_196 = tpu.memref_slice %dma_start3A_192[%arg1, %dma_start3A_193, %dma_start3A_194, %dma_start3A_195] : memref<16x216x2x96xi32, #tpu.memory_space<hbm>> -> memref<1x216x2x96xi32, #tpu.memory_space<hbm>>
        %dma_start3A_197 = tpu.memref_squeeze %dma_start3A_196 : memref<1x216x2x96xi32, #tpu.memory_space<hbm>> -> memref<216x2x96xi32, #tpu.memory_space<hbm>>
        %dma_start3A_198 = arith.constant 0 : i32
        %dma_start3A_199 = arith.constant 0 : i32
        %dma_start3A_200 = tpu.memref_slice %dma_start3A_197[%min3A_74, %dma_start3A_198, %dma_start3A_199] : memref<216x2x96xi32, #tpu.memory_space<hbm>> -> memref<1x2x96xi32, #tpu.memory_space<hbm>>
        %dma_start3A_201 = tpu.memref_squeeze %dma_start3A_200 : memref<1x2x96xi32, #tpu.memory_space<hbm>> -> memref<2x96xi32, #tpu.memory_space<hbm>>
        %dma_start3A_202 = arith.constant 0 : i32
        %dma_start3A_203 = arith.constant 0 : i32
        %dma_start3A_204 = arith.constant 0 : i32
        %dma_start3A_205 = arith.constant 0 : i32
        %dma_start3A_206 = tpu.memref_slice %arg3[%arg0, %dma_start3A_202, %dma_start3A_203, %dma_start3A_204, %dma_start3A_205] : memref<2x16x216x2x96xi32, #tpu.memory_space<hbm>> -> memref<1x16x216x2x96xi32, #tpu.memory_space<hbm>>
        %dma_start3A_207 = tpu.memref_squeeze %dma_start3A_206 : memref<1x16x216x2x96xi32, #tpu.memory_space<hbm>> -> memref<16x216x2x96xi32, #tpu.memory_space<hbm>>
        %dma_start3A_208 = arith.constant 0 : i32
        %dma_start3A_209 = arith.constant 0 : i32
        %dma_start3A_210 = arith.constant 0 : i32
        %dma_start3A_211 = tpu.memref_slice %dma_start3A_207[%arg1, %dma_start3A_208, %dma_start3A_209, %dma_start3A_210] : memref<16x216x2x96xi32, #tpu.memory_space<hbm>> -> memref<1x216x2x96xi32, #tpu.memory_space<hbm>>
        %dma_start3A_212 = tpu.memref_squeeze %dma_start3A_211 : memref<1x216x2x96xi32, #tpu.memory_space<hbm>> -> memref<216x2x96xi32, #tpu.memory_space<hbm>>
        %dma_start3A_213 = arith.constant 0 : i32
        %dma_start3A_214 = arith.constant 0 : i32
        %dma_start3A_215 = tpu.memref_slice %dma_start3A_212[%min3A_74, %dma_start3A_213, %dma_start3A_214] : memref<216x2x96xi32, #tpu.memory_space<hbm>> -> memref<1x2x96xi32, #tpu.memory_space<hbm>>
        %dma_start3A_216 = tpu.memref_squeeze %dma_start3A_215 : memref<1x2x96xi32, #tpu.memory_space<hbm>> -> memref<2x96xi32, #tpu.memory_space<hbm>>
        tpu.enqueue_dma source(%dma_start3A_216 : memref<2x96xi32, #tpu.memory_space<hbm>>) target(%arg9 : memref<2x96xi32, #tpu.memory_space<vmem>>) target_semaphore(%run_scoped3A_186 : memref<!tpu.dma_semaphore, #tpu.memory_space<semaphore_mem>>)
        %dma_wait3A_217 = arith.constant 0 : i32
        %dma_wait3A_218 = arith.constant 0 : i32
        %dma_wait3A_219 = arith.constant 0 : i32
        %dma_wait3A_220 = arith.constant 0 : i32
        %dma_wait3A_221 = tpu.memref_slice %arg3[%arg0, %dma_wait3A_217, %dma_wait3A_218, %dma_wait3A_219, %dma_wait3A_220] : memref<2x16x216x2x96xi32, #tpu.memory_space<hbm>> -> memref<1x16x216x2x96xi32, #tpu.memory_space<hbm>>
        %dma_wait3A_222 = tpu.memref_squeeze %dma_wait3A_221 : memref<1x16x216x2x96xi32, #tpu.memory_space<hbm>> -> memref<16x216x2x96xi32, #tpu.memory_space<hbm>>
        %dma_wait3A_223 = arith.constant 0 : i32
        %dma_wait3A_224 = arith.constant 0 : i32
        %dma_wait3A_225 = arith.constant 0 : i32
        %dma_wait3A_226 = tpu.memref_slice %dma_wait3A_222[%arg1, %dma_wait3A_223, %dma_wait3A_224, %dma_wait3A_225] : memref<16x216x2x96xi32, #tpu.memory_space<hbm>> -> memref<1x216x2x96xi32, #tpu.memory_space<hbm>>
        %dma_wait3A_227 = tpu.memref_squeeze %dma_wait3A_226 : memref<1x216x2x96xi32, #tpu.memory_space<hbm>> -> memref<216x2x96xi32, #tpu.memory_space<hbm>>
        %dma_wait3A_228 = arith.constant 0 : i32
        %dma_wait3A_229 = arith.constant 0 : i32
        %dma_wait3A_230 = tpu.memref_slice %dma_wait3A_227[%min3A_74, %dma_wait3A_228, %dma_wait3A_229] : memref<216x2x96xi32, #tpu.memory_space<hbm>> -> memref<1x2x96xi32, #tpu.memory_space<hbm>>
        %dma_wait3A_231 = tpu.memref_squeeze %dma_wait3A_230 : memref<1x2x96xi32, #tpu.memory_space<hbm>> -> memref<2x96xi32, #tpu.memory_space<hbm>>
        %dma_wait3A_232 = arith.constant 0 : i32
        %dma_wait3A_233 = arith.constant 0 : i32
        %dma_wait3A_234 = arith.constant 0 : i32
        %dma_wait3A_235 = arith.constant 0 : i32
        %dma_wait3A_236 = tpu.memref_slice %arg3[%arg0, %dma_wait3A_232, %dma_wait3A_233, %dma_wait3A_234, %dma_wait3A_235] : memref<2x16x216x2x96xi32, #tpu.memory_space<hbm>> -> memref<1x16x216x2x96xi32, #tpu.memory_space<hbm>>
        %dma_wait3A_237 = tpu.memref_squeeze %dma_wait3A_236 : memref<1x16x216x2x96xi32, #tpu.memory_space<hbm>> -> memref<16x216x2x96xi32, #tpu.memory_space<hbm>>
        %dma_wait3A_238 = arith.constant 0 : i32
        %dma_wait3A_239 = arith.constant 0 : i32
        %dma_wait3A_240 = arith.constant 0 : i32
        %dma_wait3A_241 = tpu.memref_slice %dma_wait3A_237[%arg1, %dma_wait3A_238, %dma_wait3A_239, %dma_wait3A_240] : memref<16x216x2x96xi32, #tpu.memory_space<hbm>> -> memref<1x216x2x96xi32, #tpu.memory_space<hbm>>
        %dma_wait3A_242 = tpu.memref_squeeze %dma_wait3A_241 : memref<1x216x2x96xi32, #tpu.memory_space<hbm>> -> memref<216x2x96xi32, #tpu.memory_space<hbm>>
        %dma_wait3A_243 = arith.constant 0 : i32
        %dma_wait3A_244 = arith.constant 0 : i32
        %dma_wait3A_245 = tpu.memref_slice %dma_wait3A_242[%min3A_74, %dma_wait3A_243, %dma_wait3A_244] : memref<216x2x96xi32, #tpu.memory_space<hbm>> -> memref<1x2x96xi32, #tpu.memory_space<hbm>>
        %dma_wait3A_246 = tpu.memref_squeeze %dma_wait3A_245 : memref<1x2x96xi32, #tpu.memory_space<hbm>> -> memref<2x96xi32, #tpu.memory_space<hbm>>
        tpu.wait_dma2 semaphore(%run_scoped3A_186 : memref<!tpu.dma_semaphore, #tpu.memory_space<semaphore_mem>>) src(%dma_wait3A_246 : memref<2x96xi32, #tpu.memory_space<hbm>>) dst(%arg9 : memref<2x96xi32, #tpu.memory_space<vmem>>)
        tpu.yield
      }) : () -> ()
      %dma_start3A_75 = arith.constant 0 : i32
      %dma_start3A_76 = arith.constant 0 : i32
      %dma_start3A_77 = tpu.memref_slice %arg9[%dma_start3A_75, %dma_start3A_76] : memref<2x96xi32, #tpu.memory_space<vmem>> -> memref<1x96xi32, #tpu.memory_space<vmem>>
      %dma_start3A_78 = tpu.memref_squeeze %dma_start3A_77 : memref<1x96xi32, #tpu.memory_space<vmem>> -> memref<96xi32, #tpu.memory_space<vmem>>
      %dma_start3A_79 = arith.constant 0 : i32
      %dma_start3A_80 = arith.constant 0 : i32
      %dma_start3A_81 = tpu.memref_slice %arg2[%dma_start3A_79, %dma_start3A_80] : memref<20000x128xf32, #tpu.memory_space<hbm>> -> memref<20000x128xf32, #tpu.memory_space<hbm>>
      tpu.enqueue_indirect_dma source(%dma_start3A_81 : memref<20000x128xf32, #tpu.memory_space<hbm>>) target(%arg13 : memref<96x128xf32, #tpu.memory_space<vmem>>) offsets(%dma_start3A_78 : memref<96xi32, #tpu.memory_space<vmem>>) semaphore(%arg17 : memref<!tpu.dma_semaphore, #tpu.memory_space<semaphore_mem>>)
      %mul3A_82 = arith.constant 4 : i32
      %mul3A_83 = arith.muli %mul3A_82, %scan3A_52 : i32
      %add3A_84 = arith.constant 1 : i32
      %add3A_85 = arith.addi %mul3A_83, %add3A_84 : i32
      %dma_wait3A_86 = arith.constant 0 : i32
      %dma_wait3A_87 = arith.constant 0 : i32
      %dma_wait3A_88 = tpu.memref_slice %arg8[%dma_wait3A_86, %dma_wait3A_87] : memref<2x96xi32, #tpu.memory_space<vmem>> -> memref<1x96xi32, #tpu.memory_space<vmem>>
      %dma_wait3A_89 = tpu.memref_squeeze %dma_wait3A_88 : memref<1x96xi32, #tpu.memory_space<vmem>> -> memref<96xi32, #tpu.memory_space<vmem>>
      %dma_wait3A_90 = arith.constant 0 : i32
      %dma_wait3A_91 = arith.constant 0 : i32
      %dma_wait3A_92 = tpu.memref_slice %arg2[%dma_wait3A_90, %dma_wait3A_91] : memref<20000x128xf32, #tpu.memory_space<hbm>> -> memref<20000x128xf32, #tpu.memory_space<hbm>>
      tpu.wait_indirect_dma semaphore(%arg16 : memref<!tpu.dma_semaphore, #tpu.memory_space<semaphore_mem>>) src(%dma_wait3A_92 : memref<20000x128xf32, #tpu.memory_space<hbm>>) dst(%arg12 : memref<96x128xf32, #tpu.memory_space<vmem>>)
      %dma_start3A_93 = arith.constant 1 : i32
      %dma_start3A_94 = arith.constant 0 : i32
      %dma_start3A_95 = tpu.memref_slice %arg8[%dma_start3A_93, %dma_start3A_94] : memref<2x96xi32, #tpu.memory_space<vmem>> -> memref<1x96xi32, #tpu.memory_space<vmem>>
      %dma_start3A_96 = tpu.memref_squeeze %dma_start3A_95 : memref<1x96xi32, #tpu.memory_space<vmem>> -> memref<96xi32, #tpu.memory_space<vmem>>
      %dma_start3A_97 = arith.constant 0 : i32
      %dma_start3A_98 = arith.constant 0 : i32
      %dma_start3A_99 = tpu.memref_slice %arg6[%dma_start3A_97, %dma_start3A_98] : memref<10112x128xf32, #tpu.memory_space<vmem_shared>> -> memref<10112x128xf32, #tpu.memory_space<vmem_shared>>
      tpu.enqueue_indirect_dma source(%arg12 : memref<96x128xf32, #tpu.memory_space<vmem>>) target(%dma_start3A_99 : memref<10112x128xf32, #tpu.memory_space<vmem_shared>>) offsets(%dma_start3A_96 : memref<96xi32, #tpu.memory_space<vmem>>) semaphore(%arg20 : memref<!tpu.dma_semaphore, #tpu.memory_space<semaphore_mem>>) {add = true}
      %gt3A_100 = arith.constant 0 : i32
      %gt3A_101 = arith.cmpi sgt, %scan3A_52, %gt3A_100 : i32
      %convert_element_type3A_102 = arith.extui %gt3A_101 : i1 to i32
      %cond3A_103 = arith.constant 0 : i32
      %cond3A_104 = arith.cmpi ne, %convert_element_type3A_102, %cond3A_103 : i32
      scf.if %cond3A_104 {
        %dma_wait3A_186 = arith.constant 0 : i32
        %dma_wait3A_187 = arith.constant 0 : i32
        %dma_wait3A_188 = tpu.memref_slice %arg4[%dma_wait3A_186, %dma_wait3A_187] : memref<10112x128xf32, #tpu.memory_space<hbm>> -> memref<96x128xf32, #tpu.memory_space<hbm>>
        %dma_wait3A_189 = arith.constant 0 : i32
        %dma_wait3A_190 = arith.constant 0 : i32
        %dma_wait3A_191 = tpu.memref_slice %arg4[%dma_wait3A_189, %dma_wait3A_190] : memref<10112x128xf32, #tpu.memory_space<hbm>> -> memref<96x128xf32, #tpu.memory_space<hbm>>
        tpu.wait_dma2 semaphore(%arg22 : memref<!tpu.dma_semaphore, #tpu.memory_space<semaphore_mem>>) src(%dma_wait3A_191 : memref<96x128xf32, #tpu.memory_space<hbm>>) dst(%arg14 : memref<96x128xf32, #tpu.memory_space<vmem>>)
      } else {
      }
      %add3A_105 = arith.constant 2 : i32
      %add3A_106 = arith.addi %add3A_85, %add3A_105 : i32
      %min3A_107 = arith.constant 215 : i32
      %min3A_108 = arith.minsi %add3A_106, %min3A_107 : i32
      "tpu.region"() ({
        %run_scoped3A_186 = tpu.sem_alloc : memref<!tpu.dma_semaphore, #tpu.memory_space<semaphore_mem>>
        %dma_start3A_187 = arith.constant 0 : i32
        %dma_start3A_188 = arith.constant 0 : i32
        %dma_start3A_189 = arith.constant 0 : i32
        %dma_start3A_190 = arith.constant 0 : i32
        %dma_start3A_191 = tpu.memref_slice %arg3[%arg0, %dma_start3A_187, %dma_start3A_188, %dma_start3A_189, %dma_start3A_190] : memref<2x16x216x2x96xi32, #tpu.memory_space<hbm>> -> memref<1x16x216x2x96xi32, #tpu.memory_space<hbm>>
        %dma_start3A_192 = tpu.memref_squeeze %dma_start3A_191 : memref<1x16x216x2x96xi32, #tpu.memory_space<hbm>> -> memref<16x216x2x96xi32, #tpu.memory_space<hbm>>
        %dma_start3A_193 = arith.constant 0 : i32
        %dma_start3A_194 = arith.constant 0 : i32
        %dma_start3A_195 = arith.constant 0 : i32
        %dma_start3A_196 = tpu.memref_slice %dma_start3A_192[%arg1, %dma_start3A_193, %dma_start3A_194, %dma_start3A_195] : memref<16x216x2x96xi32, #tpu.memory_space<hbm>> -> memref<1x216x2x96xi32, #tpu.memory_space<hbm>>
        %dma_start3A_197 = tpu.memref_squeeze %dma_start3A_196 : memref<1x216x2x96xi32, #tpu.memory_space<hbm>> -> memref<216x2x96xi32, #tpu.memory_space<hbm>>
        %dma_start3A_198 = arith.constant 0 : i32
        %dma_start3A_199 = arith.constant 0 : i32
        %dma_start3A_200 = tpu.memref_slice %dma_start3A_197[%min3A_108, %dma_start3A_198, %dma_start3A_199] : memref<216x2x96xi32, #tpu.memory_space<hbm>> -> memref<1x2x96xi32, #tpu.memory_space<hbm>>
        %dma_start3A_201 = tpu.memref_squeeze %dma_start3A_200 : memref<1x2x96xi32, #tpu.memory_space<hbm>> -> memref<2x96xi32, #tpu.memory_space<hbm>>
        %dma_start3A_202 = arith.constant 0 : i32
        %dma_start3A_203 = arith.constant 0 : i32
        %dma_start3A_204 = arith.constant 0 : i32
        %dma_start3A_205 = arith.constant 0 : i32
        %dma_start3A_206 = tpu.memref_slice %arg3[%arg0, %dma_start3A_202, %dma_start3A_203, %dma_start3A_204, %dma_start3A_205] : memref<2x16x216x2x96xi32, #tpu.memory_space<hbm>> -> memref<1x16x216x2x96xi32, #tpu.memory_space<hbm>>
        %dma_start3A_207 = tpu.memref_squeeze %dma_start3A_206 : memref<1x16x216x2x96xi32, #tpu.memory_space<hbm>> -> memref<16x216x2x96xi32, #tpu.memory_space<hbm>>
        %dma_start3A_208 = arith.constant 0 : i32
        %dma_start3A_209 = arith.constant 0 : i32
        %dma_start3A_210 = arith.constant 0 : i32
        %dma_start3A_211 = tpu.memref_slice %dma_start3A_207[%arg1, %dma_start3A_208, %dma_start3A_209, %dma_start3A_210] : memref<16x216x2x96xi32, #tpu.memory_space<hbm>> -> memref<1x216x2x96xi32, #tpu.memory_space<hbm>>
        %dma_start3A_212 = tpu.memref_squeeze %dma_start3A_211 : memref<1x216x2x96xi32, #tpu.memory_space<hbm>> -> memref<216x2x96xi32, #tpu.memory_space<hbm>>
        %dma_start3A_213 = arith.constant 0 : i32
        %dma_start3A_214 = arith.constant 0 : i32
        %dma_start3A_215 = tpu.memref_slice %dma_start3A_212[%min3A_108, %dma_start3A_213, %dma_start3A_214] : memref<216x2x96xi32, #tpu.memory_space<hbm>> -> memref<1x2x96xi32, #tpu.memory_space<hbm>>
        %dma_start3A_216 = tpu.memref_squeeze %dma_start3A_215 : memref<1x2x96xi32, #tpu.memory_space<hbm>> -> memref<2x96xi32, #tpu.memory_space<hbm>>
        tpu.enqueue_dma source(%dma_start3A_216 : memref<2x96xi32, #tpu.memory_space<hbm>>) target(%arg10 : memref<2x96xi32, #tpu.memory_space<vmem>>) target_semaphore(%run_scoped3A_186 : memref<!tpu.dma_semaphore, #tpu.memory_space<semaphore_mem>>)
        %dma_wait3A_217 = arith.constant 0 : i32
        %dma_wait3A_218 = arith.constant 0 : i32
        %dma_wait3A_219 = arith.constant 0 : i32
        %dma_wait3A_220 = arith.constant 0 : i32
        %dma_wait3A_221 = tpu.memref_slice %arg3[%arg0, %dma_wait3A_217, %dma_wait3A_218, %dma_wait3A_219, %dma_wait3A_220] : memref<2x16x216x2x96xi32, #tpu.memory_space<hbm>> -> memref<1x16x216x2x96xi32, #tpu.memory_space<hbm>>
        %dma_wait3A_222 = tpu.memref_squeeze %dma_wait3A_221 : memref<1x16x216x2x96xi32, #tpu.memory_space<hbm>> -> memref<16x216x2x96xi32, #tpu.memory_space<hbm>>
        %dma_wait3A_223 = arith.constant 0 : i32
        %dma_wait3A_224 = arith.constant 0 : i32
        %dma_wait3A_225 = arith.constant 0 : i32
        %dma_wait3A_226 = tpu.memref_slice %dma_wait3A_222[%arg1, %dma_wait3A_223, %dma_wait3A_224, %dma_wait3A_225] : memref<16x216x2x96xi32, #tpu.memory_space<hbm>> -> memref<1x216x2x96xi32, #tpu.memory_space<hbm>>
        %dma_wait3A_227 = tpu.memref_squeeze %dma_wait3A_226 : memref<1x216x2x96xi32, #tpu.memory_space<hbm>> -> memref<216x2x96xi32, #tpu.memory_space<hbm>>
        %dma_wait3A_228 = arith.constant 0 : i32
        %dma_wait3A_229 = arith.constant 0 : i32
        %dma_wait3A_230 = tpu.memref_slice %dma_wait3A_227[%min3A_108, %dma_wait3A_228, %dma_wait3A_229] : memref<216x2x96xi32, #tpu.memory_space<hbm>> -> memref<1x2x96xi32, #tpu.memory_space<hbm>>
        %dma_wait3A_231 = tpu.memref_squeeze %dma_wait3A_230 : memref<1x2x96xi32, #tpu.memory_space<hbm>> -> memref<2x96xi32, #tpu.memory_space<hbm>>
        %dma_wait3A_232 = arith.constant 0 : i32
        %dma_wait3A_233 = arith.constant 0 : i32
        %dma_wait3A_234 = arith.constant 0 : i32
        %dma_wait3A_235 = arith.constant 0 : i32
        %dma_wait3A_236 = tpu.memref_slice %arg3[%arg0, %dma_wait3A_232, %dma_wait3A_233, %dma_wait3A_234, %dma_wait3A_235] : memref<2x16x216x2x96xi32, #tpu.memory_space<hbm>> -> memref<1x16x216x2x96xi32, #tpu.memory_space<hbm>>
        %dma_wait3A_237 = tpu.memref_squeeze %dma_wait3A_236 : memref<1x16x216x2x96xi32, #tpu.memory_space<hbm>> -> memref<16x216x2x96xi32, #tpu.memory_space<hbm>>
        %dma_wait3A_238 = arith.constant 0 : i32
        %dma_wait3A_239 = arith.constant 0 : i32
        %dma_wait3A_240 = arith.constant 0 : i32
        %dma_wait3A_241 = tpu.memref_slice %dma_wait3A_237[%arg1, %dma_wait3A_238, %dma_wait3A_239, %dma_wait3A_240] : memref<16x216x2x96xi32, #tpu.memory_space<hbm>> -> memref<1x216x2x96xi32, #tpu.memory_space<hbm>>
        %dma_wait3A_242 = tpu.memref_squeeze %dma_wait3A_241 : memref<1x216x2x96xi32, #tpu.memory_space<hbm>> -> memref<216x2x96xi32, #tpu.memory_space<hbm>>
        %dma_wait3A_243 = arith.constant 0 : i32
        %dma_wait3A_244 = arith.constant 0 : i32
        %dma_wait3A_245 = tpu.memref_slice %dma_wait3A_242[%min3A_108, %dma_wait3A_243, %dma_wait3A_244] : memref<216x2x96xi32, #tpu.memory_space<hbm>> -> memref<1x2x96xi32, #tpu.memory_space<hbm>>
        %dma_wait3A_246 = tpu.memref_squeeze %dma_wait3A_245 : memref<1x2x96xi32, #tpu.memory_space<hbm>> -> memref<2x96xi32, #tpu.memory_space<hbm>>
        tpu.wait_dma2 semaphore(%run_scoped3A_186 : memref<!tpu.dma_semaphore, #tpu.memory_space<semaphore_mem>>) src(%dma_wait3A_246 : memref<2x96xi32, #tpu.memory_space<hbm>>) dst(%arg10 : memref<2x96xi32, #tpu.memory_space<vmem>>)
        tpu.yield
      }) : () -> ()
      %dma_start3A_109 = arith.constant 0 : i32
      %dma_start3A_110 = arith.constant 0 : i32
      %dma_start3A_111 = tpu.memref_slice %arg10[%dma_start3A_109, %dma_start3A_110] : memref<2x96xi32, #tpu.memory_space<vmem>> -> memref<1x96xi32, #tpu.memory_space<vmem>>
      %dma_start3A_112 = tpu.memref_squeeze %dma_start3A_111 : memref<1x96xi32, #tpu.memory_space<vmem>> -> memref<96xi32, #tpu.memory_space<vmem>>
      %dma_start3A_113 = arith.constant 0 : i32
      %dma_start3A_114 = arith.constant 0 : i32
      %dma_start3A_115 = tpu.memref_slice %arg2[%dma_start3A_113, %dma_start3A_114] : memref<20000x128xf32, #tpu.memory_space<hbm>> -> memref<20000x128xf32, #tpu.memory_space<hbm>>
      tpu.enqueue_indirect_dma source(%dma_start3A_115 : memref<20000x128xf32, #tpu.memory_space<hbm>>) target(%arg14 : memref<96x128xf32, #tpu.memory_space<vmem>>) offsets(%dma_start3A_112 : memref<96xi32, #tpu.memory_space<vmem>>) semaphore(%arg18 : memref<!tpu.dma_semaphore, #tpu.memory_space<semaphore_mem>>)
      %mul3A_116 = arith.constant 4 : i32
      %mul3A_117 = arith.muli %mul3A_116, %scan3A_52 : i32
      %add3A_118 = arith.constant 2 : i32
      %add3A_119 = arith.addi %mul3A_117, %add3A_118 : i32
      %dma_wait3A_120 = arith.constant 0 : i32
      %dma_wait3A_121 = arith.constant 0 : i32
      %dma_wait3A_122 = tpu.memref_slice %arg9[%dma_wait3A_120, %dma_wait3A_121] : memref<2x96xi32, #tpu.memory_space<vmem>> -> memref<1x96xi32, #tpu.memory_space<vmem>>
      %dma_wait3A_123 = tpu.memref_squeeze %dma_wait3A_122 : memref<1x96xi32, #tpu.memory_space<vmem>> -> memref<96xi32, #tpu.memory_space<vmem>>
      %dma_wait3A_124 = arith.constant 0 : i32
      %dma_wait3A_125 = arith.constant 0 : i32
      %dma_wait3A_126 = tpu.memref_slice %arg2[%dma_wait3A_124, %dma_wait3A_125] : memref<20000x128xf32, #tpu.memory_space<hbm>> -> memref<20000x128xf32, #tpu.memory_space<hbm>>
      tpu.wait_indirect_dma semaphore(%arg17 : memref<!tpu.dma_semaphore, #tpu.memory_space<semaphore_mem>>) src(%dma_wait3A_126 : memref<20000x128xf32, #tpu.memory_space<hbm>>) dst(%arg13 : memref<96x128xf32, #tpu.memory_space<vmem>>)
      %dma_start3A_127 = arith.constant 1 : i32
      %dma_start3A_128 = arith.constant 0 : i32
      %dma_start3A_129 = tpu.memref_slice %arg9[%dma_start3A_127, %dma_start3A_128] : memref<2x96xi32, #tpu.memory_space<vmem>> -> memref<1x96xi32, #tpu.memory_space<vmem>>
      %dma_start3A_130 = tpu.memref_squeeze %dma_start3A_129 : memref<1x96xi32, #tpu.memory_space<vmem>> -> memref<96xi32, #tpu.memory_space<vmem>>
      %dma_start3A_131 = arith.constant 0 : i32
      %dma_start3A_132 = arith.constant 0 : i32
      %dma_start3A_133 = tpu.memref_slice %arg6[%dma_start3A_131, %dma_start3A_132] : memref<10112x128xf32, #tpu.memory_space<vmem_shared>> -> memref<10112x128xf32, #tpu.memory_space<vmem_shared>>
      tpu.enqueue_indirect_dma source(%arg13 : memref<96x128xf32, #tpu.memory_space<vmem>>) target(%dma_start3A_133 : memref<10112x128xf32, #tpu.memory_space<vmem_shared>>) offsets(%dma_start3A_130 : memref<96xi32, #tpu.memory_space<vmem>>) semaphore(%arg21 : memref<!tpu.dma_semaphore, #tpu.memory_space<semaphore_mem>>) {add = true}
      %dma_wait3A_134 = arith.constant 0 : i32
      %dma_wait3A_135 = arith.constant 0 : i32
      %dma_wait3A_136 = tpu.memref_slice %arg4[%dma_wait3A_134, %dma_wait3A_135] : memref<10112x128xf32, #tpu.memory_space<hbm>> -> memref<96x128xf32, #tpu.memory_space<hbm>>
      %dma_wait3A_137 = arith.constant 0 : i32
      %dma_wait3A_138 = arith.constant 0 : i32
      %dma_wait3A_139 = tpu.memref_slice %arg4[%dma_wait3A_137, %dma_wait3A_138] : memref<10112x128xf32, #tpu.memory_space<hbm>> -> memref<96x128xf32, #tpu.memory_space<hbm>>
      tpu.wait_dma2 semaphore(%arg19 : memref<!tpu.dma_semaphore, #tpu.memory_space<semaphore_mem>>) src(%dma_wait3A_139 : memref<96x128xf32, #tpu.memory_space<hbm>>) dst(%arg11 : memref<96x128xf32, #tpu.memory_space<vmem>>)
      %add3A_140 = arith.constant 2 : i32
      %add3A_141 = arith.addi %add3A_119, %add3A_140 : i32
      %min3A_142 = arith.constant 215 : i32
      %min3A_143 = arith.minsi %add3A_141, %min3A_142 : i32
      "tpu.region"() ({
        %run_scoped3A_186 = tpu.sem_alloc : memref<!tpu.dma_semaphore, #tpu.memory_space<semaphore_mem>>
        %dma_start3A_187 = arith.constant 0 : i32
        %dma_start3A_188 = arith.constant 0 : i32
        %dma_start3A_189 = arith.constant 0 : i32
        %dma_start3A_190 = arith.constant 0 : i32
        %dma_start3A_191 = tpu.memref_slice %arg3[%arg0, %dma_start3A_187, %dma_start3A_188, %dma_start3A_189, %dma_start3A_190] : memref<2x16x216x2x96xi32, #tpu.memory_space<hbm>> -> memref<1x16x216x2x96xi32, #tpu.memory_space<hbm>>
        %dma_start3A_192 = tpu.memref_squeeze %dma_start3A_191 : memref<1x16x216x2x96xi32, #tpu.memory_space<hbm>> -> memref<16x216x2x96xi32, #tpu.memory_space<hbm>>
        %dma_start3A_193 = arith.constant 0 : i32
        %dma_start3A_194 = arith.constant 0 : i32
        %dma_start3A_195 = arith.constant 0 : i32
        %dma_start3A_196 = tpu.memref_slice %dma_start3A_192[%arg1, %dma_start3A_193, %dma_start3A_194, %dma_start3A_195] : memref<16x216x2x96xi32, #tpu.memory_space<hbm>> -> memref<1x216x2x96xi32, #tpu.memory_space<hbm>>
        %dma_start3A_197 = tpu.memref_squeeze %dma_start3A_196 : memref<1x216x2x96xi32, #tpu.memory_space<hbm>> -> memref<216x2x96xi32, #tpu.memory_space<hbm>>
        %dma_start3A_198 = arith.constant 0 : i32
        %dma_start3A_199 = arith.constant 0 : i32
        %dma_start3A_200 = tpu.memref_slice %dma_start3A_197[%min3A_143, %dma_start3A_198, %dma_start3A_199] : memref<216x2x96xi32, #tpu.memory_space<hbm>> -> memref<1x2x96xi32, #tpu.memory_space<hbm>>
        %dma_start3A_201 = tpu.memref_squeeze %dma_start3A_200 : memref<1x2x96xi32, #tpu.memory_space<hbm>> -> memref<2x96xi32, #tpu.memory_space<hbm>>
        %dma_start3A_202 = arith.constant 0 : i32
        %dma_start3A_203 = arith.constant 0 : i32
        %dma_start3A_204 = arith.constant 0 : i32
        %dma_start3A_205 = arith.constant 0 : i32
        %dma_start3A_206 = tpu.memref_slice %arg3[%arg0, %dma_start3A_202, %dma_start3A_203, %dma_start3A_204, %dma_start3A_205] : memref<2x16x216x2x96xi32, #tpu.memory_space<hbm>> -> memref<1x16x216x2x96xi32, #tpu.memory_space<hbm>>
        %dma_start3A_207 = tpu.memref_squeeze %dma_start3A_206 : memref<1x16x216x2x96xi32, #tpu.memory_space<hbm>> -> memref<16x216x2x96xi32, #tpu.memory_space<hbm>>
        %dma_start3A_208 = arith.constant 0 : i32
        %dma_start3A_209 = arith.constant 0 : i32
        %dma_start3A_210 = arith.constant 0 : i32
        %dma_start3A_211 = tpu.memref_slice %dma_start3A_207[%arg1, %dma_start3A_208, %dma_start3A_209, %dma_start3A_210] : memref<16x216x2x96xi32, #tpu.memory_space<hbm>> -> memref<1x216x2x96xi32, #tpu.memory_space<hbm>>
        %dma_start3A_212 = tpu.memref_squeeze %dma_start3A_211 : memref<1x216x2x96xi32, #tpu.memory_space<hbm>> -> memref<216x2x96xi32, #tpu.memory_space<hbm>>
        %dma_start3A_213 = arith.constant 0 : i32
        %dma_start3A_214 = arith.constant 0 : i32
        %dma_start3A_215 = tpu.memref_slice %dma_start3A_212[%min3A_143, %dma_start3A_213, %dma_start3A_214] : memref<216x2x96xi32, #tpu.memory_space<hbm>> -> memref<1x2x96xi32, #tpu.memory_space<hbm>>
        %dma_start3A_216 = tpu.memref_squeeze %dma_start3A_215 : memref<1x2x96xi32, #tpu.memory_space<hbm>> -> memref<2x96xi32, #tpu.memory_space<hbm>>
        tpu.enqueue_dma source(%dma_start3A_216 : memref<2x96xi32, #tpu.memory_space<hbm>>) target(%arg7 : memref<2x96xi32, #tpu.memory_space<vmem>>) target_semaphore(%run_scoped3A_186 : memref<!tpu.dma_semaphore, #tpu.memory_space<semaphore_mem>>)
        %dma_wait3A_217 = arith.constant 0 : i32
        %dma_wait3A_218 = arith.constant 0 : i32
        %dma_wait3A_219 = arith.constant 0 : i32
        %dma_wait3A_220 = arith.constant 0 : i32
        %dma_wait3A_221 = tpu.memref_slice %arg3[%arg0, %dma_wait3A_217, %dma_wait3A_218, %dma_wait3A_219, %dma_wait3A_220] : memref<2x16x216x2x96xi32, #tpu.memory_space<hbm>> -> memref<1x16x216x2x96xi32, #tpu.memory_space<hbm>>
        %dma_wait3A_222 = tpu.memref_squeeze %dma_wait3A_221 : memref<1x16x216x2x96xi32, #tpu.memory_space<hbm>> -> memref<16x216x2x96xi32, #tpu.memory_space<hbm>>
        %dma_wait3A_223 = arith.constant 0 : i32
        %dma_wait3A_224 = arith.constant 0 : i32
        %dma_wait3A_225 = arith.constant 0 : i32
        %dma_wait3A_226 = tpu.memref_slice %dma_wait3A_222[%arg1, %dma_wait3A_223, %dma_wait3A_224, %dma_wait3A_225] : memref<16x216x2x96xi32, #tpu.memory_space<hbm>> -> memref<1x216x2x96xi32, #tpu.memory_space<hbm>>
        %dma_wait3A_227 = tpu.memref_squeeze %dma_wait3A_226 : memref<1x216x2x96xi32, #tpu.memory_space<hbm>> -> memref<216x2x96xi32, #tpu.memory_space<hbm>>
        %dma_wait3A_228 = arith.constant 0 : i32
        %dma_wait3A_229 = arith.constant 0 : i32
        %dma_wait3A_230 = tpu.memref_slice %dma_wait3A_227[%min3A_143, %dma_wait3A_228, %dma_wait3A_229] : memref<216x2x96xi32, #tpu.memory_space<hbm>> -> memref<1x2x96xi32, #tpu.memory_space<hbm>>
        %dma_wait3A_231 = tpu.memref_squeeze %dma_wait3A_230 : memref<1x2x96xi32, #tpu.memory_space<hbm>> -> memref<2x96xi32, #tpu.memory_space<hbm>>
        %dma_wait3A_232 = arith.constant 0 : i32
        %dma_wait3A_233 = arith.constant 0 : i32
        %dma_wait3A_234 = arith.constant 0 : i32
        %dma_wait3A_235 = arith.constant 0 : i32
        %dma_wait3A_236 = tpu.memref_slice %arg3[%arg0, %dma_wait3A_232, %dma_wait3A_233, %dma_wait3A_234, %dma_wait3A_235] : memref<2x16x216x2x96xi32, #tpu.memory_space<hbm>> -> memref<1x16x216x2x96xi32, #tpu.memory_space<hbm>>
        %dma_wait3A_237 = tpu.memref_squeeze %dma_wait3A_236 : memref<1x16x216x2x96xi32, #tpu.memory_space<hbm>> -> memref<16x216x2x96xi32, #tpu.memory_space<hbm>>
        %dma_wait3A_238 = arith.constant 0 : i32
        %dma_wait3A_239 = arith.constant 0 : i32
        %dma_wait3A_240 = arith.constant 0 : i32
        %dma_wait3A_241 = tpu.memref_slice %dma_wait3A_237[%arg1, %dma_wait3A_238, %dma_wait3A_239, %dma_wait3A_240] : memref<16x216x2x96xi32, #tpu.memory_space<hbm>> -> memref<1x216x2x96xi32, #tpu.memory_space<hbm>>
        %dma_wait3A_242 = tpu.memref_squeeze %dma_wait3A_241 : memref<1x216x2x96xi32, #tpu.memory_space<hbm>> -> memref<216x2x96xi32, #tpu.memory_space<hbm>>
        %dma_wait3A_243 = arith.constant 0 : i32
        %dma_wait3A_244 = arith.constant 0 : i32
        %dma_wait3A_245 = tpu.memref_slice %dma_wait3A_242[%min3A_143, %dma_wait3A_243, %dma_wait3A_244] : memref<216x2x96xi32, #tpu.memory_space<hbm>> -> memref<1x2x96xi32, #tpu.memory_space<hbm>>
        %dma_wait3A_246 = tpu.memref_squeeze %dma_wait3A_245 : memref<1x2x96xi32, #tpu.memory_space<hbm>> -> memref<2x96xi32, #tpu.memory_space<hbm>>
        tpu.wait_dma2 semaphore(%run_scoped3A_186 : memref<!tpu.dma_semaphore, #tpu.memory_space<semaphore_mem>>) src(%dma_wait3A_246 : memref<2x96xi32, #tpu.memory_space<hbm>>) dst(%arg7 : memref<2x96xi32, #tpu.memory_space<vmem>>)
        tpu.yield
      }) : () -> ()
      %dma_start3A_144 = arith.constant 0 : i32
      %dma_start3A_145 = arith.constant 0 : i32
      %dma_start3A_146 = tpu.memref_slice %arg7[%dma_start3A_144, %dma_start3A_145] : memref<2x96xi32, #tpu.memory_space<vmem>> -> memref<1x96xi32, #tpu.memory_space<vmem>>
      %dma_start3A_147 = tpu.memref_squeeze %dma_start3A_146 : memref<1x96xi32, #tpu.memory_space<vmem>> -> memref<96xi32, #tpu.memory_space<vmem>>
      %dma_start3A_148 = arith.constant 0 : i32
      %dma_start3A_149 = arith.constant 0 : i32
      %dma_start3A_150 = tpu.memref_slice %arg2[%dma_start3A_148, %dma_start3A_149] : memref<20000x128xf32, #tpu.memory_space<hbm>> -> memref<20000x128xf32, #tpu.memory_space<hbm>>
      tpu.enqueue_indirect_dma source(%dma_start3A_150 : memref<20000x128xf32, #tpu.memory_space<hbm>>) target(%arg11 : memref<96x128xf32, #tpu.memory_space<vmem>>) offsets(%dma_start3A_147 : memref<96xi32, #tpu.memory_space<vmem>>) semaphore(%arg15 : memref<!tpu.dma_semaphore, #tpu.memory_space<semaphore_mem>>)
      %mul3A_151 = arith.constant 4 : i32
      %mul3A_152 = arith.muli %mul3A_151, %scan3A_52 : i32
      %add3A_153 = arith.constant 3 : i32
      %add3A_154 = arith.addi %mul3A_152, %add3A_153 : i32
      %dma_wait3A_155 = arith.constant 0 : i32
      %dma_wait3A_156 = arith.constant 0 : i32
      %dma_wait3A_157 = tpu.memref_slice %arg10[%dma_wait3A_155, %dma_wait3A_156] : memref<2x96xi32, #tpu.memory_space<vmem>> -> memref<1x96xi32, #tpu.memory_space<vmem>>
      %dma_wait3A_158 = tpu.memref_squeeze %dma_wait3A_157 : memref<1x96xi32, #tpu.memory_space<vmem>> -> memref<96xi32, #tpu.memory_space<vmem>>
      %dma_wait3A_159 = arith.constant 0 : i32
      %dma_wait3A_160 = arith.constant 0 : i32
      %dma_wait3A_161 = tpu.memref_slice %arg2[%dma_wait3A_159, %dma_wait3A_160] : memref<20000x128xf32, #tpu.memory_space<hbm>> -> memref<20000x128xf32, #tpu.memory_space<hbm>>
      tpu.wait_indirect_dma semaphore(%arg18 : memref<!tpu.dma_semaphore, #tpu.memory_space<semaphore_mem>>) src(%dma_wait3A_161 : memref<20000x128xf32, #tpu.memory_space<hbm>>) dst(%arg14 : memref<96x128xf32, #tpu.memory_space<vmem>>)
      %dma_start3A_162 = arith.constant 1 : i32
      %dma_start3A_163 = arith.constant 0 : i32
      %dma_start3A_164 = tpu.memref_slice %arg10[%dma_start3A_162, %dma_start3A_163] : memref<2x96xi32, #tpu.memory_space<vmem>> -> memref<1x96xi32, #tpu.memory_space<vmem>>
      %dma_start3A_165 = tpu.memref_squeeze %dma_start3A_164 : memref<1x96xi32, #tpu.memory_space<vmem>> -> memref<96xi32, #tpu.memory_space<vmem>>
      %dma_start3A_166 = arith.constant 0 : i32
      %dma_start3A_167 = arith.constant 0 : i32
      %dma_start3A_168 = tpu.memref_slice %arg6[%dma_start3A_166, %dma_start3A_167] : memref<10112x128xf32, #tpu.memory_space<vmem_shared>> -> memref<10112x128xf32, #tpu.memory_space<vmem_shared>>
      tpu.enqueue_indirect_dma source(%arg14 : memref<96x128xf32, #tpu.memory_space<vmem>>) target(%dma_start3A_168 : memref<10112x128xf32, #tpu.memory_space<vmem_shared>>) offsets(%dma_start3A_165 : memref<96xi32, #tpu.memory_space<vmem>>) semaphore(%arg22 : memref<!tpu.dma_semaphore, #tpu.memory_space<semaphore_mem>>) {add = true}
      %dma_wait3A_169 = arith.constant 0 : i32
      %dma_wait3A_170 = arith.constant 0 : i32
      %dma_wait3A_171 = tpu.memref_slice %arg4[%dma_wait3A_169, %dma_wait3A_170] : memref<10112x128xf32, #tpu.memory_space<hbm>> -> memref<96x128xf32, #tpu.memory_space<hbm>>
      %dma_wait3A_172 = arith.constant 0 : i32
      %dma_wait3A_173 = arith.constant 0 : i32
      %dma_wait3A_174 = tpu.memref_slice %arg4[%dma_wait3A_172, %dma_wait3A_173] : memref<10112x128xf32, #tpu.memory_space<hbm>> -> memref<96x128xf32, #tpu.memory_space<hbm>>
      tpu.wait_dma2 semaphore(%arg20 : memref<!tpu.dma_semaphore, #tpu.memory_space<semaphore_mem>>) src(%dma_wait3A_174 : memref<96x128xf32, #tpu.memory_space<hbm>>) dst(%arg12 : memref<96x128xf32, #tpu.memory_space<vmem>>)
      %add3A_175 = arith.constant 2 : i32
      %add3A_176 = arith.addi %add3A_154, %add3A_175 : i32
      %min3A_177 = arith.constant 215 : i32
      %min3A_178 = arith.minsi %add3A_176, %min3A_177 : i32
      "tpu.region"() ({
        %run_scoped3A_186 = tpu.sem_alloc : memref<!tpu.dma_semaphore, #tpu.memory_space<semaphore_mem>>
        %dma_start3A_187 = arith.constant 0 : i32
        %dma_start3A_188 = arith.constant 0 : i32
        %dma_start3A_189 = arith.constant 0 : i32
        %dma_start3A_190 = arith.constant 0 : i32
        %dma_start3A_191 = tpu.memref_slice %arg3[%arg0, %dma_start3A_187, %dma_start3A_188, %dma_start3A_189, %dma_start3A_190] : memref<2x16x216x2x96xi32, #tpu.memory_space<hbm>> -> memref<1x16x216x2x96xi32, #tpu.memory_space<hbm>>
        %dma_start3A_192 = tpu.memref_squeeze %dma_start3A_191 : memref<1x16x216x2x96xi32, #tpu.memory_space<hbm>> -> memref<16x216x2x96xi32, #tpu.memory_space<hbm>>
        %dma_start3A_193 = arith.constant 0 : i32
        %dma_start3A_194 = arith.constant 0 : i32
        %dma_start3A_195 = arith.constant 0 : i32
        %dma_start3A_196 = tpu.memref_slice %dma_start3A_192[%arg1, %dma_start3A_193, %dma_start3A_194, %dma_start3A_195] : memref<16x216x2x96xi32, #tpu.memory_space<hbm>> -> memref<1x216x2x96xi32, #tpu.memory_space<hbm>>
        %dma_start3A_197 = tpu.memref_squeeze %dma_start3A_196 : memref<1x216x2x96xi32, #tpu.memory_space<hbm>> -> memref<216x2x96xi32, #tpu.memory_space<hbm>>
        %dma_start3A_198 = arith.constant 0 : i32
        %dma_start3A_199 = arith.constant 0 : i32
        %dma_start3A_200 = tpu.memref_slice %dma_start3A_197[%min3A_178, %dma_start3A_198, %dma_start3A_199] : memref<216x2x96xi32, #tpu.memory_space<hbm>> -> memref<1x2x96xi32, #tpu.memory_space<hbm>>
        %dma_start3A_201 = tpu.memref_squeeze %dma_start3A_200 : memref<1x2x96xi32, #tpu.memory_space<hbm>> -> memref<2x96xi32, #tpu.memory_space<hbm>>
        %dma_start3A_202 = arith.constant 0 : i32
        %dma_start3A_203 = arith.constant 0 : i32
        %dma_start3A_204 = arith.constant 0 : i32
        %dma_start3A_205 = arith.constant 0 : i32
        %dma_start3A_206 = tpu.memref_slice %arg3[%arg0, %dma_start3A_202, %dma_start3A_203, %dma_start3A_204, %dma_start3A_205] : memref<2x16x216x2x96xi32, #tpu.memory_space<hbm>> -> memref<1x16x216x2x96xi32, #tpu.memory_space<hbm>>
        %dma_start3A_207 = tpu.memref_squeeze %dma_start3A_206 : memref<1x16x216x2x96xi32, #tpu.memory_space<hbm>> -> memref<16x216x2x96xi32, #tpu.memory_space<hbm>>
        %dma_start3A_208 = arith.constant 0 : i32
        %dma_start3A_209 = arith.constant 0 : i32
        %dma_start3A_210 = arith.constant 0 : i32
        %dma_start3A_211 = tpu.memref_slice %dma_start3A_207[%arg1, %dma_start3A_208, %dma_start3A_209, %dma_start3A_210] : memref<16x216x2x96xi32, #tpu.memory_space<hbm>> -> memref<1x216x2x96xi32, #tpu.memory_space<hbm>>
        %dma_start3A_212 = tpu.memref_squeeze %dma_start3A_211 : memref<1x216x2x96xi32, #tpu.memory_space<hbm>> -> memref<216x2x96xi32, #tpu.memory_space<hbm>>
        %dma_start3A_213 = arith.constant 0 : i32
        %dma_start3A_214 = arith.constant 0 : i32
        %dma_start3A_215 = tpu.memref_slice %dma_start3A_212[%min3A_178, %dma_start3A_213, %dma_start3A_214] : memref<216x2x96xi32, #tpu.memory_space<hbm>> -> memref<1x2x96xi32, #tpu.memory_space<hbm>>
        %dma_start3A_216 = tpu.memref_squeeze %dma_start3A_215 : memref<1x2x96xi32, #tpu.memory_space<hbm>> -> memref<2x96xi32, #tpu.memory_space<hbm>>
        tpu.enqueue_dma source(%dma_start3A_216 : memref<2x96xi32, #tpu.memory_space<hbm>>) target(%arg8 : memref<2x96xi32, #tpu.memory_space<vmem>>) target_semaphore(%run_scoped3A_186 : memref<!tpu.dma_semaphore, #tpu.memory_space<semaphore_mem>>)
        %dma_wait3A_217 = arith.constant 0 : i32
        %dma_wait3A_218 = arith.constant 0 : i32
        %dma_wait3A_219 = arith.constant 0 : i32
        %dma_wait3A_220 = arith.constant 0 : i32
        %dma_wait3A_221 = tpu.memref_slice %arg3[%arg0, %dma_wait3A_217, %dma_wait3A_218, %dma_wait3A_219, %dma_wait3A_220] : memref<2x16x216x2x96xi32, #tpu.memory_space<hbm>> -> memref<1x16x216x2x96xi32, #tpu.memory_space<hbm>>
        %dma_wait3A_222 = tpu.memref_squeeze %dma_wait3A_221 : memref<1x16x216x2x96xi32, #tpu.memory_space<hbm>> -> memref<16x216x2x96xi32, #tpu.memory_space<hbm>>
        %dma_wait3A_223 = arith.constant 0 : i32
        %dma_wait3A_224 = arith.constant 0 : i32
        %dma_wait3A_225 = arith.constant 0 : i32
        %dma_wait3A_226 = tpu.memref_slice %dma_wait3A_222[%arg1, %dma_wait3A_223, %dma_wait3A_224, %dma_wait3A_225] : memref<16x216x2x96xi32, #tpu.memory_space<hbm>> -> memref<1x216x2x96xi32, #tpu.memory_space<hbm>>
        %dma_wait3A_227 = tpu.memref_squeeze %dma_wait3A_226 : memref<1x216x2x96xi32, #tpu.memory_space<hbm>> -> memref<216x2x96xi32, #tpu.memory_space<hbm>>
        %dma_wait3A_228 = arith.constant 0 : i32
        %dma_wait3A_229 = arith.constant 0 : i32
        %dma_wait3A_230 = tpu.memref_slice %dma_wait3A_227[%min3A_178, %dma_wait3A_228, %dma_wait3A_229] : memref<216x2x96xi32, #tpu.memory_space<hbm>> -> memref<1x2x96xi32, #tpu.memory_space<hbm>>
        %dma_wait3A_231 = tpu.memref_squeeze %dma_wait3A_230 : memref<1x2x96xi32, #tpu.memory_space<hbm>> -> memref<2x96xi32, #tpu.memory_space<hbm>>
        %dma_wait3A_232 = arith.constant 0 : i32
        %dma_wait3A_233 = arith.constant 0 : i32
        %dma_wait3A_234 = arith.constant 0 : i32
        %dma_wait3A_235 = arith.constant 0 : i32
        %dma_wait3A_236 = tpu.memref_slice %arg3[%arg0, %dma_wait3A_232, %dma_wait3A_233, %dma_wait3A_234, %dma_wait3A_235] : memref<2x16x216x2x96xi32, #tpu.memory_space<hbm>> -> memref<1x16x216x2x96xi32, #tpu.memory_space<hbm>>
        %dma_wait3A_237 = tpu.memref_squeeze %dma_wait3A_236 : memref<1x16x216x2x96xi32, #tpu.memory_space<hbm>> -> memref<16x216x2x96xi32, #tpu.memory_space<hbm>>
        %dma_wait3A_238 = arith.constant 0 : i32
        %dma_wait3A_239 = arith.constant 0 : i32
        %dma_wait3A_240 = arith.constant 0 : i32
        %dma_wait3A_241 = tpu.memref_slice %dma_wait3A_237[%arg1, %dma_wait3A_238, %dma_wait3A_239, %dma_wait3A_240] : memref<16x216x2x96xi32, #tpu.memory_space<hbm>> -> memref<1x216x2x96xi32, #tpu.memory_space<hbm>>
        %dma_wait3A_242 = tpu.memref_squeeze %dma_wait3A_241 : memref<1x216x2x96xi32, #tpu.memory_space<hbm>> -> memref<216x2x96xi32, #tpu.memory_space<hbm>>
        %dma_wait3A_243 = arith.constant 0 : i32
        %dma_wait3A_244 = arith.constant 0 : i32
        %dma_wait3A_245 = tpu.memref_slice %dma_wait3A_242[%min3A_178, %dma_wait3A_243, %dma_wait3A_244] : memref<216x2x96xi32, #tpu.memory_space<hbm>> -> memref<1x2x96xi32, #tpu.memory_space<hbm>>
        %dma_wait3A_246 = tpu.memref_squeeze %dma_wait3A_245 : memref<1x2x96xi32, #tpu.memory_space<hbm>> -> memref<2x96xi32, #tpu.memory_space<hbm>>
        tpu.wait_dma2 semaphore(%run_scoped3A_186 : memref<!tpu.dma_semaphore, #tpu.memory_space<semaphore_mem>>) src(%dma_wait3A_246 : memref<2x96xi32, #tpu.memory_space<hbm>>) dst(%arg8 : memref<2x96xi32, #tpu.memory_space<vmem>>)
        tpu.yield
      }) : () -> ()
      %dma_start3A_179 = arith.constant 0 : i32
      %dma_start3A_180 = arith.constant 0 : i32
      %dma_start3A_181 = tpu.memref_slice %arg8[%dma_start3A_179, %dma_start3A_180] : memref<2x96xi32, #tpu.memory_space<vmem>> -> memref<1x96xi32, #tpu.memory_space<vmem>>
      %dma_start3A_182 = tpu.memref_squeeze %dma_start3A_181 : memref<1x96xi32, #tpu.memory_space<vmem>> -> memref<96xi32, #tpu.memory_space<vmem>>
      %dma_start3A_183 = arith.constant 0 : i32
      %dma_start3A_184 = arith.constant 0 : i32
      %dma_start3A_185 = tpu.memref_slice %arg2[%dma_start3A_183, %dma_start3A_184] : memref<20000x128xf32, #tpu.memory_space<hbm>> -> memref<20000x128xf32, #tpu.memory_space<hbm>>
      tpu.enqueue_indirect_dma source(%dma_start3A_185 : memref<20000x128xf32, #tpu.memory_space<hbm>>) target(%arg12 : memref<96x128xf32, #tpu.memory_space<vmem>>) offsets(%dma_start3A_182 : memref<96xi32, #tpu.memory_space<vmem>>) semaphore(%arg16 : memref<!tpu.dma_semaphore, #tpu.memory_space<semaphore_mem>>)
    }
    %scan3A_21 = arith.constant 54 : i32
    %dma_wait3A = arith.constant 0 : i32
    %dma_wait3A_22 = arith.constant 0 : i32
    %dma_wait3A_23 = tpu.memref_slice %arg7[%dma_wait3A, %dma_wait3A_22] : memref<2x96xi32, #tpu.memory_space<vmem>> -> memref<1x96xi32, #tpu.memory_space<vmem>>
    %dma_wait3A_24 = tpu.memref_squeeze %dma_wait3A_23 : memref<1x96xi32, #tpu.memory_space<vmem>> -> memref<96xi32, #tpu.memory_space<vmem>>
    %dma_wait3A_25 = arith.constant 0 : i32
    %dma_wait3A_26 = arith.constant 0 : i32
    %dma_wait3A_27 = tpu.memref_slice %arg2[%dma_wait3A_25, %dma_wait3A_26] : memref<20000x128xf32, #tpu.memory_space<hbm>> -> memref<20000x128xf32, #tpu.memory_space<hbm>>
    tpu.wait_indirect_dma semaphore(%arg15 : memref<!tpu.dma_semaphore, #tpu.memory_space<semaphore_mem>>) src(%dma_wait3A_27 : memref<20000x128xf32, #tpu.memory_space<hbm>>) dst(%arg11 : memref<96x128xf32, #tpu.memory_space<vmem>>)
    %dma_wait3A_28 = arith.constant 0 : i32
    %dma_wait3A_29 = arith.constant 0 : i32
    %dma_wait3A_30 = tpu.memref_slice %arg8[%dma_wait3A_28, %dma_wait3A_29] : memref<2x96xi32, #tpu.memory_space<vmem>> -> memref<1x96xi32, #tpu.memory_space<vmem>>
    %dma_wait3A_31 = tpu.memref_squeeze %dma_wait3A_30 : memref<1x96xi32, #tpu.memory_space<vmem>> -> memref<96xi32, #tpu.memory_space<vmem>>
    %dma_wait3A_32 = arith.constant 0 : i32
    %dma_wait3A_33 = arith.constant 0 : i32
    %dma_wait3A_34 = tpu.memref_slice %arg2[%dma_wait3A_32, %dma_wait3A_33] : memref<20000x128xf32, #tpu.memory_space<hbm>> -> memref<20000x128xf32, #tpu.memory_space<hbm>>
    tpu.wait_indirect_dma semaphore(%arg16 : memref<!tpu.dma_semaphore, #tpu.memory_space<semaphore_mem>>) src(%dma_wait3A_34 : memref<20000x128xf32, #tpu.memory_space<hbm>>) dst(%arg12 : memref<96x128xf32, #tpu.memory_space<vmem>>)
    %dma_wait3A_35 = arith.constant 0 : i32
    %dma_wait3A_36 = arith.constant 0 : i32
    %dma_wait3A_37 = tpu.memref_slice %arg4[%dma_wait3A_35, %dma_wait3A_36] : memref<10112x128xf32, #tpu.memory_space<hbm>> -> memref<96x128xf32, #tpu.memory_space<hbm>>
    %dma_wait3A_38 = arith.constant 0 : i32
    %dma_wait3A_39 = arith.constant 0 : i32
    %dma_wait3A_40 = tpu.memref_slice %arg4[%dma_wait3A_38, %dma_wait3A_39] : memref<10112x128xf32, #tpu.memory_space<hbm>> -> memref<96x128xf32, #tpu.memory_space<hbm>>
    tpu.wait_dma2 semaphore(%arg21 : memref<!tpu.dma_semaphore, #tpu.memory_space<semaphore_mem>>) src(%dma_wait3A_40 : memref<96x128xf32, #tpu.memory_space<hbm>>) dst(%arg13 : memref<96x128xf32, #tpu.memory_space<vmem>>)
    %dma_wait3A_41 = arith.constant 0 : i32
    %dma_wait3A_42 = arith.constant 0 : i32
    %dma_wait3A_43 = tpu.memref_slice %arg4[%dma_wait3A_41, %dma_wait3A_42] : memref<10112x128xf32, #tpu.memory_space<hbm>> -> memref<96x128xf32, #tpu.memory_space<hbm>>
    %dma_wait3A_44 = arith.constant 0 : i32
    %dma_wait3A_45 = arith.constant 0 : i32
    %dma_wait3A_46 = tpu.memref_slice %arg4[%dma_wait3A_44, %dma_wait3A_45] : memref<10112x128xf32, #tpu.memory_space<hbm>> -> memref<96x128xf32, #tpu.memory_space<hbm>>
    tpu.wait_dma2 semaphore(%arg22 : memref<!tpu.dma_semaphore, #tpu.memory_space<semaphore_mem>>) src(%dma_wait3A_46 : memref<96x128xf32, #tpu.memory_space<hbm>>) dst(%arg14 : memref<96x128xf32, #tpu.memory_space<vmem>>)
    %barrier3A_47 = arith.constant 0 : index
    tpu.barrier barrier_id(%barrier3A_47)
    %mul3A_48 = arith.constant 632 : i32
    %mul3A_49 = arith.muli %arg1, %mul3A_48 : i32
    %mul3A_50 = arith.constant 632 : i32
    %mul3A_51 = arith.muli %arg1, %mul3A_50 : i32
    "tpu.region"() ({
      %run_scoped3A_52 = tpu.sem_alloc : memref<!tpu.dma_semaphore, #tpu.memory_space<semaphore_mem>>
      %dma_start3A_53 = arith.constant 0 : i32
      %dma_start3A_54 = arith.constant 0 : i32
      %dma_start3A_55 = tpu.memref_slice %arg5[%arg0, %dma_start3A_53, %dma_start3A_54] : memref<2x10112x128xf32, #tpu.memory_space<hbm>> -> memref<1x10112x128xf32, #tpu.memory_space<hbm>>
      %dma_start3A_56 = tpu.memref_squeeze %dma_start3A_55 : memref<1x10112x128xf32, #tpu.memory_space<hbm>> -> memref<10112x128xf32, #tpu.memory_space<hbm>>
      %dma_start3A_57 = arith.constant 0 : i32
      %dma_start3A_58 = tpu.memref_slice %dma_start3A_56[%mul3A_51, %dma_start3A_57] : memref<10112x128xf32, #tpu.memory_space<hbm>> -> memref<632x128xf32, #tpu.memory_space<hbm>>
      %dma_start3A_59 = arith.constant 0 : i32
      %dma_start3A_60 = tpu.memref_slice %arg6[%mul3A_49, %dma_start3A_59] : memref<10112x128xf32, #tpu.memory_space<vmem_shared>> -> memref<632x128xf32, #tpu.memory_space<vmem_shared>>
      tpu.enqueue_dma source(%dma_start3A_60 : memref<632x128xf32, #tpu.memory_space<vmem_shared>>) target(%dma_start3A_58 : memref<632x128xf32, #tpu.memory_space<hbm>>) target_semaphore(%run_scoped3A_52 : memref<!tpu.dma_semaphore, #tpu.memory_space<semaphore_mem>>)
      %dma_wait3A_61 = arith.constant 0 : i32
      %dma_wait3A_62 = arith.constant 0 : i32
      %dma_wait3A_63 = tpu.memref_slice %arg5[%arg0, %dma_wait3A_61, %dma_wait3A_62] : memref<2x10112x128xf32, #tpu.memory_space<hbm>> -> memref<1x10112x128xf32, #tpu.memory_space<hbm>>
      %dma_wait3A_64 = tpu.memref_squeeze %dma_wait3A_63 : memref<1x10112x128xf32, #tpu.memory_space<hbm>> -> memref<10112x128xf32, #tpu.memory_space<hbm>>
      %dma_wait3A_65 = arith.constant 0 : i32
      %dma_wait3A_66 = tpu.memref_slice %dma_wait3A_64[%mul3A_51, %dma_wait3A_65] : memref<10112x128xf32, #tpu.memory_space<hbm>> -> memref<632x128xf32, #tpu.memory_space<hbm>>
      %dma_wait3A_67 = arith.constant 0 : i32
      %dma_wait3A_68 = tpu.memref_slice %arg6[%mul3A_49, %dma_wait3A_67] : memref<10112x128xf32, #tpu.memory_space<vmem_shared>> -> memref<632x128xf32, #tpu.memory_space<vmem_shared>>
      tpu.wait_dma2 semaphore(%run_scoped3A_52 : memref<!tpu.dma_semaphore, #tpu.memory_space<semaphore_mem>>) src(%dma_wait3A_68 : memref<632x128xf32, #tpu.memory_space<vmem_shared>>) dst(%dma_wait3A_66 : memref<632x128xf32, #tpu.memory_space<hbm>>)
      tpu.yield
    }) : () -> ()
    return
  }
}

#map = affine_map<(d0, d1) -> (0, 0)>
#map1 = affine_map<(d0, d1) -> (0, 0, 0, 0, 0)>
#map2 = affine_map<(d0, d1) -> (0, 0, 0)>
module attributes {stable_mosaic.version = 14 : i64} {
  func.func @prop_k(%arg0: i32, %arg1: i32, %arg2: memref<20000x128xf32, #tpu.memory_space<hbm>>, %arg3: memref<2x16x216x2x96xi32, #tpu.memory_space<hbm>>, %arg4: memref<10112x128xf32, #tpu.memory_space<hbm>>, %arg5: memref<2x10112x128xf32, #tpu.memory_space<hbm>>, %arg6: memref<10112x128xf32, #tpu.memory_space<vmem_shared>>, %arg7: memref<2x96xi32, #tpu.memory_space<vmem>>, %arg8: memref<2x96xi32, #tpu.memory_space<vmem>>, %arg9: memref<2x96xi32, #tpu.memory_space<vmem>>, %arg10: memref<2x96xi32, #tpu.memory_space<vmem>>, %arg11: memref<96x128xf32, #tpu.memory_space<vmem>>, %arg12: memref<96x128xf32, #tpu.memory_space<vmem>>, %arg13: memref<96x128xf32, #tpu.memory_space<vmem>>, %arg14: memref<96x128xf32, #tpu.memory_space<vmem>>, %arg15: memref<!tpu.dma_semaphore, #tpu.memory_space<semaphore_mem>>, %arg16: memref<!tpu.dma_semaphore, #tpu.memory_space<semaphore_mem>>, %arg17: memref<!tpu.dma_semaphore, #tpu.memory_space<semaphore_mem>>, %arg18: memref<!tpu.dma_semaphore, #tpu.memory_space<semaphore_mem>>, %arg19: memref<!tpu.dma_semaphore, #tpu.memory_space<semaphore_mem>>, %arg20: memref<!tpu.dma_semaphore, #tpu.memory_space<semaphore_mem>>, %arg21: memref<!tpu.dma_semaphore, #tpu.memory_space<semaphore_mem>>, %arg22: memref<!tpu.dma_semaphore, #tpu.memory_space<semaphore_mem>>) attributes {dimension_semantics = [#tpu.dimension_semantics<core_parallel>, #tpu.dimension_semantics<subcore_parallel>], iteration_bounds = array<i64: 2, 16>, scalar_prefetch = 0 : i64, scratch_operands = 17 : i64, tpu.core_type = #tpu.core_type<sc_vector_subcore>, window_params = [{transform_indices = #map}, {transform_indices = #map1}, {transform_indices = #map}, {transform_indices = #map2}]} {
    %mul3A = arith.constant 632 : i32
    %mul3A_0 = arith.muli %arg1, %mul3A : i32
    %mul3A_1 = arith.constant 632 : i32
    %mul3A_2 = arith.muli %arg1, %mul3A_1 : i32
    "tpu.region"() ({
      %run_scoped3A_52 = tpu.sem_alloc : memref<!tpu.dma_semaphore, #tpu.memory_space<semaphore_mem>>
      %dma_start3A_53 = arith.constant 0 : i32
      %dma_start3A_54 = tpu.memref_slice %arg6[%mul3A_2, %dma_start3A_53] : memref<10112x128xf32, #tpu.memory_space<vmem_shared>> -> memref<632x128xf32, #tpu.memory_space<vmem_shared>>
      %dma_start3A_55 = arith.constant 0 : i32
      %dma_start3A_56 = tpu.memref_slice %arg4[%mul3A_0, %dma_start3A_55] : memref<10112x128xf32, #tpu.memory_space<hbm>> -> memref<632x128xf32, #tpu.memory_space<hbm>>
      tpu.enqueue_dma source(%dma_start3A_56 : memref<632x128xf32, #tpu.memory_space<hbm>>) target(%dma_start3A_54 : memref<632x128xf32, #tpu.memory_space<vmem_shared>>) target_semaphore(%run_scoped3A_52 : memref<!tpu.dma_semaphore, #tpu.memory_space<semaphore_mem>>)
      %dma_wait3A_57 = arith.constant 0 : i32
      %dma_wait3A_58 = tpu.memref_slice %arg6[%mul3A_2, %dma_wait3A_57] : memref<10112x128xf32, #tpu.memory_space<vmem_shared>> -> memref<632x128xf32, #tpu.memory_space<vmem_shared>>
      %dma_wait3A_59 = arith.constant 0 : i32
      %dma_wait3A_60 = tpu.memref_slice %arg4[%mul3A_0, %dma_wait3A_59] : memref<10112x128xf32, #tpu.memory_space<hbm>> -> memref<632x128xf32, #tpu.memory_space<hbm>>
      tpu.wait_dma2 semaphore(%run_scoped3A_52 : memref<!tpu.dma_semaphore, #tpu.memory_space<semaphore_mem>>) src(%dma_wait3A_60 : memref<632x128xf32, #tpu.memory_space<hbm>>) dst(%dma_wait3A_58 : memref<632x128xf32, #tpu.memory_space<vmem_shared>>)
      tpu.yield
    }) : () -> ()
    %barrier3A = arith.constant 0 : index
    tpu.barrier barrier_id(%barrier3A)
    %run_scoped3A = arith.constant 0 : i32
    "tpu.region"() ({
      %run_scoped3A_52 = tpu.sem_alloc : memref<!tpu.dma_semaphore, #tpu.memory_space<semaphore_mem>>
      %dma_start3A_53 = arith.constant 0 : i32
      %dma_start3A_54 = arith.constant 0 : i32
      %dma_start3A_55 = arith.constant 0 : i32
      %dma_start3A_56 = arith.constant 0 : i32
      %dma_start3A_57 = tpu.memref_slice %arg3[%arg0, %dma_start3A_53, %dma_start3A_54, %dma_start3A_55, %dma_start3A_56] : memref<2x16x216x2x96xi32, #tpu.memory_space<hbm>> -> memref<1x16x216x2x96xi32, #tpu.memory_space<hbm>>
      %dma_start3A_58 = tpu.memref_squeeze %dma_start3A_57 : memref<1x16x216x2x96xi32, #tpu.memory_space<hbm>> -> memref<16x216x2x96xi32, #tpu.memory_space<hbm>>
      %dma_start3A_59 = arith.constant 0 : i32
      %dma_start3A_60 = arith.constant 0 : i32
      %dma_start3A_61 = arith.constant 0 : i32
      %dma_start3A_62 = tpu.memref_slice %dma_start3A_58[%arg1, %dma_start3A_59, %dma_start3A_60, %dma_start3A_61] : memref<16x216x2x96xi32, #tpu.memory_space<hbm>> -> memref<1x216x2x96xi32, #tpu.memory_space<hbm>>
      %dma_start3A_63 = tpu.memref_squeeze %dma_start3A_62 : memref<1x216x2x96xi32, #tpu.memory_space<hbm>> -> memref<216x2x96xi32, #tpu.memory_space<hbm>>
      %dma_start3A_64 = arith.constant 0 : i32
      %dma_start3A_65 = arith.constant 0 : i32
      %dma_start3A_66 = tpu.memref_slice %dma_start3A_63[%run_scoped3A, %dma_start3A_64, %dma_start3A_65] : memref<216x2x96xi32, #tpu.memory_space<hbm>> -> memref<1x2x96xi32, #tpu.memory_space<hbm>>
      %dma_start3A_67 = tpu.memref_squeeze %dma_start3A_66 : memref<1x2x96xi32, #tpu.memory_space<hbm>> -> memref<2x96xi32, #tpu.memory_space<hbm>>
      %dma_start3A_68 = arith.constant 0 : i32
      %dma_start3A_69 = arith.constant 0 : i32
      %dma_start3A_70 = arith.constant 0 : i32
      %dma_start3A_71 = arith.constant 0 : i32
      %dma_start3A_72 = tpu.memref_slice %arg3[%arg0, %dma_start3A_68, %dma_start3A_69, %dma_start3A_70, %dma_start3A_71] : memref<2x16x216x2x96xi32, #tpu.memory_space<hbm>> -> memref<1x16x216x2x96xi32, #tpu.memory_space<hbm>>
      %dma_start3A_73 = tpu.memref_squeeze %dma_start3A_72 : memref<1x16x216x2x96xi32, #tpu.memory_space<hbm>> -> memref<16x216x2x96xi32, #tpu.memory_space<hbm>>
      %dma_start3A_74 = arith.constant 0 : i32
      %dma_start3A_75 = arith.constant 0 : i32
      %dma_start3A_76 = arith.constant 0 : i32
      %dma_start3A_77 = tpu.memref_slice %dma_start3A_73[%arg1, %dma_start3A_74, %dma_start3A_75, %dma_start3A_76] : memref<16x216x2x96xi32, #tpu.memory_space<hbm>> -> memref<1x216x2x96xi32, #tpu.memory_space<hbm>>
      %dma_start3A_78 = tpu.memref_squeeze %dma_start3A_77 : memref<1x216x2x96xi32, #tpu.memory_space<hbm>> -> memref<216x2x96xi32, #tpu.memory_space<hbm>>
      %dma_start3A_79 = arith.constant 0 : i32
      %dma_start3A_80 = arith.constant 0 : i32
      %dma_start3A_81 = tpu.memref_slice %dma_start3A_78[%run_scoped3A, %dma_start3A_79, %dma_start3A_80] : memref<216x2x96xi32, #tpu.memory_space<hbm>> -> memref<1x2x96xi32, #tpu.memory_space<hbm>>
      %dma_start3A_82 = tpu.memref_squeeze %dma_start3A_81 : memref<1x2x96xi32, #tpu.memory_space<hbm>> -> memref<2x96xi32, #tpu.memory_space<hbm>>
      tpu.enqueue_dma source(%dma_start3A_82 : memref<2x96xi32, #tpu.memory_space<hbm>>) target(%arg7 : memref<2x96xi32, #tpu.memory_space<vmem>>) target_semaphore(%run_scoped3A_52 : memref<!tpu.dma_semaphore, #tpu.memory_space<semaphore_mem>>)
      %dma_wait3A_83 = arith.constant 0 : i32
      %dma_wait3A_84 = arith.constant 0 : i32
      %dma_wait3A_85 = arith.constant 0 : i32
      %dma_wait3A_86 = arith.constant 0 : i32
      %dma_wait3A_87 = tpu.memref_slice %arg3[%arg0, %dma_wait3A_83, %dma_wait3A_84, %dma_wait3A_85, %dma_wait3A_86] : memref<2x16x216x2x96xi32, #tpu.memory_space<hbm>> -> memref<1x16x216x2x96xi32, #tpu.memory_space<hbm>>
      %dma_wait3A_88 = tpu.memref_squeeze %dma_wait3A_87 : memref<1x16x216x2x96xi32, #tpu.memory_space<hbm>> -> memref<16x216x2x96xi32, #tpu.memory_space<hbm>>
      %dma_wait3A_89 = arith.constant 0 : i32
      %dma_wait3A_90 = arith.constant 0 : i32
      %dma_wait3A_91 = arith.constant 0 : i32
      %dma_wait3A_92 = tpu.memref_slice %dma_wait3A_88[%arg1, %dma_wait3A_89, %dma_wait3A_90, %dma_wait3A_91] : memref<16x216x2x96xi32, #tpu.memory_space<hbm>> -> memref<1x216x2x96xi32, #tpu.memory_space<hbm>>
      %dma_wait3A_93 = tpu.memref_squeeze %dma_wait3A_92 : memref<1x216x2x96xi32, #tpu.memory_space<hbm>> -> memref<216x2x96xi32, #tpu.memory_space<hbm>>
      %dma_wait3A_94 = arith.constant 0 : i32
      %dma_wait3A_95 = arith.constant 0 : i32
      %dma_wait3A_96 = tpu.memref_slice %dma_wait3A_93[%run_scoped3A, %dma_wait3A_94, %dma_wait3A_95] : memref<216x2x96xi32, #tpu.memory_space<hbm>> -> memref<1x2x96xi32, #tpu.memory_space<hbm>>
      %dma_wait3A_97 = tpu.memref_squeeze %dma_wait3A_96 : memref<1x2x96xi32, #tpu.memory_space<hbm>> -> memref<2x96xi32, #tpu.memory_space<hbm>>
      %dma_wait3A_98 = arith.constant 0 : i32
      %dma_wait3A_99 = arith.constant 0 : i32
      %dma_wait3A_100 = arith.constant 0 : i32
      %dma_wait3A_101 = arith.constant 0 : i32
      %dma_wait3A_102 = tpu.memref_slice %arg3[%arg0, %dma_wait3A_98, %dma_wait3A_99, %dma_wait3A_100, %dma_wait3A_101] : memref<2x16x216x2x96xi32, #tpu.memory_space<hbm>> -> memref<1x16x216x2x96xi32, #tpu.memory_space<hbm>>
      %dma_wait3A_103 = tpu.memref_squeeze %dma_wait3A_102 : memref<1x16x216x2x96xi32, #tpu.memory_space<hbm>> -> memref<16x216x2x96xi32, #tpu.memory_space<hbm>>
      %dma_wait3A_104 = arith.constant 0 : i32
      %dma_wait3A_105 = arith.constant 0 : i32
      %dma_wait3A_106 = arith.constant 0 : i32
      %dma_wait3A_107 = tpu.memref_slice %dma_wait3A_103[%arg1, %dma_wait3A_104, %dma_wait3A_105, %dma_wait3A_106] : memref<16x216x2x96xi32, #tpu.memory_space<hbm>> -> memref<1x216x2x96xi32, #tpu.memory_space<hbm>>
      %dma_wait3A_108 = tpu.memref_squeeze %dma_wait3A_107 : memref<1x216x2x96xi32, #tpu.memory_space<hbm>> -> memref<216x2x96xi32, #tpu.memory_space<hbm>>
      %dma_wait3A_109 = arith.constant 0 : i32
      %dma_wait3A_110 = arith.constant 0 : i32
      %dma_wait3A_111 = tpu.memref_slice %dma_wait3A_108[%run_scoped3A, %dma_wait3A_109, %dma_wait3A_110] : memref<216x2x96xi32, #tpu.memory_space<hbm>> -> memref<1x2x96xi32, #tpu.memory_space<hbm>>
      %dma_wait3A_112 = tpu.memref_squeeze %dma_wait3A_111 : memref<1x2x96xi32, #tpu.memory_space<hbm>> -> memref<2x96xi32, #tpu.memory_space<hbm>>
      tpu.wait_dma2 semaphore(%run_scoped3A_52 : memref<!tpu.dma_semaphore, #tpu.memory_space<semaphore_mem>>) src(%dma_wait3A_112 : memref<2x96xi32, #tpu.memory_space<hbm>>) dst(%arg7 : memref<2x96xi32, #tpu.memory_space<vmem>>)
      tpu.yield
    }) : () -> ()
    %dma_start3A = arith.constant 0 : i32
    %dma_start3A_3 = arith.constant 0 : i32
    %dma_start3A_4 = tpu.memref_slice %arg7[%dma_start3A, %dma_start3A_3] : memref<2x96xi32, #tpu.memory_space<vmem>> -> memref<1x96xi32, #tpu.memory_space<vmem>>
    %dma_start3A_5 = tpu.memref_squeeze %dma_start3A_4 : memref<1x96xi32, #tpu.memory_space<vmem>> -> memref<96xi32, #tpu.memory_space<vmem>>
    %dma_start3A_6 = arith.constant 0 : i32
    %dma_start3A_7 = arith.constant 0 : i32
    %dma_start3A_8 = tpu.memref_slice %arg2[%dma_start3A_6, %dma_start3A_7] : memref<20000x128xf32, #tpu.memory_space<hbm>> -> memref<20000x128xf32, #tpu.memory_space<hbm>>
    tpu.enqueue_indirect_dma source(%dma_start3A_8 : memref<20000x128xf32, #tpu.memory_space<hbm>>) target(%arg11 : memref<96x128xf32, #tpu.memory_space<vmem>>) offsets(%dma_start3A_5 : memref<96xi32, #tpu.memory_space<vmem>>) semaphore(%arg15 : memref<!tpu.dma_semaphore, #tpu.memory_space<semaphore_mem>>)
    %run_scoped3A_9 = arith.constant 1 : i32
    "tpu.region"() ({
      %run_scoped3A_52 = tpu.sem_alloc : memref<!tpu.dma_semaphore, #tpu.memory_space<semaphore_mem>>
      %dma_start3A_53 = arith.constant 0 : i32
      %dma_start3A_54 = arith.constant 0 : i32
      %dma_start3A_55 = arith.constant 0 : i32
      %dma_start3A_56 = arith.constant 0 : i32
      %dma_start3A_57 = tpu.memref_slice %arg3[%arg0, %dma_start3A_53, %dma_start3A_54, %dma_start3A_55, %dma_start3A_56] : memref<2x16x216x2x96xi32, #tpu.memory_space<hbm>> -> memref<1x16x216x2x96xi32, #tpu.memory_space<hbm>>
      %dma_start3A_58 = tpu.memref_squeeze %dma_start3A_57 : memref<1x16x216x2x96xi32, #tpu.memory_space<hbm>> -> memref<16x216x2x96xi32, #tpu.memory_space<hbm>>
      %dma_start3A_59 = arith.constant 0 : i32
      %dma_start3A_60 = arith.constant 0 : i32
      %dma_start3A_61 = arith.constant 0 : i32
      %dma_start3A_62 = tpu.memref_slice %dma_start3A_58[%arg1, %dma_start3A_59, %dma_start3A_60, %dma_start3A_61] : memref<16x216x2x96xi32, #tpu.memory_space<hbm>> -> memref<1x216x2x96xi32, #tpu.memory_space<hbm>>
      %dma_start3A_63 = tpu.memref_squeeze %dma_start3A_62 : memref<1x216x2x96xi32, #tpu.memory_space<hbm>> -> memref<216x2x96xi32, #tpu.memory_space<hbm>>
      %dma_start3A_64 = arith.constant 0 : i32
      %dma_start3A_65 = arith.constant 0 : i32
      %dma_start3A_66 = tpu.memref_slice %dma_start3A_63[%run_scoped3A_9, %dma_start3A_64, %dma_start3A_65] : memref<216x2x96xi32, #tpu.memory_space<hbm>> -> memref<1x2x96xi32, #tpu.memory_space<hbm>>
      %dma_start3A_67 = tpu.memref_squeeze %dma_start3A_66 : memref<1x2x96xi32, #tpu.memory_space<hbm>> -> memref<2x96xi32, #tpu.memory_space<hbm>>
      %dma_start3A_68 = arith.constant 0 : i32
      %dma_start3A_69 = arith.constant 0 : i32
      %dma_start3A_70 = arith.constant 0 : i32
      %dma_start3A_71 = arith.constant 0 : i32
      %dma_start3A_72 = tpu.memref_slice %arg3[%arg0, %dma_start3A_68, %dma_start3A_69, %dma_start3A_70, %dma_start3A_71] : memref<2x16x216x2x96xi32, #tpu.memory_space<hbm>> -> memref<1x16x216x2x96xi32, #tpu.memory_space<hbm>>
      %dma_start3A_73 = tpu.memref_squeeze %dma_start3A_72 : memref<1x16x216x2x96xi32, #tpu.memory_space<hbm>> -> memref<16x216x2x96xi32, #tpu.memory_space<hbm>>
      %dma_start3A_74 = arith.constant 0 : i32
      %dma_start3A_75 = arith.constant 0 : i32
      %dma_start3A_76 = arith.constant 0 : i32
      %dma_start3A_77 = tpu.memref_slice %dma_start3A_73[%arg1, %dma_start3A_74, %dma_start3A_75, %dma_start3A_76] : memref<16x216x2x96xi32, #tpu.memory_space<hbm>> -> memref<1x216x2x96xi32, #tpu.memory_space<hbm>>
      %dma_start3A_78 = tpu.memref_squeeze %dma_start3A_77 : memref<1x216x2x96xi32, #tpu.memory_space<hbm>> -> memref<216x2x96xi32, #tpu.memory_space<hbm>>
      %dma_start3A_79 = arith.constant 0 : i32
      %dma_start3A_80 = arith.constant 0 : i32
      %dma_start3A_81 = tpu.memref_slice %dma_start3A_78[%run_scoped3A_9, %dma_start3A_79, %dma_start3A_80] : memref<216x2x96xi32, #tpu.memory_space<hbm>> -> memref<1x2x96xi32, #tpu.memory_space<hbm>>
      %dma_start3A_82 = tpu.memref_squeeze %dma_start3A_81 : memref<1x2x96xi32, #tpu.memory_space<hbm>> -> memref<2x96xi32, #tpu.memory_space<hbm>>
      tpu.enqueue_dma source(%dma_start3A_82 : memref<2x96xi32, #tpu.memory_space<hbm>>) target(%arg8 : memref<2x96xi32, #tpu.memory_space<vmem>>) target_semaphore(%run_scoped3A_52 : memref<!tpu.dma_semaphore, #tpu.memory_space<semaphore_mem>>)
      %dma_wait3A_83 = arith.constant 0 : i32
      %dma_wait3A_84 = arith.constant 0 : i32
      %dma_wait3A_85 = arith.constant 0 : i32
      %dma_wait3A_86 = arith.constant 0 : i32
      %dma_wait3A_87 = tpu.memref_slice %arg3[%arg0, %dma_wait3A_83, %dma_wait3A_84, %dma_wait3A_85, %dma_wait3A_86] : memref<2x16x216x2x96xi32, #tpu.memory_space<hbm>> -> memref<1x16x216x2x96xi32, #tpu.memory_space<hbm>>
      %dma_wait3A_88 = tpu.memref_squeeze %dma_wait3A_87 : memref<1x16x216x2x96xi32, #tpu.memory_space<hbm>> -> memref<16x216x2x96xi32, #tpu.memory_space<hbm>>
      %dma_wait3A_89 = arith.constant 0 : i32
      %dma_wait3A_90 = arith.constant 0 : i32
      %dma_wait3A_91 = arith.constant 0 : i32
      %dma_wait3A_92 = tpu.memref_slice %dma_wait3A_88[%arg1, %dma_wait3A_89, %dma_wait3A_90, %dma_wait3A_91] : memref<16x216x2x96xi32, #tpu.memory_space<hbm>> -> memref<1x216x2x96xi32, #tpu.memory_space<hbm>>
      %dma_wait3A_93 = tpu.memref_squeeze %dma_wait3A_92 : memref<1x216x2x96xi32, #tpu.memory_space<hbm>> -> memref<216x2x96xi32, #tpu.memory_space<hbm>>
      %dma_wait3A_94 = arith.constant 0 : i32
      %dma_wait3A_95 = arith.constant 0 : i32
      %dma_wait3A_96 = tpu.memref_slice %dma_wait3A_93[%run_scoped3A_9, %dma_wait3A_94, %dma_wait3A_95] : memref<216x2x96xi32, #tpu.memory_space<hbm>> -> memref<1x2x96xi32, #tpu.memory_space<hbm>>
      %dma_wait3A_97 = tpu.memref_squeeze %dma_wait3A_96 : memref<1x2x96xi32, #tpu.memory_space<hbm>> -> memref<2x96xi32, #tpu.memory_space<hbm>>
      %dma_wait3A_98 = arith.constant 0 : i32
      %dma_wait3A_99 = arith.constant 0 : i32
      %dma_wait3A_100 = arith.constant 0 : i32
      %dma_wait3A_101 = arith.constant 0 : i32
      %dma_wait3A_102 = tpu.memref_slice %arg3[%arg0, %dma_wait3A_98, %dma_wait3A_99, %dma_wait3A_100, %dma_wait3A_101] : memref<2x16x216x2x96xi32, #tpu.memory_space<hbm>> -> memref<1x16x216x2x96xi32, #tpu.memory_space<hbm>>
      %dma_wait3A_103 = tpu.memref_squeeze %dma_wait3A_102 : memref<1x16x216x2x96xi32, #tpu.memory_space<hbm>> -> memref<16x216x2x96xi32, #tpu.memory_space<hbm>>
      %dma_wait3A_104 = arith.constant 0 : i32
      %dma_wait3A_105 = arith.constant 0 : i32
      %dma_wait3A_106 = arith.constant 0 : i32
      %dma_wait3A_107 = tpu.memref_slice %dma_wait3A_103[%arg1, %dma_wait3A_104, %dma_wait3A_105, %dma_wait3A_106] : memref<16x216x2x96xi32, #tpu.memory_space<hbm>> -> memref<1x216x2x96xi32, #tpu.memory_space<hbm>>
      %dma_wait3A_108 = tpu.memref_squeeze %dma_wait3A_107 : memref<1x216x2x96xi32, #tpu.memory_space<hbm>> -> memref<216x2x96xi32, #tpu.memory_space<hbm>>
      %dma_wait3A_109 = arith.constant 0 : i32
      %dma_wait3A_110 = arith.constant 0 : i32
      %dma_wait3A_111 = tpu.memref_slice %dma_wait3A_108[%run_scoped3A_9, %dma_wait3A_109, %dma_wait3A_110] : memref<216x2x96xi32, #tpu.memory_space<hbm>> -> memref<1x2x96xi32, #tpu.memory_space<hbm>>
      %dma_wait3A_112 = tpu.memref_squeeze %dma_wait3A_111 : memref<1x2x96xi32, #tpu.memory_space<hbm>> -> memref<2x96xi32, #tpu.memory_space<hbm>>
      tpu.wait_dma2 semaphore(%run_scoped3A_52 : memref<!tpu.dma_semaphore, #tpu.memory_space<semaphore_mem>>) src(%dma_wait3A_112 : memref<2x96xi32, #tpu.memory_space<hbm>>) dst(%arg8 : memref<2x96xi32, #tpu.memory_space<vmem>>)
      tpu.yield
    }) : () -> ()
    %dma_start3A_10 = arith.constant 0 : i32
    %dma_start3A_11 = arith.constant 0 : i32
    %dma_start3A_12 = tpu.memref_slice %arg8[%dma_start3A_10, %dma_start3A_11] : memref<2x96xi32, #tpu.memory_space<vmem>> -> memref<1x96xi32, #tpu.memory_space<vmem>>
    %dma_start3A_13 = tpu.memref_squeeze %dma_start3A_12 : memref<1x96xi32, #tpu.memory_space<vmem>> -> memref<96xi32, #tpu.memory_space<vmem>>
    %dma_start3A_14 = arith.constant 0 : i32
    %dma_start3A_15 = arith.constant 0 : i32
    %dma_start3A_16 = tpu.memref_slice %arg2[%dma_start3A_14, %dma_start3A_15] : memref<20000x128xf32, #tpu.memory_space<hbm>> -> memref<20000x128xf32, #tpu.memory_space<hbm>>
    tpu.enqueue_indirect_dma source(%dma_start3A_16 : memref<20000x128xf32, #tpu.memory_space<hbm>>) target(%arg12 : memref<96x128xf32, #tpu.memory_space<vmem>>) offsets(%dma_start3A_13 : memref<96xi32, #tpu.memory_space<vmem>>) semaphore(%arg16 : memref<!tpu.dma_semaphore, #tpu.memory_space<semaphore_mem>>)
    %scan3A = arith.constant 0 : i32
    %scan3A_17 = arith.constant 0 : i32
    %scan3A_18 = arith.constant 54 : i32
    %scan3A_19 = arith.addi %scan3A_17, %scan3A_18 : i32
    %scan3A_20 = arith.constant 1 : i32
    scf.for %scan3A_52 = %scan3A_17 to %scan3A_19 step %scan3A_20  : i32 {
      %mul3A_53 = arith.constant 4 : i32
      %mul3A_54 = arith.muli %mul3A_53, %scan3A_52 : i32
      %add3A = arith.constant 0 : i32
      %add3A_55 = arith.addi %mul3A_54, %add3A : i32
      %dma_wait3A_56 = arith.constant 0 : i32
      %dma_wait3A_57 = arith.constant 0 : i32
      %dma_wait3A_58 = tpu.memref_slice %arg7[%dma_wait3A_56, %dma_wait3A_57] : memref<2x96xi32, #tpu.memory_space<vmem>> -> memref<1x96xi32, #tpu.memory_space<vmem>>
      %dma_wait3A_59 = tpu.memref_squeeze %dma_wait3A_58 : memref<1x96xi32, #tpu.memory_space<vmem>> -> memref<96xi32, #tpu.memory_space<vmem>>
      %dma_wait3A_60 = arith.constant 0 : i32
      %dma_wait3A_61 = arith.constant 0 : i32
      %dma_wait3A_62 = tpu.memref_slice %arg2[%dma_wait3A_60, %dma_wait3A_61] : memref<20000x128xf32, #tpu.memory_space<hbm>> -> memref<20000x128xf32, #tpu.memory_space<hbm>>
      tpu.wait_indirect_dma semaphore(%arg15 : memref<!tpu.dma_semaphore, #tpu.memory_space<semaphore_mem>>) src(%dma_wait3A_62 : memref<20000x128xf32, #tpu.memory_space<hbm>>) dst(%arg11 : memref<96x128xf32, #tpu.memory_space<vmem>>)
      %dma_start3A_63 = arith.constant 1 : i32
      %dma_start3A_64 = arith.constant 0 : i32
      %dma_start3A_65 = tpu.memref_slice %arg7[%dma_start3A_63, %dma_start3A_64] : memref<2x96xi32, #tpu.memory_space<vmem>> -> memref<1x96xi32, #tpu.memory_space<vmem>>
      %dma_start3A_66 = tpu.memref_squeeze %dma_start3A_65 : memref<1x96xi32, #tpu.memory_space<vmem>> -> memref<96xi32, #tpu.memory_space<vmem>>
      %dma_start3A_67 = arith.constant 0 : i32
      %dma_start3A_68 = arith.constant 0 : i32
      %dma_start3A_69 = tpu.memref_slice %arg6[%dma_start3A_67, %dma_start3A_68] : memref<10112x128xf32, #tpu.memory_space<vmem_shared>> -> memref<10112x128xf32, #tpu.memory_space<vmem_shared>>
      tpu.enqueue_indirect_dma source(%arg11 : memref<96x128xf32, #tpu.memory_space<vmem>>) target(%dma_start3A_69 : memref<10112x128xf32, #tpu.memory_space<vmem_shared>>) offsets(%dma_start3A_66 : memref<96xi32, #tpu.memory_space<vmem>>) semaphore(%arg19 : memref<!tpu.dma_semaphore, #tpu.memory_space<semaphore_mem>>) {add = true}
      %gt3A = arith.constant 0 : i32
      %gt3A_70 = arith.cmpi sgt, %scan3A_52, %gt3A : i32
      %convert_element_type3A = arith.extui %gt3A_70 : i1 to i32
      %cond3A = arith.constant 0 : i32
      %cond3A_71 = arith.cmpi ne, %convert_element_type3A, %cond3A : i32
      scf.if %cond3A_71 {
        %dma_wait3A_186 = arith.constant 0 : i32
        %dma_wait3A_187 = arith.constant 0 : i32
        %dma_wait3A_188 = tpu.memref_slice %arg4[%dma_wait3A_186, %dma_wait3A_187] : memref<10112x128xf32, #tpu.memory_space<hbm>> -> memref<96x128xf32, #tpu.memory_space<hbm>>
        %dma_wait3A_189 = arith.constant 0 : i32
        %dma_wait3A_190 = arith.constant 0 : i32
        %dma_wait3A_191 = tpu.memref_slice %arg4[%dma_wait3A_189, %dma_wait3A_190] : memref<10112x128xf32, #tpu.memory_space<hbm>> -> memref<96x128xf32, #tpu.memory_space<hbm>>
        tpu.wait_dma2 semaphore(%arg21 : memref<!tpu.dma_semaphore, #tpu.memory_space<semaphore_mem>>) src(%dma_wait3A_191 : memref<96x128xf32, #tpu.memory_space<hbm>>) dst(%arg13 : memref<96x128xf32, #tpu.memory_space<vmem>>)
      } else {
      }
      %add3A_72 = arith.constant 2 : i32
      %add3A_73 = arith.addi %add3A_55, %add3A_72 : i32
      %min3A = arith.constant 215 : i32
      %min3A_74 = arith.minsi %add3A_73, %min3A : i32
      "tpu.region"() ({
        %run_scoped3A_186 = tpu.sem_alloc : memref<!tpu.dma_semaphore, #tpu.memory_space<semaphore_mem>>
        %dma_start3A_187 = arith.constant 0 : i32
        %dma_start3A_188 = arith.constant 0 : i32
        %dma_start3A_189 = arith.constant 0 : i32
        %dma_start3A_190 = arith.constant 0 : i32
        %dma_start3A_191 = tpu.memref_slice %arg3[%arg0, %dma_start3A_187, %dma_start3A_188, %dma_start3A_189, %dma_start3A_190] : memref<2x16x216x2x96xi32, #tpu.memory_space<hbm>> -> memref<1x16x216x2x96xi32, #tpu.memory_space<hbm>>
        %dma_start3A_192 = tpu.memref_squeeze %dma_start3A_191 : memref<1x16x216x2x96xi32, #tpu.memory_space<hbm>> -> memref<16x216x2x96xi32, #tpu.memory_space<hbm>>
        %dma_start3A_193 = arith.constant 0 : i32
        %dma_start3A_194 = arith.constant 0 : i32
        %dma_start3A_195 = arith.constant 0 : i32
        %dma_start3A_196 = tpu.memref_slice %dma_start3A_192[%arg1, %dma_start3A_193, %dma_start3A_194, %dma_start3A_195] : memref<16x216x2x96xi32, #tpu.memory_space<hbm>> -> memref<1x216x2x96xi32, #tpu.memory_space<hbm>>
        %dma_start3A_197 = tpu.memref_squeeze %dma_start3A_196 : memref<1x216x2x96xi32, #tpu.memory_space<hbm>> -> memref<216x2x96xi32, #tpu.memory_space<hbm>>
        %dma_start3A_198 = arith.constant 0 : i32
        %dma_start3A_199 = arith.constant 0 : i32
        %dma_start3A_200 = tpu.memref_slice %dma_start3A_197[%min3A_74, %dma_start3A_198, %dma_start3A_199] : memref<216x2x96xi32, #tpu.memory_space<hbm>> -> memref<1x2x96xi32, #tpu.memory_space<hbm>>
        %dma_start3A_201 = tpu.memref_squeeze %dma_start3A_200 : memref<1x2x96xi32, #tpu.memory_space<hbm>> -> memref<2x96xi32, #tpu.memory_space<hbm>>
        %dma_start3A_202 = arith.constant 0 : i32
        %dma_start3A_203 = arith.constant 0 : i32
        %dma_start3A_204 = arith.constant 0 : i32
        %dma_start3A_205 = arith.constant 0 : i32
        %dma_start3A_206 = tpu.memref_slice %arg3[%arg0, %dma_start3A_202, %dma_start3A_203, %dma_start3A_204, %dma_start3A_205] : memref<2x16x216x2x96xi32, #tpu.memory_space<hbm>> -> memref<1x16x216x2x96xi32, #tpu.memory_space<hbm>>
        %dma_start3A_207 = tpu.memref_squeeze %dma_start3A_206 : memref<1x16x216x2x96xi32, #tpu.memory_space<hbm>> -> memref<16x216x2x96xi32, #tpu.memory_space<hbm>>
        %dma_start3A_208 = arith.constant 0 : i32
        %dma_start3A_209 = arith.constant 0 : i32
        %dma_start3A_210 = arith.constant 0 : i32
        %dma_start3A_211 = tpu.memref_slice %dma_start3A_207[%arg1, %dma_start3A_208, %dma_start3A_209, %dma_start3A_210] : memref<16x216x2x96xi32, #tpu.memory_space<hbm>> -> memref<1x216x2x96xi32, #tpu.memory_space<hbm>>
        %dma_start3A_212 = tpu.memref_squeeze %dma_start3A_211 : memref<1x216x2x96xi32, #tpu.memory_space<hbm>> -> memref<216x2x96xi32, #tpu.memory_space<hbm>>
        %dma_start3A_213 = arith.constant 0 : i32
        %dma_start3A_214 = arith.constant 0 : i32
        %dma_start3A_215 = tpu.memref_slice %dma_start3A_212[%min3A_74, %dma_start3A_213, %dma_start3A_214] : memref<216x2x96xi32, #tpu.memory_space<hbm>> -> memref<1x2x96xi32, #tpu.memory_space<hbm>>
        %dma_start3A_216 = tpu.memref_squeeze %dma_start3A_215 : memref<1x2x96xi32, #tpu.memory_space<hbm>> -> memref<2x96xi32, #tpu.memory_space<hbm>>
        tpu.enqueue_dma source(%dma_start3A_216 : memref<2x96xi32, #tpu.memory_space<hbm>>) target(%arg9 : memref<2x96xi32, #tpu.memory_space<vmem>>) target_semaphore(%run_scoped3A_186 : memref<!tpu.dma_semaphore, #tpu.memory_space<semaphore_mem>>)
        %dma_wait3A_217 = arith.constant 0 : i32
        %dma_wait3A_218 = arith.constant 0 : i32
        %dma_wait3A_219 = arith.constant 0 : i32
        %dma_wait3A_220 = arith.constant 0 : i32
        %dma_wait3A_221 = tpu.memref_slice %arg3[%arg0, %dma_wait3A_217, %dma_wait3A_218, %dma_wait3A_219, %dma_wait3A_220] : memref<2x16x216x2x96xi32, #tpu.memory_space<hbm>> -> memref<1x16x216x2x96xi32, #tpu.memory_space<hbm>>
        %dma_wait3A_222 = tpu.memref_squeeze %dma_wait3A_221 : memref<1x16x216x2x96xi32, #tpu.memory_space<hbm>> -> memref<16x216x2x96xi32, #tpu.memory_space<hbm>>
        %dma_wait3A_223 = arith.constant 0 : i32
        %dma_wait3A_224 = arith.constant 0 : i32
        %dma_wait3A_225 = arith.constant 0 : i32
        %dma_wait3A_226 = tpu.memref_slice %dma_wait3A_222[%arg1, %dma_wait3A_223, %dma_wait3A_224, %dma_wait3A_225] : memref<16x216x2x96xi32, #tpu.memory_space<hbm>> -> memref<1x216x2x96xi32, #tpu.memory_space<hbm>>
        %dma_wait3A_227 = tpu.memref_squeeze %dma_wait3A_226 : memref<1x216x2x96xi32, #tpu.memory_space<hbm>> -> memref<216x2x96xi32, #tpu.memory_space<hbm>>
        %dma_wait3A_228 = arith.constant 0 : i32
        %dma_wait3A_229 = arith.constant 0 : i32
        %dma_wait3A_230 = tpu.memref_slice %dma_wait3A_227[%min3A_74, %dma_wait3A_228, %dma_wait3A_229] : memref<216x2x96xi32, #tpu.memory_space<hbm>> -> memref<1x2x96xi32, #tpu.memory_space<hbm>>
        %dma_wait3A_231 = tpu.memref_squeeze %dma_wait3A_230 : memref<1x2x96xi32, #tpu.memory_space<hbm>> -> memref<2x96xi32, #tpu.memory_space<hbm>>
        %dma_wait3A_232 = arith.constant 0 : i32
        %dma_wait3A_233 = arith.constant 0 : i32
        %dma_wait3A_234 = arith.constant 0 : i32
        %dma_wait3A_235 = arith.constant 0 : i32
        %dma_wait3A_236 = tpu.memref_slice %arg3[%arg0, %dma_wait3A_232, %dma_wait3A_233, %dma_wait3A_234, %dma_wait3A_235] : memref<2x16x216x2x96xi32, #tpu.memory_space<hbm>> -> memref<1x16x216x2x96xi32, #tpu.memory_space<hbm>>
        %dma_wait3A_237 = tpu.memref_squeeze %dma_wait3A_236 : memref<1x16x216x2x96xi32, #tpu.memory_space<hbm>> -> memref<16x216x2x96xi32, #tpu.memory_space<hbm>>
        %dma_wait3A_238 = arith.constant 0 : i32
        %dma_wait3A_239 = arith.constant 0 : i32
        %dma_wait3A_240 = arith.constant 0 : i32
        %dma_wait3A_241 = tpu.memref_slice %dma_wait3A_237[%arg1, %dma_wait3A_238, %dma_wait3A_239, %dma_wait3A_240] : memref<16x216x2x96xi32, #tpu.memory_space<hbm>> -> memref<1x216x2x96xi32, #tpu.memory_space<hbm>>
        %dma_wait3A_242 = tpu.memref_squeeze %dma_wait3A_241 : memref<1x216x2x96xi32, #tpu.memory_space<hbm>> -> memref<216x2x96xi32, #tpu.memory_space<hbm>>
        %dma_wait3A_243 = arith.constant 0 : i32
        %dma_wait3A_244 = arith.constant 0 : i32
        %dma_wait3A_245 = tpu.memref_slice %dma_wait3A_242[%min3A_74, %dma_wait3A_243, %dma_wait3A_244] : memref<216x2x96xi32, #tpu.memory_space<hbm>> -> memref<1x2x96xi32, #tpu.memory_space<hbm>>
        %dma_wait3A_246 = tpu.memref_squeeze %dma_wait3A_245 : memref<1x2x96xi32, #tpu.memory_space<hbm>> -> memref<2x96xi32, #tpu.memory_space<hbm>>
        tpu.wait_dma2 semaphore(%run_scoped3A_186 : memref<!tpu.dma_semaphore, #tpu.memory_space<semaphore_mem>>) src(%dma_wait3A_246 : memref<2x96xi32, #tpu.memory_space<hbm>>) dst(%arg9 : memref<2x96xi32, #tpu.memory_space<vmem>>)
        tpu.yield
      }) : () -> ()
      %dma_start3A_75 = arith.constant 0 : i32
      %dma_start3A_76 = arith.constant 0 : i32
      %dma_start3A_77 = tpu.memref_slice %arg9[%dma_start3A_75, %dma_start3A_76] : memref<2x96xi32, #tpu.memory_space<vmem>> -> memref<1x96xi32, #tpu.memory_space<vmem>>
      %dma_start3A_78 = tpu.memref_squeeze %dma_start3A_77 : memref<1x96xi32, #tpu.memory_space<vmem>> -> memref<96xi32, #tpu.memory_space<vmem>>
      %dma_start3A_79 = arith.constant 0 : i32
      %dma_start3A_80 = arith.constant 0 : i32
      %dma_start3A_81 = tpu.memref_slice %arg2[%dma_start3A_79, %dma_start3A_80] : memref<20000x128xf32, #tpu.memory_space<hbm>> -> memref<20000x128xf32, #tpu.memory_space<hbm>>
      tpu.enqueue_indirect_dma source(%dma_start3A_81 : memref<20000x128xf32, #tpu.memory_space<hbm>>) target(%arg13 : memref<96x128xf32, #tpu.memory_space<vmem>>) offsets(%dma_start3A_78 : memref<96xi32, #tpu.memory_space<vmem>>) semaphore(%arg17 : memref<!tpu.dma_semaphore, #tpu.memory_space<semaphore_mem>>)
      %mul3A_82 = arith.constant 4 : i32
      %mul3A_83 = arith.muli %mul3A_82, %scan3A_52 : i32
      %add3A_84 = arith.constant 1 : i32
      %add3A_85 = arith.addi %mul3A_83, %add3A_84 : i32
      %dma_wait3A_86 = arith.constant 0 : i32
      %dma_wait3A_87 = arith.constant 0 : i32
      %dma_wait3A_88 = tpu.memref_slice %arg8[%dma_wait3A_86, %dma_wait3A_87] : memref<2x96xi32, #tpu.memory_space<vmem>> -> memref<1x96xi32, #tpu.memory_space<vmem>>
      %dma_wait3A_89 = tpu.memref_squeeze %dma_wait3A_88 : memref<1x96xi32, #tpu.memory_space<vmem>> -> memref<96xi32, #tpu.memory_space<vmem>>
      %dma_wait3A_90 = arith.constant 0 : i32
      %dma_wait3A_91 = arith.constant 0 : i32
      %dma_wait3A_92 = tpu.memref_slice %arg2[%dma_wait3A_90, %dma_wait3A_91] : memref<20000x128xf32, #tpu.memory_space<hbm>> -> memref<20000x128xf32, #tpu.memory_space<hbm>>
      tpu.wait_indirect_dma semaphore(%arg16 : memref<!tpu.dma_semaphore, #tpu.memory_space<semaphore_mem>>) src(%dma_wait3A_92 : memref<20000x128xf32, #tpu.memory_space<hbm>>) dst(%arg12 : memref<96x128xf32, #tpu.memory_space<vmem>>)
      %dma_start3A_93 = arith.constant 1 : i32
      %dma_start3A_94 = arith.constant 0 : i32
      %dma_start3A_95 = tpu.memref_slice %arg8[%dma_start3A_93, %dma_start3A_94] : memref<2x96xi32, #tpu.memory_space<vmem>> -> memref<1x96xi32, #tpu.memory_space<vmem>>
      %dma_start3A_96 = tpu.memref_squeeze %dma_start3A_95 : memref<1x96xi32, #tpu.memory_space<vmem>> -> memref<96xi32, #tpu.memory_space<vmem>>
      %dma_start3A_97 = arith.constant 0 : i32
      %dma_start3A_98 = arith.constant 0 : i32
      %dma_start3A_99 = tpu.memref_slice %arg6[%dma_start3A_97, %dma_start3A_98] : memref<10112x128xf32, #tpu.memory_space<vmem_shared>> -> memref<10112x128xf32, #tpu.memory_space<vmem_shared>>
      tpu.enqueue_indirect_dma source(%arg12 : memref<96x128xf32, #tpu.memory_space<vmem>>) target(%dma_start3A_99 : memref<10112x128xf32, #tpu.memory_space<vmem_shared>>) offsets(%dma_start3A_96 : memref<96xi32, #tpu.memory_space<vmem>>) semaphore(%arg20 : memref<!tpu.dma_semaphore, #tpu.memory_space<semaphore_mem>>) {add = true}
      %gt3A_100 = arith.constant 0 : i32
      %gt3A_101 = arith.cmpi sgt, %scan3A_52, %gt3A_100 : i32
      %convert_element_type3A_102 = arith.extui %gt3A_101 : i1 to i32
      %cond3A_103 = arith.constant 0 : i32
      %cond3A_104 = arith.cmpi ne, %convert_element_type3A_102, %cond3A_103 : i32
      scf.if %cond3A_104 {
        %dma_wait3A_186 = arith.constant 0 : i32
        %dma_wait3A_187 = arith.constant 0 : i32
        %dma_wait3A_188 = tpu.memref_slice %arg4[%dma_wait3A_186, %dma_wait3A_187] : memref<10112x128xf32, #tpu.memory_space<hbm>> -> memref<96x128xf32, #tpu.memory_space<hbm>>
        %dma_wait3A_189 = arith.constant 0 : i32
        %dma_wait3A_190 = arith.constant 0 : i32
        %dma_wait3A_191 = tpu.memref_slice %arg4[%dma_wait3A_189, %dma_wait3A_190] : memref<10112x128xf32, #tpu.memory_space<hbm>> -> memref<96x128xf32, #tpu.memory_space<hbm>>
        tpu.wait_dma2 semaphore(%arg22 : memref<!tpu.dma_semaphore, #tpu.memory_space<semaphore_mem>>) src(%dma_wait3A_191 : memref<96x128xf32, #tpu.memory_space<hbm>>) dst(%arg14 : memref<96x128xf32, #tpu.memory_space<vmem>>)
      } else {
      }
      %add3A_105 = arith.constant 2 : i32
      %add3A_106 = arith.addi %add3A_85, %add3A_105 : i32
      %min3A_107 = arith.constant 215 : i32
      %min3A_108 = arith.minsi %add3A_106, %min3A_107 : i32
      "tpu.region"() ({
        %run_scoped3A_186 = tpu.sem_alloc : memref<!tpu.dma_semaphore, #tpu.memory_space<semaphore_mem>>
        %dma_start3A_187 = arith.constant 0 : i32
        %dma_start3A_188 = arith.constant 0 : i32
        %dma_start3A_189 = arith.constant 0 : i32
        %dma_start3A_190 = arith.constant 0 : i32
        %dma_start3A_191 = tpu.memref_slice %arg3[%arg0, %dma_start3A_187, %dma_start3A_188, %dma_start3A_189, %dma_start3A_190] : memref<2x16x216x2x96xi32, #tpu.memory_space<hbm>> -> memref<1x16x216x2x96xi32, #tpu.memory_space<hbm>>
        %dma_start3A_192 = tpu.memref_squeeze %dma_start3A_191 : memref<1x16x216x2x96xi32, #tpu.memory_space<hbm>> -> memref<16x216x2x96xi32, #tpu.memory_space<hbm>>
        %dma_start3A_193 = arith.constant 0 : i32
        %dma_start3A_194 = arith.constant 0 : i32
        %dma_start3A_195 = arith.constant 0 : i32
        %dma_start3A_196 = tpu.memref_slice %dma_start3A_192[%arg1, %dma_start3A_193, %dma_start3A_194, %dma_start3A_195] : memref<16x216x2x96xi32, #tpu.memory_space<hbm>> -> memref<1x216x2x96xi32, #tpu.memory_space<hbm>>
        %dma_start3A_197 = tpu.memref_squeeze %dma_start3A_196 : memref<1x216x2x96xi32, #tpu.memory_space<hbm>> -> memref<216x2x96xi32, #tpu.memory_space<hbm>>
        %dma_start3A_198 = arith.constant 0 : i32
        %dma_start3A_199 = arith.constant 0 : i32
        %dma_start3A_200 = tpu.memref_slice %dma_start3A_197[%min3A_108, %dma_start3A_198, %dma_start3A_199] : memref<216x2x96xi32, #tpu.memory_space<hbm>> -> memref<1x2x96xi32, #tpu.memory_space<hbm>>
        %dma_start3A_201 = tpu.memref_squeeze %dma_start3A_200 : memref<1x2x96xi32, #tpu.memory_space<hbm>> -> memref<2x96xi32, #tpu.memory_space<hbm>>
        %dma_start3A_202 = arith.constant 0 : i32
        %dma_start3A_203 = arith.constant 0 : i32
        %dma_start3A_204 = arith.constant 0 : i32
        %dma_start3A_205 = arith.constant 0 : i32
        %dma_start3A_206 = tpu.memref_slice %arg3[%arg0, %dma_start3A_202, %dma_start3A_203, %dma_start3A_204, %dma_start3A_205] : memref<2x16x216x2x96xi32, #tpu.memory_space<hbm>> -> memref<1x16x216x2x96xi32, #tpu.memory_space<hbm>>
        %dma_start3A_207 = tpu.memref_squeeze %dma_start3A_206 : memref<1x16x216x2x96xi32, #tpu.memory_space<hbm>> -> memref<16x216x2x96xi32, #tpu.memory_space<hbm>>
        %dma_start3A_208 = arith.constant 0 : i32
        %dma_start3A_209 = arith.constant 0 : i32
        %dma_start3A_210 = arith.constant 0 : i32
        %dma_start3A_211 = tpu.memref_slice %dma_start3A_207[%arg1, %dma_start3A_208, %dma_start3A_209, %dma_start3A_210] : memref<16x216x2x96xi32, #tpu.memory_space<hbm>> -> memref<1x216x2x96xi32, #tpu.memory_space<hbm>>
        %dma_start3A_212 = tpu.memref_squeeze %dma_start3A_211 : memref<1x216x2x96xi32, #tpu.memory_space<hbm>> -> memref<216x2x96xi32, #tpu.memory_space<hbm>>
        %dma_start3A_213 = arith.constant 0 : i32
        %dma_start3A_214 = arith.constant 0 : i32
        %dma_start3A_215 = tpu.memref_slice %dma_start3A_212[%min3A_108, %dma_start3A_213, %dma_start3A_214] : memref<216x2x96xi32, #tpu.memory_space<hbm>> -> memref<1x2x96xi32, #tpu.memory_space<hbm>>
        %dma_start3A_216 = tpu.memref_squeeze %dma_start3A_215 : memref<1x2x96xi32, #tpu.memory_space<hbm>> -> memref<2x96xi32, #tpu.memory_space<hbm>>
        tpu.enqueue_dma source(%dma_start3A_216 : memref<2x96xi32, #tpu.memory_space<hbm>>) target(%arg10 : memref<2x96xi32, #tpu.memory_space<vmem>>) target_semaphore(%run_scoped3A_186 : memref<!tpu.dma_semaphore, #tpu.memory_space<semaphore_mem>>)
        %dma_wait3A_217 = arith.constant 0 : i32
        %dma_wait3A_218 = arith.constant 0 : i32
        %dma_wait3A_219 = arith.constant 0 : i32
        %dma_wait3A_220 = arith.constant 0 : i32
        %dma_wait3A_221 = tpu.memref_slice %arg3[%arg0, %dma_wait3A_217, %dma_wait3A_218, %dma_wait3A_219, %dma_wait3A_220] : memref<2x16x216x2x96xi32, #tpu.memory_space<hbm>> -> memref<1x16x216x2x96xi32, #tpu.memory_space<hbm>>
        %dma_wait3A_222 = tpu.memref_squeeze %dma_wait3A_221 : memref<1x16x216x2x96xi32, #tpu.memory_space<hbm>> -> memref<16x216x2x96xi32, #tpu.memory_space<hbm>>
        %dma_wait3A_223 = arith.constant 0 : i32
        %dma_wait3A_224 = arith.constant 0 : i32
        %dma_wait3A_225 = arith.constant 0 : i32
        %dma_wait3A_226 = tpu.memref_slice %dma_wait3A_222[%arg1, %dma_wait3A_223, %dma_wait3A_224, %dma_wait3A_225] : memref<16x216x2x96xi32, #tpu.memory_space<hbm>> -> memref<1x216x2x96xi32, #tpu.memory_space<hbm>>
        %dma_wait3A_227 = tpu.memref_squeeze %dma_wait3A_226 : memref<1x216x2x96xi32, #tpu.memory_space<hbm>> -> memref<216x2x96xi32, #tpu.memory_space<hbm>>
        %dma_wait3A_228 = arith.constant 0 : i32
        %dma_wait3A_229 = arith.constant 0 : i32
        %dma_wait3A_230 = tpu.memref_slice %dma_wait3A_227[%min3A_108, %dma_wait3A_228, %dma_wait3A_229] : memref<216x2x96xi32, #tpu.memory_space<hbm>> -> memref<1x2x96xi32, #tpu.memory_space<hbm>>
        %dma_wait3A_231 = tpu.memref_squeeze %dma_wait3A_230 : memref<1x2x96xi32, #tpu.memory_space<hbm>> -> memref<2x96xi32, #tpu.memory_space<hbm>>
        %dma_wait3A_232 = arith.constant 0 : i32
        %dma_wait3A_233 = arith.constant 0 : i32
        %dma_wait3A_234 = arith.constant 0 : i32
        %dma_wait3A_235 = arith.constant 0 : i32
        %dma_wait3A_236 = tpu.memref_slice %arg3[%arg0, %dma_wait3A_232, %dma_wait3A_233, %dma_wait3A_234, %dma_wait3A_235] : memref<2x16x216x2x96xi32, #tpu.memory_space<hbm>> -> memref<1x16x216x2x96xi32, #tpu.memory_space<hbm>>
        %dma_wait3A_237 = tpu.memref_squeeze %dma_wait3A_236 : memref<1x16x216x2x96xi32, #tpu.memory_space<hbm>> -> memref<16x216x2x96xi32, #tpu.memory_space<hbm>>
        %dma_wait3A_238 = arith.constant 0 : i32
        %dma_wait3A_239 = arith.constant 0 : i32
        %dma_wait3A_240 = arith.constant 0 : i32
        %dma_wait3A_241 = tpu.memref_slice %dma_wait3A_237[%arg1, %dma_wait3A_238, %dma_wait3A_239, %dma_wait3A_240] : memref<16x216x2x96xi32, #tpu.memory_space<hbm>> -> memref<1x216x2x96xi32, #tpu.memory_space<hbm>>
        %dma_wait3A_242 = tpu.memref_squeeze %dma_wait3A_241 : memref<1x216x2x96xi32, #tpu.memory_space<hbm>> -> memref<216x2x96xi32, #tpu.memory_space<hbm>>
        %dma_wait3A_243 = arith.constant 0 : i32
        %dma_wait3A_244 = arith.constant 0 : i32
        %dma_wait3A_245 = tpu.memref_slice %dma_wait3A_242[%min3A_108, %dma_wait3A_243, %dma_wait3A_244] : memref<216x2x96xi32, #tpu.memory_space<hbm>> -> memref<1x2x96xi32, #tpu.memory_space<hbm>>
        %dma_wait3A_246 = tpu.memref_squeeze %dma_wait3A_245 : memref<1x2x96xi32, #tpu.memory_space<hbm>> -> memref<2x96xi32, #tpu.memory_space<hbm>>
        tpu.wait_dma2 semaphore(%run_scoped3A_186 : memref<!tpu.dma_semaphore, #tpu.memory_space<semaphore_mem>>) src(%dma_wait3A_246 : memref<2x96xi32, #tpu.memory_space<hbm>>) dst(%arg10 : memref<2x96xi32, #tpu.memory_space<vmem>>)
        tpu.yield
      }) : () -> ()
      %dma_start3A_109 = arith.constant 0 : i32
      %dma_start3A_110 = arith.constant 0 : i32
      %dma_start3A_111 = tpu.memref_slice %arg10[%dma_start3A_109, %dma_start3A_110] : memref<2x96xi32, #tpu.memory_space<vmem>> -> memref<1x96xi32, #tpu.memory_space<vmem>>
      %dma_start3A_112 = tpu.memref_squeeze %dma_start3A_111 : memref<1x96xi32, #tpu.memory_space<vmem>> -> memref<96xi32, #tpu.memory_space<vmem>>
      %dma_start3A_113 = arith.constant 0 : i32
      %dma_start3A_114 = arith.constant 0 : i32
      %dma_start3A_115 = tpu.memref_slice %arg2[%dma_start3A_113, %dma_start3A_114] : memref<20000x128xf32, #tpu.memory_space<hbm>> -> memref<20000x128xf32, #tpu.memory_space<hbm>>
      tpu.enqueue_indirect_dma source(%dma_start3A_115 : memref<20000x128xf32, #tpu.memory_space<hbm>>) target(%arg14 : memref<96x128xf32, #tpu.memory_space<vmem>>) offsets(%dma_start3A_112 : memref<96xi32, #tpu.memory_space<vmem>>) semaphore(%arg18 : memref<!tpu.dma_semaphore, #tpu.memory_space<semaphore_mem>>)
      %mul3A_116 = arith.constant 4 : i32
      %mul3A_117 = arith.muli %mul3A_116, %scan3A_52 : i32
      %add3A_118 = arith.constant 2 : i32
      %add3A_119 = arith.addi %mul3A_117, %add3A_118 : i32
      %dma_wait3A_120 = arith.constant 0 : i32
      %dma_wait3A_121 = arith.constant 0 : i32
      %dma_wait3A_122 = tpu.memref_slice %arg9[%dma_wait3A_120, %dma_wait3A_121] : memref<2x96xi32, #tpu.memory_space<vmem>> -> memref<1x96xi32, #tpu.memory_space<vmem>>
      %dma_wait3A_123 = tpu.memref_squeeze %dma_wait3A_122 : memref<1x96xi32, #tpu.memory_space<vmem>> -> memref<96xi32, #tpu.memory_space<vmem>>
      %dma_wait3A_124 = arith.constant 0 : i32
      %dma_wait3A_125 = arith.constant 0 : i32
      %dma_wait3A_126 = tpu.memref_slice %arg2[%dma_wait3A_124, %dma_wait3A_125] : memref<20000x128xf32, #tpu.memory_space<hbm>> -> memref<20000x128xf32, #tpu.memory_space<hbm>>
      tpu.wait_indirect_dma semaphore(%arg17 : memref<!tpu.dma_semaphore, #tpu.memory_space<semaphore_mem>>) src(%dma_wait3A_126 : memref<20000x128xf32, #tpu.memory_space<hbm>>) dst(%arg13 : memref<96x128xf32, #tpu.memory_space<vmem>>)
      %dma_start3A_127 = arith.constant 1 : i32
      %dma_start3A_128 = arith.constant 0 : i32
      %dma_start3A_129 = tpu.memref_slice %arg9[%dma_start3A_127, %dma_start3A_128] : memref<2x96xi32, #tpu.memory_space<vmem>> -> memref<1x96xi32, #tpu.memory_space<vmem>>
      %dma_start3A_130 = tpu.memref_squeeze %dma_start3A_129 : memref<1x96xi32, #tpu.memory_space<vmem>> -> memref<96xi32, #tpu.memory_space<vmem>>
      %dma_start3A_131 = arith.constant 0 : i32
      %dma_start3A_132 = arith.constant 0 : i32
      %dma_start3A_133 = tpu.memref_slice %arg6[%dma_start3A_131, %dma_start3A_132] : memref<10112x128xf32, #tpu.memory_space<vmem_shared>> -> memref<10112x128xf32, #tpu.memory_space<vmem_shared>>
      tpu.enqueue_indirect_dma source(%arg13 : memref<96x128xf32, #tpu.memory_space<vmem>>) target(%dma_start3A_133 : memref<10112x128xf32, #tpu.memory_space<vmem_shared>>) offsets(%dma_start3A_130 : memref<96xi32, #tpu.memory_space<vmem>>) semaphore(%arg21 : memref<!tpu.dma_semaphore, #tpu.memory_space<semaphore_mem>>) {add = true}
      %dma_wait3A_134 = arith.constant 0 : i32
      %dma_wait3A_135 = arith.constant 0 : i32
      %dma_wait3A_136 = tpu.memref_slice %arg4[%dma_wait3A_134, %dma_wait3A_135] : memref<10112x128xf32, #tpu.memory_space<hbm>> -> memref<96x128xf32, #tpu.memory_space<hbm>>
      %dma_wait3A_137 = arith.constant 0 : i32
      %dma_wait3A_138 = arith.constant 0 : i32
      %dma_wait3A_139 = tpu.memref_slice %arg4[%dma_wait3A_137, %dma_wait3A_138] : memref<10112x128xf32, #tpu.memory_space<hbm>> -> memref<96x128xf32, #tpu.memory_space<hbm>>
      tpu.wait_dma2 semaphore(%arg19 : memref<!tpu.dma_semaphore, #tpu.memory_space<semaphore_mem>>) src(%dma_wait3A_139 : memref<96x128xf32, #tpu.memory_space<hbm>>) dst(%arg11 : memref<96x128xf32, #tpu.memory_space<vmem>>)
      %add3A_140 = arith.constant 2 : i32
      %add3A_141 = arith.addi %add3A_119, %add3A_140 : i32
      %min3A_142 = arith.constant 215 : i32
      %min3A_143 = arith.minsi %add3A_141, %min3A_142 : i32
      "tpu.region"() ({
        %run_scoped3A_186 = tpu.sem_alloc : memref<!tpu.dma_semaphore, #tpu.memory_space<semaphore_mem>>
        %dma_start3A_187 = arith.constant 0 : i32
        %dma_start3A_188 = arith.constant 0 : i32
        %dma_start3A_189 = arith.constant 0 : i32
        %dma_start3A_190 = arith.constant 0 : i32
        %dma_start3A_191 = tpu.memref_slice %arg3[%arg0, %dma_start3A_187, %dma_start3A_188, %dma_start3A_189, %dma_start3A_190] : memref<2x16x216x2x96xi32, #tpu.memory_space<hbm>> -> memref<1x16x216x2x96xi32, #tpu.memory_space<hbm>>
        %dma_start3A_192 = tpu.memref_squeeze %dma_start3A_191 : memref<1x16x216x2x96xi32, #tpu.memory_space<hbm>> -> memref<16x216x2x96xi32, #tpu.memory_space<hbm>>
        %dma_start3A_193 = arith.constant 0 : i32
        %dma_start3A_194 = arith.constant 0 : i32
        %dma_start3A_195 = arith.constant 0 : i32
        %dma_start3A_196 = tpu.memref_slice %dma_start3A_192[%arg1, %dma_start3A_193, %dma_start3A_194, %dma_start3A_195] : memref<16x216x2x96xi32, #tpu.memory_space<hbm>> -> memref<1x216x2x96xi32, #tpu.memory_space<hbm>>
        %dma_start3A_197 = tpu.memref_squeeze %dma_start3A_196 : memref<1x216x2x96xi32, #tpu.memory_space<hbm>> -> memref<216x2x96xi32, #tpu.memory_space<hbm>>
        %dma_start3A_198 = arith.constant 0 : i32
        %dma_start3A_199 = arith.constant 0 : i32
        %dma_start3A_200 = tpu.memref_slice %dma_start3A_197[%min3A_143, %dma_start3A_198, %dma_start3A_199] : memref<216x2x96xi32, #tpu.memory_space<hbm>> -> memref<1x2x96xi32, #tpu.memory_space<hbm>>
        %dma_start3A_201 = tpu.memref_squeeze %dma_start3A_200 : memref<1x2x96xi32, #tpu.memory_space<hbm>> -> memref<2x96xi32, #tpu.memory_space<hbm>>
        %dma_start3A_202 = arith.constant 0 : i32
        %dma_start3A_203 = arith.constant 0 : i32
        %dma_start3A_204 = arith.constant 0 : i32
        %dma_start3A_205 = arith.constant 0 : i32
        %dma_start3A_206 = tpu.memref_slice %arg3[%arg0, %dma_start3A_202, %dma_start3A_203, %dma_start3A_204, %dma_start3A_205] : memref<2x16x216x2x96xi32, #tpu.memory_space<hbm>> -> memref<1x16x216x2x96xi32, #tpu.memory_space<hbm>>
        %dma_start3A_207 = tpu.memref_squeeze %dma_start3A_206 : memref<1x16x216x2x96xi32, #tpu.memory_space<hbm>> -> memref<16x216x2x96xi32, #tpu.memory_space<hbm>>
        %dma_start3A_208 = arith.constant 0 : i32
        %dma_start3A_209 = arith.constant 0 : i32
        %dma_start3A_210 = arith.constant 0 : i32
        %dma_start3A_211 = tpu.memref_slice %dma_start3A_207[%arg1, %dma_start3A_208, %dma_start3A_209, %dma_start3A_210] : memref<16x216x2x96xi32, #tpu.memory_space<hbm>> -> memref<1x216x2x96xi32, #tpu.memory_space<hbm>>
        %dma_start3A_212 = tpu.memref_squeeze %dma_start3A_211 : memref<1x216x2x96xi32, #tpu.memory_space<hbm>> -> memref<216x2x96xi32, #tpu.memory_space<hbm>>
        %dma_start3A_213 = arith.constant 0 : i32
        %dma_start3A_214 = arith.constant 0 : i32
        %dma_start3A_215 = tpu.memref_slice %dma_start3A_212[%min3A_143, %dma_start3A_213, %dma_start3A_214] : memref<216x2x96xi32, #tpu.memory_space<hbm>> -> memref<1x2x96xi32, #tpu.memory_space<hbm>>
        %dma_start3A_216 = tpu.memref_squeeze %dma_start3A_215 : memref<1x2x96xi32, #tpu.memory_space<hbm>> -> memref<2x96xi32, #tpu.memory_space<hbm>>
        tpu.enqueue_dma source(%dma_start3A_216 : memref<2x96xi32, #tpu.memory_space<hbm>>) target(%arg7 : memref<2x96xi32, #tpu.memory_space<vmem>>) target_semaphore(%run_scoped3A_186 : memref<!tpu.dma_semaphore, #tpu.memory_space<semaphore_mem>>)
        %dma_wait3A_217 = arith.constant 0 : i32
        %dma_wait3A_218 = arith.constant 0 : i32
        %dma_wait3A_219 = arith.constant 0 : i32
        %dma_wait3A_220 = arith.constant 0 : i32
        %dma_wait3A_221 = tpu.memref_slice %arg3[%arg0, %dma_wait3A_217, %dma_wait3A_218, %dma_wait3A_219, %dma_wait3A_220] : memref<2x16x216x2x96xi32, #tpu.memory_space<hbm>> -> memref<1x16x216x2x96xi32, #tpu.memory_space<hbm>>
        %dma_wait3A_222 = tpu.memref_squeeze %dma_wait3A_221 : memref<1x16x216x2x96xi32, #tpu.memory_space<hbm>> -> memref<16x216x2x96xi32, #tpu.memory_space<hbm>>
        %dma_wait3A_223 = arith.constant 0 : i32
        %dma_wait3A_224 = arith.constant 0 : i32
        %dma_wait3A_225 = arith.constant 0 : i32
        %dma_wait3A_226 = tpu.memref_slice %dma_wait3A_222[%arg1, %dma_wait3A_223, %dma_wait3A_224, %dma_wait3A_225] : memref<16x216x2x96xi32, #tpu.memory_space<hbm>> -> memref<1x216x2x96xi32, #tpu.memory_space<hbm>>
        %dma_wait3A_227 = tpu.memref_squeeze %dma_wait3A_226 : memref<1x216x2x96xi32, #tpu.memory_space<hbm>> -> memref<216x2x96xi32, #tpu.memory_space<hbm>>
        %dma_wait3A_228 = arith.constant 0 : i32
        %dma_wait3A_229 = arith.constant 0 : i32
        %dma_wait3A_230 = tpu.memref_slice %dma_wait3A_227[%min3A_143, %dma_wait3A_228, %dma_wait3A_229] : memref<216x2x96xi32, #tpu.memory_space<hbm>> -> memref<1x2x96xi32, #tpu.memory_space<hbm>>
        %dma_wait3A_231 = tpu.memref_squeeze %dma_wait3A_230 : memref<1x2x96xi32, #tpu.memory_space<hbm>> -> memref<2x96xi32, #tpu.memory_space<hbm>>
        %dma_wait3A_232 = arith.constant 0 : i32
        %dma_wait3A_233 = arith.constant 0 : i32
        %dma_wait3A_234 = arith.constant 0 : i32
        %dma_wait3A_235 = arith.constant 0 : i32
        %dma_wait3A_236 = tpu.memref_slice %arg3[%arg0, %dma_wait3A_232, %dma_wait3A_233, %dma_wait3A_234, %dma_wait3A_235] : memref<2x16x216x2x96xi32, #tpu.memory_space<hbm>> -> memref<1x16x216x2x96xi32, #tpu.memory_space<hbm>>
        %dma_wait3A_237 = tpu.memref_squeeze %dma_wait3A_236 : memref<1x16x216x2x96xi32, #tpu.memory_space<hbm>> -> memref<16x216x2x96xi32, #tpu.memory_space<hbm>>
        %dma_wait3A_238 = arith.constant 0 : i32
        %dma_wait3A_239 = arith.constant 0 : i32
        %dma_wait3A_240 = arith.constant 0 : i32
        %dma_wait3A_241 = tpu.memref_slice %dma_wait3A_237[%arg1, %dma_wait3A_238, %dma_wait3A_239, %dma_wait3A_240] : memref<16x216x2x96xi32, #tpu.memory_space<hbm>> -> memref<1x216x2x96xi32, #tpu.memory_space<hbm>>
        %dma_wait3A_242 = tpu.memref_squeeze %dma_wait3A_241 : memref<1x216x2x96xi32, #tpu.memory_space<hbm>> -> memref<216x2x96xi32, #tpu.memory_space<hbm>>
        %dma_wait3A_243 = arith.constant 0 : i32
        %dma_wait3A_244 = arith.constant 0 : i32
        %dma_wait3A_245 = tpu.memref_slice %dma_wait3A_242[%min3A_143, %dma_wait3A_243, %dma_wait3A_244] : memref<216x2x96xi32, #tpu.memory_space<hbm>> -> memref<1x2x96xi32, #tpu.memory_space<hbm>>
        %dma_wait3A_246 = tpu.memref_squeeze %dma_wait3A_245 : memref<1x2x96xi32, #tpu.memory_space<hbm>> -> memref<2x96xi32, #tpu.memory_space<hbm>>
        tpu.wait_dma2 semaphore(%run_scoped3A_186 : memref<!tpu.dma_semaphore, #tpu.memory_space<semaphore_mem>>) src(%dma_wait3A_246 : memref<2x96xi32, #tpu.memory_space<hbm>>) dst(%arg7 : memref<2x96xi32, #tpu.memory_space<vmem>>)
        tpu.yield
      }) : () -> ()
      %dma_start3A_144 = arith.constant 0 : i32
      %dma_start3A_145 = arith.constant 0 : i32
      %dma_start3A_146 = tpu.memref_slice %arg7[%dma_start3A_144, %dma_start3A_145] : memref<2x96xi32, #tpu.memory_space<vmem>> -> memref<1x96xi32, #tpu.memory_space<vmem>>
      %dma_start3A_147 = tpu.memref_squeeze %dma_start3A_146 : memref<1x96xi32, #tpu.memory_space<vmem>> -> memref<96xi32, #tpu.memory_space<vmem>>
      %dma_start3A_148 = arith.constant 0 : i32
      %dma_start3A_149 = arith.constant 0 : i32
      %dma_start3A_150 = tpu.memref_slice %arg2[%dma_start3A_148, %dma_start3A_149] : memref<20000x128xf32, #tpu.memory_space<hbm>> -> memref<20000x128xf32, #tpu.memory_space<hbm>>
      tpu.enqueue_indirect_dma source(%dma_start3A_150 : memref<20000x128xf32, #tpu.memory_space<hbm>>) target(%arg11 : memref<96x128xf32, #tpu.memory_space<vmem>>) offsets(%dma_start3A_147 : memref<96xi32, #tpu.memory_space<vmem>>) semaphore(%arg15 : memref<!tpu.dma_semaphore, #tpu.memory_space<semaphore_mem>>)
      %mul3A_151 = arith.constant 4 : i32
      %mul3A_152 = arith.muli %mul3A_151, %scan3A_52 : i32
      %add3A_153 = arith.constant 3 : i32
      %add3A_154 = arith.addi %mul3A_152, %add3A_153 : i32
      %dma_wait3A_155 = arith.constant 0 : i32
      %dma_wait3A_156 = arith.constant 0 : i32
      %dma_wait3A_157 = tpu.memref_slice %arg10[%dma_wait3A_155, %dma_wait3A_156] : memref<2x96xi32, #tpu.memory_space<vmem>> -> memref<1x96xi32, #tpu.memory_space<vmem>>
      %dma_wait3A_158 = tpu.memref_squeeze %dma_wait3A_157 : memref<1x96xi32, #tpu.memory_space<vmem>> -> memref<96xi32, #tpu.memory_space<vmem>>
      %dma_wait3A_159 = arith.constant 0 : i32
      %dma_wait3A_160 = arith.constant 0 : i32
      %dma_wait3A_161 = tpu.memref_slice %arg2[%dma_wait3A_159, %dma_wait3A_160] : memref<20000x128xf32, #tpu.memory_space<hbm>> -> memref<20000x128xf32, #tpu.memory_space<hbm>>
      tpu.wait_indirect_dma semaphore(%arg18 : memref<!tpu.dma_semaphore, #tpu.memory_space<semaphore_mem>>) src(%dma_wait3A_161 : memref<20000x128xf32, #tpu.memory_space<hbm>>) dst(%arg14 : memref<96x128xf32, #tpu.memory_space<vmem>>)
      %dma_start3A_162 = arith.constant 1 : i32
      %dma_start3A_163 = arith.constant 0 : i32
      %dma_start3A_164 = tpu.memref_slice %arg10[%dma_start3A_162, %dma_start3A_163] : memref<2x96xi32, #tpu.memory_space<vmem>> -> memref<1x96xi32, #tpu.memory_space<vmem>>
      %dma_start3A_165 = tpu.memref_squeeze %dma_start3A_164 : memref<1x96xi32, #tpu.memory_space<vmem>> -> memref<96xi32, #tpu.memory_space<vmem>>
      %dma_start3A_166 = arith.constant 0 : i32
      %dma_start3A_167 = arith.constant 0 : i32
      %dma_start3A_168 = tpu.memref_slice %arg6[%dma_start3A_166, %dma_start3A_167] : memref<10112x128xf32, #tpu.memory_space<vmem_shared>> -> memref<10112x128xf32, #tpu.memory_space<vmem_shared>>
      tpu.enqueue_indirect_dma source(%arg14 : memref<96x128xf32, #tpu.memory_space<vmem>>) target(%dma_start3A_168 : memref<10112x128xf32, #tpu.memory_space<vmem_shared>>) offsets(%dma_start3A_165 : memref<96xi32, #tpu.memory_space<vmem>>) semaphore(%arg22 : memref<!tpu.dma_semaphore, #tpu.memory_space<semaphore_mem>>) {add = true}
      %dma_wait3A_169 = arith.constant 0 : i32
      %dma_wait3A_170 = arith.constant 0 : i32
      %dma_wait3A_171 = tpu.memref_slice %arg4[%dma_wait3A_169, %dma_wait3A_170] : memref<10112x128xf32, #tpu.memory_space<hbm>> -> memref<96x128xf32, #tpu.memory_space<hbm>>
      %dma_wait3A_172 = arith.constant 0 : i32
      %dma_wait3A_173 = arith.constant 0 : i32
      %dma_wait3A_174 = tpu.memref_slice %arg4[%dma_wait3A_172, %dma_wait3A_173] : memref<10112x128xf32, #tpu.memory_space<hbm>> -> memref<96x128xf32, #tpu.memory_space<hbm>>
      tpu.wait_dma2 semaphore(%arg20 : memref<!tpu.dma_semaphore, #tpu.memory_space<semaphore_mem>>) src(%dma_wait3A_174 : memref<96x128xf32, #tpu.memory_space<hbm>>) dst(%arg12 : memref<96x128xf32, #tpu.memory_space<vmem>>)
      %add3A_175 = arith.constant 2 : i32
      %add3A_176 = arith.addi %add3A_154, %add3A_175 : i32
      %min3A_177 = arith.constant 215 : i32
      %min3A_178 = arith.minsi %add3A_176, %min3A_177 : i32
      "tpu.region"() ({
        %run_scoped3A_186 = tpu.sem_alloc : memref<!tpu.dma_semaphore, #tpu.memory_space<semaphore_mem>>
        %dma_start3A_187 = arith.constant 0 : i32
        %dma_start3A_188 = arith.constant 0 : i32
        %dma_start3A_189 = arith.constant 0 : i32
        %dma_start3A_190 = arith.constant 0 : i32
        %dma_start3A_191 = tpu.memref_slice %arg3[%arg0, %dma_start3A_187, %dma_start3A_188, %dma_start3A_189, %dma_start3A_190] : memref<2x16x216x2x96xi32, #tpu.memory_space<hbm>> -> memref<1x16x216x2x96xi32, #tpu.memory_space<hbm>>
        %dma_start3A_192 = tpu.memref_squeeze %dma_start3A_191 : memref<1x16x216x2x96xi32, #tpu.memory_space<hbm>> -> memref<16x216x2x96xi32, #tpu.memory_space<hbm>>
        %dma_start3A_193 = arith.constant 0 : i32
        %dma_start3A_194 = arith.constant 0 : i32
        %dma_start3A_195 = arith.constant 0 : i32
        %dma_start3A_196 = tpu.memref_slice %dma_start3A_192[%arg1, %dma_start3A_193, %dma_start3A_194, %dma_start3A_195] : memref<16x216x2x96xi32, #tpu.memory_space<hbm>> -> memref<1x216x2x96xi32, #tpu.memory_space<hbm>>
        %dma_start3A_197 = tpu.memref_squeeze %dma_start3A_196 : memref<1x216x2x96xi32, #tpu.memory_space<hbm>> -> memref<216x2x96xi32, #tpu.memory_space<hbm>>
        %dma_start3A_198 = arith.constant 0 : i32
        %dma_start3A_199 = arith.constant 0 : i32
        %dma_start3A_200 = tpu.memref_slice %dma_start3A_197[%min3A_178, %dma_start3A_198, %dma_start3A_199] : memref<216x2x96xi32, #tpu.memory_space<hbm>> -> memref<1x2x96xi32, #tpu.memory_space<hbm>>
        %dma_start3A_201 = tpu.memref_squeeze %dma_start3A_200 : memref<1x2x96xi32, #tpu.memory_space<hbm>> -> memref<2x96xi32, #tpu.memory_space<hbm>>
        %dma_start3A_202 = arith.constant 0 : i32
        %dma_start3A_203 = arith.constant 0 : i32
        %dma_start3A_204 = arith.constant 0 : i32
        %dma_start3A_205 = arith.constant 0 : i32
        %dma_start3A_206 = tpu.memref_slice %arg3[%arg0, %dma_start3A_202, %dma_start3A_203, %dma_start3A_204, %dma_start3A_205] : memref<2x16x216x2x96xi32, #tpu.memory_space<hbm>> -> memref<1x16x216x2x96xi32, #tpu.memory_space<hbm>>
        %dma_start3A_207 = tpu.memref_squeeze %dma_start3A_206 : memref<1x16x216x2x96xi32, #tpu.memory_space<hbm>> -> memref<16x216x2x96xi32, #tpu.memory_space<hbm>>
        %dma_start3A_208 = arith.constant 0 : i32
        %dma_start3A_209 = arith.constant 0 : i32
        %dma_start3A_210 = arith.constant 0 : i32
        %dma_start3A_211 = tpu.memref_slice %dma_start3A_207[%arg1, %dma_start3A_208, %dma_start3A_209, %dma_start3A_210] : memref<16x216x2x96xi32, #tpu.memory_space<hbm>> -> memref<1x216x2x96xi32, #tpu.memory_space<hbm>>
        %dma_start3A_212 = tpu.memref_squeeze %dma_start3A_211 : memref<1x216x2x96xi32, #tpu.memory_space<hbm>> -> memref<216x2x96xi32, #tpu.memory_space<hbm>>
        %dma_start3A_213 = arith.constant 0 : i32
        %dma_start3A_214 = arith.constant 0 : i32
        %dma_start3A_215 = tpu.memref_slice %dma_start3A_212[%min3A_178, %dma_start3A_213, %dma_start3A_214] : memref<216x2x96xi32, #tpu.memory_space<hbm>> -> memref<1x2x96xi32, #tpu.memory_space<hbm>>
        %dma_start3A_216 = tpu.memref_squeeze %dma_start3A_215 : memref<1x2x96xi32, #tpu.memory_space<hbm>> -> memref<2x96xi32, #tpu.memory_space<hbm>>
        tpu.enqueue_dma source(%dma_start3A_216 : memref<2x96xi32, #tpu.memory_space<hbm>>) target(%arg8 : memref<2x96xi32, #tpu.memory_space<vmem>>) target_semaphore(%run_scoped3A_186 : memref<!tpu.dma_semaphore, #tpu.memory_space<semaphore_mem>>)
        %dma_wait3A_217 = arith.constant 0 : i32
        %dma_wait3A_218 = arith.constant 0 : i32
        %dma_wait3A_219 = arith.constant 0 : i32
        %dma_wait3A_220 = arith.constant 0 : i32
        %dma_wait3A_221 = tpu.memref_slice %arg3[%arg0, %dma_wait3A_217, %dma_wait3A_218, %dma_wait3A_219, %dma_wait3A_220] : memref<2x16x216x2x96xi32, #tpu.memory_space<hbm>> -> memref<1x16x216x2x96xi32, #tpu.memory_space<hbm>>
        %dma_wait3A_222 = tpu.memref_squeeze %dma_wait3A_221 : memref<1x16x216x2x96xi32, #tpu.memory_space<hbm>> -> memref<16x216x2x96xi32, #tpu.memory_space<hbm>>
        %dma_wait3A_223 = arith.constant 0 : i32
        %dma_wait3A_224 = arith.constant 0 : i32
        %dma_wait3A_225 = arith.constant 0 : i32
        %dma_wait3A_226 = tpu.memref_slice %dma_wait3A_222[%arg1, %dma_wait3A_223, %dma_wait3A_224, %dma_wait3A_225] : memref<16x216x2x96xi32, #tpu.memory_space<hbm>> -> memref<1x216x2x96xi32, #tpu.memory_space<hbm>>
        %dma_wait3A_227 = tpu.memref_squeeze %dma_wait3A_226 : memref<1x216x2x96xi32, #tpu.memory_space<hbm>> -> memref<216x2x96xi32, #tpu.memory_space<hbm>>
        %dma_wait3A_228 = arith.constant 0 : i32
        %dma_wait3A_229 = arith.constant 0 : i32
        %dma_wait3A_230 = tpu.memref_slice %dma_wait3A_227[%min3A_178, %dma_wait3A_228, %dma_wait3A_229] : memref<216x2x96xi32, #tpu.memory_space<hbm>> -> memref<1x2x96xi32, #tpu.memory_space<hbm>>
        %dma_wait3A_231 = tpu.memref_squeeze %dma_wait3A_230 : memref<1x2x96xi32, #tpu.memory_space<hbm>> -> memref<2x96xi32, #tpu.memory_space<hbm>>
        %dma_wait3A_232 = arith.constant 0 : i32
        %dma_wait3A_233 = arith.constant 0 : i32
        %dma_wait3A_234 = arith.constant 0 : i32
        %dma_wait3A_235 = arith.constant 0 : i32
        %dma_wait3A_236 = tpu.memref_slice %arg3[%arg0, %dma_wait3A_232, %dma_wait3A_233, %dma_wait3A_234, %dma_wait3A_235] : memref<2x16x216x2x96xi32, #tpu.memory_space<hbm>> -> memref<1x16x216x2x96xi32, #tpu.memory_space<hbm>>
        %dma_wait3A_237 = tpu.memref_squeeze %dma_wait3A_236 : memref<1x16x216x2x96xi32, #tpu.memory_space<hbm>> -> memref<16x216x2x96xi32, #tpu.memory_space<hbm>>
        %dma_wait3A_238 = arith.constant 0 : i32
        %dma_wait3A_239 = arith.constant 0 : i32
        %dma_wait3A_240 = arith.constant 0 : i32
        %dma_wait3A_241 = tpu.memref_slice %dma_wait3A_237[%arg1, %dma_wait3A_238, %dma_wait3A_239, %dma_wait3A_240] : memref<16x216x2x96xi32, #tpu.memory_space<hbm>> -> memref<1x216x2x96xi32, #tpu.memory_space<hbm>>
        %dma_wait3A_242 = tpu.memref_squeeze %dma_wait3A_241 : memref<1x216x2x96xi32, #tpu.memory_space<hbm>> -> memref<216x2x96xi32, #tpu.memory_space<hbm>>
        %dma_wait3A_243 = arith.constant 0 : i32
        %dma_wait3A_244 = arith.constant 0 : i32
        %dma_wait3A_245 = tpu.memref_slice %dma_wait3A_242[%min3A_178, %dma_wait3A_243, %dma_wait3A_244] : memref<216x2x96xi32, #tpu.memory_space<hbm>> -> memref<1x2x96xi32, #tpu.memory_space<hbm>>
        %dma_wait3A_246 = tpu.memref_squeeze %dma_wait3A_245 : memref<1x2x96xi32, #tpu.memory_space<hbm>> -> memref<2x96xi32, #tpu.memory_space<hbm>>
        tpu.wait_dma2 semaphore(%run_scoped3A_186 : memref<!tpu.dma_semaphore, #tpu.memory_space<semaphore_mem>>) src(%dma_wait3A_246 : memref<2x96xi32, #tpu.memory_space<hbm>>) dst(%arg8 : memref<2x96xi32, #tpu.memory_space<vmem>>)
        tpu.yield
      }) : () -> ()
      %dma_start3A_179 = arith.constant 0 : i32
      %dma_start3A_180 = arith.constant 0 : i32
      %dma_start3A_181 = tpu.memref_slice %arg8[%dma_start3A_179, %dma_start3A_180] : memref<2x96xi32, #tpu.memory_space<vmem>> -> memref<1x96xi32, #tpu.memory_space<vmem>>
      %dma_start3A_182 = tpu.memref_squeeze %dma_start3A_181 : memref<1x96xi32, #tpu.memory_space<vmem>> -> memref<96xi32, #tpu.memory_space<vmem>>
      %dma_start3A_183 = arith.constant 0 : i32
      %dma_start3A_184 = arith.constant 0 : i32
      %dma_start3A_185 = tpu.memref_slice %arg2[%dma_start3A_183, %dma_start3A_184] : memref<20000x128xf32, #tpu.memory_space<hbm>> -> memref<20000x128xf32, #tpu.memory_space<hbm>>
      tpu.enqueue_indirect_dma source(%dma_start3A_185 : memref<20000x128xf32, #tpu.memory_space<hbm>>) target(%arg12 : memref<96x128xf32, #tpu.memory_space<vmem>>) offsets(%dma_start3A_182 : memref<96xi32, #tpu.memory_space<vmem>>) semaphore(%arg16 : memref<!tpu.dma_semaphore, #tpu.memory_space<semaphore_mem>>)
    }
    %scan3A_21 = arith.constant 54 : i32
    %dma_wait3A = arith.constant 0 : i32
    %dma_wait3A_22 = arith.constant 0 : i32
    %dma_wait3A_23 = tpu.memref_slice %arg7[%dma_wait3A, %dma_wait3A_22] : memref<2x96xi32, #tpu.memory_space<vmem>> -> memref<1x96xi32, #tpu.memory_space<vmem>>
    %dma_wait3A_24 = tpu.memref_squeeze %dma_wait3A_23 : memref<1x96xi32, #tpu.memory_space<vmem>> -> memref<96xi32, #tpu.memory_space<vmem>>
    %dma_wait3A_25 = arith.constant 0 : i32
    %dma_wait3A_26 = arith.constant 0 : i32
    %dma_wait3A_27 = tpu.memref_slice %arg2[%dma_wait3A_25, %dma_wait3A_26] : memref<20000x128xf32, #tpu.memory_space<hbm>> -> memref<20000x128xf32, #tpu.memory_space<hbm>>
    tpu.wait_indirect_dma semaphore(%arg15 : memref<!tpu.dma_semaphore, #tpu.memory_space<semaphore_mem>>) src(%dma_wait3A_27 : memref<20000x128xf32, #tpu.memory_space<hbm>>) dst(%arg11 : memref<96x128xf32, #tpu.memory_space<vmem>>)
    %dma_wait3A_28 = arith.constant 0 : i32
    %dma_wait3A_29 = arith.constant 0 : i32
    %dma_wait3A_30 = tpu.memref_slice %arg8[%dma_wait3A_28, %dma_wait3A_29] : memref<2x96xi32, #tpu.memory_space<vmem>> -> memref<1x96xi32, #tpu.memory_space<vmem>>
    %dma_wait3A_31 = tpu.memref_squeeze %dma_wait3A_30 : memref<1x96xi32, #tpu.memory_space<vmem>> -> memref<96xi32, #tpu.memory_space<vmem>>
    %dma_wait3A_32 = arith.constant 0 : i32
    %dma_wait3A_33 = arith.constant 0 : i32
    %dma_wait3A_34 = tpu.memref_slice %arg2[%dma_wait3A_32, %dma_wait3A_33] : memref<20000x128xf32, #tpu.memory_space<hbm>> -> memref<20000x128xf32, #tpu.memory_space<hbm>>
    tpu.wait_indirect_dma semaphore(%arg16 : memref<!tpu.dma_semaphore, #tpu.memory_space<semaphore_mem>>) src(%dma_wait3A_34 : memref<20000x128xf32, #tpu.memory_space<hbm>>) dst(%arg12 : memref<96x128xf32, #tpu.memory_space<vmem>>)
    %dma_wait3A_35 = arith.constant 0 : i32
    %dma_wait3A_36 = arith.constant 0 : i32
    %dma_wait3A_37 = tpu.memref_slice %arg4[%dma_wait3A_35, %dma_wait3A_36] : memref<10112x128xf32, #tpu.memory_space<hbm>> -> memref<96x128xf32, #tpu.memory_space<hbm>>
    %dma_wait3A_38 = arith.constant 0 : i32
    %dma_wait3A_39 = arith.constant 0 : i32
    %dma_wait3A_40 = tpu.memref_slice %arg4[%dma_wait3A_38, %dma_wait3A_39] : memref<10112x128xf32, #tpu.memory_space<hbm>> -> memref<96x128xf32, #tpu.memory_space<hbm>>
    tpu.wait_dma2 semaphore(%arg21 : memref<!tpu.dma_semaphore, #tpu.memory_space<semaphore_mem>>) src(%dma_wait3A_40 : memref<96x128xf32, #tpu.memory_space<hbm>>) dst(%arg13 : memref<96x128xf32, #tpu.memory_space<vmem>>)
    %dma_wait3A_41 = arith.constant 0 : i32
    %dma_wait3A_42 = arith.constant 0 : i32
    %dma_wait3A_43 = tpu.memref_slice %arg4[%dma_wait3A_41, %dma_wait3A_42] : memref<10112x128xf32, #tpu.memory_space<hbm>> -> memref<96x128xf32, #tpu.memory_space<hbm>>
    %dma_wait3A_44 = arith.constant 0 : i32
    %dma_wait3A_45 = arith.constant 0 : i32
    %dma_wait3A_46 = tpu.memref_slice %arg4[%dma_wait3A_44, %dma_wait3A_45] : memref<10112x128xf32, #tpu.memory_space<hbm>> -> memref<96x128xf32, #tpu.memory_space<hbm>>
    tpu.wait_dma2 semaphore(%arg22 : memref<!tpu.dma_semaphore, #tpu.memory_space<semaphore_mem>>) src(%dma_wait3A_46 : memref<96x128xf32, #tpu.memory_space<hbm>>) dst(%arg14 : memref<96x128xf32, #tpu.memory_space<vmem>>)
    %barrier3A_47 = arith.constant 0 : index
    tpu.barrier barrier_id(%barrier3A_47)
    %mul3A_48 = arith.constant 632 : i32
    %mul3A_49 = arith.muli %arg1, %mul3A_48 : i32
    %mul3A_50 = arith.constant 632 : i32
    %mul3A_51 = arith.muli %arg1, %mul3A_50 : i32
    "tpu.region"() ({
      %run_scoped3A_52 = tpu.sem_alloc : memref<!tpu.dma_semaphore, #tpu.memory_space<semaphore_mem>>
      %dma_start3A_53 = arith.constant 0 : i32
      %dma_start3A_54 = arith.constant 0 : i32
      %dma_start3A_55 = tpu.memref_slice %arg5[%arg0, %dma_start3A_53, %dma_start3A_54] : memref<2x10112x128xf32, #tpu.memory_space<hbm>> -> memref<1x10112x128xf32, #tpu.memory_space<hbm>>
      %dma_start3A_56 = tpu.memref_squeeze %dma_start3A_55 : memref<1x10112x128xf32, #tpu.memory_space<hbm>> -> memref<10112x128xf32, #tpu.memory_space<hbm>>
      %dma_start3A_57 = arith.constant 0 : i32
      %dma_start3A_58 = tpu.memref_slice %dma_start3A_56[%mul3A_51, %dma_start3A_57] : memref<10112x128xf32, #tpu.memory_space<hbm>> -> memref<632x128xf32, #tpu.memory_space<hbm>>
      %dma_start3A_59 = arith.constant 0 : i32
      %dma_start3A_60 = tpu.memref_slice %arg6[%mul3A_49, %dma_start3A_59] : memref<10112x128xf32, #tpu.memory_space<vmem_shared>> -> memref<632x128xf32, #tpu.memory_space<vmem_shared>>
      tpu.enqueue_dma source(%dma_start3A_60 : memref<632x128xf32, #tpu.memory_space<vmem_shared>>) target(%dma_start3A_58 : memref<632x128xf32, #tpu.memory_space<hbm>>) target_semaphore(%run_scoped3A_52 : memref<!tpu.dma_semaphore, #tpu.memory_space<semaphore_mem>>)
      %dma_wait3A_61 = arith.constant 0 : i32
      %dma_wait3A_62 = arith.constant 0 : i32
      %dma_wait3A_63 = tpu.memref_slice %arg5[%arg0, %dma_wait3A_61, %dma_wait3A_62] : memref<2x10112x128xf32, #tpu.memory_space<hbm>> -> memref<1x10112x128xf32, #tpu.memory_space<hbm>>
      %dma_wait3A_64 = tpu.memref_squeeze %dma_wait3A_63 : memref<1x10112x128xf32, #tpu.memory_space<hbm>> -> memref<10112x128xf32, #tpu.memory_space<hbm>>
      %dma_wait3A_65 = arith.constant 0 : i32
      %dma_wait3A_66 = tpu.memref_slice %dma_wait3A_64[%mul3A_51, %dma_wait3A_65] : memref<10112x128xf32, #tpu.memory_space<hbm>> -> memref<632x128xf32, #tpu.memory_space<hbm>>
      %dma_wait3A_67 = arith.constant 0 : i32
      %dma_wait3A_68 = tpu.memref_slice %arg6[%mul3A_49, %dma_wait3A_67] : memref<10112x128xf32, #tpu.memory_space<vmem_shared>> -> memref<632x128xf32, #tpu.memory_space<vmem_shared>>
      tpu.wait_dma2 semaphore(%run_scoped3A_52 : memref<!tpu.dma_semaphore, #tpu.memory_space<semaphore_mem>>) src(%dma_wait3A_68 : memref<632x128xf32, #tpu.memory_space<vmem_shared>>) dst(%dma_wait3A_66 : memref<632x128xf32, #tpu.memory_space<hbm>>)
      tpu.yield
    }) : () -> ()
    return
  }
}

module attributes {stable_mosaic.version = 14 : i64} {
  func.func @_k0_body(%arg0: i32, %arg1: memref<1000x128xf32, #tpu.memory_space<vmem>>, %arg2: memref<128x256xf32, #tpu.memory_space<vmem>>, %arg3: memref<2x1000x16xf32, #tpu.memory_space<vmem>>, %arg4: memref<2x1000x128xf32, #tpu.memory_space<vmem>>) attributes {dimension_semantics = [#tpu.dimension_semantics<arbitrary>], iteration_bounds = array<i64: 10>, scalar_prefetch = 0 : i64, scratch_operands = 0 : i64, tpu.core_type = #tpu.core_type<tc>, window_params = [{transform_indices = @transform_0, window_bounds = array<i64: 1000, 128>}, {pipeline_mode = #tpu.pipeline_mode<synchronous>, transform_indices = @transform_1, window_bounds = array<i64: 128, 256>}, {transform_indices = @transform_2, window_bounds = array<i64: 2, 1000, 16>}, {transform_indices = @transform_3, window_bounds = array<i64: 2, 1000, 128>}]} {
    %get3A = arith.constant 0 : index
    %get3A_0 = arith.constant 0 : index
    %get3A_1 = arith.constant 0 : index
    %get3A_2 = vector.load %arg3[%get3A, %get3A_0, %get3A_1] : memref<2x1000x16xf32, #tpu.memory_space<vmem>>, vector<2x1000x16xf32>
    %slice3A = vector.extract_strided_slice %get3A_2 {offsets = [0, 0, 0], sizes = [1, 1000, 16], strides = [1, 1, 1]} : vector<2x1000x16xf32> to vector<1x1000x16xf32>
    %squeeze3A = vector.shape_cast %slice3A : vector<1x1000x16xf32> to vector<1000x16xf32>
    %slice3A_3 = vector.extract_strided_slice %get3A_2 {offsets = [1, 0, 0], sizes = [1, 1000, 16], strides = [1, 1, 1]} : vector<2x1000x16xf32> to vector<1x1000x16xf32>
    %squeeze3A_4 = vector.shape_cast %slice3A_3 : vector<1x1000x16xf32> to vector<1000x16xf32>
    %add3A = arith.addf %squeeze3A, %squeeze3A_4 : vector<1000x16xf32>
    %rsqrt3A = math.rsqrt %add3A : vector<1000x16xf32>
    %slice3A_5 = vector.extract_strided_slice %rsqrt3A {offsets = [0, 0], sizes = [1000, 1], strides = [1, 1]} : vector<1000x16xf32> to vector<1000x1xf32>
    %get3A_6 = arith.constant 0 : index
    %get3A_7 = arith.constant 0 : index
    %get3A_8 = vector.load %arg1[%get3A_6, %get3A_7] : memref<1000x128xf32, #tpu.memory_space<vmem>>, vector<1000x128xf32>
    %get3A_9 = arith.constant 0 : index
    %get3A_10 = arith.constant 0 : index
    %get3A_11 = vector.load %arg2[%get3A_9, %get3A_10] : memref<128x256xf32, #tpu.memory_space<vmem>>, vector<128x256xf32>
    %dot_general3A = arith.constant dense<0.000000e+00> : vector<1000x256xf32>
    %dot_general3A_12 = tpu.matmul %get3A_8, %get3A_11, %dot_general3A {dimension_numbers = #tpu.dot_dimension_numbers<[1], [0], [0], [1], [0, 0, 1, 1], [], []>, transpose_lhs_hint = false} : vector<1000x128xf32>, vector<128x256xf32>, vector<1000x256xf32> -> vector<1000x256xf32>
    %mul3A = vector.broadcast %slice3A_5 : vector<1000x1xf32> to vector<1000x256xf32>
    %mul3A_13 = arith.mulf %dot_general3A_12, %mul3A : vector<1000x256xf32>
    %slice3A_14 = vector.extract_strided_slice %mul3A_13 {offsets = [0, 0], sizes = [1000, 128], strides = [1, 1]} : vector<1000x256xf32> to vector<1000x128xf32>
    %swap3A = arith.constant 0 : index
    %swap3A_15 = arith.constant 0 : index
    %swap3A_16 = arith.constant 0 : index
    %swap3A_17 = vector.load %arg4[%swap3A, %swap3A_15, %swap3A_16] : memref<2x1000x128xf32, #tpu.memory_space<vmem>>, vector<1x1000x128xf32>
    %swap3A_18 = vector.shape_cast %swap3A_17 : vector<1x1000x128xf32> to vector<1000x128xf32>
    %swap3A_19 = vector.shape_cast %slice3A_14 : vector<1000x128xf32> to vector<1x1000x128xf32>
    tpu.vector_store %arg4[%swap3A, %swap3A_15, %swap3A_16], %swap3A_19 {strides = array<i32>} : memref<2x1000x128xf32, #tpu.memory_space<vmem>>, vector<1x1000x128xf32>,
    %slice3A_20 = vector.extract_strided_slice %mul3A_13 {offsets = [0, 128], sizes = [1000, 128], strides = [1, 1]} : vector<1000x256xf32> to vector<1000x128xf32>
    %swap3A_21 = arith.constant 1 : index
    %swap3A_22 = arith.constant 0 : index
    %swap3A_23 = arith.constant 0 : index
    %swap3A_24 = vector.load %arg4[%swap3A_21, %swap3A_22, %swap3A_23] : memref<2x1000x128xf32, #tpu.memory_space<vmem>>, vector<1x1000x128xf32>
    %swap3A_25 = vector.shape_cast %swap3A_24 : vector<1x1000x128xf32> to vector<1000x128xf32>
    %swap3A_26 = vector.shape_cast %slice3A_20 : vector<1000x128xf32> to vector<1x1000x128xf32>
    tpu.vector_store %arg4[%swap3A_21, %swap3A_22, %swap3A_23], %swap3A_26 {strides = array<i32>} : memref<2x1000x128xf32, #tpu.memory_space<vmem>>, vector<1x1000x128xf32>,
    return
  }
  func.func @transform_0(%arg0: i32) -> (i32, i32) {
    %c0_i32 = arith.constant 0 : i32
    %c0_i32_0 = arith.constant 0 : i32
    return %arg0, %c0_i32 : i32, i32
  }
  func.func @transform_1(%arg0: i32) -> (i32, i32) {
    %c0_i32 = arith.constant 0 : i32
    %c0_i32_0 = arith.constant 0 : i32
    %c0_i32_1 = arith.constant 0 : i32
    return %c0_i32, %c0_i32_0 : i32, i32
  }
  func.func @transform_2(%arg0: i32) -> (i32, i32, i32) {
    %c0_i32 = arith.constant 0 : i32
    %c0_i32_0 = arith.constant 0 : i32
    %c0_i32_1 = arith.constant 0 : i32
    return %c0_i32, %arg0, %c0_i32_0 : i32, i32, i32
  }
  func.func @transform_3(%arg0: i32) -> (i32, i32, i32) {
    %c0_i32 = arith.constant 0 : i32
    %c0_i32_0 = arith.constant 0 : i32
    %c0_i32_1 = arith.constant 0 : i32
    return %c0_i32, %arg0, %c0_i32_0 : i32, i32, i32
  }
}

module attributes {stable_mosaic.version = 14 : i64} {
  func.func @_k12_body(%arg0: i32, %arg1: memref<2x1000x128xf32, #tpu.memory_space<vmem>>, %arg2: memref<2x1000x16xf32, #tpu.memory_space<vmem>>, %arg3: memref<1x256xf32, #tpu.memory_space<vmem>>, %arg4: memref<256x256xf32, #tpu.memory_space<vmem>>, %arg5: memref<1000x256xf32, #tpu.memory_space<vmem>>, %arg6: memref<2x1000x128xf32, #tpu.memory_space<vmem>>) attributes {dimension_semantics = [#tpu.dimension_semantics<arbitrary>], iteration_bounds = array<i64: 10>, scalar_prefetch = 0 : i64, scratch_operands = 0 : i64, tpu.core_type = #tpu.core_type<tc>, window_params = [{transform_indices = @transform_0, window_bounds = array<i64: 2, 1000, 128>}, {transform_indices = @transform_1, window_bounds = array<i64: 2, 1000, 16>}, {pipeline_mode = #tpu.pipeline_mode<synchronous>, transform_indices = @transform_2, window_bounds = array<i64: 1, 256>}, {pipeline_mode = #tpu.pipeline_mode<synchronous>, transform_indices = @transform_3, window_bounds = array<i64: 256, 256>}, {transform_indices = @transform_4, window_bounds = array<i64: 1000, 256>}, {transform_indices = @transform_5, window_bounds = array<i64: 2, 1000, 128>}]} {
    %get3A = arith.constant 0 : index
    %get3A_0 = arith.constant 0 : index
    %get3A_1 = arith.constant 0 : index
    %get3A_2 = vector.load %arg2[%get3A, %get3A_0, %get3A_1] : memref<2x1000x16xf32, #tpu.memory_space<vmem>>, vector<2x1000x16xf32>
    %slice3A = vector.extract_strided_slice %get3A_2 {offsets = [0, 0, 0], sizes = [1, 1000, 16], strides = [1, 1, 1]} : vector<2x1000x16xf32> to vector<1x1000x16xf32>
    %squeeze3A = vector.shape_cast %slice3A : vector<1x1000x16xf32> to vector<1000x16xf32>
    %slice3A_3 = vector.extract_strided_slice %get3A_2 {offsets = [1, 0, 0], sizes = [1, 1000, 16], strides = [1, 1, 1]} : vector<2x1000x16xf32> to vector<1x1000x16xf32>
    %squeeze3A_4 = vector.shape_cast %slice3A_3 : vector<1x1000x16xf32> to vector<1000x16xf32>
    %add3A = arith.addf %squeeze3A, %squeeze3A_4 : vector<1000x16xf32>
    %rsqrt3A = math.rsqrt %add3A : vector<1000x16xf32>
    %slice3A_5 = vector.extract_strided_slice %rsqrt3A {offsets = [0, 0], sizes = [1000, 1], strides = [1, 1]} : vector<1000x16xf32> to vector<1000x1xf32>
    %get3A_6 = arith.constant 0 : index
    %get3A_7 = arith.constant 0 : index
    %get3A_8 = arith.constant 0 : index
    %get3A_9 = vector.load %arg1[%get3A_6, %get3A_7, %get3A_8] : memref<2x1000x128xf32, #tpu.memory_space<vmem>>, vector<1x1000x128xf32>
    %get3A_10 = vector.shape_cast %get3A_9 : vector<1x1000x128xf32> to vector<1000x128xf32>
    %get3A_11 = arith.constant 1 : index
    %get3A_12 = arith.constant 0 : index
    %get3A_13 = arith.constant 0 : index
    %get3A_14 = vector.load %arg1[%get3A_11, %get3A_12, %get3A_13] : memref<2x1000x128xf32, #tpu.memory_space<vmem>>, vector<1x1000x128xf32>
    %get3A_15 = vector.shape_cast %get3A_14 : vector<1x1000x128xf32> to vector<1000x128xf32>
    %concatenate3A = tpu.concatenate %get3A_10, %get3A_15 in 1 : vector<1000x128xf32>, vector<1000x128xf32> -> vector<1000x256xf32>
    %mul3A = vector.broadcast %slice3A_5 : vector<1000x1xf32> to vector<1000x256xf32>
    %mul3A_16 = arith.mulf %concatenate3A, %mul3A : vector<1000x256xf32>
    %get3A_17 = arith.constant 0 : index
    %get3A_18 = arith.constant 0 : index
    %get3A_19 = vector.load %arg3[%get3A_17, %get3A_18] : memref<1x256xf32, #tpu.memory_space<vmem>>, vector<1x256xf32>
    %add3A_20 = vector.broadcast %get3A_19 : vector<1x256xf32> to vector<1000x256xf32>
    %add3A_21 = arith.addf %mul3A_16, %add3A_20 : vector<1000x256xf32>
    %max3A = arith.constant 0.000000e+00 : f32
    %max3A_22 = vector.broadcast %max3A : f32 to vector<1000x256xf32>
    %max3A_23 = arith.maximumf %add3A_21, %max3A_22 : vector<1000x256xf32>
    %swap3A = arith.constant 0 : index
    %swap3A_24 = arith.constant 0 : index
    %swap3A_25 = vector.load %arg5[%swap3A, %swap3A_24] : memref<1000x256xf32, #tpu.memory_space<vmem>>, vector<1000x256xf32>
    tpu.vector_store %arg5[%swap3A, %swap3A_24], %max3A_23 {strides = array<i32>} : memref<1000x256xf32, #tpu.memory_space<vmem>>, vector<1000x256xf32>,
    %get3A_26 = arith.constant 0 : index
    %get3A_27 = arith.constant 0 : index
    %get3A_28 = vector.load %arg4[%get3A_26, %get3A_27] : memref<256x256xf32, #tpu.memory_space<vmem>>, vector<256x256xf32>
    %dot_general3A = arith.constant dense<0.000000e+00> : vector<1000x256xf32>
    %dot_general3A_29 = tpu.matmul %max3A_23, %get3A_28, %dot_general3A {dimension_numbers = #tpu.dot_dimension_numbers<[1], [0], [0], [1], [0, 0, 1, 1], [], []>, transpose_lhs_hint = false} : vector<1000x256xf32>, vector<256x256xf32>, vector<1000x256xf32> -> vector<1000x256xf32>
    %mul3A_30 = vector.broadcast %slice3A_5 : vector<1000x1xf32> to vector<1000x256xf32>
    %mul3A_31 = arith.mulf %dot_general3A_29, %mul3A_30 : vector<1000x256xf32>
    %slice3A_32 = vector.extract_strided_slice %mul3A_31 {offsets = [0, 0], sizes = [1000, 128], strides = [1, 1]} : vector<1000x256xf32> to vector<1000x128xf32>
    %swap3A_33 = arith.constant 0 : index
    %swap3A_34 = arith.constant 0 : index
    %swap3A_35 = arith.constant 0 : index
    %swap3A_36 = vector.load %arg6[%swap3A_33, %swap3A_34, %swap3A_35] : memref<2x1000x128xf32, #tpu.memory_space<vmem>>, vector<1x1000x128xf32>
    %swap3A_37 = vector.shape_cast %swap3A_36 : vector<1x1000x128xf32> to vector<1000x128xf32>
    %swap3A_38 = vector.shape_cast %slice3A_32 : vector<1000x128xf32> to vector<1x1000x128xf32>
    tpu.vector_store %arg6[%swap3A_33, %swap3A_34, %swap3A_35], %swap3A_38 {strides = array<i32>} : memref<2x1000x128xf32, #tpu.memory_space<vmem>>, vector<1x1000x128xf32>,
    %slice3A_39 = vector.extract_strided_slice %mul3A_31 {offsets = [0, 128], sizes = [1000, 128], strides = [1, 1]} : vector<1000x256xf32> to vector<1000x128xf32>
    %swap3A_40 = arith.constant 1 : index
    %swap3A_41 = arith.constant 0 : index
    %swap3A_42 = arith.constant 0 : index
    %swap3A_43 = vector.load %arg6[%swap3A_40, %swap3A_41, %swap3A_42] : memref<2x1000x128xf32, #tpu.memory_space<vmem>>, vector<1x1000x128xf32>
    %swap3A_44 = vector.shape_cast %swap3A_43 : vector<1x1000x128xf32> to vector<1000x128xf32>
    %swap3A_45 = vector.shape_cast %slice3A_39 : vector<1000x128xf32> to vector<1x1000x128xf32>
    tpu.vector_store %arg6[%swap3A_40, %swap3A_41, %swap3A_42], %swap3A_45 {strides = array<i32>} : memref<2x1000x128xf32, #tpu.memory_space<vmem>>, vector<1x1000x128xf32>,
    return
  }
  func.func @transform_0(%arg0: i32) -> (i32, i32, i32) {
    %c0_i32 = arith.constant 0 : i32
    %c0_i32_0 = arith.constant 0 : i32
    %c0_i32_1 = arith.constant 0 : i32
    return %c0_i32, %arg0, %c0_i32_0 : i32, i32, i32
  }
  func.func @transform_1(%arg0: i32) -> (i32, i32, i32) {
    %c0_i32 = arith.constant 0 : i32
    %c0_i32_0 = arith.constant 0 : i32
    %c0_i32_1 = arith.constant 0 : i32
    return %c0_i32, %arg0, %c0_i32_0 : i32, i32, i32
  }
  func.func @transform_2(%arg0: i32) -> (i32, i32) {
    %c0_i32 = arith.constant 0 : i32
    %c0_i32_0 = arith.constant 0 : i32
    %c0_i32_1 = arith.constant 0 : i32
    return %c0_i32, %c0_i32_0 : i32, i32
  }
  func.func @transform_3(%arg0: i32) -> (i32, i32) {
    %c0_i32 = arith.constant 0 : i32
    %c0_i32_0 = arith.constant 0 : i32
    %c0_i32_1 = arith.constant 0 : i32
    return %c0_i32, %c0_i32_0 : i32, i32
  }
  func.func @transform_4(%arg0: i32) -> (i32, i32) {
    %c0_i32 = arith.constant 0 : i32
    %c0_i32_0 = arith.constant 0 : i32
    return %arg0, %c0_i32 : i32, i32
  }
  func.func @transform_5(%arg0: i32) -> (i32, i32, i32) {
    %c0_i32 = arith.constant 0 : i32
    %c0_i32_0 = arith.constant 0 : i32
    %c0_i32_1 = arith.constant 0 : i32
    return %c0_i32, %arg0, %c0_i32_0 : i32, i32, i32
  }
}

module attributes {stable_mosaic.version = 14 : i64} {
  func.func @_k3_body(%arg0: i32, %arg1: memref<2x1000x128xf32, #tpu.memory_space<vmem>>, %arg2: memref<2x1000x16xf32, #tpu.memory_space<vmem>>, %arg3: memref<1x256xf32, #tpu.memory_space<vmem>>, %arg4: memref<1000x256xf32, #tpu.memory_space<vmem>>, %arg5: memref<1000x256xf32, #tpu.memory_space<vmem>>, %arg6: memref<768x64xf32, #tpu.memory_space<vmem>>, %arg7: memref<1x64xf32, #tpu.memory_space<vmem>>, %arg8: memref<1000x64xf32, #tpu.memory_space<vmem>>) attributes {dimension_semantics = [#tpu.dimension_semantics<arbitrary>], iteration_bounds = array<i64: 10>, scalar_prefetch = 0 : i64, scratch_operands = 0 : i64, tpu.core_type = #tpu.core_type<tc>, window_params = [{transform_indices = @transform_0, window_bounds = array<i64: 2, 1000, 128>}, {transform_indices = @transform_1, window_bounds = array<i64: 2, 1000, 16>}, {pipeline_mode = #tpu.pipeline_mode<synchronous>, transform_indices = @transform_2, window_bounds = array<i64: 1, 256>}, {transform_indices = @transform_3, window_bounds = array<i64: 1000, 256>}, {transform_indices = @transform_4, window_bounds = array<i64: 1000, 256>}, {pipeline_mode = #tpu.pipeline_mode<synchronous>, transform_indices = @transform_5, window_bounds = array<i64: 768, 64>}, {pipeline_mode = #tpu.pipeline_mode<synchronous>, transform_indices = @transform_6, window_bounds = array<i64: 1, 64>}, {transform_indices = @transform_7, window_bounds = array<i64: 1000, 64>}]} {
    %get3A = arith.constant 0 : index
    %get3A_0 = arith.constant 0 : index
    %get3A_1 = arith.constant 0 : index
    %get3A_2 = vector.load %arg2[%get3A, %get3A_0, %get3A_1] : memref<2x1000x16xf32, #tpu.memory_space<vmem>>, vector<2x1000x16xf32>
    %slice3A = vector.extract_strided_slice %get3A_2 {offsets = [0, 0, 0], sizes = [1, 1000, 16], strides = [1, 1, 1]} : vector<2x1000x16xf32> to vector<1x1000x16xf32>
    %squeeze3A = vector.shape_cast %slice3A : vector<1x1000x16xf32> to vector<1000x16xf32>
    %slice3A_3 = vector.extract_strided_slice %get3A_2 {offsets = [1, 0, 0], sizes = [1, 1000, 16], strides = [1, 1, 1]} : vector<2x1000x16xf32> to vector<1x1000x16xf32>
    %squeeze3A_4 = vector.shape_cast %slice3A_3 : vector<1x1000x16xf32> to vector<1000x16xf32>
    %add3A = arith.addf %squeeze3A, %squeeze3A_4 : vector<1000x16xf32>
    %rsqrt3A = math.rsqrt %add3A : vector<1000x16xf32>
    %slice3A_5 = vector.extract_strided_slice %rsqrt3A {offsets = [0, 0], sizes = [1000, 1], strides = [1, 1]} : vector<1000x16xf32> to vector<1000x1xf32>
    %get3A_6 = arith.constant 0 : index
    %get3A_7 = arith.constant 0 : index
    %get3A_8 = arith.constant 0 : index
    %get3A_9 = vector.load %arg1[%get3A_6, %get3A_7, %get3A_8] : memref<2x1000x128xf32, #tpu.memory_space<vmem>>, vector<1x1000x128xf32>
    %get3A_10 = vector.shape_cast %get3A_9 : vector<1x1000x128xf32> to vector<1000x128xf32>
    %get3A_11 = arith.constant 1 : index
    %get3A_12 = arith.constant 0 : index
    %get3A_13 = arith.constant 0 : index
    %get3A_14 = vector.load %arg1[%get3A_11, %get3A_12, %get3A_13] : memref<2x1000x128xf32, #tpu.memory_space<vmem>>, vector<1x1000x128xf32>
    %get3A_15 = vector.shape_cast %get3A_14 : vector<1x1000x128xf32> to vector<1000x128xf32>
    %concatenate3A = tpu.concatenate %get3A_10, %get3A_15 in 1 : vector<1000x128xf32>, vector<1000x128xf32> -> vector<1000x256xf32>
    %mul3A = vector.broadcast %slice3A_5 : vector<1000x1xf32> to vector<1000x256xf32>
    %mul3A_16 = arith.mulf %concatenate3A, %mul3A : vector<1000x256xf32>
    %get3A_17 = arith.constant 0 : index
    %get3A_18 = arith.constant 0 : index
    %get3A_19 = vector.load %arg3[%get3A_17, %get3A_18] : memref<1x256xf32, #tpu.memory_space<vmem>>, vector<1x256xf32>
    %add3A_20 = vector.broadcast %get3A_19 : vector<1x256xf32> to vector<1000x256xf32>
    %add3A_21 = arith.addf %mul3A_16, %add3A_20 : vector<1000x256xf32>
    %max3A = arith.constant 0.000000e+00 : f32
    %max3A_22 = vector.broadcast %max3A : f32 to vector<1000x256xf32>
    %max3A_23 = arith.maximumf %add3A_21, %max3A_22 : vector<1000x256xf32>
    %get3A_24 = arith.constant 0 : index
    %get3A_25 = arith.constant 0 : index
    %get3A_26 = vector.load %arg4[%get3A_24, %get3A_25] : memref<1000x256xf32, #tpu.memory_space<vmem>>, vector<1000x256xf32>
    %get3A_27 = arith.constant 0 : index
    %get3A_28 = arith.constant 0 : index
    %get3A_29 = vector.load %arg6[%get3A_27, %get3A_28] : memref<768x64xf32, #tpu.memory_space<vmem>>, vector<256x64xf32>
    %dot_general3A = arith.constant dense<0.000000e+00> : vector<1000x64xf32>
    %dot_general3A_30 = tpu.matmul %get3A_26, %get3A_29, %dot_general3A {dimension_numbers = #tpu.dot_dimension_numbers<[1], [0], [0], [1], [0, 0, 1, 1], [], []>, transpose_lhs_hint = false} : vector<1000x256xf32>, vector<256x64xf32>, vector<1000x64xf32> -> vector<1000x64xf32>
    %get3A_31 = arith.constant 0 : index
    %get3A_32 = arith.constant 0 : index
    %get3A_33 = vector.load %arg5[%get3A_31, %get3A_32] : memref<1000x256xf32, #tpu.memory_space<vmem>>, vector<1000x256xf32>
    %get3A_34 = arith.constant 256 : index
    %get3A_35 = arith.constant 0 : index
    %get3A_36 = vector.load %arg6[%get3A_34, %get3A_35] : memref<768x64xf32, #tpu.memory_space<vmem>>, vector<256x64xf32>
    %dot_general3A_37 = arith.constant dense<0.000000e+00> : vector<1000x64xf32>
    %dot_general3A_38 = tpu.matmul %get3A_33, %get3A_36, %dot_general3A_37 {dimension_numbers = #tpu.dot_dimension_numbers<[1], [0], [0], [1], [0, 0, 1, 1], [], []>, transpose_lhs_hint = false} : vector<1000x256xf32>, vector<256x64xf32>, vector<1000x64xf32> -> vector<1000x64xf32>
    %add3A_39 = arith.addf %dot_general3A_30, %dot_general3A_38 : vector<1000x64xf32>
    %get3A_40 = arith.constant 512 : index
    %get3A_41 = arith.constant 0 : index
    %get3A_42 = vector.load %arg6[%get3A_40, %get3A_41] : memref<768x64xf32, #tpu.memory_space<vmem>>, vector<256x64xf32>
    %dot_general3A_43 = arith.constant dense<0.000000e+00> : vector<1000x64xf32>
    %dot_general3A_44 = tpu.matmul %max3A_23, %get3A_42, %dot_general3A_43 {dimension_numbers = #tpu.dot_dimension_numbers<[1], [0], [0], [1], [0, 0, 1, 1], [], []>, transpose_lhs_hint = false} : vector<1000x256xf32>, vector<256x64xf32>, vector<1000x64xf32> -> vector<1000x64xf32>
    %add3A_45 = arith.addf %add3A_39, %dot_general3A_44 : vector<1000x64xf32>
    %get3A_46 = arith.constant 0 : index
    %get3A_47 = arith.constant 0 : index
    %get3A_48 = vector.load %arg7[%get3A_46, %get3A_47] : memref<1x64xf32, #tpu.memory_space<vmem>>, vector<1x64xf32>
    %add3A_49 = vector.broadcast %get3A_48 : vector<1x64xf32> to vector<1000x64xf32>
    %add3A_50 = arith.addf %add3A_45, %add3A_49 : vector<1000x64xf32>
    %swap3A = arith.constant 0 : index
    %swap3A_51 = arith.constant 0 : index
    %swap3A_52 = vector.load %arg8[%swap3A, %swap3A_51] : memref<1000x64xf32, #tpu.memory_space<vmem>>, vector<1000x64xf32>
    tpu.vector_store %arg8[%swap3A, %swap3A_51], %add3A_50 {strides = array<i32>} : memref<1000x64xf32, #tpu.memory_space<vmem>>, vector<1000x64xf32>,
    return
  }
  func.func @transform_0(%arg0: i32) -> (i32, i32, i32) {
    %c0_i32 = arith.constant 0 : i32
    %c0_i32_0 = arith.constant 0 : i32
    %c0_i32_1 = arith.constant 0 : i32
    return %c0_i32, %arg0, %c0_i32_0 : i32, i32, i32
  }
  func.func @transform_1(%arg0: i32) -> (i32, i32, i32) {
    %c0_i32 = arith.constant 0 : i32
    %c0_i32_0 = arith.constant 0 : i32
    %c0_i32_1 = arith.constant 0 : i32
    return %c0_i32, %arg0, %c0_i32_0 : i32, i32, i32
  }
  func.func @transform_2(%arg0: i32) -> (i32, i32) {
    %c0_i32 = arith.constant 0 : i32
    %c0_i32_0 = arith.constant 0 : i32
    %c0_i32_1 = arith.constant 0 : i32
    return %c0_i32, %c0_i32_0 : i32, i32
  }
  func.func @transform_3(%arg0: i32) -> (i32, i32) {
    %c0_i32 = arith.constant 0 : i32
    %c0_i32_0 = arith.constant 0 : i32
    return %arg0, %c0_i32 : i32, i32
  }
  func.func @transform_4(%arg0: i32) -> (i32, i32) {
    %c0_i32 = arith.constant 0 : i32
    %c0_i32_0 = arith.constant 0 : i32
    return %arg0, %c0_i32 : i32, i32
  }
  func.func @transform_5(%arg0: i32) -> (i32, i32) {
    %c0_i32 = arith.constant 0 : i32
    %c0_i32_0 = arith.constant 0 : i32
    %c0_i32_1 = arith.constant 0 : i32
    return %c0_i32, %c0_i32_0 : i32, i32
  }
  func.func @transform_6(%arg0: i32) -> (i32, i32) {
    %c0_i32 = arith.constant 0 : i32
    %c0_i32_0 = arith.constant 0 : i32
    %c0_i32_1 = arith.constant 0 : i32
    return %c0_i32, %c0_i32_0 : i32, i32
  }
  func.func @transform_7(%arg0: i32) -> (i32, i32) {
    %c0_i32 = arith.constant 0 : i32
    %c0_i32_0 = arith.constant 0 : i32
    return %arg0, %c0_i32 : i32, i32
  }
}

</mosaic_0001>

<sc_bundles>
// kernel: kernel.10.cloned.1.call-start
scs
__scs_entry_jumppad:
0x0: {  	(pc) =	sbr.rel $0x88, $3  }
0x1: {  	(tag) =	ssettag $0x0;
	lr =	simm.s32 $0x1  }
0x2: {  	[smem:$0x3F97] =	sst lr;
	_ =	strace $0xD0000000  }
0x3: {  	_ = 	snop  }
0x4: {  	_ = 	snop  }
0x5: {  	_ = 	snop  }
0x6: {  	_ = 	snop  }
0x7: {  	_ = 	snop  }
__scs_overlays_trampoline_lowered:
0x8: {  	[smem:$0x3FA6] =	sst s0  }
0x9: {  	[smem:$0x3FA7] =	sst s1  }
0xa: {  	[smem:$0x3FA8] =	sst s2  }
0xb: {  	[smem:$0x3FA9] =	sst s3  }
0xc: {  	[smem:$0x3FAA] =	sst s4  }
0xd: {  	[smem:$0x3FAB] =	sst s5  }
0xe: {  	[smem:$0x3FAC] =	sst s6  }
0xf: {  	[smem:$0x3FAD] =	sst s7  }
0x10: {  	[smem:$0x3FAE] =	sst s8  }
0x11: {  	[smem:$0x3FAF] =	sst s9;
	s0 =	simm.s32 @!p0 $0x0  }
0x12: {  	s1 =	sld [smem:$0x3F95];
	s0 =	simm.s32 @p0 $0x1  }
0x13: {  	[smem:$0x3FB0] =	sst s0;
	s0 =	simm.s32 @!p1 $0x0  }
0x14: {  	s2 =	sld [smem:$0x3F94];
	s0 =	simm.s32 @p1 $0x1  }
0x15: {  	[smem:$0x3FB1] =	sst s0;
	s0 =	simm.s32 @!p2 $0x0  }
0x16: {  	s3 =	sld [smem:$0x3FDB];
	s0 =	simm.s32 @p2 $0x1  }
0x17: {  	s4 =	simm.s32 $0x1BF5;
	[smem:$0x3FB3] =	sst s0  }
0x18: {  	s0 =	sld [smem:$0x3F96];
	_ =	swait.ge [sflag:s4], $0x0  }
0x19: {  	s7 =	sld [smem:$0x3F97]  }
0x1a: {  	s8 =	sadd.s32 $0xFFFFE003, lr  }
0x1b: {  	s9 =	sadd.s32 $0xFFFFFEF7, lr;
	s5 =	simm.s32 $0xFFFFFFFF;
	p2 =	slt.u32 s8, $0xFFFFF086  }
0x1c: {  	p1 =	slt.u32 s9, $0xF7A;
	s5 =	simm.s32 @!p2 $0x0  }
0x1d: {  	s5 =	simm.s32 @p1 $0x1;
	p0 =	seq.s32 s7, s2  }
0x1e: {  	s7 =	smul.u32 @!p0 $0xF7A, s2;
	p2 =	seq.s32 @!p0 s5, $0x0  }
0x1f: {  	s9 =	smul.u32 $0xF7A, s1;
	s8 =	simm.s32 @!p0 $0x1BF5;
	p2 =	por !p2, p0  }
0x20: {  	[sflag:s8] =	ssyncset.s32 @!p0 $0xFFFFF086;
	s6 =	sadd.s32 @!p0 s3, s7;
	s7 =	simm.s32 @!p0 $0x108  }
0x21: {  	s3 =	sadd.s32 s3, s9;
	s6 =	sadd.s32 @!p0 $0x88, s6;
	s7 =	simm.s32 @p2 $0x1082  }
0x22: {  	[simem:s7], [sflag:s8] =	dma.local @!p0 [hbm:s6], $0xF7A  }
0x23: {  	s9 =	sor.u32 $0xD0000000, s2;
	s6 =	simm.s32 $0x108;
	_ =	swait.ge @!p0 [sflag:s8], $0x0  }
0x24: {  	s3 =	sadd.s32 $0x88, s3;
	s6 =	simm.s32 @!p1 $0x1082;
	[sflag:s4] =	ssyncset.s32 $0xFFFFF086  }
0x25: {  	[simem:s6], [sflag:s4] =	dma.local [hbm:s3], $0xF7A  }
0x26: {  	[smem:$0x3F97] =	sst s1;
	(tag) =	ssettag s2;
	_ =	strace s9  }
0x27: {  	s1 =	sld [smem:$0x3FA7]  }
0x28: {  	s2 =	sld [smem:$0x3FA8]  }
0x29: {  	s4 =	sld [smem:$0x3FAA]  }
0x2a: {  	p0 =	seq.s32 s5, $0x0;
	s5 =	sld [smem:$0x3FAB]  }
0x2b: {  	s6 =	sld [smem:$0x3FAC]  }
0x2c: {  	s7 =	sld [smem:$0x3FAD]  }
0x2d: {  	s3 =	simm.s32 $0x108;
	s8 =	sld [smem:$0x3FAE]  }
0x2e: {  	s3 =	simm.s32 @!p0 $0x1082;
	s9 =	sld [smem:$0x3FAF]  }
0x2f: {  	lr =	sadd.s32 s0, s3;
	s0 =	sld [smem:$0x3FA6]  }
0x30: {  	s3 =	sld [smem:$0x3FA9]  }
0x31: {  	[smem:$0x3FB2] =	sst s10  }
0x32: {  	s10 =	sld [smem:$0x3FB0];
	_ =	sdelay $0x3  }
0x33: {  	p0 =	seq.s32 s10, $0x1;
	s10 =	sld [smem:$0x3FB2];
	_ =	sdelay $0x3  }
0x34: {  	[smem:$0x3FB2] =	sst s10  }
0x35: {  	s10 =	sld [smem:$0x3FB1];
	_ =	sdelay $0x3  }
0x36: {  	p1 =	seq.s32 s10, $0x1;
	s10 =	sld [smem:$0x3FB2];
	_ =	sdelay $0x3  }
0x37: {  	[smem:$0x3FB2] =	sst s10  }
0x38: {  	s10 =	sld [smem:$0x3FB3]  }
0x39: {  	_ = 	snop;
	(pc) =	sbr.ind lr, $3  }
0x3a: {  	_ = 	snop  }
0x3b: {  	_ = 	snop  }
0x3c: {  	p2 =	seq.s32 s10, $0x1;
	s10 =	sld [smem:$0x3FB2]  }
0x3d: {  	_ =	shalt  }
0x3e: {  	_ =	shalt  }
0x3f: {  	_ =	shalt  }
0x40: {  	_ =	shalt  }
0x41: {  	_ =	shalt  }
0x42: {  	_ =	shalt  }
0x43: {  	_ =	shalt  }
0x44: {  	_ =	shalt  }
0x45: {  	_ =	shalt  }
0x46: {  	_ =	shalt  }
0x47: {  	_ =	shalt  }
0x48: {  	_ =	shalt  }
0x49: {  	_ =	shalt  }
0x4a: {  	_ =	shalt  }
0x4b: {  	_ =	shalt  }
0x4c: {  	_ =	shalt  }
0x4d: {  	_ =	shalt  }
0x4e: {  	_ =	shalt  }
0x4f: {  	_ =	shalt  }
0x50: {  	_ =	shalt  }
0x51: {  	_ =	shalt  }
0x52: {  	_ =	shalt  }
0x53: {  	_ =	shalt  }
0x54: {  	_ =	shalt  }
0x55: {  	_ =	shalt  }
0x56: {  	_ =	shalt  }
0x57: {  	_ =	shalt  }
0x58: {  	_ =	shalt  }
0x59: {  	_ =	shalt  }
0x5a: {  	_ =	shalt  }
0x5b: {  	_ =	shalt  }
0x5c: {  	_ =	shalt  }
0x5d: {  	_ =	shalt  }
0x5e: {  	_ =	shalt  }
0x5f: {  	_ =	shalt  }
0x60: {  	_ =	shalt  }
0x61: {  	_ =	shalt  }
0x62: {  	_ =	shalt  }
0x63: {  	_ =	shalt  }
0x64: {  	_ =	shalt  }
0x65: {  	_ =	shalt  }
0x66: {  	_ =	shalt  }
0x67: {  	_ =	shalt  }
0x68: {  	_ =	shalt  }
0x69: {  	_ =	shalt  }
0x6a: {  	_ =	shalt  }
0x6b: {  	_ =	shalt  }
0x6c: {  	_ =	shalt  }
0x6d: {  	_ =	shalt  }
0x6e: {  	_ =	shalt  }
0x6f: {  	_ =	shalt  }
0x70: {  	_ =	shalt  }
0x71: {  	_ =	shalt  }
0x72: {  	_ =	shalt  }
0x73: {  	_ =	shalt  }
0x74: {  	_ =	shalt  }
0x75: {  	_ =	shalt  }
0x76: {  	_ =	shalt  }
0x77: {  	_ =	shalt  }
0x78: {  	_ =	shalt  }
0x79: {  	_ =	shalt  }
0x7a: {  	_ =	shalt  }
0x7b: {  	_ =	shalt  }
0x7c: {  	_ =	shalt  }
0x7d: {  	_ =	shalt  }
0x7e: {  	_ =	shalt  }
0x7f: {  	_ =	shalt  }
0x80: {  	_ =	shalt  }
0x81: {  	_ =	shalt  }
0x82: {  	_ =	shalt  }
0x83: {  	_ =	shalt  }
0x84: {  	_ =	shalt  }
0x85: {  	_ =	shalt  }
0x86: {  	_ =	shalt  }
0x87: {  	_ =	shalt  }
.Lfunc_end0:
.L_simem_size_0:
called_computation_lowered:
.L_overlay_start_0:
0x88: {  	s2 =	sld [smem:$0x3FD9]  }
0x89: {  	s3 =	sld [smem:$0x3FFE];
	_ =	sdelay $0x1  }
0x8a: {  	s1 =	srdreg.scid  }
0x8b: {  	s0 =	sand.u32 $0x1, s1  }
0x8c: {  	s17 =	sshll.u32 s0, $0xA;
	s2 =	sadd.s32 s3, s2  }
0x8d: {  	s2 =	sadd.s32 s2, s17  }
0x8e: {  	[smem:$0x3FBE] =	sst s2  }
0x8f: {  	_ = 	snop  }
0x90: {  	s2 =	sld [smem:$0x3FD0];
	(tm) =	ssettm $0x1  }
0x91: {  	s18 =	sld [smem:$0x3FFB];
	_ =	sdelay $0x3  }
0x92: {  	_ =	strace s18  }
0x93: {  	s3 =	sld [smem:$0x3FFC];
	_ =	sdelay $0x3  }
0x94: {  	_ =	strace s3  }
0x95: {  	s3 =	sld [smem:$0x3FFD];
	_ =	sdelay $0x3  }
0x96: {  	_ =	strace s3  }
0x97: {  	_ =	strace $0x8FFFFFFF  }
0x98: {  	s19 =	sld [smem:$0x3FDB];
	_ =	sdelay $0x1  }
0x99: {  	s4 =	simm.s32 $_scs_section_size  }
0x9a: {  	s5 =	simm.s32 $_size__tile_overlayer_lowered;
	s6 =	simm.s32 $_tile_overlayer_lowered  }
0x9b: {  	s22 =	simm.s32 $0x1BFF;
	s21 =	sshll.u32 s6, $0x1;
	s3 =	sadd.s32 s4, s19  }
0x9c: {  	s7 =	simm.s32 $0x0;
	s20 =	sshll.u32 s5, $0x1;
	s5 =	sadd.s32 s21, s3  }
0x9d: {  	[timem:s7], [sflag:s22] =	dma.local [hbm:s5], s20  }
0x9e: {  	_ =	swait.ge [sflag:s22], s20  }
0x9f: {  	s4 =	ssub.s32 $0x0, s20;
	[sflag:s22] =	ssyncset.done $0x0  }
0xa0: {  	[sflag:s22] =	ssyncadd.s32 s4;
	_ =	sdelay $0x1  }
0xa1: {  	s23 =	simm.s32 $0x1B8B  }
0xa2: {  	_ =	swait.ge [sflag:s23], $0x1  }
0xa3: {  	[sflag:s23] =	ssyncset.done $0x0  }
0xa4: {  	s25 =	simm.s32 $0x1B8E;
	s24 =	sld [smem:$0x3FFE];
	[sflag:s23] =	ssyncadd.s32 $0xFFFFFFFF  }
0xa5: {  	s26 =	simm.s32 $execute0_lowered;
	[smem:$0x3FD2] =	sst s25  }
0xa6: {  	s5 =	sshll.u32 s26, $0x1;
	_ =	strace $0x80000046;
	[dreg:$0x1] =	wrdreg $0xFFFFFFFF  }
0xa7: {  	s28 =	simm.s32 $_size_execute0_lowered;
	s3 =	sadd.s32 s3, s5;
	[dreg:$0x0] =	wrdreg $0x0  }
0xa8: {  	s5 =	sshll.u32 s28, $0x1;
	[dreg:$0x2] =	wrdreg s3  }
0xa9: {  	[dreg:$0x3] =	wrdreg s5  }
0xaa: {  	[dreg:$0x4] =	wrdreg $0xC0  }
0xab: {  	_ =	task [dreg:s7], $0x5FFFF  }
0xac: {  	[dreg:$0x1] =	wrdreg $0xFFFFFFFF  }
0xad: {  	[dreg:$0x0] =	wrdreg $0x60  }
0xae: {  	[dreg:$0x2] =	wrdreg s2  }
0xaf: {  	[dreg:$0x3] =	wrdreg s24  }
0xb0: {  	[dreg:$0x4] =	wrdreg $0x0  }
0xb1: {  	[dreg:$0x5] =	wrdreg $0x9  }
0xb2: {  	_ =	task.clear_ibuf [dreg:s7], $0x6FFFF;
	_ =	strace $0x90000046  }
0xb3: {  	s29 =	simm.s32 $0x9;
	_ =	strace $0x80000048  }
0xb4: {  	_ =	swait.ge [sflag:s29], $0x1  }
0xb5: {  	[sflag:s29] =	ssyncadd.s32 $0xFFFFFFFF  }
0xb6: {  	_ =	strace $0x90000048  }
0xb7: {  	_ =	sfence  }
0xb8: {  	s30 =	sld [smem:$0x0];
	_ =	sdelay $0x2  }
0xb9: {  	s31 =	sshll.u32 s1, $0xD;
	s1 =	sshrl.u32 s1, $0x2  }
0xba: {  	s3 =	sand.u32 $0x4000, s31;
	s1 =	sadd.s32 s1, s30  }
0xbb: {  	s0 =	sor.u32 s3, s0;
	s1 =	sshll.u32 s1, $0x11  }
0xbc: {  	s0 =	sor.u32 s1, s0  }
0xbd: {  	s0 =	sadd.s32 $0x8F2B, s0  }
0xbe: {  	[sflag:s0] =	ssyncadd.remote.s32 $0x1  }
0xbf: {  	_ =	sfence.sel $0xFFFF  }
0xc0: {  	[dreg:$0x0] =	wrdreg $0xFFFFFFFF;
	(pc) =	sbr.abs _section_cstart, $3  }
0xc1: {  	[dreg:$0x1] =	wrdreg $0xFFFFFFFF  }
0xc2: {  	_ =	task.clear_ibuf [dreg:s7], $0x2FFFF;
	_ =	strace $0x9FFFFFFF  }
0xc3: {  	(tm) =	ssettm $0x7FFFFFFF  }
tec
execute0_lowered:
.L_overlay_start_1:
0x0: {  	(tag) =	ssettag $0x1  }
0x1: {  	s7 =	rddreg [dreg:$0x0]  }
0x2: {  	s5 =	rddreg [dreg:$0x1];
	s0 =	stileid.u32  }
0x3: {  	s1 =	srdreg.scid;
	s2 =	rddreg [dreg:$0x2]  }
0x4: {  	s3 =	simm.s32 $0x0;
	s13 =	simm.s32 $0x60;
	s14 =	smul.u32 $0x2780, s0  }
0x5: {  	s6 =	sand.u32 $0x1, s1;
	s1 =	rddreg [dreg:$0x3];
	s9 =	smul.u32 $0x4F000, s0  }
0x6: {  	[smem:$0x7FF] =	sst s3;
	s4 =	sadd.s32 $0x2A600, s5;
	s11 =	smul.u32 $0x2880, s0  }
0x7: {  	s31 =	sshll.u32 s0, $0x6;
	s8 =	smul.u32 $0x27800, s6;
	_ =	strace $0x80000047  }
0x8: {  	s10 =	smul.u32 $0x28800, s6;
	s6 =	ssub.s32 $0x2, s6;
	s12 =	sadd.s32 s14, s5  }
0x9: {  	s26 =	sshrl.u32 s6, $0x1;
	s28 =	sshrl.u32 s9, $0x2;
	s8 =	sadd.s32 s8, s5  }
0xa: {  	s6 =	ssub.s32 s6, s26;
	s29 =	sadd.s32 s11, s10;
	s30 =	sadd.s32 s28, s2  }
0xb: {  	s5 =	sadd.s32 $0x2E00, s12;
	s10 =	sor.u32 $0x1C01, s31;
	s12 =	simm.s32 $0x2780  }
0xc: {  	s9 =	sshrl.u32 s29, $0x3;
	s15 =	sadd.s32 $0x2AC00, s8;
	s6 =	smax.u32 s6, $0x1  }
0xd: {  	s8 =	simm.s32 $0x2800;
	s11 =	sshrl.u32 s30, $0x3;
	s7 =	sadd.s32 s9, s7  }
0xe: {  	s9 =	simm.s32 $0x1;
	s14 =	sadd.s32 s14, s15;
	s15 =	simm.s32 $0x0  }
.LBB2_1:
0xf: {  	[tilespmem:s8], [sflag:$0x1] =	stream.linear.gather [hbm4b:s4+s3], $0x3000, $0x38;
	[tilespmem:$0x5800] =	vst v63  }
0x10: {  	_ =	swait.ge [sflag:s9], $0x3000  }
0x11: {  	[sflag:s9] =	ssyncset.done $0x0  }
0x12: {  	[sflag:s9] =	ssyncadd.s32 $0xFFFFD000  }
0x13: {  	[spmem:s11], [sflag:s10] =	dma.local [hbm:s5], $0x2780  }
0x14: {  	_ =	swait.ge [sflag:s9], $0x2780  }
0x15: {  	[sflag:s9] =	ssyncset.done $0x0  }
0x16: {  	[sflag:s9] =	ssyncadd.s32 $0xFFFFD880  }
0x17: {  	s16 =	sadd.s32 $0x0, s7;
	[bflag:$0x0] =	sbarrier.arrive $0xFFFF  }
0x18: {  	[tilespmem:s12], [sflag:$0x1] =	stream.linear.gather [hbm4b:s16+s3], $0x60, $0x38;
	[tilespmem:$0x5800] =	vst v63  }
0x19: {  	_ =	swait.ge [sflag:s9], $0x60  }
0x1a: {  	[sflag:s9] =	ssyncset.done $0x0  }
0x1b: {  	[sflag:s9] =	ssyncadd.s32 $0xFFFFFFA0  }
0x1c: {  	[spmem:s2] =	stream.indirect.scatter.add.f32 [tilespmem:s8], [sflag:$0x1], $0x10, s12, s13, $0xb8;
	[tilespmem:$0x5800] =	vst v63  }
0x1d: {  	_ =	swait.ge [sflag:s9], $0x600  }
0x1e: {  	s17 =	simm.s32 $0x18;
	s16 =	simm.s32 $0xC;
	[sflag:s9] =	ssyncset.done $0x0  }
.LBB2_2:
0x1f: {  	s18 =	sadd.s32 s16, s7  }
0x20: {  	[sflag:s9] =	ssyncadd.s32 $0xFFFFFA00;
	s16 =	smov.u32 s17;
	s19 =	sadd.s32 $0xC, s17  }
0x21: {  	[tilespmem:s12], [sflag:$0x1] =	stream.linear.gather [hbm4b:s18+s3], $0x60, $0x38;
	[tilespmem:$0x5800] =	vst v63  }
0x22: {  	p0 =	sne.s32 s17, $0x504;
	_ =	swait.ge [sflag:s9], $0x60  }
.Ltmp0:
0x23: {  	[sflag:s9] =	ssyncset.done $0x0;
	(pc) =	sbr.rel @p0 .LBB2_2-.Ltmp0, $4  }
0x24: {  	[sflag:s9] =	ssyncadd.s32 $0xFFFFFFA0  }
0x25: {  	[spmem:s2] =	stream.indirect.scatter.add.f32 [tilespmem:s8], [sflag:$0x1], $0x10, s12, s13, $0xb8;
	[tilespmem:$0x5800] =	vst v63  }
0x26: {  	_ =	swait.ge [sflag:s9], $0x600  }
0x27: {  	s17 =	smov.u32 s19;
	[sflag:s9] =	ssyncset.done $0x0  }
0x28: {  	s16 =	sadd.s32 s16, s7;
	[sflag:s9] =	ssyncadd.s32 $0xFFFFFA00  }
0x29: {  	[tilespmem:s12], [sflag:$0x1] =	stream.linear.gather [hbm4b:s16+s3], $0x60, $0x38;
	[tilespmem:$0x5800] =	vst v63  }
0x2a: {  	_ =	swait.ge [sflag:s9], $0x60  }
0x2b: {  	[sflag:s9] =	ssyncset.done $0x0  }
0x2c: {  	[sflag:s9] =	ssyncadd.s32 $0xFFFFFFA0  }
0x2d: {  	[spmem:s2] =	stream.indirect.scatter.add.f32 [tilespmem:s8], [sflag:$0x1], $0x10, s12, s13, $0xb8;
	[tilespmem:$0x5800] =	vst v63  }
0x2e: {  	_ =	swait.ge [sflag:s9], $0x600  }
0x2f: {  	s15 =	sadd.s32 $0x1, s15;
	[sflag:s9] =	ssyncset.done $0x0  }
0x30: {  	p0 =	sne.s32 s15, s6;
	[sflag:s9] =	ssyncadd.s32 $0xFFFFFA00  }
.Ltmp1:
0x31: {  	[bflag:$0x0] =	sbarrier.arrive $0xFFFF;
	(pc) =	sbr.rel @p0 .LBB2_1-.Ltmp1, $4  }
0x32: {  	[hbm:s14], [sflag:s10] =	dma.local [spmem:s11], $0x2780  }
0x33: {  	_ =	swait.ge [sflag:s9], $0x2780  }
0x34: {  	[sflag:s9] =	ssyncset.done $0x0  }
0x35: {  	[sflag:s9] =	ssyncadd.s32 $0xFFFFD880  }
0x36: {  	_ =	sfence.sel $0x180000  }
0x37: {  	[bflag:$0x0] =	sbarrier.arrive $0xFFFF  }
0x38: {  	p0 =	sne.s32 s0, $0x0;
	_ =	strace $0x90000047  }
0x39: {  	s0 =	sadd.s32 @!p0 $0x100000, s1;
	[bflag:$0x2] =	sbarrier.arrive $0xFFFF  }
0x3a: {  	[sflag:s0] =	ssyncadd.tile.s32 @!p0 $0x1;
	_ =	shalt  }
.Lfunc_end2:
_tile_overlayer_lowered:
.L_overlay_start_2:
0x3b: {  	(tag) =	ssettag $0x2  }
0x3c: {  	s0 =	rddreg [dreg:$0x0];
	s2 =	stileid.u32  }
0x3d: {  	s1 =	rddreg [dreg:$0x1];
	p0 =	sne.s32 s2, $0x0  }
0x3e: {  	s3 =	rddreg [dreg:$0x2];
	[bflag:$0x3] =	sbarrier.arrive $0xFFFF;
	s2 =	simm.s32 @!p0 $0x1C01  }
0x3f: {  	[timem:s3], [sflag:s2] =	dma.local @!p0 [hbm:s0], s1  }
0x40: {  	s0 =	simm.s32 @!p0 $0x1  }
0x41: {  	_ =	swait.ge @!p0 [sflag:s0], s1  }
0x42: {  	s1 =	ssub.s32 @!p0 $0x0, s1;
	[sflag:s0] =	ssyncset.done @!p0 $0x0  }
0x43: {  	[sflag:s0] =	ssyncadd.s32 @!p0 s1  }
0x44: {  	[bflag:$0x3] =	sbarrier.arrive $0xFFFF  }
0x45: {  	_ =	shalt  }

// kernel: kernel.13.cloned.1.call-start
scs
__scs_entry_jumppad:
0x0: {  	(pc) =	sbr.rel $0x88, $3  }
0x1: {  	(tag) =	ssettag $0x0;
	lr =	simm.s32 $0x1  }
0x2: {  	[smem:$0x3F97] =	sst lr;
	_ =	strace $0xD0000000  }
0x3: {  	_ = 	snop  }
0x4: {  	_ = 	snop  }
0x5: {  	_ = 	snop  }
0x6: {  	_ = 	snop  }
0x7: {  	_ = 	snop  }
__scs_overlays_trampoline_lowered:
0x8: {  	[smem:$0x3FA6] =	sst s0  }
0x9: {  	[smem:$0x3FA7] =	sst s1  }
0xa: {  	[smem:$0x3FA8] =	sst s2  }
0xb: {  	[smem:$0x3FA9] =	sst s3  }
0xc: {  	[smem:$0x3FAA] =	sst s4  }
0xd: {  	[smem:$0x3FAB] =	sst s5  }
0xe: {  	[smem:$0x3FAC] =	sst s6  }
0xf: {  	[smem:$0x3FAD] =	sst s7  }
0x10: {  	[smem:$0x3FAE] =	sst s8  }
0x11: {  	[smem:$0x3FAF] =	sst s9;
	s0 =	simm.s32 @!p0 $0x0  }
0x12: {  	s1 =	sld [smem:$0x3F95];
	s0 =	simm.s32 @p0 $0x1  }
0x13: {  	[smem:$0x3FB0] =	sst s0;
	s0 =	simm.s32 @!p1 $0x0  }
0x14: {  	s2 =	sld [smem:$0x3F94];
	s0 =	simm.s32 @p1 $0x1  }
0x15: {  	[smem:$0x3FB1] =	sst s0;
	s0 =	simm.s32 @!p2 $0x0  }
0x16: {  	s3 =	sld [smem:$0x3FDB];
	s0 =	simm.s32 @p2 $0x1  }
0x17: {  	s4 =	simm.s32 $0x1BF5;
	[smem:$0x3FB3] =	sst s0  }
0x18: {  	s0 =	sld [smem:$0x3F96];
	_ =	swait.ge [sflag:s4], $0x0  }
0x19: {  	s7 =	sld [smem:$0x3F97]  }
0x1a: {  	s8 =	sadd.s32 $0xFFFFE003, lr  }
0x1b: {  	s9 =	sadd.s32 $0xFFFFFEF7, lr;
	s5 =	simm.s32 $0xFFFFFFFF;
	p2 =	slt.u32 s8, $0xFFFFF086  }
0x1c: {  	p1 =	slt.u32 s9, $0xF7A;
	s5 =	simm.s32 @!p2 $0x0  }
0x1d: {  	s5 =	simm.s32 @p1 $0x1;
	p0 =	seq.s32 s7, s2  }
0x1e: {  	s7 =	smul.u32 @!p0 $0xF7A, s2;
	p2 =	seq.s32 @!p0 s5, $0x0  }
0x1f: {  	s9 =	smul.u32 $0xF7A, s1;
	s8 =	simm.s32 @!p0 $0x1BF5;
	p2 =	por !p2, p0  }
0x20: {  	[sflag:s8] =	ssyncset.s32 @!p0 $0xFFFFF086;
	s6 =	sadd.s32 @!p0 s3, s7;
	s7 =	simm.s32 @!p0 $0x108  }
0x21: {  	s3 =	sadd.s32 s3, s9;
	s6 =	sadd.s32 @!p0 $0x88, s6;
	s7 =	simm.s32 @p2 $0x1082  }
0x22: {  	[simem:s7], [sflag:s8] =	dma.local @!p0 [hbm:s6], $0xF7A  }
0x23: {  	s9 =	sor.u32 $0xD0000000, s2;
	s6 =	simm.s32 $0x108;
	_ =	swait.ge @!p0 [sflag:s8], $0x0  }
0x24: {  	s3 =	sadd.s32 $0x88, s3;
	s6 =	simm.s32 @!p1 $0x1082;
	[sflag:s4] =	ssyncset.s32 $0xFFFFF086  }
0x25: {  	[simem:s6], [sflag:s4] =	dma.local [hbm:s3], $0xF7A  }
0x26: {  	[smem:$0x3F97] =	sst s1;
	(tag) =	ssettag s2;
	_ =	strace s9  }
0x27: {  	s1 =	sld [smem:$0x3FA7]  }
0x28: {  	s2 =	sld [smem:$0x3FA8]  }
0x29: {  	s4 =	sld [smem:$0x3FAA]  }
0x2a: {  	p0 =	seq.s32 s5, $0x0;
	s5 =	sld [smem:$0x3FAB]  }
0x2b: {  	s6 =	sld [smem:$0x3FAC]  }
0x2c: {  	s7 =	sld [smem:$0x3FAD]  }
0x2d: {  	s3 =	simm.s32 $0x108;
	s8 =	sld [smem:$0x3FAE]  }
0x2e: {  	s3 =	simm.s32 @!p0 $0x1082;
	s9 =	sld [smem:$0x3FAF]  }
0x2f: {  	lr =	sadd.s32 s0, s3;
	s0 =	sld [smem:$0x3FA6]  }
0x30: {  	s3 =	sld [smem:$0x3FA9]  }
0x31: {  	[smem:$0x3FB2] =	sst s10  }
0x32: {  	s10 =	sld [smem:$0x3FB0];
	_ =	sdelay $0x3  }
0x33: {  	p0 =	seq.s32 s10, $0x1;
	s10 =	sld [smem:$0x3FB2];
	_ =	sdelay $0x3  }
0x34: {  	[smem:$0x3FB2] =	sst s10  }
0x35: {  	s10 =	sld [smem:$0x3FB1];
	_ =	sdelay $0x3  }
0x36: {  	p1 =	seq.s32 s10, $0x1;
	s10 =	sld [smem:$0x3FB2];
	_ =	sdelay $0x3  }
0x37: {  	[smem:$0x3FB2] =	sst s10  }
0x38: {  	s10 =	sld [smem:$0x3FB3]  }
0x39: {  	_ = 	snop;
	(pc) =	sbr.ind lr, $3  }
0x3a: {  	_ = 	snop  }
0x3b: {  	_ = 	snop  }
0x3c: {  	p2 =	seq.s32 s10, $0x1;
	s10 =	sld [smem:$0x3FB2]  }
0x3d: {  	_ =	shalt  }
0x3e: {  	_ =	shalt  }
0x3f: {  	_ =	shalt  }
0x40: {  	_ =	shalt  }
0x41: {  	_ =	shalt  }
0x42: {  	_ =	shalt  }
0x43: {  	_ =	shalt  }
0x44: {  	_ =	shalt  }
0x45: {  	_ =	shalt  }
0x46: {  	_ =	shalt  }
0x47: {  	_ =	shalt  }
0x48: {  	_ =	shalt  }
0x49: {  	_ =	shalt  }
0x4a: {  	_ =	shalt  }
0x4b: {  	_ =	shalt  }
0x4c: {  	_ =	shalt  }
0x4d: {  	_ =	shalt  }
0x4e: {  	_ =	shalt  }
0x4f: {  	_ =	shalt  }
0x50: {  	_ =	shalt  }
0x51: {  	_ =	shalt  }
0x52: {  	_ =	shalt  }
0x53: {  	_ =	shalt  }
0x54: {  	_ =	shalt  }
0x55: {  	_ =	shalt  }
0x56: {  	_ =	shalt  }
0x57: {  	_ =	shalt  }
0x58: {  	_ =	shalt  }
0x59: {  	_ =	shalt  }
0x5a: {  	_ =	shalt  }
0x5b: {  	_ =	shalt  }
0x5c: {  	_ =	shalt  }
0x5d: {  	_ =	shalt  }
0x5e: {  	_ =	shalt  }
0x5f: {  	_ =	shalt  }
0x60: {  	_ =	shalt  }
0x61: {  	_ =	shalt  }
0x62: {  	_ =	shalt  }
0x63: {  	_ =	shalt  }
0x64: {  	_ =	shalt  }
0x65: {  	_ =	shalt  }
0x66: {  	_ =	shalt  }
0x67: {  	_ =	shalt  }
0x68: {  	_ =	shalt  }
0x69: {  	_ =	shalt  }
0x6a: {  	_ =	shalt  }
0x6b: {  	_ =	shalt  }
0x6c: {  	_ =	shalt  }
0x6d: {  	_ =	shalt  }
0x6e: {  	_ =	shalt  }
0x6f: {  	_ =	shalt  }
0x70: {  	_ =	shalt  }
0x71: {  	_ =	shalt  }
0x72: {  	_ =	shalt  }
0x73: {  	_ =	shalt  }
0x74: {  	_ =	shalt  }
0x75: {  	_ =	shalt  }
0x76: {  	_ =	shalt  }
0x77: {  	_ =	shalt  }
0x78: {  	_ =	shalt  }
0x79: {  	_ =	shalt  }
0x7a: {  	_ =	shalt  }
0x7b: {  	_ =	shalt  }
0x7c: {  	_ =	shalt  }
0x7d: {  	_ =	shalt  }
0x7e: {  	_ =	shalt  }
0x7f: {  	_ =	shalt  }
0x80: {  	_ =	shalt  }
0x81: {  	_ =	shalt  }
0x82: {  	_ =	shalt  }
0x83: {  	_ =	shalt  }
0x84: {  	_ =	shalt  }
0x85: {  	_ =	shalt  }
0x86: {  	_ =	shalt  }
0x87: {  	_ =	shalt  }
.Lfunc_end0:
.L_simem_size_0:
called_computation.1_lowered:
.L_overlay_start_0:
0x88: {  	s2 =	sld [smem:$0x3FD9]  }
0x89: {  	s3 =	sld [smem:$0x3FFE];
	_ =	sdelay $0x1  }
0x8a: {  	s1 =	srdreg.scid  }
0x8b: {  	s0 =	sand.u32 $0x1, s1  }
0x8c: {  	s16 =	sshll.u32 s0, $0xA;
	s2 =	sadd.s32 s3, s2  }
0x8d: {  	s2 =	sadd.s32 s2, s16  }
0x8e: {  	[smem:$0x3FBE] =	sst s2  }
0x8f: {  	_ = 	snop  }
0x90: {  	(tm) =	ssettm $0x1  }
0x91: {  	s17 =	sld [smem:$0x3FFB];
	_ =	sdelay $0x3  }
0x92: {  	_ =	strace s17  }
0x93: {  	s2 =	sld [smem:$0x3FFC];
	_ =	sdelay $0x3  }
0x94: {  	_ =	strace s2  }
0x95: {  	s2 =	sld [smem:$0x3FFD];
	_ =	sdelay $0x3  }
0x96: {  	_ =	strace s2  }
0x97: {  	_ =	strace $0x8FFFFFFF  }
0x98: {  	s18 =	sld [smem:$0x3FDB];
	_ =	sdelay $0x1  }
0x99: {  	s19 =	simm.s32 $_scs_section_size  }
0x9a: {  	s4 =	simm.s32 $_size__tile_overlayer_lowered;
	s5 =	simm.s32 $_tile_overlayer_lowered  }
0x9b: {  	s22 =	simm.s32 $0x1BFF;
	s21 =	sshll.u32 s5, $0x1;
	s2 =	sadd.s32 s19, s18  }
0x9c: {  	s6 =	simm.s32 $0x0;
	s20 =	sshll.u32 s4, $0x1;
	s4 =	sadd.s32 s21, s2  }
0x9d: {  	[timem:s6], [sflag:s22] =	dma.local [hbm:s4], s20  }
0x9e: {  	_ =	swait.ge [sflag:s22], s20  }
0x9f: {  	s3 =	ssub.s32 $0x0, s20;
	[sflag:s22] =	ssyncset.done $0x0  }
0xa0: {  	[sflag:s22] =	ssyncadd.s32 s3;
	_ =	sdelay $0x1  }
0xa1: {  	s23 =	simm.s32 $0x1B8B  }
0xa2: {  	_ =	swait.ge [sflag:s23], $0x1  }
0xa3: {  	[sflag:s23] =	ssyncset.done $0x0  }
0xa4: {  	s25 =	simm.s32 $0x1B8E;
	s24 =	sld [smem:$0x3FFE];
	[sflag:s23] =	ssyncadd.s32 $0xFFFFFFFF  }
0xa5: {  	s26 =	simm.s32 $execute0_lowered;
	[smem:$0x3FD2] =	sst s25  }
0xa6: {  	s4 =	sshll.u32 s26, $0x1;
	_ =	strace $0x80000049;
	[dreg:$0x1] =	wrdreg $0xFFFFFFFF  }
0xa7: {  	s28 =	simm.s32 $_size_execute0_lowered;
	s2 =	sadd.s32 s2, s4;
	[dreg:$0x0] =	wrdreg $0x0  }
0xa8: {  	s4 =	sshll.u32 s28, $0x1;
	[dreg:$0x2] =	wrdreg s2  }
0xa9: {  	[dreg:$0x3] =	wrdreg s4  }
0xaa: {  	[dreg:$0x4] =	wrdreg $0xC0  }
0xab: {  	_ =	task [dreg:s6], $0x5FFFF  }
0xac: {  	[dreg:$0x1] =	wrdreg $0xFFFFFFFF  }
0xad: {  	[dreg:$0x0] =	wrdreg $0x60  }
0xae: {  	[dreg:$0x2] =	wrdreg s24  }
0xaf: {  	[dreg:$0x3] =	wrdreg $0x0  }
0xb0: {  	[dreg:$0x4] =	wrdreg $0x9  }
0xb1: {  	_ =	task.clear_ibuf [dreg:s6], $0x5FFFF;
	_ =	strace $0x90000049  }
0xb2: {  	s29 =	simm.s32 $0x9;
	_ =	strace $0x8000004B  }
0xb3: {  	_ =	swait.ge [sflag:s29], $0x1  }
0xb4: {  	[sflag:s29] =	ssyncadd.s32 $0xFFFFFFFF  }
0xb5: {  	_ =	strace $0x9000004B  }
0xb6: {  	_ =	sfence  }
0xb7: {  	s30 =	sld [smem:$0x0];
	_ =	sdelay $0x2  }
0xb8: {  	s31 =	sshll.u32 s1, $0xD;
	s1 =	sshrl.u32 s1, $0x2  }
0xb9: {  	s3 =	sand.u32 $0x4000, s31;
	s1 =	sadd.s32 s1, s30  }
0xba: {  	s0 =	sor.u32 s3, s0;
	s1 =	sshll.u32 s1, $0x11  }
0xbb: {  	s0 =	sor.u32 s1, s0  }
0xbc: {  	s0 =	sadd.s32 $0x8F2B, s0  }
0xbd: {  	[sflag:s0] =	ssyncadd.remote.s32 $0x1  }
0xbe: {  	_ =	sfence.sel $0xFFFF  }
0xbf: {  	[dreg:$0x0] =	wrdreg $0xFFFFFFFF;
	(pc) =	sbr.abs _section_cstart, $3  }
0xc0: {  	[dreg:$0x1] =	wrdreg $0xFFFFFFFF  }
0xc1: {  	_ =	task.clear_ibuf [dreg:s6], $0x2FFFF;
	_ =	strace $0x9FFFFFFF  }
0xc2: {  	(tm) =	ssettm $0x7FFFFFFF  }
0xc3: {  	_ =	shalt  }
tec
execute0_lowered:
.L_overlay_start_1:
0x0: {  	(tag) =	ssettag $0x1  }
0x1: {  	s0 =	rddreg [dreg:$0x0]  }
0x2: {  	s1 =	rddreg [dreg:$0x1]  }
0x3: {  	s2 =	srdreg.scid;
	s3 =	simm.s32 $0x0;
	s10 =	stileid.u32  }
0x4: {  	s11 =	simm.s32 $0x13C00;
	s12 =	simm.s32 $0x60;
	s13 =	simm.s32 $0x14000  }
0x5: {  	s15 =	simm.s32 $0x13D00;
	s24 =	simm.s32 $0x13C80;
	s25 =	simm.s32 $0x13D80  }
0x6: {  	s26 =	simm.s32 $0x13E80;
	s28 =	simm.s32 $0x4;
	s29 =	simm.s32 $0x13F80  }
0x7: {  	s30 =	simm.s32 $0x6;
	s31 =	simm.s32 $0x7;
	s14 =	smul.u32 $0x2780, s10  }
0x8: {  	s2 =	sand.u32 $0x1, s2;
	[smem:$0x7FF] =	sst s3;
	s7 =	smul.u32 $0x4F000, s10  }
0x9: {  	s4 =	sadd.s32 $0xAFC00, s0;
	s18 =	sshll.u32 s10, $0x6;
	s20 =	smul.u32 $0x1B00, s10  }
0xa: {  	s5 =	smul.u32 $0x1B000, s2;
	_ =	strace $0x8000004A;
	[dreg:$0x5] =	wrdreg s24  }
0xb: {  	s6 =	smul.u32 $0x27800, s2;
	s2 =	ssub.s32 $0x2, s2;
	[dreg:$0x6] =	wrdreg s25  }
0xc: {  	[dreg:$0x7] =	wrdreg s26;
	s25 =	simm.s32 $0x3;
	s26 =	simm.s32 $0x5  }
0xd: {  	s8 =	sadd.s32 s14, s0;
	s16 =	sshrl.u32 s2, $0x1;
	s17 =	sshrl.u32 s7, $0x2  }
0xe: {  	s5 =	sadd.s32 s5, s0;
	s0 =	sadd.s32 s6, s0;
	s2 =	ssub.s32 s2, s16  }
0xf: {  	s9 =	sadd.s32 s17, s1;
	s19 =	sadd.s32 $0x2E00, s8;
	s6 =	sor.u32 $0x1C09, s18  }
0x10: {  	s16 =	simm.s32 $0x17000;
	s18 =	simm.s32 $0x1;
	[dreg:$0x8] =	wrdreg s19  }
0x11: {  	s5 =	sadd.s32 $0x79C00, s5;
	s0 =	sadd.s32 $0xFDE00, s0;
	s2 =	smax.u32 s2, $0x1  }
0x12: {  	s8 =	sshrl.u32 s9, $0x3;
	[dreg:$0x9] =	wrdreg s2;
	s5 =	sadd.s32 s20, s5  }
0x13: {  	s9 =	simm.s32 $0x9;
	s0 =	sadd.s32 s14, s0;
	[dreg:$0xa] =	wrdreg s5  }
0x14: {  	s19 =	simm.s32 $0x13E00;
	s21 =	sadd.s32 $0x20, s5;
	[dreg:$0xc] =	wrdreg s0  }
0x15: {  	s20 =	simm.s32 $0x1A000;
	s22 =	sadd.s32 $0x80, s5;
	[dreg:$0xb] =	wrdreg s21  }
0x16: {  	s2 =	simm.s32 $0x0;
	s23 =	sadd.s32 $0xA0, s5;
	[dreg:$0x3] =	wrdreg s22  }
0x17: {  	s7 =	sadd.s32 $0x60, s5;
	s0 =	simm.s32 $0x8;
	[dreg:$0x4] =	wrdreg s23  }
0x18: {  	s21 =	simm.s32 $0x2;
	s22 =	simm.s32 $0x13F00;
	s23 =	simm.s32 $0x1D000  }
.LBB2_1:
0x19: {  	s5 =	rddreg [dreg:$0x8]  }
0x1a: {  	[spmem:s8], [sflag:s6] =	dma.local [hbm:s5], $0x2780  }
0x1b: {  	_ =	swait.ge [sflag:s9], $0x2780  }
0x1c: {  	[sflag:s9] =	ssyncset.done $0x0  }
0x1d: {  	[sflag:s9] =	ssyncadd.s32 $0xFFFFD880  }
0x1e: {  	[bflag:$0x0] =	sbarrier.arrive $0xFFFF  }
0x1f: {  	s10 =	rddreg [dreg:$0xa]  }
0x20: {  	[tilespmem:s11], [sflag:$0x9] =	stream.linear.gather [hbm4b:s10+s3], $0x100, $0x38;
	v63 =	vld [tilespmem:$0x0]  }
0x21: {  	_ =	swait.ge [sflag:s9], $0x100  }
0x22: {  	[sflag:s9] =	ssyncset.done $0x0  }
0x23: {  	[sflag:s9] =	ssyncadd.s32 $0xFFFFFF00  }
0x24: {  	[tilespmem:s13], [sflag:$0x1] =	stream.indirect.gather [hbm4b:s4+s12], $0x80, s11, s12, $0xb8;
	v63 =	vld [tilespmem:$0x0]  }
0x25: {  	s14 =	rddreg [dreg:$0xb]  }
0x26: {  	[tilespmem:s15], [sflag:$0x9] =	stream.linear.gather [hbm4b:s14+s3], $0x100, $0x38;
	v63 =	vld [tilespmem:$0x0]  }
0x27: {  	_ =	swait.ge [sflag:s9], $0x100  }
0x28: {  	[sflag:s9] =	ssyncset.done $0x0  }
0x29: {  	[sflag:s9] =	ssyncadd.s32 $0xFFFFFF00  }
0x2a: {  	[tilespmem:s16], [sflag:$0x2] =	stream.indirect.gather [hbm4b:s4+s12], $0x80, s15, s12, $0xb8;
	v63 =	vld [tilespmem:$0x0]  }
0x2b: {  	_ =	swait.ge [sflag:s18], $0x3000  }
0x2c: {  	p0 =	por $0x1, $0x1;
	[sflag:s18] =	ssyncset.done $0x0  }
0x2d: {  	s14 =	simm.s32 @!p0 $0x7;
	s17 =	rddreg [dreg:$0x5];
	[sflag:s18] =	ssyncadd.s32 $0xFFFFD000  }
0x2e: {  	[spmem:s1] =	stream.indirect.scatter.add.f32 [tilespmem:s13], [sflag:$0x5], $0x80, s17, s12, $0xb8;
	v63 =	vld [tilespmem:$0x0]  }
0x2f: {  	_ =	swait.ge @!p0 [sflag:s14], $0x3000  }
0x30: {  	[sflag:s14] =	ssyncset.done @!p0 $0x0  }
0x31: {  	s24 =	sadd.s32 $0xFFFFFFE0, s7;
	[sflag:s14] =	ssyncadd.s32 @!p0 $0xFFFFD000  }
0x32: {  	[tilespmem:s19], [sflag:$0x9] =	stream.linear.gather [hbm4b:s24+s3], $0x100, $0x38;
	v63 =	vld [tilespmem:$0x0]  }
0x33: {  	_ =	swait.ge [sflag:s9], $0x100  }
0x34: {  	[sflag:s9] =	ssyncset.done $0x0  }
0x35: {  	[sflag:s9] =	ssyncadd.s32 $0xFFFFFF00  }
0x36: {  	[tilespmem:s20], [sflag:$0x3] =	stream.indirect.gather [hbm4b:s4+s12], $0x80, s19, s12, $0xb8;
	v63 =	vld [tilespmem:$0x0]  }
0x37: {  	_ =	swait.ge [sflag:s21], $0x3000  }
0x38: {  	[sflag:s21] =	ssyncset.done $0x0  }
0x39: {  	s14 =	simm.s32 @!p0 $0x8;
	s10 =	rddreg [dreg:$0x6];
	[sflag:s21] =	ssyncadd.s32 $0xFFFFD000  }
0x3a: {  	[spmem:s1] =	stream.indirect.scatter.add.f32 [tilespmem:s16], [sflag:$0x6], $0x80, s10, s12, $0xb8;
	v63 =	vld [tilespmem:$0x0]  }
0x3b: {  	_ =	swait.ge @!p0 [sflag:s14], $0x3000  }
0x3c: {  	[sflag:s14] =	ssyncset.done @!p0 $0x0  }
0x3d: {  	[sflag:s14] =	ssyncadd.s32 @!p0 $0xFFFFD000  }
0x3e: {  	[tilespmem:s22], [sflag:$0x9] =	stream.linear.gather [hbm4b:s7+s3], $0x100, $0x38;
	v63 =	vld [tilespmem:$0x0]  }
0x3f: {  	_ =	swait.ge [sflag:s9], $0x100  }
0x40: {  	[sflag:s9] =	ssyncset.done $0x0  }
0x41: {  	[sflag:s9] =	ssyncadd.s32 $0xFFFFFF00  }
0x42: {  	[tilespmem:s23], [sflag:$0x4] =	stream.indirect.gather [hbm4b:s4+s12], $0x80, s22, s12, $0xb8;
	v63 =	vld [tilespmem:$0x0]  }
0x43: {  	_ =	swait.ge [sflag:s25], $0x3000  }
0x44: {  	[sflag:s25] =	ssyncset.done $0x0  }
0x45: {  	s17 =	rddreg [dreg:$0x7];
	[sflag:s25] =	ssyncadd.s32 $0xFFFFD000  }
0x46: {  	[spmem:s1] =	stream.indirect.scatter.add.f32 [tilespmem:s20], [sflag:$0x7], $0x80, s17, s12, $0xb8;
	v63 =	vld [tilespmem:$0x0]  }
0x47: {  	s10 =	smin.u32 s3, $0xD3;
	_ =	swait.ge [sflag:s26], $0x3000  }
0x48: {  	s14 =	sshll.u32 s10, $0x5;
	s24 =	rddreg [dreg:$0x3];
	[sflag:s26] =	ssyncset.done $0x0  }
0x49: {  	[sflag:s26] =	ssyncadd.s32 $0xFFFFD000;
	s5 =	sadd.s32 s14, s24  }
0x4a: {  	[tilespmem:s11], [sflag:$0x9] =	stream.linear.gather [hbm4b:s5+s3], $0x100, $0x38;
	v63 =	vld [tilespmem:$0x0]  }
0x4b: {  	_ =	swait.ge [sflag:s9], $0x100  }
0x4c: {  	[sflag:s9] =	ssyncset.done $0x0  }
0x4d: {  	[sflag:s9] =	ssyncadd.s32 $0xFFFFFF00  }
0x4e: {  	[tilespmem:s13], [sflag:$0x1] =	stream.indirect.gather [hbm4b:s4+s12], $0x80, s11, s12, $0xb8;
	v63 =	vld [tilespmem:$0x0]  }
0x4f: {  	_ =	swait.ge [sflag:s28], $0x3000  }
0x50: {  	[sflag:s28] =	ssyncset.done $0x0  }
0x51: {  	[sflag:s28] =	ssyncadd.s32 $0xFFFFD000  }
0x52: {  	[spmem:s1] =	stream.indirect.scatter.add.f32 [tilespmem:s23], [sflag:$0x8], $0x80, s29, s12, $0xb8;
	v63 =	vld [tilespmem:$0x0]  }
0x53: {  	s24 =	smin.u32 s3, $0xD2;
	_ =	swait.ge [sflag:s30], $0x3000  }
0x54: {  	s14 =	sshll.u32 s24, $0x5;
	s17 =	rddreg [dreg:$0x4];
	[sflag:s30] =	ssyncset.done $0x0  }
0x55: {  	[sflag:s30] =	ssyncadd.s32 $0xFFFFD000;
	s5 =	sadd.s32 s14, s17  }
0x56: {  	[tilespmem:s15], [sflag:$0x9] =	stream.linear.gather [hbm4b:s5+s3], $0x100, $0x38;
	v63 =	vld [tilespmem:$0x0]  }
0x57: {  	_ =	swait.ge [sflag:s9], $0x100  }
0x58: {  	s17 =	smov.u32 s7;
	s5 =	simm.s32 $0x4;
	[sflag:s9] =	ssyncset.done $0x0  }
.LBB2_2:
0x59: {  	[sflag:s9] =	ssyncadd.s32 $0xFFFFFF00  }
0x5a: {  	[tilespmem:s16], [sflag:$0x2] =	stream.indirect.gather [hbm4b:s4+s12], $0x80, s15, s12, $0xb8;
	v63 =	vld [tilespmem:$0x0]  }
0x5b: {  	s14 =	smov.u32 s5;
	_ =	swait.ge [sflag:s18], $0x3000  }
0x5c: {  	p1 =	seq.s32 s14, $0x0;
	[sflag:s18] =	ssyncset.done $0x0  }
0x5d: {  	s10 =	simm.s32 @!p1 $0x7;
	s24 =	rddreg [dreg:$0x5];
	[sflag:s18] =	ssyncadd.s32 $0xFFFFD000  }
0x5e: {  	[spmem:s1] =	stream.indirect.scatter.add.f32 [tilespmem:s13], [sflag:$0x5], $0x80, s24, s12, $0xb8;
	v63 =	vld [tilespmem:$0x0]  }
0x5f: {  	_ =	swait.ge @!p1 [sflag:s10], $0x3000  }
0x60: {  	s17 =	sadd.s32 $0x80, s17;
	[sflag:s10] =	ssyncset.done @!p1 $0x0  }
0x61: {  	s24 =	sadd.s32 $0xFFFFFFE0, s17;
	[sflag:s10] =	ssyncadd.s32 @!p1 $0xFFFFD000  }
0x62: {  	[tilespmem:s19], [sflag:$0x9] =	stream.linear.gather [hbm4b:s24+s3], $0x100, $0x38;
	v63 =	vld [tilespmem:$0x0]  }
0x63: {  	_ =	swait.ge [sflag:s9], $0x100  }
0x64: {  	[sflag:s9] =	ssyncset.done $0x0  }
0x65: {  	[sflag:s9] =	ssyncadd.s32 $0xFFFFFF00  }
0x66: {  	[tilespmem:s20], [sflag:$0x3] =	stream.indirect.gather [hbm4b:s4+s12], $0x80, s19, s12, $0xb8;
	v63 =	vld [tilespmem:$0x0]  }
0x67: {  	_ =	swait.ge [sflag:s21], $0x3000  }
0x68: {  	[sflag:s21] =	ssyncset.done $0x0  }
0x69: {  	s24 =	simm.s32 @!p1 $0x8;
	s10 =	rddreg [dreg:$0x6];
	[sflag:s21] =	ssyncadd.s32 $0xFFFFD000  }
0x6a: {  	[spmem:s1] =	stream.indirect.scatter.add.f32 [tilespmem:s16], [sflag:$0x6], $0x80, s10, s12, $0xb8;
	v63 =	vld [tilespmem:$0x0]  }
0x6b: {  	_ =	swait.ge @!p1 [sflag:s24], $0x3000  }
0x6c: {  	[sflag:s24] =	ssyncset.done @!p1 $0x0  }
0x6d: {  	[sflag:s24] =	ssyncadd.s32 @!p1 $0xFFFFD000  }
0x6e: {  	[tilespmem:s22], [sflag:$0x9] =	stream.linear.gather [hbm4b:s17+s3], $0x100, $0x38;
	v63 =	vld [tilespmem:$0x0]  }
0x6f: {  	_ =	swait.ge [sflag:s9], $0x100  }
0x70: {  	[sflag:s9] =	ssyncset.done $0x0  }
0x71: {  	[sflag:s9] =	ssyncadd.s32 $0xFFFFFF00  }
0x72: {  	[tilespmem:s23], [sflag:$0x4] =	stream.indirect.gather [hbm4b:s4+s12], $0x80, s22, s12, $0xb8;
	v63 =	vld [tilespmem:$0x0]  }
0x73: {  	_ =	swait.ge [sflag:s25], $0x3000  }
0x74: {  	[sflag:s25] =	ssyncset.done $0x0  }
0x75: {  	s24 =	rddreg [dreg:$0x7];
	[sflag:s25] =	ssyncadd.s32 $0xFFFFD000  }
0x76: {  	[spmem:s1] =	stream.indirect.scatter.add.f32 [tilespmem:s20], [sflag:$0x7], $0x80, s24, s12, $0xb8;
	v63 =	vld [tilespmem:$0x0]  }
0x77: {  	s10 =	smin.u32 s14, $0xD3;
	_ =	swait.ge [sflag:s26], $0x3000  }
0x78: {  	s10 =	sshll.u32 s10, $0x5;
	s24 =	rddreg [dreg:$0x3];
	[sflag:s26] =	ssyncset.done $0x0  }
0x79: {  	[sflag:s26] =	ssyncadd.s32 $0xFFFFD000;
	s10 =	sadd.s32 s10, s24  }
0x7a: {  	[tilespmem:s11], [sflag:$0x9] =	stream.linear.gather [hbm4b:s10+s3], $0x100, $0x38;
	v63 =	vld [tilespmem:$0x0]  }
0x7b: {  	_ =	swait.ge [sflag:s9], $0x100  }
0x7c: {  	[sflag:s9] =	ssyncset.done $0x0  }
0x7d: {  	[sflag:s9] =	ssyncadd.s32 $0xFFFFFF00  }
0x7e: {  	[tilespmem:s13], [sflag:$0x1] =	stream.indirect.gather [hbm4b:s4+s12], $0x80, s11, s12, $0xb8;
	v63 =	vld [tilespmem:$0x0]  }
0x7f: {  	_ =	swait.ge [sflag:s28], $0x3000  }
0x80: {  	[sflag:s28] =	ssyncset.done $0x0  }
0x81: {  	s5 =	sadd.s32 $0x4, s5;
	s14 =	smin.u32 s14, $0xD2;
	[sflag:s28] =	ssyncadd.s32 $0xFFFFD000  }
0x82: {  	[spmem:s1] =	stream.indirect.scatter.add.f32 [tilespmem:s23], [sflag:$0x8], $0x80, s29, s12, $0xb8;
	v63 =	vld [tilespmem:$0x0]  }
0x83: {  	p0 =	sne.s32 s5, $0xD8;
	s10 =	sshll.u32 s14, $0x5;
	_ =	swait.ge [sflag:s30], $0x3000  }
.Ltmp0:
0x84: {  	s24 =	rddreg [dreg:$0x4];
	[sflag:s30] =	ssyncset.done $0x0;
	(pc) =	sbr.rel @p0 .LBB2_2-.Ltmp0, $4  }
0x85: {  	[sflag:s30] =	ssyncadd.s32 $0xFFFFD000;
	s10 =	sadd.s32 s10, s24  }
0x86: {  	[tilespmem:s15], [sflag:$0x9] =	stream.linear.gather [hbm4b:s10+s3], $0x100, $0x38;
	v63 =	vld [tilespmem:$0x0]  }
0x87: {  	_ =	swait.ge [sflag:s9], $0x100  }
0x88: {  	[sflag:s9] =	ssyncset.done $0x0  }
0x89: {  	[sflag:s9] =	ssyncadd.s32 $0xFFFFFF00  }
0x8a: {  	[tilespmem:s16], [sflag:$0x2] =	stream.indirect.gather [hbm4b:s4+s12], $0x80, s15, s12, $0xb8;
	v63 =	vld [tilespmem:$0x0]  }
0x8b: {  	_ =	swait.ge [sflag:s18], $0x3000  }
0x8c: {  	[sflag:s18] =	ssyncset.done $0x0  }
0x8d: {  	[sflag:s18] =	ssyncadd.s32 $0xFFFFD000  }
0x8e: {  	_ =	swait.ge [sflag:s21], $0x3000  }
0x8f: {  	[sflag:s21] =	ssyncset.done $0x0  }
0x90: {  	[sflag:s21] =	ssyncadd.s32 $0xFFFFD000  }
0x91: {  	_ =	swait.ge [sflag:s31], $0x3000  }
0x92: {  	[sflag:s31] =	ssyncset.done $0x0  }
0x93: {  	[sflag:s31] =	ssyncadd.s32 $0xFFFFD000  }
0x94: {  	_ =	swait.ge [sflag:s0], $0x3000  }
0x95: {  	[sflag:s0] =	ssyncset.done $0x0  }
0x96: {  	[sflag:s0] =	ssyncadd.s32 $0xFFFFD000  }
0x97: {  	[bflag:$0x0] =	sbarrier.arrive $0xFFFF  }
0x98: {  	s5 =	rddreg [dreg:$0xc]  }
0x99: {  	[hbm:s5], [sflag:s6] =	dma.local [spmem:s8], $0x2780  }
0x9a: {  	_ =	swait.ge [sflag:s9], $0x2780  }
0x9b: {  	s2 =	sadd.s32 $0x1, s2;
	s24 =	rddreg [dreg:$0x9]  }
0x9c: {  	p0 =	sne.s32 s2, s24  }
.Ltmp1:
0x9d: {  	_ = 	snop;
	(pc) =	sbr.rel @p0 .LBB2_1-.Ltmp1, $3  }
0x9e: {  	_ =	sdelay $0x1  }
0x9f: {  	[sflag:s9] =	ssyncset.done $0x0  }
0xa0: {  	[sflag:s9] =	ssyncadd.s32 $0xFFFFD880  }
0xa1: {  	_ =	sfence.sel $0x180000  }
0xa2: {  	[bflag:$0x0] =	sbarrier.arrive $0xFFFF  }
0xa3: {  	_ =	strace $0x9000004A  }
0xa4: {  	s0 =	stileid.u32;
	[bflag:$0x2] =	sbarrier.arrive $0xFFFF  }
0xa5: {  	p0 =	sne.s32 s0, $0x0;
	s0 =	rddreg [dreg:$0x2]  }
0xa6: {  	s0 =	sadd.s32 @!p0 $0x100000, s0  }
0xa7: {  	[sflag:s0] =	ssyncadd.tile.s32 @!p0 $0x1;
	_ =	shalt  }
.Lfunc_end2:
_tile_overlayer_lowered:
.L_overlay_start_2:
0xa8: {  	(tag) =	ssettag $0x2  }
0xa9: {  	s0 =	rddreg [dreg:$0x0];
	s2 =	stileid.u32  }
0xaa: {  	s1 =	rddreg [dreg:$0x1];
	p0 =	sne.s32 s2, $0x0  }
0xab: {  	s3 =	rddreg [dreg:$0x2];
	[bflag:$0x3] =	sbarrier.arrive $0xFFFF;
	s2 =	simm.s32 @!p0 $0x1C09  }
0xac: {  	[timem:s3], [sflag:s2] =	dma.local @!p0 [hbm:s0], s1  }
0xad: {  	s0 =	simm.s32 @!p0 $0x9  }
0xae: {  	_ =	swait.ge @!p0 [sflag:s0], s1  }
0xaf: {  	s1 =	ssub.s32 @!p0 $0x0, s1;
	[sflag:s0] =	ssyncset.done @!p0 $0x0  }
0xb0: {  	[sflag:s0] =	ssyncadd.s32 @!p0 s1  }
0xb1: {  	[bflag:$0x3] =	sbarrier.arrive $0xFFFF  }
0xb2: {  	_ =	shalt  }

// kernel: kernel.16.cloned.1.call-start
scs
__scs_entry_jumppad:
0x0: {  	(pc) =	sbr.rel $0x88, $3  }
0x1: {  	(tag) =	ssettag $0x0;
	lr =	simm.s32 $0x1  }
0x2: {  	[smem:$0x3F97] =	sst lr;
	_ =	strace $0xD0000000  }
0x3: {  	_ = 	snop  }
0x4: {  	_ = 	snop  }
0x5: {  	_ = 	snop  }
0x6: {  	_ = 	snop  }
0x7: {  	_ = 	snop  }
__scs_overlays_trampoline_lowered:
0x8: {  	[smem:$0x3FA6] =	sst s0  }
0x9: {  	[smem:$0x3FA7] =	sst s1  }
0xa: {  	[smem:$0x3FA8] =	sst s2  }
0xb: {  	[smem:$0x3FA9] =	sst s3  }
0xc: {  	[smem:$0x3FAA] =	sst s4  }
0xd: {  	[smem:$0x3FAB] =	sst s5  }
0xe: {  	[smem:$0x3FAC] =	sst s6  }
0xf: {  	[smem:$0x3FAD] =	sst s7  }
0x10: {  	[smem:$0x3FAE] =	sst s8  }
0x11: {  	[smem:$0x3FAF] =	sst s9;
	s0 =	simm.s32 @!p0 $0x0  }
0x12: {  	s1 =	sld [smem:$0x3F95];
	s0 =	simm.s32 @p0 $0x1  }
0x13: {  	[smem:$0x3FB0] =	sst s0;
	s0 =	simm.s32 @!p1 $0x0  }
0x14: {  	s2 =	sld [smem:$0x3F94];
	s0 =	simm.s32 @p1 $0x1  }
0x15: {  	[smem:$0x3FB1] =	sst s0;
	s0 =	simm.s32 @!p2 $0x0  }
0x16: {  	s3 =	sld [smem:$0x3FDB];
	s0 =	simm.s32 @p2 $0x1  }
0x17: {  	s4 =	simm.s32 $0x1BF5;
	[smem:$0x3FB3] =	sst s0  }
0x18: {  	s0 =	sld [smem:$0x3F96];
	_ =	swait.ge [sflag:s4], $0x0  }
0x19: {  	s7 =	sld [smem:$0x3F97]  }
0x1a: {  	s8 =	sadd.s32 $0xFFFFE003, lr  }
0x1b: {  	s9 =	sadd.s32 $0xFFFFFEF7, lr;
	s5 =	simm.s32 $0xFFFFFFFF;
	p2 =	slt.u32 s8, $0xFFFFF086  }
0x1c: {  	p1 =	slt.u32 s9, $0xF7A;
	s5 =	simm.s32 @!p2 $0x0  }
0x1d: {  	s5 =	simm.s32 @p1 $0x1;
	p0 =	seq.s32 s7, s2  }
0x1e: {  	s7 =	smul.u32 @!p0 $0xF7A, s2;
	p2 =	seq.s32 @!p0 s5, $0x0  }
0x1f: {  	s9 =	smul.u32 $0xF7A, s1;
	s8 =	simm.s32 @!p0 $0x1BF5;
	p2 =	por !p2, p0  }
0x20: {  	[sflag:s8] =	ssyncset.s32 @!p0 $0xFFFFF086;
	s6 =	sadd.s32 @!p0 s3, s7;
	s7 =	simm.s32 @!p0 $0x108  }
0x21: {  	s3 =	sadd.s32 s3, s9;
	s6 =	sadd.s32 @!p0 $0x88, s6;
	s7 =	simm.s32 @p2 $0x1082  }
0x22: {  	[simem:s7], [sflag:s8] =	dma.local @!p0 [hbm:s6], $0xF7A  }
0x23: {  	s9 =	sor.u32 $0xD0000000, s2;
	s6 =	simm.s32 $0x108;
	_ =	swait.ge @!p0 [sflag:s8], $0x0  }
0x24: {  	s3 =	sadd.s32 $0x88, s3;
	s6 =	simm.s32 @!p1 $0x1082;
	[sflag:s4] =	ssyncset.s32 $0xFFFFF086  }
0x25: {  	[simem:s6], [sflag:s4] =	dma.local [hbm:s3], $0xF7A  }
0x26: {  	[smem:$0x3F97] =	sst s1;
	(tag) =	ssettag s2;
	_ =	strace s9  }
0x27: {  	s1 =	sld [smem:$0x3FA7]  }
0x28: {  	s2 =	sld [smem:$0x3FA8]  }
0x29: {  	s4 =	sld [smem:$0x3FAA]  }
0x2a: {  	p0 =	seq.s32 s5, $0x0;
	s5 =	sld [smem:$0x3FAB]  }
0x2b: {  	s6 =	sld [smem:$0x3FAC]  }
0x2c: {  	s7 =	sld [smem:$0x3FAD]  }
0x2d: {  	s3 =	simm.s32 $0x108;
	s8 =	sld [smem:$0x3FAE]  }
0x2e: {  	s3 =	simm.s32 @!p0 $0x1082;
	s9 =	sld [smem:$0x3FAF]  }
0x2f: {  	lr =	sadd.s32 s0, s3;
	s0 =	sld [smem:$0x3FA6]  }
0x30: {  	s3 =	sld [smem:$0x3FA9]  }
0x31: {  	[smem:$0x3FB2] =	sst s10  }
0x32: {  	s10 =	sld [smem:$0x3FB0];
	_ =	sdelay $0x3  }
0x33: {  	p0 =	seq.s32 s10, $0x1;
	s10 =	sld [smem:$0x3FB2];
	_ =	sdelay $0x3  }
0x34: {  	[smem:$0x3FB2] =	sst s10  }
0x35: {  	s10 =	sld [smem:$0x3FB1];
	_ =	sdelay $0x3  }
0x36: {  	p1 =	seq.s32 s10, $0x1;
	s10 =	sld [smem:$0x3FB2];
	_ =	sdelay $0x3  }
0x37: {  	[smem:$0x3FB2] =	sst s10  }
0x38: {  	s10 =	sld [smem:$0x3FB3]  }
0x39: {  	_ = 	snop;
	(pc) =	sbr.ind lr, $3  }
0x3a: {  	_ = 	snop  }
0x3b: {  	_ = 	snop  }
0x3c: {  	p2 =	seq.s32 s10, $0x1;
	s10 =	sld [smem:$0x3FB2]  }
0x3d: {  	_ =	shalt  }
0x3e: {  	_ =	shalt  }
0x3f: {  	_ =	shalt  }
0x40: {  	_ =	shalt  }
0x41: {  	_ =	shalt  }
0x42: {  	_ =	shalt  }
0x43: {  	_ =	shalt  }
0x44: {  	_ =	shalt  }
0x45: {  	_ =	shalt  }
0x46: {  	_ =	shalt  }
0x47: {  	_ =	shalt  }
0x48: {  	_ =	shalt  }
0x49: {  	_ =	shalt  }
0x4a: {  	_ =	shalt  }
0x4b: {  	_ =	shalt  }
0x4c: {  	_ =	shalt  }
0x4d: {  	_ =	shalt  }
0x4e: {  	_ =	shalt  }
0x4f: {  	_ =	shalt  }
0x50: {  	_ =	shalt  }
0x51: {  	_ =	shalt  }
0x52: {  	_ =	shalt  }
0x53: {  	_ =	shalt  }
0x54: {  	_ =	shalt  }
0x55: {  	_ =	shalt  }
0x56: {  	_ =	shalt  }
0x57: {  	_ =	shalt  }
0x58: {  	_ =	shalt  }
0x59: {  	_ =	shalt  }
0x5a: {  	_ =	shalt  }
0x5b: {  	_ =	shalt  }
0x5c: {  	_ =	shalt  }
0x5d: {  	_ =	shalt  }
0x5e: {  	_ =	shalt  }
0x5f: {  	_ =	shalt  }
0x60: {  	_ =	shalt  }
0x61: {  	_ =	shalt  }
0x62: {  	_ =	shalt  }
0x63: {  	_ =	shalt  }
0x64: {  	_ =	shalt  }
0x65: {  	_ =	shalt  }
0x66: {  	_ =	shalt  }
0x67: {  	_ =	shalt  }
0x68: {  	_ =	shalt  }
0x69: {  	_ =	shalt  }
0x6a: {  	_ =	shalt  }
0x6b: {  	_ =	shalt  }
0x6c: {  	_ =	shalt  }
0x6d: {  	_ =	shalt  }
0x6e: {  	_ =	shalt  }
0x6f: {  	_ =	shalt  }
0x70: {  	_ =	shalt  }
0x71: {  	_ =	shalt  }
0x72: {  	_ =	shalt  }
0x73: {  	_ =	shalt  }
0x74: {  	_ =	shalt  }
0x75: {  	_ =	shalt  }
0x76: {  	_ =	shalt  }
0x77: {  	_ =	shalt  }
0x78: {  	_ =	shalt  }
0x79: {  	_ =	shalt  }
0x7a: {  	_ =	shalt  }
0x7b: {  	_ =	shalt  }
0x7c: {  	_ =	shalt  }
0x7d: {  	_ =	shalt  }
0x7e: {  	_ =	shalt  }
0x7f: {  	_ =	shalt  }
0x80: {  	_ =	shalt  }
0x81: {  	_ =	shalt  }
0x82: {  	_ =	shalt  }
0x83: {  	_ =	shalt  }
0x84: {  	_ =	shalt  }
0x85: {  	_ =	shalt  }
0x86: {  	_ =	shalt  }
0x87: {  	_ =	shalt  }
.Lfunc_end0:
.L_simem_size_0:
called_computation.2_lowered:
.L_overlay_start_0:
0x88: {  	s2 =	sld [smem:$0x3FD9]  }
0x89: {  	s3 =	sld [smem:$0x3FFE];
	_ =	sdelay $0x1  }
0x8a: {  	s1 =	srdreg.scid  }
0x8b: {  	s0 =	sand.u32 $0x1, s1  }
0x8c: {  	s16 =	sshll.u32 s0, $0xA;
	s2 =	sadd.s32 s3, s2  }
0x8d: {  	s2 =	sadd.s32 s2, s16  }
0x8e: {  	[smem:$0x3FBE] =	sst s2  }
0x8f: {  	_ = 	snop  }
0x90: {  	(tm) =	ssettm $0x1  }
0x91: {  	s17 =	sld [smem:$0x3FFB];
	_ =	sdelay $0x3  }
0x92: {  	_ =	strace s17  }
0x93: {  	s2 =	sld [smem:$0x3FFC];
	_ =	sdelay $0x3  }
0x94: {  	_ =	strace s2  }
0x95: {  	s2 =	sld [smem:$0x3FFD];
	_ =	sdelay $0x3  }
0x96: {  	_ =	strace s2  }
0x97: {  	_ =	strace $0x8FFFFFFF  }
0x98: {  	s18 =	sld [smem:$0x3FDB];
	_ =	sdelay $0x1  }
0x99: {  	s19 =	simm.s32 $_scs_section_size  }
0x9a: {  	s4 =	simm.s32 $_size__tile_overlayer_lowered;
	s5 =	simm.s32 $_tile_overlayer_lowered  }
0x9b: {  	s22 =	simm.s32 $0x1BFF;
	s21 =	sshll.u32 s5, $0x1;
	s2 =	sadd.s32 s19, s18  }
0x9c: {  	s6 =	simm.s32 $0x0;
	s20 =	sshll.u32 s4, $0x1;
	s4 =	sadd.s32 s21, s2  }
0x9d: {  	[timem:s6], [sflag:s22] =	dma.local [hbm:s4], s20  }
0x9e: {  	_ =	swait.ge [sflag:s22], s20  }
0x9f: {  	s3 =	ssub.s32 $0x0, s20;
	[sflag:s22] =	ssyncset.done $0x0  }
0xa0: {  	[sflag:s22] =	ssyncadd.s32 s3;
	_ =	sdelay $0x1  }
0xa1: {  	s23 =	simm.s32 $0x1B8B  }
0xa2: {  	_ =	swait.ge [sflag:s23], $0x1  }
0xa3: {  	[sflag:s23] =	ssyncset.done $0x0  }
0xa4: {  	s25 =	simm.s32 $0x1B8E;
	s24 =	sld [smem:$0x3FFE];
	[sflag:s23] =	ssyncadd.s32 $0xFFFFFFFF  }
0xa5: {  	s26 =	simm.s32 $execute0_lowered;
	[smem:$0x3FD2] =	sst s25  }
0xa6: {  	s4 =	sshll.u32 s26, $0x1;
	_ =	strace $0x8000004C;
	[dreg:$0x1] =	wrdreg $0xFFFFFFFF  }
0xa7: {  	s28 =	simm.s32 $_size_execute0_lowered;
	s2 =	sadd.s32 s2, s4;
	[dreg:$0x0] =	wrdreg $0x0  }
0xa8: {  	s4 =	sshll.u32 s28, $0x1;
	[dreg:$0x2] =	wrdreg s2  }
0xa9: {  	[dreg:$0x3] =	wrdreg s4  }
0xaa: {  	[dreg:$0x4] =	wrdreg $0xC0  }
0xab: {  	_ =	task [dreg:s6], $0x5FFFF  }
0xac: {  	[dreg:$0x1] =	wrdreg $0xFFFFFFFF  }
0xad: {  	[dreg:$0x0] =	wrdreg $0x60  }
0xae: {  	[dreg:$0x2] =	wrdreg s24  }
0xaf: {  	[dreg:$0x3] =	wrdreg $0x0  }
0xb0: {  	[dreg:$0x4] =	wrdreg $0x9  }
0xb1: {  	_ =	task.clear_ibuf [dreg:s6], $0x5FFFF;
	_ =	strace $0x9000004C  }
0xb2: {  	s29 =	simm.s32 $0x9;
	_ =	strace $0x8000004E  }
0xb3: {  	_ =	swait.ge [sflag:s29], $0x1  }
0xb4: {  	[sflag:s29] =	ssyncadd.s32 $0xFFFFFFFF  }
0xb5: {  	_ =	strace $0x9000004E  }
0xb6: {  	_ =	sfence  }
0xb7: {  	s30 =	sld [smem:$0x0];
	_ =	sdelay $0x2  }
0xb8: {  	s31 =	sshll.u32 s1, $0xD;
	s1 =	sshrl.u32 s1, $0x2  }
0xb9: {  	s3 =	sand.u32 $0x4000, s31;
	s1 =	sadd.s32 s1, s30  }
0xba: {  	s0 =	sor.u32 s3, s0;
	s1 =	sshll.u32 s1, $0x11  }
0xbb: {  	s0 =	sor.u32 s1, s0  }
0xbc: {  	s0 =	sadd.s32 $0x8F2B, s0  }
0xbd: {  	[sflag:s0] =	ssyncadd.remote.s32 $0x1  }
0xbe: {  	_ =	sfence.sel $0xFFFF  }
0xbf: {  	[dreg:$0x0] =	wrdreg $0xFFFFFFFF;
	(pc) =	sbr.abs _section_cstart, $3  }
0xc0: {  	[dreg:$0x1] =	wrdreg $0xFFFFFFFF  }
0xc1: {  	_ =	task.clear_ibuf [dreg:s6], $0x2FFFF;
	_ =	strace $0x9FFFFFFF  }
0xc2: {  	(tm) =	ssettm $0x7FFFFFFF  }
0xc3: {  	_ =	shalt  }
tec
execute0_lowered:
.L_overlay_start_1:
0x0: {  	(tag) =	ssettag $0x1  }
0x1: {  	s0 =	rddreg [dreg:$0x0]  }
0x2: {  	s1 =	rddreg [dreg:$0x1]  }
0x3: {  	s2 =	srdreg.scid;
	s3 =	simm.s32 $0x0;
	s10 =	stileid.u32  }
0x4: {  	s11 =	simm.s32 $0x13C00;
	s12 =	simm.s32 $0x60;
	s13 =	simm.s32 $0x14000  }
0x5: {  	s15 =	simm.s32 $0x13D00;
	s24 =	simm.s32 $0x13C80;
	s25 =	simm.s32 $0x13D80  }
0x6: {  	s26 =	simm.s32 $0x13E80;
	s28 =	simm.s32 $0x4;
	s29 =	simm.s32 $0x13F80  }
0x7: {  	s30 =	simm.s32 $0x6;
	s31 =	simm.s32 $0x7;
	s14 =	smul.u32 $0x2780, s10  }
0x8: {  	s2 =	sand.u32 $0x1, s2;
	[smem:$0x7FF] =	sst s3;
	s7 =	smul.u32 $0x4F000, s10  }
0x9: {  	s4 =	sadd.s32 $0xAFC00, s0;
	s18 =	sshll.u32 s10, $0x6;
	s20 =	smul.u32 $0x1B00, s10  }
0xa: {  	s5 =	smul.u32 $0x1B000, s2;
	_ =	strace $0x8000004D;
	[dreg:$0x5] =	wrdreg s24  }
0xb: {  	s6 =	smul.u32 $0x27800, s2;
	s2 =	ssub.s32 $0x2, s2;
	[dreg:$0x6] =	wrdreg s25  }
0xc: {  	[dreg:$0x7] =	wrdreg s26;
	s25 =	simm.s32 $0x3;
	s26 =	simm.s32 $0x5  }
0xd: {  	s8 =	sadd.s32 s14, s0;
	s16 =	sshrl.u32 s2, $0x1;
	s17 =	sshrl.u32 s7, $0x2  }
0xe: {  	s5 =	sadd.s32 s5, s0;
	s0 =	sadd.s32 s6, s0;
	s2 =	ssub.s32 s2, s16  }
0xf: {  	s9 =	sadd.s32 s17, s1;
	s19 =	sadd.s32 $0x2E00, s8;
	s6 =	sor.u32 $0x1C09, s18  }
0x10: {  	s16 =	simm.s32 $0x17000;
	s18 =	simm.s32 $0x1;
	[dreg:$0x8] =	wrdreg s19  }
0x11: {  	s5 =	sadd.s32 $0x79C00, s5;
	s0 =	sadd.s32 $0xFDE00, s0;
	s2 =	smax.u32 s2, $0x1  }
0x12: {  	s8 =	sshrl.u32 s9, $0x3;
	[dreg:$0x9] =	wrdreg s2;
	s5 =	sadd.s32 s20, s5  }
0x13: {  	s9 =	simm.s32 $0x9;
	s0 =	sadd.s32 s14, s0;
	[dreg:$0xa] =	wrdreg s5  }
0x14: {  	s19 =	simm.s32 $0x13E00;
	s21 =	sadd.s32 $0x20, s5;
	[dreg:$0xc] =	wrdreg s0  }
0x15: {  	s20 =	simm.s32 $0x1A000;
	s22 =	sadd.s32 $0x80, s5;
	[dreg:$0xb] =	wrdreg s21  }
0x16: {  	s2 =	simm.s32 $0x0;
	s23 =	sadd.s32 $0xA0, s5;
	[dreg:$0x3] =	wrdreg s22  }
0x17: {  	s7 =	sadd.s32 $0x60, s5;
	s0 =	simm.s32 $0x8;
	[dreg:$0x4] =	wrdreg s23  }
0x18: {  	s21 =	simm.s32 $0x2;
	s22 =	simm.s32 $0x13F00;
	s23 =	simm.s32 $0x1D000  }
.LBB2_1:
0x19: {  	s5 =	rddreg [dreg:$0x8]  }
0x1a: {  	[spmem:s8], [sflag:s6] =	dma.local [hbm:s5], $0x2780  }
0x1b: {  	_ =	swait.ge [sflag:s9], $0x2780  }
0x1c: {  	[sflag:s9] =	ssyncset.done $0x0  }
0x1d: {  	[sflag:s9] =	ssyncadd.s32 $0xFFFFD880  }
0x1e: {  	[bflag:$0x0] =	sbarrier.arrive $0xFFFF  }
0x1f: {  	s10 =	rddreg [dreg:$0xa]  }
0x20: {  	[tilespmem:s11], [sflag:$0x9] =	stream.linear.gather [hbm4b:s10+s3], $0x100, $0x38;
	v63 =	vld [tilespmem:$0x0]  }
0x21: {  	_ =	swait.ge [sflag:s9], $0x100  }
0x22: {  	[sflag:s9] =	ssyncset.done $0x0  }
0x23: {  	[sflag:s9] =	ssyncadd.s32 $0xFFFFFF00  }
0x24: {  	[tilespmem:s13], [sflag:$0x1] =	stream.indirect.gather [hbm4b:s4+s12], $0x80, s11, s12, $0xb8;
	v63 =	vld [tilespmem:$0x0]  }
0x25: {  	s14 =	rddreg [dreg:$0xb]  }
0x26: {  	[tilespmem:s15], [sflag:$0x9] =	stream.linear.gather [hbm4b:s14+s3], $0x100, $0x38;
	v63 =	vld [tilespmem:$0x0]  }
0x27: {  	_ =	swait.ge [sflag:s9], $0x100  }
0x28: {  	[sflag:s9] =	ssyncset.done $0x0  }
0x29: {  	[sflag:s9] =	ssyncadd.s32 $0xFFFFFF00  }
0x2a: {  	[tilespmem:s16], [sflag:$0x2] =	stream.indirect.gather [hbm4b:s4+s12], $0x80, s15, s12, $0xb8;
	v63 =	vld [tilespmem:$0x0]  }
0x2b: {  	_ =	swait.ge [sflag:s18], $0x3000  }
0x2c: {  	p0 =	por $0x1, $0x1;
	[sflag:s18] =	ssyncset.done $0x0  }
0x2d: {  	s14 =	simm.s32 @!p0 $0x7;
	s17 =	rddreg [dreg:$0x5];
	[sflag:s18] =	ssyncadd.s32 $0xFFFFD000  }
0x2e: {  	[spmem:s1] =	stream.indirect.scatter.add.f32 [tilespmem:s13], [sflag:$0x5], $0x80, s17, s12, $0xb8;
	v63 =	vld [tilespmem:$0x0]  }
0x2f: {  	_ =	swait.ge @!p0 [sflag:s14], $0x3000  }
0x30: {  	[sflag:s14] =	ssyncset.done @!p0 $0x0  }
0x31: {  	s24 =	sadd.s32 $0xFFFFFFE0, s7;
	[sflag:s14] =	ssyncadd.s32 @!p0 $0xFFFFD000  }
0x32: {  	[tilespmem:s19], [sflag:$0x9] =	stream.linear.gather [hbm4b:s24+s3], $0x100, $0x38;
	v63 =	vld [tilespmem:$0x0]  }
0x33: {  	_ =	swait.ge [sflag:s9], $0x100  }
0x34: {  	[sflag:s9] =	ssyncset.done $0x0  }
0x35: {  	[sflag:s9] =	ssyncadd.s32 $0xFFFFFF00  }
0x36: {  	[tilespmem:s20], [sflag:$0x3] =	stream.indirect.gather [hbm4b:s4+s12], $0x80, s19, s12, $0xb8;
	v63 =	vld [tilespmem:$0x0]  }
0x37: {  	_ =	swait.ge [sflag:s21], $0x3000  }
0x38: {  	[sflag:s21] =	ssyncset.done $0x0  }
0x39: {  	s14 =	simm.s32 @!p0 $0x8;
	s10 =	rddreg [dreg:$0x6];
	[sflag:s21] =	ssyncadd.s32 $0xFFFFD000  }
0x3a: {  	[spmem:s1] =	stream.indirect.scatter.add.f32 [tilespmem:s16], [sflag:$0x6], $0x80, s10, s12, $0xb8;
	v63 =	vld [tilespmem:$0x0]  }
0x3b: {  	_ =	swait.ge @!p0 [sflag:s14], $0x3000  }
0x3c: {  	[sflag:s14] =	ssyncset.done @!p0 $0x0  }
0x3d: {  	[sflag:s14] =	ssyncadd.s32 @!p0 $0xFFFFD000  }
0x3e: {  	[tilespmem:s22], [sflag:$0x9] =	stream.linear.gather [hbm4b:s7+s3], $0x100, $0x38;
	v63 =	vld [tilespmem:$0x0]  }
0x3f: {  	_ =	swait.ge [sflag:s9], $0x100  }
0x40: {  	[sflag:s9] =	ssyncset.done $0x0  }
0x41: {  	[sflag:s9] =	ssyncadd.s32 $0xFFFFFF00  }
0x42: {  	[tilespmem:s23], [sflag:$0x4] =	stream.indirect.gather [hbm4b:s4+s12], $0x80, s22, s12, $0xb8;
	v63 =	vld [tilespmem:$0x0]  }
0x43: {  	_ =	swait.ge [sflag:s25], $0x3000  }
0x44: {  	[sflag:s25] =	ssyncset.done $0x0  }
0x45: {  	s17 =	rddreg [dreg:$0x7];
	[sflag:s25] =	ssyncadd.s32 $0xFFFFD000  }
0x46: {  	[spmem:s1] =	stream.indirect.scatter.add.f32 [tilespmem:s20], [sflag:$0x7], $0x80, s17, s12, $0xb8;
	v63 =	vld [tilespmem:$0x0]  }
0x47: {  	s10 =	smin.u32 s3, $0xD3;
	_ =	swait.ge [sflag:s26], $0x3000  }
0x48: {  	s14 =	sshll.u32 s10, $0x5;
	s24 =	rddreg [dreg:$0x3];
	[sflag:s26] =	ssyncset.done $0x0  }
0x49: {  	[sflag:s26] =	ssyncadd.s32 $0xFFFFD000;
	s5 =	sadd.s32 s14, s24  }
0x4a: {  	[tilespmem:s11], [sflag:$0x9] =	stream.linear.gather [hbm4b:s5+s3], $0x100, $0x38;
	v63 =	vld [tilespmem:$0x0]  }
0x4b: {  	_ =	swait.ge [sflag:s9], $0x100  }
0x4c: {  	[sflag:s9] =	ssyncset.done $0x0  }
0x4d: {  	[sflag:s9] =	ssyncadd.s32 $0xFFFFFF00  }
0x4e: {  	[tilespmem:s13], [sflag:$0x1] =	stream.indirect.gather [hbm4b:s4+s12], $0x80, s11, s12, $0xb8;
	v63 =	vld [tilespmem:$0x0]  }
0x4f: {  	_ =	swait.ge [sflag:s28], $0x3000  }
0x50: {  	[sflag:s28] =	ssyncset.done $0x0  }
0x51: {  	[sflag:s28] =	ssyncadd.s32 $0xFFFFD000  }
0x52: {  	[spmem:s1] =	stream.indirect.scatter.add.f32 [tilespmem:s23], [sflag:$0x8], $0x80, s29, s12, $0xb8;
	v63 =	vld [tilespmem:$0x0]  }
0x53: {  	s24 =	smin.u32 s3, $0xD2;
	_ =	swait.ge [sflag:s30], $0x3000  }
0x54: {  	s14 =	sshll.u32 s24, $0x5;
	s17 =	rddreg [dreg:$0x4];
	[sflag:s30] =	ssyncset.done $0x0  }
0x55: {  	[sflag:s30] =	ssyncadd.s32 $0xFFFFD000;
	s5 =	sadd.s32 s14, s17  }
0x56: {  	[tilespmem:s15], [sflag:$0x9] =	stream.linear.gather [hbm4b:s5+s3], $0x100, $0x38;
	v63 =	vld [tilespmem:$0x0]  }
0x57: {  	_ =	swait.ge [sflag:s9], $0x100  }
0x58: {  	s17 =	smov.u32 s7;
	s5 =	simm.s32 $0x4;
	[sflag:s9] =	ssyncset.done $0x0  }
.LBB2_2:
0x59: {  	[sflag:s9] =	ssyncadd.s32 $0xFFFFFF00  }
0x5a: {  	[tilespmem:s16], [sflag:$0x2] =	stream.indirect.gather [hbm4b:s4+s12], $0x80, s15, s12, $0xb8;
	v63 =	vld [tilespmem:$0x0]  }
0x5b: {  	s14 =	smov.u32 s5;
	_ =	swait.ge [sflag:s18], $0x3000  }
0x5c: {  	p1 =	seq.s32 s14, $0x0;
	[sflag:s18] =	ssyncset.done $0x0  }
0x5d: {  	s10 =	simm.s32 @!p1 $0x7;
	s24 =	rddreg [dreg:$0x5];
	[sflag:s18] =	ssyncadd.s32 $0xFFFFD000  }
0x5e: {  	[spmem:s1] =	stream.indirect.scatter.add.f32 [tilespmem:s13], [sflag:$0x5], $0x80, s24, s12, $0xb8;
	v63 =	vld [tilespmem:$0x0]  }
0x5f: {  	_ =	swait.ge @!p1 [sflag:s10], $0x3000  }
0x60: {  	s17 =	sadd.s32 $0x80, s17;
	[sflag:s10] =	ssyncset.done @!p1 $0x0  }
0x61: {  	s24 =	sadd.s32 $0xFFFFFFE0, s17;
	[sflag:s10] =	ssyncadd.s32 @!p1 $0xFFFFD000  }
0x62: {  	[tilespmem:s19], [sflag:$0x9] =	stream.linear.gather [hbm4b:s24+s3], $0x100, $0x38;
	v63 =	vld [tilespmem:$0x0]  }
0x63: {  	_ =	swait.ge [sflag:s9], $0x100  }
0x64: {  	[sflag:s9] =	ssyncset.done $0x0  }
0x65: {  	[sflag:s9] =	ssyncadd.s32 $0xFFFFFF00  }
0x66: {  	[tilespmem:s20], [sflag:$0x3] =	stream.indirect.gather [hbm4b:s4+s12], $0x80, s19, s12, $0xb8;
	v63 =	vld [tilespmem:$0x0]  }
0x67: {  	_ =	swait.ge [sflag:s21], $0x3000  }
0x68: {  	[sflag:s21] =	ssyncset.done $0x0  }
0x69: {  	s24 =	simm.s32 @!p1 $0x8;
	s10 =	rddreg [dreg:$0x6];
	[sflag:s21] =	ssyncadd.s32 $0xFFFFD000  }
0x6a: {  	[spmem:s1] =	stream.indirect.scatter.add.f32 [tilespmem:s16], [sflag:$0x6], $0x80, s10, s12, $0xb8;
	v63 =	vld [tilespmem:$0x0]  }
0x6b: {  	_ =	swait.ge @!p1 [sflag:s24], $0x3000  }
0x6c: {  	[sflag:s24] =	ssyncset.done @!p1 $0x0  }
0x6d: {  	[sflag:s24] =	ssyncadd.s32 @!p1 $0xFFFFD000  }
0x6e: {  	[tilespmem:s22], [sflag:$0x9] =	stream.linear.gather [hbm4b:s17+s3], $0x100, $0x38;
	v63 =	vld [tilespmem:$0x0]  }
0x6f: {  	_ =	swait.ge [sflag:s9], $0x100  }
0x70: {  	[sflag:s9] =	ssyncset.done $0x0  }
0x71: {  	[sflag:s9] =	ssyncadd.s32 $0xFFFFFF00  }
0x72: {  	[tilespmem:s23], [sflag:$0x4] =	stream.indirect.gather [hbm4b:s4+s12], $0x80, s22, s12, $0xb8;
	v63 =	vld [tilespmem:$0x0]  }
0x73: {  	_ =	swait.ge [sflag:s25], $0x3000  }
0x74: {  	[sflag:s25] =	ssyncset.done $0x0  }
0x75: {  	s24 =	rddreg [dreg:$0x7];
	[sflag:s25] =	ssyncadd.s32 $0xFFFFD000  }
0x76: {  	[spmem:s1] =	stream.indirect.scatter.add.f32 [tilespmem:s20], [sflag:$0x7], $0x80, s24, s12, $0xb8;
	v63 =	vld [tilespmem:$0x0]  }
0x77: {  	s10 =	smin.u32 s14, $0xD3;
	_ =	swait.ge [sflag:s26], $0x3000  }
0x78: {  	s10 =	sshll.u32 s10, $0x5;
	s24 =	rddreg [dreg:$0x3];
	[sflag:s26] =	ssyncset.done $0x0  }
0x79: {  	[sflag:s26] =	ssyncadd.s32 $0xFFFFD000;
	s10 =	sadd.s32 s10, s24  }
0x7a: {  	[tilespmem:s11], [sflag:$0x9] =	stream.linear.gather [hbm4b:s10+s3], $0x100, $0x38;
	v63 =	vld [tilespmem:$0x0]  }
0x7b: {  	_ =	swait.ge [sflag:s9], $0x100  }
0x7c: {  	[sflag:s9] =	ssyncset.done $0x0  }
0x7d: {  	[sflag:s9] =	ssyncadd.s32 $0xFFFFFF00  }
0x7e: {  	[tilespmem:s13], [sflag:$0x1] =	stream.indirect.gather [hbm4b:s4+s12], $0x80, s11, s12, $0xb8;
	v63 =	vld [tilespmem:$0x0]  }
0x7f: {  	_ =	swait.ge [sflag:s28], $0x3000  }
0x80: {  	[sflag:s28] =	ssyncset.done $0x0  }
0x81: {  	s5 =	sadd.s32 $0x4, s5;
	s14 =	smin.u32 s14, $0xD2;
	[sflag:s28] =	ssyncadd.s32 $0xFFFFD000  }
0x82: {  	[spmem:s1] =	stream.indirect.scatter.add.f32 [tilespmem:s23], [sflag:$0x8], $0x80, s29, s12, $0xb8;
	v63 =	vld [tilespmem:$0x0]  }
0x83: {  	p0 =	sne.s32 s5, $0xD8;
	s10 =	sshll.u32 s14, $0x5;
	_ =	swait.ge [sflag:s30], $0x3000  }
.Ltmp0:
0x84: {  	s24 =	rddreg [dreg:$0x4];
	[sflag:s30] =	ssyncset.done $0x0;
	(pc) =	sbr.rel @p0 .LBB2_2-.Ltmp0, $4  }
0x85: {  	[sflag:s30] =	ssyncadd.s32 $0xFFFFD000;
	s10 =	sadd.s32 s10, s24  }
0x86: {  	[tilespmem:s15], [sflag:$0x9] =	stream.linear.gather [hbm4b:s10+s3], $0x100, $0x38;
	v63 =	vld [tilespmem:$0x0]  }
0x87: {  	_ =	swait.ge [sflag:s9], $0x100  }
0x88: {  	[sflag:s9] =	ssyncset.done $0x0  }
0x89: {  	[sflag:s9] =	ssyncadd.s32 $0xFFFFFF00  }
0x8a: {  	[tilespmem:s16], [sflag:$0x2] =	stream.indirect.gather [hbm4b:s4+s12], $0x80, s15, s12, $0xb8;
	v63 =	vld [tilespmem:$0x0]  }
0x8b: {  	_ =	swait.ge [sflag:s18], $0x3000  }
0x8c: {  	[sflag:s18] =	ssyncset.done $0x0  }
0x8d: {  	[sflag:s18] =	ssyncadd.s32 $0xFFFFD000  }
0x8e: {  	_ =	swait.ge [sflag:s21], $0x3000  }
0x8f: {  	[sflag:s21] =	ssyncset.done $0x0  }
0x90: {  	[sflag:s21] =	ssyncadd.s32 $0xFFFFD000  }
0x91: {  	_ =	swait.ge [sflag:s31], $0x3000  }
0x92: {  	[sflag:s31] =	ssyncset.done $0x0  }
0x93: {  	[sflag:s31] =	ssyncadd.s32 $0xFFFFD000  }
0x94: {  	_ =	swait.ge [sflag:s0], $0x3000  }
0x95: {  	[sflag:s0] =	ssyncset.done $0x0  }
0x96: {  	[sflag:s0] =	ssyncadd.s32 $0xFFFFD000  }
0x97: {  	[bflag:$0x0] =	sbarrier.arrive $0xFFFF  }
0x98: {  	s5 =	rddreg [dreg:$0xc]  }
0x99: {  	[hbm:s5], [sflag:s6] =	dma.local [spmem:s8], $0x2780  }
0x9a: {  	_ =	swait.ge [sflag:s9], $0x2780  }
0x9b: {  	s2 =	sadd.s32 $0x1, s2;
	s24 =	rddreg [dreg:$0x9]  }
0x9c: {  	p0 =	sne.s32 s2, s24  }
.Ltmp1:
0x9d: {  	_ = 	snop;
	(pc) =	sbr.rel @p0 .LBB2_1-.Ltmp1, $3  }
0x9e: {  	_ =	sdelay $0x1  }
0x9f: {  	[sflag:s9] =	ssyncset.done $0x0  }
0xa0: {  	[sflag:s9] =	ssyncadd.s32 $0xFFFFD880  }
0xa1: {  	_ =	sfence.sel $0x180000  }
0xa2: {  	[bflag:$0x0] =	sbarrier.arrive $0xFFFF  }
0xa3: {  	_ =	strace $0x9000004D  }
0xa4: {  	s0 =	stileid.u32;
	[bflag:$0x2] =	sbarrier.arrive $0xFFFF  }
0xa5: {  	p0 =	sne.s32 s0, $0x0;
	s0 =	rddreg [dreg:$0x2]  }
0xa6: {  	s0 =	sadd.s32 @!p0 $0x100000, s0  }
0xa7: {  	[sflag:s0] =	ssyncadd.tile.s32 @!p0 $0x1;
	_ =	shalt  }
.Lfunc_end2:
_tile_overlayer_lowered:
.L_overlay_start_2:
0xa8: {  	(tag) =	ssettag $0x2  }
0xa9: {  	s0 =	rddreg [dreg:$0x0];
	s2 =	stileid.u32  }
0xaa: {  	s1 =	rddreg [dreg:$0x1];
	p0 =	sne.s32 s2, $0x0  }
0xab: {  	s3 =	rddreg [dreg:$0x2];
	[bflag:$0x3] =	sbarrier.arrive $0xFFFF;
	s2 =	simm.s32 @!p0 $0x1C09  }
0xac: {  	[timem:s3], [sflag:s2] =	dma.local @!p0 [hbm:s0], s1  }
0xad: {  	s0 =	simm.s32 @!p0 $0x9  }
0xae: {  	_ =	swait.ge @!p0 [sflag:s0], s1  }
0xaf: {  	s1 =	ssub.s32 @!p0 $0x0, s1;
	[sflag:s0] =	ssyncset.done @!p0 $0x0  }
0xb0: {  	[sflag:s0] =	ssyncadd.s32 @!p0 s1  }
0xb1: {  	[bflag:$0x3] =	sbarrier.arrive $0xFFFF  }
0xb2: {  	_ =	shalt  }

// kernel: kernel.19.cloned.1.call-start
scs
__scs_entry_jumppad:
0x0: {  	(pc) =	sbr.rel $0x88, $3  }
0x1: {  	(tag) =	ssettag $0x0;
	lr =	simm.s32 $0x1  }
0x2: {  	[smem:$0x3F97] =	sst lr;
	_ =	strace $0xD0000000  }
0x3: {  	_ = 	snop  }
0x4: {  	_ = 	snop  }
0x5: {  	_ = 	snop  }
0x6: {  	_ = 	snop  }
0x7: {  	_ = 	snop  }
__scs_overlays_trampoline_lowered:
0x8: {  	[smem:$0x3FA6] =	sst s0  }
0x9: {  	[smem:$0x3FA7] =	sst s1  }
0xa: {  	[smem:$0x3FA8] =	sst s2  }
0xb: {  	[smem:$0x3FA9] =	sst s3  }
0xc: {  	[smem:$0x3FAA] =	sst s4  }
0xd: {  	[smem:$0x3FAB] =	sst s5  }
0xe: {  	[smem:$0x3FAC] =	sst s6  }
0xf: {  	[smem:$0x3FAD] =	sst s7  }
0x10: {  	[smem:$0x3FAE] =	sst s8  }
0x11: {  	[smem:$0x3FAF] =	sst s9;
	s0 =	simm.s32 @!p0 $0x0  }
0x12: {  	s1 =	sld [smem:$0x3F95];
	s0 =	simm.s32 @p0 $0x1  }
0x13: {  	[smem:$0x3FB0] =	sst s0;
	s0 =	simm.s32 @!p1 $0x0  }
0x14: {  	s2 =	sld [smem:$0x3F94];
	s0 =	simm.s32 @p1 $0x1  }
0x15: {  	[smem:$0x3FB1] =	sst s0;
	s0 =	simm.s32 @!p2 $0x0  }
0x16: {  	s3 =	sld [smem:$0x3FDB];
	s0 =	simm.s32 @p2 $0x1  }
0x17: {  	s4 =	simm.s32 $0x1BF5;
	[smem:$0x3FB3] =	sst s0  }
0x18: {  	s0 =	sld [smem:$0x3F96];
	_ =	swait.ge [sflag:s4], $0x0  }
0x19: {  	s7 =	sld [smem:$0x3F97]  }
0x1a: {  	s8 =	sadd.s32 $0xFFFFE003, lr  }
0x1b: {  	s9 =	sadd.s32 $0xFFFFFEF7, lr;
	s5 =	simm.s32 $0xFFFFFFFF;
	p2 =	slt.u32 s8, $0xFFFFF086  }
0x1c: {  	p1 =	slt.u32 s9, $0xF7A;
	s5 =	simm.s32 @!p2 $0x0  }
0x1d: {  	s5 =	simm.s32 @p1 $0x1;
	p0 =	seq.s32 s7, s2  }
0x1e: {  	s7 =	smul.u32 @!p0 $0xF7A, s2;
	p2 =	seq.s32 @!p0 s5, $0x0  }
0x1f: {  	s9 =	smul.u32 $0xF7A, s1;
	s8 =	simm.s32 @!p0 $0x1BF5;
	p2 =	por !p2, p0  }
0x20: {  	[sflag:s8] =	ssyncset.s32 @!p0 $0xFFFFF086;
	s6 =	sadd.s32 @!p0 s3, s7;
	s7 =	simm.s32 @!p0 $0x108  }
0x21: {  	s3 =	sadd.s32 s3, s9;
	s6 =	sadd.s32 @!p0 $0x88, s6;
	s7 =	simm.s32 @p2 $0x1082  }
0x22: {  	[simem:s7], [sflag:s8] =	dma.local @!p0 [hbm:s6], $0xF7A  }
0x23: {  	s9 =	sor.u32 $0xD0000000, s2;
	s6 =	simm.s32 $0x108;
	_ =	swait.ge @!p0 [sflag:s8], $0x0  }
0x24: {  	s3 =	sadd.s32 $0x88, s3;
	s6 =	simm.s32 @!p1 $0x1082;
	[sflag:s4] =	ssyncset.s32 $0xFFFFF086  }
0x25: {  	[simem:s6], [sflag:s4] =	dma.local [hbm:s3], $0xF7A  }
0x26: {  	[smem:$0x3F97] =	sst s1;
	(tag) =	ssettag s2;
	_ =	strace s9  }
0x27: {  	s1 =	sld [smem:$0x3FA7]  }
0x28: {  	s2 =	sld [smem:$0x3FA8]  }
0x29: {  	s4 =	sld [smem:$0x3FAA]  }
0x2a: {  	p0 =	seq.s32 s5, $0x0;
	s5 =	sld [smem:$0x3FAB]  }
0x2b: {  	s6 =	sld [smem:$0x3FAC]  }
0x2c: {  	s7 =	sld [smem:$0x3FAD]  }
0x2d: {  	s3 =	simm.s32 $0x108;
	s8 =	sld [smem:$0x3FAE]  }
0x2e: {  	s3 =	simm.s32 @!p0 $0x1082;
	s9 =	sld [smem:$0x3FAF]  }
0x2f: {  	lr =	sadd.s32 s0, s3;
	s0 =	sld [smem:$0x3FA6]  }
0x30: {  	s3 =	sld [smem:$0x3FA9]  }
0x31: {  	[smem:$0x3FB2] =	sst s10  }
0x32: {  	s10 =	sld [smem:$0x3FB0];
	_ =	sdelay $0x3  }
0x33: {  	p0 =	seq.s32 s10, $0x1;
	s10 =	sld [smem:$0x3FB2];
	_ =	sdelay $0x3  }
0x34: {  	[smem:$0x3FB2] =	sst s10  }
0x35: {  	s10 =	sld [smem:$0x3FB1];
	_ =	sdelay $0x3  }
0x36: {  	p1 =	seq.s32 s10, $0x1;
	s10 =	sld [smem:$0x3FB2];
	_ =	sdelay $0x3  }
0x37: {  	[smem:$0x3FB2] =	sst s10  }
0x38: {  	s10 =	sld [smem:$0x3FB3]  }
0x39: {  	_ = 	snop;
	(pc) =	sbr.ind lr, $3  }
0x3a: {  	_ = 	snop  }
0x3b: {  	_ = 	snop  }
0x3c: {  	p2 =	seq.s32 s10, $0x1;
	s10 =	sld [smem:$0x3FB2]  }
0x3d: {  	_ =	shalt  }
0x3e: {  	_ =	shalt  }
0x3f: {  	_ =	shalt  }
0x40: {  	_ =	shalt  }
0x41: {  	_ =	shalt  }
0x42: {  	_ =	shalt  }
0x43: {  	_ =	shalt  }
0x44: {  	_ =	shalt  }
0x45: {  	_ =	shalt  }
0x46: {  	_ =	shalt  }
0x47: {  	_ =	shalt  }
0x48: {  	_ =	shalt  }
0x49: {  	_ =	shalt  }
0x4a: {  	_ =	shalt  }
0x4b: {  	_ =	shalt  }
0x4c: {  	_ =	shalt  }
0x4d: {  	_ =	shalt  }
0x4e: {  	_ =	shalt  }
0x4f: {  	_ =	shalt  }
0x50: {  	_ =	shalt  }
0x51: {  	_ =	shalt  }
0x52: {  	_ =	shalt  }
0x53: {  	_ =	shalt  }
0x54: {  	_ =	shalt  }
0x55: {  	_ =	shalt  }
0x56: {  	_ =	shalt  }
0x57: {  	_ =	shalt  }
0x58: {  	_ =	shalt  }
0x59: {  	_ =	shalt  }
0x5a: {  	_ =	shalt  }
0x5b: {  	_ =	shalt  }
0x5c: {  	_ =	shalt  }
0x5d: {  	_ =	shalt  }
0x5e: {  	_ =	shalt  }
0x5f: {  	_ =	shalt  }
0x60: {  	_ =	shalt  }
0x61: {  	_ =	shalt  }
0x62: {  	_ =	shalt  }
0x63: {  	_ =	shalt  }
0x64: {  	_ =	shalt  }
0x65: {  	_ =	shalt  }
0x66: {  	_ =	shalt  }
0x67: {  	_ =	shalt  }
0x68: {  	_ =	shalt  }
0x69: {  	_ =	shalt  }
0x6a: {  	_ =	shalt  }
0x6b: {  	_ =	shalt  }
0x6c: {  	_ =	shalt  }
0x6d: {  	_ =	shalt  }
0x6e: {  	_ =	shalt  }
0x6f: {  	_ =	shalt  }
0x70: {  	_ =	shalt  }
0x71: {  	_ =	shalt  }
0x72: {  	_ =	shalt  }
0x73: {  	_ =	shalt  }
0x74: {  	_ =	shalt  }
0x75: {  	_ =	shalt  }
0x76: {  	_ =	shalt  }
0x77: {  	_ =	shalt  }
0x78: {  	_ =	shalt  }
0x79: {  	_ =	shalt  }
0x7a: {  	_ =	shalt  }
0x7b: {  	_ =	shalt  }
0x7c: {  	_ =	shalt  }
0x7d: {  	_ =	shalt  }
0x7e: {  	_ =	shalt  }
0x7f: {  	_ =	shalt  }
0x80: {  	_ =	shalt  }
0x81: {  	_ =	shalt  }
0x82: {  	_ =	shalt  }
0x83: {  	_ =	shalt  }
0x84: {  	_ =	shalt  }
0x85: {  	_ =	shalt  }
0x86: {  	_ =	shalt  }
0x87: {  	_ =	shalt  }
.Lfunc_end0:
.L_simem_size_0:
called_computation.3_lowered:
.L_overlay_start_0:
0x88: {  	s2 =	sld [smem:$0x3FD9]  }
0x89: {  	s3 =	sld [smem:$0x3FFE];
	_ =	sdelay $0x1  }
0x8a: {  	s1 =	srdreg.scid  }
0x8b: {  	s0 =	sand.u32 $0x1, s1  }
0x8c: {  	s16 =	sshll.u32 s0, $0xA;
	s2 =	sadd.s32 s3, s2  }
0x8d: {  	s2 =	sadd.s32 s2, s16  }
0x8e: {  	[smem:$0x3FBE] =	sst s2  }
0x8f: {  	_ = 	snop  }
0x90: {  	(tm) =	ssettm $0x1  }
0x91: {  	s17 =	sld [smem:$0x3FFB];
	_ =	sdelay $0x3  }
0x92: {  	_ =	strace s17  }
0x93: {  	s2 =	sld [smem:$0x3FFC];
	_ =	sdelay $0x3  }
0x94: {  	_ =	strace s2  }
0x95: {  	s2 =	sld [smem:$0x3FFD];
	_ =	sdelay $0x3  }
0x96: {  	_ =	strace s2  }
0x97: {  	_ =	strace $0x8FFFFFFF  }
0x98: {  	s18 =	sld [smem:$0x3FDB];
	_ =	sdelay $0x1  }
0x99: {  	s19 =	simm.s32 $_scs_section_size  }
0x9a: {  	s4 =	simm.s32 $_size__tile_overlayer_lowered;
	s5 =	simm.s32 $_tile_overlayer_lowered  }
0x9b: {  	s22 =	simm.s32 $0x1BFF;
	s21 =	sshll.u32 s5, $0x1;
	s2 =	sadd.s32 s19, s18  }
0x9c: {  	s6 =	simm.s32 $0x0;
	s20 =	sshll.u32 s4, $0x1;
	s4 =	sadd.s32 s21, s2  }
0x9d: {  	[timem:s6], [sflag:s22] =	dma.local [hbm:s4], s20  }
0x9e: {  	_ =	swait.ge [sflag:s22], s20  }
0x9f: {  	s3 =	ssub.s32 $0x0, s20;
	[sflag:s22] =	ssyncset.done $0x0  }
0xa0: {  	[sflag:s22] =	ssyncadd.s32 s3;
	_ =	sdelay $0x1  }
0xa1: {  	s23 =	simm.s32 $0x1B8B  }
0xa2: {  	_ =	swait.ge [sflag:s23], $0x1  }
0xa3: {  	[sflag:s23] =	ssyncset.done $0x0  }
0xa4: {  	s25 =	simm.s32 $0x1B8E;
	s24 =	sld [smem:$0x3FFE];
	[sflag:s23] =	ssyncadd.s32 $0xFFFFFFFF  }
0xa5: {  	s26 =	simm.s32 $execute0_lowered;
	[smem:$0x3FD2] =	sst s25  }
0xa6: {  	s4 =	sshll.u32 s26, $0x1;
	_ =	strace $0x8000004F;
	[dreg:$0x1] =	wrdreg $0xFFFFFFFF  }
0xa7: {  	s28 =	simm.s32 $_size_execute0_lowered;
	s2 =	sadd.s32 s2, s4;
	[dreg:$0x0] =	wrdreg $0x0  }
0xa8: {  	s4 =	sshll.u32 s28, $0x1;
	[dreg:$0x2] =	wrdreg s2  }
0xa9: {  	[dreg:$0x3] =	wrdreg s4  }
0xaa: {  	[dreg:$0x4] =	wrdreg $0xC0  }
0xab: {  	_ =	task [dreg:s6], $0x5FFFF  }
0xac: {  	[dreg:$0x1] =	wrdreg $0xFFFFFFFF  }
0xad: {  	[dreg:$0x0] =	wrdreg $0x60  }
0xae: {  	[dreg:$0x2] =	wrdreg s24  }
0xaf: {  	[dreg:$0x3] =	wrdreg $0x0  }
0xb0: {  	[dreg:$0x4] =	wrdreg $0x9  }
0xb1: {  	_ =	task.clear_ibuf [dreg:s6], $0x5FFFF;
	_ =	strace $0x9000004F  }
0xb2: {  	s29 =	simm.s32 $0x9;
	_ =	strace $0x80000051  }
0xb3: {  	_ =	swait.ge [sflag:s29], $0x1  }
0xb4: {  	[sflag:s29] =	ssyncadd.s32 $0xFFFFFFFF  }
0xb5: {  	_ =	strace $0x90000051  }
0xb6: {  	_ =	sfence  }
0xb7: {  	s30 =	sld [smem:$0x0];
	_ =	sdelay $0x2  }
0xb8: {  	s31 =	sshll.u32 s1, $0xD;
	s1 =	sshrl.u32 s1, $0x2  }
0xb9: {  	s3 =	sand.u32 $0x4000, s31;
	s1 =	sadd.s32 s1, s30  }
0xba: {  	s0 =	sor.u32 s3, s0;
	s1 =	sshll.u32 s1, $0x11  }
0xbb: {  	s0 =	sor.u32 s1, s0  }
0xbc: {  	s0 =	sadd.s32 $0x8F2B, s0  }
0xbd: {  	[sflag:s0] =	ssyncadd.remote.s32 $0x1  }
0xbe: {  	_ =	sfence.sel $0xFFFF  }
0xbf: {  	[dreg:$0x0] =	wrdreg $0xFFFFFFFF;
	(pc) =	sbr.abs _section_cstart, $3  }
0xc0: {  	[dreg:$0x1] =	wrdreg $0xFFFFFFFF  }
0xc1: {  	_ =	task.clear_ibuf [dreg:s6], $0x2FFFF;
	_ =	strace $0x9FFFFFFF  }
0xc2: {  	(tm) =	ssettm $0x7FFFFFFF  }
0xc3: {  	_ =	shalt  }
tec
execute0_lowered:
.L_overlay_start_1:
0x0: {  	(tag) =	ssettag $0x1  }
0x1: {  	s0 =	rddreg [dreg:$0x0]  }
0x2: {  	s1 =	rddreg [dreg:$0x1]  }
0x3: {  	s2 =	srdreg.scid;
	s3 =	simm.s32 $0x0;
	s10 =	stileid.u32  }
0x4: {  	s11 =	simm.s32 $0x13C00;
	s12 =	simm.s32 $0x60;
	s13 =	simm.s32 $0x14000  }
0x5: {  	s15 =	simm.s32 $0x13D00;
	s24 =	simm.s32 $0x13C80;
	s25 =	simm.s32 $0x13D80  }
0x6: {  	s26 =	simm.s32 $0x13E80;
	s28 =	simm.s32 $0x4;
	s29 =	simm.s32 $0x13F80  }
0x7: {  	s30 =	simm.s32 $0x6;
	s31 =	simm.s32 $0x7;
	s14 =	smul.u32 $0x2780, s10  }
0x8: {  	s2 =	sand.u32 $0x1, s2;
	[smem:$0x7FF] =	sst s3;
	s7 =	smul.u32 $0x4F000, s10  }
0x9: {  	s4 =	sadd.s32 $0xAFC00, s0;
	s18 =	sshll.u32 s10, $0x6;
	s20 =	smul.u32 $0x1B00, s10  }
0xa: {  	s5 =	smul.u32 $0x1B000, s2;
	_ =	strace $0x80000050;
	[dreg:$0x5] =	wrdreg s24  }
0xb: {  	s6 =	smul.u32 $0x27800, s2;
	s2 =	ssub.s32 $0x2, s2;
	[dreg:$0x6] =	wrdreg s25  }
0xc: {  	[dreg:$0x7] =	wrdreg s26;
	s25 =	simm.s32 $0x3;
	s26 =	simm.s32 $0x5  }
0xd: {  	s8 =	sadd.s32 s14, s0;
	s16 =	sshrl.u32 s2, $0x1;
	s17 =	sshrl.u32 s7, $0x2  }
0xe: {  	s5 =	sadd.s32 s5, s0;
	s0 =	sadd.s32 s6, s0;
	s2 =	ssub.s32 s2, s16  }
0xf: {  	s9 =	sadd.s32 s17, s1;
	s19 =	sadd.s32 $0x2E00, s8;
	s6 =	sor.u32 $0x1C09, s18  }
0x10: {  	s16 =	simm.s32 $0x17000;
	s18 =	simm.s32 $0x1;
	[dreg:$0x8] =	wrdreg s19  }
0x11: {  	s5 =	sadd.s32 $0x79C00, s5;
	s0 =	sadd.s32 $0x14C000, s0;
	s2 =	smax.u32 s2, $0x1  }
0x12: {  	s8 =	sshrl.u32 s9, $0x3;
	[dreg:$0x9] =	wrdreg s2;
	s5 =	sadd.s32 s20, s5  }
0x13: {  	s9 =	simm.s32 $0x9;
	s0 =	sadd.s32 s14, s0;
	[dreg:$0xa] =	wrdreg s5  }
0x14: {  	s19 =	simm.s32 $0x13E00;
	s21 =	sadd.s32 $0x20, s5;
	[dreg:$0xc] =	wrdreg s0  }
0x15: {  	s20 =	simm.s32 $0x1A000;
	s22 =	sadd.s32 $0x80, s5;
	[dreg:$0xb] =	wrdreg s21  }
0x16: {  	s2 =	simm.s32 $0x0;
	s23 =	sadd.s32 $0xA0, s5;
	[dreg:$0x3] =	wrdreg s22  }
0x17: {  	s7 =	sadd.s32 $0x60, s5;
	s0 =	simm.s32 $0x8;
	[dreg:$0x4] =	wrdreg s23  }
0x18: {  	s21 =	simm.s32 $0x2;
	s22 =	simm.s32 $0x13F00;
	s23 =	simm.s32 $0x1D000  }
.LBB2_1:
0x19: {  	s5 =	rddreg [dreg:$0x8]  }
0x1a: {  	[spmem:s8], [sflag:s6] =	dma.local [hbm:s5], $0x2780  }
0x1b: {  	_ =	swait.ge [sflag:s9], $0x2780  }
0x1c: {  	[sflag:s9] =	ssyncset.done $0x0  }
0x1d: {  	[sflag:s9] =	ssyncadd.s32 $0xFFFFD880  }
0x1e: {  	[bflag:$0x0] =	sbarrier.arrive $0xFFFF  }
0x1f: {  	s10 =	rddreg [dreg:$0xa]  }
0x20: {  	[tilespmem:s11], [sflag:$0x9] =	stream.linear.gather [hbm4b:s10+s3], $0x100, $0x38;
	v63 =	vld [tilespmem:$0x0]  }
0x21: {  	_ =	swait.ge [sflag:s9], $0x100  }
0x22: {  	[sflag:s9] =	ssyncset.done $0x0  }
0x23: {  	[sflag:s9] =	ssyncadd.s32 $0xFFFFFF00  }
0x24: {  	[tilespmem:s13], [sflag:$0x1] =	stream.indirect.gather [hbm4b:s4+s12], $0x80, s11, s12, $0xb8;
	v63 =	vld [tilespmem:$0x0]  }
0x25: {  	s14 =	rddreg [dreg:$0xb]  }
0x26: {  	[tilespmem:s15], [sflag:$0x9] =	stream.linear.gather [hbm4b:s14+s3], $0x100, $0x38;
	v63 =	vld [tilespmem:$0x0]  }
0x27: {  	_ =	swait.ge [sflag:s9], $0x100  }
0x28: {  	[sflag:s9] =	ssyncset.done $0x0  }
0x29: {  	[sflag:s9] =	ssyncadd.s32 $0xFFFFFF00  }
0x2a: {  	[tilespmem:s16], [sflag:$0x2] =	stream.indirect.gather [hbm4b:s4+s12], $0x80, s15, s12, $0xb8;
	v63 =	vld [tilespmem:$0x0]  }
0x2b: {  	_ =	swait.ge [sflag:s18], $0x3000  }
0x2c: {  	p0 =	por $0x1, $0x1;
	[sflag:s18] =	ssyncset.done $0x0  }
0x2d: {  	s14 =	simm.s32 @!p0 $0x7;
	s17 =	rddreg [dreg:$0x5];
	[sflag:s18] =	ssyncadd.s32 $0xFFFFD000  }
0x2e: {  	[spmem:s1] =	stream.indirect.scatter.add.f32 [tilespmem:s13], [sflag:$0x5], $0x80, s17, s12, $0xb8;
	v63 =	vld [tilespmem:$0x0]  }
0x2f: {  	_ =	swait.ge @!p0 [sflag:s14], $0x3000  }
0x30: {  	[sflag:s14] =	ssyncset.done @!p0 $0x0  }
0x31: {  	s24 =	sadd.s32 $0xFFFFFFE0, s7;
	[sflag:s14] =	ssyncadd.s32 @!p0 $0xFFFFD000  }
0x32: {  	[tilespmem:s19], [sflag:$0x9] =	stream.linear.gather [hbm4b:s24+s3], $0x100, $0x38;
	v63 =	vld [tilespmem:$0x0]  }
0x33: {  	_ =	swait.ge [sflag:s9], $0x100  }
0x34: {  	[sflag:s9] =	ssyncset.done $0x0  }
0x35: {  	[sflag:s9] =	ssyncadd.s32 $0xFFFFFF00  }
0x36: {  	[tilespmem:s20], [sflag:$0x3] =	stream.indirect.gather [hbm4b:s4+s12], $0x80, s19, s12, $0xb8;
	v63 =	vld [tilespmem:$0x0]  }
0x37: {  	_ =	swait.ge [sflag:s21], $0x3000  }
0x38: {  	[sflag:s21] =	ssyncset.done $0x0  }
0x39: {  	s14 =	simm.s32 @!p0 $0x8;
	s10 =	rddreg [dreg:$0x6];
	[sflag:s21] =	ssyncadd.s32 $0xFFFFD000  }
0x3a: {  	[spmem:s1] =	stream.indirect.scatter.add.f32 [tilespmem:s16], [sflag:$0x6], $0x80, s10, s12, $0xb8;
	v63 =	vld [tilespmem:$0x0]  }
0x3b: {  	_ =	swait.ge @!p0 [sflag:s14], $0x3000  }
0x3c: {  	[sflag:s14] =	ssyncset.done @!p0 $0x0  }
0x3d: {  	[sflag:s14] =	ssyncadd.s32 @!p0 $0xFFFFD000  }
0x3e: {  	[tilespmem:s22], [sflag:$0x9] =	stream.linear.gather [hbm4b:s7+s3], $0x100, $0x38;
	v63 =	vld [tilespmem:$0x0]  }
0x3f: {  	_ =	swait.ge [sflag:s9], $0x100  }
0x40: {  	[sflag:s9] =	ssyncset.done $0x0  }
0x41: {  	[sflag:s9] =	ssyncadd.s32 $0xFFFFFF00  }
0x42: {  	[tilespmem:s23], [sflag:$0x4] =	stream.indirect.gather [hbm4b:s4+s12], $0x80, s22, s12, $0xb8;
	v63 =	vld [tilespmem:$0x0]  }
0x43: {  	_ =	swait.ge [sflag:s25], $0x3000  }
0x44: {  	[sflag:s25] =	ssyncset.done $0x0  }
0x45: {  	s17 =	rddreg [dreg:$0x7];
	[sflag:s25] =	ssyncadd.s32 $0xFFFFD000  }
0x46: {  	[spmem:s1] =	stream.indirect.scatter.add.f32 [tilespmem:s20], [sflag:$0x7], $0x80, s17, s12, $0xb8;
	v63 =	vld [tilespmem:$0x0]  }
0x47: {  	s10 =	smin.u32 s3, $0xD3;
	_ =	swait.ge [sflag:s26], $0x3000  }
0x48: {  	s14 =	sshll.u32 s10, $0x5;
	s24 =	rddreg [dreg:$0x3];
	[sflag:s26] =	ssyncset.done $0x0  }
0x49: {  	[sflag:s26] =	ssyncadd.s32 $0xFFFFD000;
	s5 =	sadd.s32 s14, s24  }
0x4a: {  	[tilespmem:s11], [sflag:$0x9] =	stream.linear.gather [hbm4b:s5+s3], $0x100, $0x38;
	v63 =	vld [tilespmem:$0x0]  }
0x4b: {  	_ =	swait.ge [sflag:s9], $0x100  }
0x4c: {  	[sflag:s9] =	ssyncset.done $0x0  }
0x4d: {  	[sflag:s9] =	ssyncadd.s32 $0xFFFFFF00  }
0x4e: {  	[tilespmem:s13], [sflag:$0x1] =	stream.indirect.gather [hbm4b:s4+s12], $0x80, s11, s12, $0xb8;
	v63 =	vld [tilespmem:$0x0]  }
0x4f: {  	_ =	swait.ge [sflag:s28], $0x3000  }
0x50: {  	[sflag:s28] =	ssyncset.done $0x0  }
0x51: {  	[sflag:s28] =	ssyncadd.s32 $0xFFFFD000  }
0x52: {  	[spmem:s1] =	stream.indirect.scatter.add.f32 [tilespmem:s23], [sflag:$0x8], $0x80, s29, s12, $0xb8;
	v63 =	vld [tilespmem:$0x0]  }
0x53: {  	s24 =	smin.u32 s3, $0xD2;
	_ =	swait.ge [sflag:s30], $0x3000  }
0x54: {  	s14 =	sshll.u32 s24, $0x5;
	s17 =	rddreg [dreg:$0x4];
	[sflag:s30] =	ssyncset.done $0x0  }
0x55: {  	[sflag:s30] =	ssyncadd.s32 $0xFFFFD000;
	s5 =	sadd.s32 s14, s17  }
0x56: {  	[tilespmem:s15], [sflag:$0x9] =	stream.linear.gather [hbm4b:s5+s3], $0x100, $0x38;
	v63 =	vld [tilespmem:$0x0]  }
0x57: {  	_ =	swait.ge [sflag:s9], $0x100  }
0x58: {  	s17 =	smov.u32 s7;
	s5 =	simm.s32 $0x4;
	[sflag:s9] =	ssyncset.done $0x0  }
.LBB2_2:
0x59: {  	[sflag:s9] =	ssyncadd.s32 $0xFFFFFF00  }
0x5a: {  	[tilespmem:s16], [sflag:$0x2] =	stream.indirect.gather [hbm4b:s4+s12], $0x80, s15, s12, $0xb8;
	v63 =	vld [tilespmem:$0x0]  }
0x5b: {  	s14 =	smov.u32 s5;
	_ =	swait.ge [sflag:s18], $0x3000  }
0x5c: {  	p1 =	seq.s32 s14, $0x0;
	[sflag:s18] =	ssyncset.done $0x0  }
0x5d: {  	s10 =	simm.s32 @!p1 $0x7;
	s24 =	rddreg [dreg:$0x5];
	[sflag:s18] =	ssyncadd.s32 $0xFFFFD000  }
0x5e: {  	[spmem:s1] =	stream.indirect.scatter.add.f32 [tilespmem:s13], [sflag:$0x5], $0x80, s24, s12, $0xb8;
	v63 =	vld [tilespmem:$0x0]  }
0x5f: {  	_ =	swait.ge @!p1 [sflag:s10], $0x3000  }
0x60: {  	s17 =	sadd.s32 $0x80, s17;
	[sflag:s10] =	ssyncset.done @!p1 $0x0  }
0x61: {  	s24 =	sadd.s32 $0xFFFFFFE0, s17;
	[sflag:s10] =	ssyncadd.s32 @!p1 $0xFFFFD000  }
0x62: {  	[tilespmem:s19], [sflag:$0x9] =	stream.linear.gather [hbm4b:s24+s3], $0x100, $0x38;
	v63 =	vld [tilespmem:$0x0]  }
0x63: {  	_ =	swait.ge [sflag:s9], $0x100  }
0x64: {  	[sflag:s9] =	ssyncset.done $0x0  }
0x65: {  	[sflag:s9] =	ssyncadd.s32 $0xFFFFFF00  }
0x66: {  	[tilespmem:s20], [sflag:$0x3] =	stream.indirect.gather [hbm4b:s4+s12], $0x80, s19, s12, $0xb8;
	v63 =	vld [tilespmem:$0x0]  }
0x67: {  	_ =	swait.ge [sflag:s21], $0x3000  }
0x68: {  	[sflag:s21] =	ssyncset.done $0x0  }
0x69: {  	s24 =	simm.s32 @!p1 $0x8;
	s10 =	rddreg [dreg:$0x6];
	[sflag:s21] =	ssyncadd.s32 $0xFFFFD000  }
0x6a: {  	[spmem:s1] =	stream.indirect.scatter.add.f32 [tilespmem:s16], [sflag:$0x6], $0x80, s10, s12, $0xb8;
	v63 =	vld [tilespmem:$0x0]  }
0x6b: {  	_ =	swait.ge @!p1 [sflag:s24], $0x3000  }
0x6c: {  	[sflag:s24] =	ssyncset.done @!p1 $0x0  }
0x6d: {  	[sflag:s24] =	ssyncadd.s32 @!p1 $0xFFFFD000  }
0x6e: {  	[tilespmem:s22], [sflag:$0x9] =	stream.linear.gather [hbm4b:s17+s3], $0x100, $0x38;
	v63 =	vld [tilespmem:$0x0]  }
0x6f: {  	_ =	swait.ge [sflag:s9], $0x100  }
0x70: {  	[sflag:s9] =	ssyncset.done $0x0  }
0x71: {  	[sflag:s9] =	ssyncadd.s32 $0xFFFFFF00  }
0x72: {  	[tilespmem:s23], [sflag:$0x4] =	stream.indirect.gather [hbm4b:s4+s12], $0x80, s22, s12, $0xb8;
	v63 =	vld [tilespmem:$0x0]  }
0x73: {  	_ =	swait.ge [sflag:s25], $0x3000  }
0x74: {  	[sflag:s25] =	ssyncset.done $0x0  }
0x75: {  	s24 =	rddreg [dreg:$0x7];
	[sflag:s25] =	ssyncadd.s32 $0xFFFFD000  }
0x76: {  	[spmem:s1] =	stream.indirect.scatter.add.f32 [tilespmem:s20], [sflag:$0x7], $0x80, s24, s12, $0xb8;
	v63 =	vld [tilespmem:$0x0]  }
0x77: {  	s10 =	smin.u32 s14, $0xD3;
	_ =	swait.ge [sflag:s26], $0x3000  }
0x78: {  	s10 =	sshll.u32 s10, $0x5;
	s24 =	rddreg [dreg:$0x3];
	[sflag:s26] =	ssyncset.done $0x0  }
0x79: {  	[sflag:s26] =	ssyncadd.s32 $0xFFFFD000;
	s10 =	sadd.s32 s10, s24  }
0x7a: {  	[tilespmem:s11], [sflag:$0x9] =	stream.linear.gather [hbm4b:s10+s3], $0x100, $0x38;
	v63 =	vld [tilespmem:$0x0]  }
0x7b: {  	_ =	swait.ge [sflag:s9], $0x100  }
0x7c: {  	[sflag:s9] =	ssyncset.done $0x0  }
0x7d: {  	[sflag:s9] =	ssyncadd.s32 $0xFFFFFF00  }
0x7e: {  	[tilespmem:s13], [sflag:$0x1] =	stream.indirect.gather [hbm4b:s4+s12], $0x80, s11, s12, $0xb8;
	v63 =	vld [tilespmem:$0x0]  }
0x7f: {  	_ =	swait.ge [sflag:s28], $0x3000  }
0x80: {  	[sflag:s28] =	ssyncset.done $0x0  }
0x81: {  	s5 =	sadd.s32 $0x4, s5;
	s14 =	smin.u32 s14, $0xD2;
	[sflag:s28] =	ssyncadd.s32 $0xFFFFD000  }
0x82: {  	[spmem:s1] =	stream.indirect.scatter.add.f32 [tilespmem:s23], [sflag:$0x8], $0x80, s29, s12, $0xb8;
	v63 =	vld [tilespmem:$0x0]  }
0x83: {  	p0 =	sne.s32 s5, $0xD8;
	s10 =	sshll.u32 s14, $0x5;
	_ =	swait.ge [sflag:s30], $0x3000  }
.Ltmp0:
0x84: {  	s24 =	rddreg [dreg:$0x4];
	[sflag:s30] =	ssyncset.done $0x0;
	(pc) =	sbr.rel @p0 .LBB2_2-.Ltmp0, $4  }
0x85: {  	[sflag:s30] =	ssyncadd.s32 $0xFFFFD000;
	s10 =	sadd.s32 s10, s24  }
0x86: {  	[tilespmem:s15], [sflag:$0x9] =	stream.linear.gather [hbm4b:s10+s3], $0x100, $0x38;
	v63 =	vld [tilespmem:$0x0]  }
0x87: {  	_ =	swait.ge [sflag:s9], $0x100  }
0x88: {  	[sflag:s9] =	ssyncset.done $0x0  }
0x89: {  	[sflag:s9] =	ssyncadd.s32 $0xFFFFFF00  }
0x8a: {  	[tilespmem:s16], [sflag:$0x2] =	stream.indirect.gather [hbm4b:s4+s12], $0x80, s15, s12, $0xb8;
	v63 =	vld [tilespmem:$0x0]  }
0x8b: {  	_ =	swait.ge [sflag:s18], $0x3000  }
0x8c: {  	[sflag:s18] =	ssyncset.done $0x0  }
0x8d: {  	[sflag:s18] =	ssyncadd.s32 $0xFFFFD000  }
0x8e: {  	_ =	swait.ge [sflag:s21], $0x3000  }
0x8f: {  	[sflag:s21] =	ssyncset.done $0x0  }
0x90: {  	[sflag:s21] =	ssyncadd.s32 $0xFFFFD000  }
0x91: {  	_ =	swait.ge [sflag:s31], $0x3000  }
0x92: {  	[sflag:s31] =	ssyncset.done $0x0  }
0x93: {  	[sflag:s31] =	ssyncadd.s32 $0xFFFFD000  }
0x94: {  	_ =	swait.ge [sflag:s0], $0x3000  }
0x95: {  	[sflag:s0] =	ssyncset.done $0x0  }
0x96: {  	[sflag:s0] =	ssyncadd.s32 $0xFFFFD000  }
0x97: {  	[bflag:$0x0] =	sbarrier.arrive $0xFFFF  }
0x98: {  	s5 =	rddreg [dreg:$0xc]  }
0x99: {  	[hbm:s5], [sflag:s6] =	dma.local [spmem:s8], $0x2780  }
0x9a: {  	_ =	swait.ge [sflag:s9], $0x2780  }
0x9b: {  	s2 =	sadd.s32 $0x1, s2;
	s24 =	rddreg [dreg:$0x9]  }
0x9c: {  	p0 =	sne.s32 s2, s24  }
.Ltmp1:
0x9d: {  	_ = 	snop;
	(pc) =	sbr.rel @p0 .LBB2_1-.Ltmp1, $3  }
0x9e: {  	_ =	sdelay $0x1  }
0x9f: {  	[sflag:s9] =	ssyncset.done $0x0  }
0xa0: {  	[sflag:s9] =	ssyncadd.s32 $0xFFFFD880  }
0xa1: {  	_ =	sfence.sel $0x180000  }
0xa2: {  	[bflag:$0x0] =	sbarrier.arrive $0xFFFF  }
0xa3: {  	_ =	strace $0x90000050  }
0xa4: {  	s0 =	stileid.u32;
	[bflag:$0x2] =	sbarrier.arrive $0xFFFF  }
0xa5: {  	p0 =	sne.s32 s0, $0x0;
	s0 =	rddreg [dreg:$0x2]  }
0xa6: {  	s0 =	sadd.s32 @!p0 $0x100000, s0  }
0xa7: {  	[sflag:s0] =	ssyncadd.tile.s32 @!p0 $0x1;
	_ =	shalt  }
.Lfunc_end2:
_tile_overlayer_lowered:
.L_overlay_start_2:
0xa8: {  	(tag) =	ssettag $0x2  }
0xa9: {  	s0 =	rddreg [dreg:$0x0];
	s2 =	stileid.u32  }
0xaa: {  	s1 =	rddreg [dreg:$0x1];
	p0 =	sne.s32 s2, $0x0  }
0xab: {  	s3 =	rddreg [dreg:$0x2];
	[bflag:$0x3] =	sbarrier.arrive $0xFFFF;
	s2 =	simm.s32 @!p0 $0x1C09  }
0xac: {  	[timem:s3], [sflag:s2] =	dma.local @!p0 [hbm:s0], s1  }
0xad: {  	s0 =	simm.s32 @!p0 $0x9  }
0xae: {  	_ =	swait.ge @!p0 [sflag:s0], s1  }
0xaf: {  	s1 =	ssub.s32 @!p0 $0x0, s1;
	[sflag:s0] =	ssyncset.done @!p0 $0x0  }
0xb0: {  	[sflag:s0] =	ssyncadd.s32 @!p0 s1  }
0xb1: {  	[bflag:$0x3] =	sbarrier.arrive $0xFFFF  }
0xb2: {  	_ =	shalt  }

</sc_bundles>
